<compile_context>
chip_gen: v7x
topology: tpu7x:2x2x1
jax: 0.10.2.dev20260603
libtpu: 0.0.44.dev20260713+nightly
codegen_flags: <defaults>
</compile_context>

<pallas_src>
import functools

import jax
import jax.numpy as jnp
from jax import lax
from jax.experimental import pallas as pl
from jax.experimental.pallas import tpu as pltpu
from jax.experimental.pallas import tpu_sc as plsc

N = 10000
E = 320000
D = 128
L = 5

NC = 2
NS = 16
NW = NC * NS
EPT = E // NW
CH = 125
NCHUNK = EPT // CH
NPAD = 10240
RPT = NPAD // NS
HALF = NCHUNK // 2

@functools.cache
def _make_seg_sum():
    mesh = plsc.VectorSubcoreMesh(core_axis_name="c", subcore_axis_name="s")
    return functools.partial(
        pl.kernel,
        mesh=mesh,
        out_type=jax.ShapeDtypeStruct((NC, NPAD, D), jnp.float32),
        scratch_types=[
            pltpu.VMEM((HALF, CH), jnp.int32),
            pltpu.VMEM((HALF, CH), jnp.int32),
            pltpu.VMEM((2, CH, D), jnp.float32),
            pltpu.VMEM_SHARED((NPAD, D), jnp.float32),
            pltpu.SemaphoreType.DMA,
            pltpu.SemaphoreType.DMA,
        ],
    )(_seg_sum_body)


def _seg_sum_body(src_hbm, dst_hbm, h_hbm, zeros_hbm, out_hbm,
                  src_v, dst_v, rows_v, agg_s, gsem0, gsem1):
    c = lax.axis_index("c")
    s = lax.axis_index("s")
    tile = c * NS + s
    base = tile * NCHUNK

    zc = pltpu.make_async_copy(zeros_hbm, agg_s.at[pl.ds(s * RPT, RPT)], gsem0)
    zc.start()
    sc_ = pltpu.make_async_copy(src_hbm.at[pl.ds(base, HALF)], src_v, gsem1)
    sc_.start()
    dc = pltpu.make_async_copy(dst_hbm.at[pl.ds(base, HALF)], dst_v, gsem1)
    dc.start()
    zc.wait()
    sc_.wait()
    dc.wait()

    plsc.subcore_barrier()

    def pair(i, _):
        j0 = 2 * i
        j1 = j0 + 1
        pltpu.make_async_copy(
            h_hbm.at[src_v.at[j1]], rows_v.at[1], gsem1).start()
        pltpu.make_async_copy(
            h_hbm.at[src_v.at[j0]], rows_v.at[0], gsem0).wait()
        pltpu.sync_copy(rows_v.at[0], agg_s.at[dst_v.at[j0]], add=True)

        @pl.when(j0 + 2 < HALF)
        def _():
            pltpu.make_async_copy(
                h_hbm.at[src_v.at[j0 + 2]], rows_v.at[0], gsem0).start()

        pltpu.make_async_copy(
            h_hbm.at[src_v.at[j1]], rows_v.at[1], gsem1).wait()
        pltpu.sync_copy(rows_v.at[1], agg_s.at[dst_v.at[j1]], add=True)
        return ()

    for half in range(2):
        pltpu.make_async_copy(
            h_hbm.at[src_v.at[0]], rows_v.at[0], gsem0).start()
        lax.fori_loop(0, HALF // 2, pair, ())
        if half == 0:
            pltpu.sync_copy(src_hbm.at[pl.ds(base + HALF, HALF)], src_v)
            pltpu.sync_copy(dst_hbm.at[pl.ds(base + HALF, HALF)], dst_v)

    plsc.subcore_barrier()
    pltpu.sync_copy(agg_s.at[pl.ds(s * RPT, RPT)],
                    out_hbm.at[c, pl.ds(s * RPT, RPT)])


def _mlp_body(bn, h_ref, a_ref, w1_ref, b1_ref, w2_ref, b2_ref,
              g_ref, be_ref, o_ref):
    z = h_ref[...] + a_ref[0, :N] + a_ref[1, :N]
    z = jnp.maximum(
        jnp.dot(z, w1_ref[...], preferred_element_type=jnp.float32)
        + b1_ref[...], 0.0)
    z = jnp.maximum(
        jnp.dot(z, w2_ref[...], preferred_element_type=jnp.float32)
        + b2_ref[...], 0.0)
    if bn:
        mu = jnp.mean(z, axis=0, keepdims=True)
        var = jnp.mean((z - mu) ** 2, axis=0, keepdims=True)
        z = (z - mu) / jnp.sqrt(var + 1e-5) * g_ref[...] + be_ref[...]
    o_ref[...] = z


def _mlp(bn, h, agg, w1, b1, w2, b2, g, be):
    return pl.pallas_call(
        functools.partial(_mlp_body, bn),
        out_shape=jax.ShapeDtypeStruct((N, D), jnp.float32),
    )(h, agg, w1, b1, w2, b2, g, be)


def kernel(x, edge_index, batch, W1, b1, W2, b2, gamma, beta):
    src = edge_index[0].reshape(NW * NCHUNK, CH)
    dst = edge_index[1].reshape(NW * NCHUNK, CH)
    zeros = jnp.zeros((RPT, D), jnp.float32)
    h = x
    for i in range(L):
        parts = _make_seg_sum()(src, dst, h, zeros)
        h = _mlp(i < L - 1, h, parts, W1[i], b1[i], W2[i], b2[i],
                 gamma[i], beta[i])
    return h

# --- scband reference (transcript-rebuilt; emitter-appended) ---
"""Pipeline reference for scband-decoder-28269474742474 (READ-ONLY COPY).

The authoritative reference and input builder live on the scoring server;
editing this copy changes nothing except your own understanding.
"""

import jax, jax.numpy as jnp
import numpy as np

N = 10000
E = 320000
D = 128
L = 5

def setup_inputs(seed: int = 0) -> dict:
    key = jax.random.key(seed)
    ks = jax.random.split(key, 10)
    x = jax.random.normal(ks[0], (N, D), dtype=jnp.float32)
    edge_index = jax.random.randint(ks[1], (2, E), 0, N, dtype=jnp.int32)
    batch = jnp.sort(jax.random.randint(ks[2], (N,), 0, 64, dtype=jnp.int32))
    s = 1.0 / np.sqrt(D)
    W1 = jax.random.normal(ks[3], (L, D, D), dtype=jnp.float32) * s
    b1 = jax.random.normal(ks[4], (L, D), dtype=jnp.float32) * 0.01
    W2 = jax.random.normal(ks[5], (L, D, D), dtype=jnp.float32) * s
    b2 = jax.random.normal(ks[6], (L, D), dtype=jnp.float32) * 0.01
    gamma = jnp.ones((L, D), dtype=jnp.float32)
    beta = jnp.zeros((L, D), dtype=jnp.float32)
    return {"x": x, "edge_index": edge_index, "batch": batch,
            "W1": W1, "b1": b1, "W2": W2, "b2": b2,
            "gamma": gamma, "beta": beta}

def reference(x, edge_index, batch, W1, b1, W2, b2, gamma, beta):
    # GIN decoder: 5 x [GINConv(MLP) -> ReLU -> BatchNorm1d (training-mode, except last layer)]
    src = edge_index[0]
    dst = edge_index[1]
    h = x
    for i in range(L):
        # GINConv with eps=0: nn((1+eps)*x + sum_{j in N(i)} x_j)
        agg = jax.ops.segment_sum(h[src], dst, num_segments=N)
        z = h + agg
        z = jnp.maximum(z @ W1[i] + b1[i], 0.0)
        z = z @ W2[i] + b2[i]
        h = jnp.maximum(z, 0.0)
        if i < L - 1:
            mu = jnp.mean(h, axis=0)
            var = jnp.var(h, axis=0)
            h = (h - mu) / jnp.sqrt(var + 1e-5) * gamma[i] + beta[i]
    return h

if __name__ == "__main__":
    import jax
    _d = setup_inputs()
    print(jax.jit(kernel)(*tuple(_d.values())))

</pallas_src>

<mosaic_0001>
#map = affine_map<(d0, d1) -> (0, 0)>
#map1 = affine_map<(d0, d1) -> (0, 0, 0)>
module attributes {stable_mosaic.version = 14 : i64} {
  func.func @_seg_sum_body(%arg0: i32, %arg1: i32, %arg2: memref<2560x125xi32, #tpu.memory_space<hbm>>, %arg3: memref<2560x125xi32, #tpu.memory_space<hbm>>, %arg4: memref<10000x128xf32, #tpu.memory_space<hbm>>, %arg5: memref<640x128xf32, #tpu.memory_space<hbm>>, %arg6: memref<2x10240x128xf32, #tpu.memory_space<hbm>>, %arg7: memref<40x125xi32, #tpu.memory_space<vmem>>, %arg8: memref<40x125xi32, #tpu.memory_space<vmem>>, %arg9: memref<2x125x128xf32, #tpu.memory_space<vmem>>, %arg10: memref<10240x128xf32, #tpu.memory_space<vmem_shared>>, %arg11: memref<!tpu.dma_semaphore, #tpu.memory_space<semaphore_mem>>, %arg12: memref<!tpu.dma_semaphore, #tpu.memory_space<semaphore_mem>>) attributes {dimension_semantics = [#tpu.dimension_semantics<core_parallel>, #tpu.dimension_semantics<subcore_parallel>], iteration_bounds = array<i64: 2, 16>, scalar_prefetch = 0 : i64, scratch_operands = 6 : i64, tpu.core_type = #tpu.core_type<sc_vector_subcore>, window_params = [{transform_indices = #map}, {transform_indices = #map}, {transform_indices = #map}, {transform_indices = #map}, {transform_indices = #map1}]} {
    %mul3A = arith.constant 16 : i32
    %mul3A_0 = arith.muli %arg0, %mul3A : i32
    %add3A = arith.addi %mul3A_0, %arg1 : i32
    %mul3A_1 = arith.constant 80 : i32
    %mul3A_2 = arith.muli %add3A, %mul3A_1 : i32
    %mul3A_3 = arith.constant 640 : i32
    %mul3A_4 = arith.muli %arg1, %mul3A_3 : i32
    %dma_start3A = arith.constant 0 : i32
    %dma_start3A_5 = tpu.memref_slice %arg10[%mul3A_4, %dma_start3A] : memref<10240x128xf32, #tpu.memory_space<vmem_shared>> -> memref<640x128xf32, #tpu.memory_space<vmem_shared>>
    tpu.enqueue_dma source(%arg5 : memref<640x128xf32, #tpu.memory_space<hbm>>) target(%dma_start3A_5 : memref<640x128xf32, #tpu.memory_space<vmem_shared>>) target_semaphore(%arg11 : memref<!tpu.dma_semaphore, #tpu.memory_space<semaphore_mem>>)
    %dma_start3A_6 = arith.constant 0 : i32
    %dma_start3A_7 = tpu.memref_slice %arg2[%mul3A_2, %dma_start3A_6] : memref<2560x125xi32, #tpu.memory_space<hbm>> -> memref<40x125xi32, #tpu.memory_space<hbm>>
    %dma_start3A_8 = arith.constant 0 : i32
    %dma_start3A_9 = tpu.memref_slice %arg2[%mul3A_2, %dma_start3A_8] : memref<2560x125xi32, #tpu.memory_space<hbm>> -> memref<40x125xi32, #tpu.memory_space<hbm>>
    tpu.enqueue_dma source(%dma_start3A_9 : memref<40x125xi32, #tpu.memory_space<hbm>>) target(%arg7 : memref<40x125xi32, #tpu.memory_space<vmem>>) target_semaphore(%arg12 : memref<!tpu.dma_semaphore, #tpu.memory_space<semaphore_mem>>)
    %dma_start3A_10 = arith.constant 0 : i32
    %dma_start3A_11 = tpu.memref_slice %arg3[%mul3A_2, %dma_start3A_10] : memref<2560x125xi32, #tpu.memory_space<hbm>> -> memref<40x125xi32, #tpu.memory_space<hbm>>
    %dma_start3A_12 = arith.constant 0 : i32
    %dma_start3A_13 = tpu.memref_slice %arg3[%mul3A_2, %dma_start3A_12] : memref<2560x125xi32, #tpu.memory_space<hbm>> -> memref<40x125xi32, #tpu.memory_space<hbm>>
    tpu.enqueue_dma source(%dma_start3A_13 : memref<40x125xi32, #tpu.memory_space<hbm>>) target(%arg8 : memref<40x125xi32, #tpu.memory_space<vmem>>) target_semaphore(%arg12 : memref<!tpu.dma_semaphore, #tpu.memory_space<semaphore_mem>>)
    %dma_wait3A = arith.constant 0 : i32
    %dma_wait3A_14 = tpu.memref_slice %arg10[%mul3A_4, %dma_wait3A] : memref<10240x128xf32, #tpu.memory_space<vmem_shared>> -> memref<640x128xf32, #tpu.memory_space<vmem_shared>>
    tpu.wait_dma2 semaphore(%arg11 : memref<!tpu.dma_semaphore, #tpu.memory_space<semaphore_mem>>) src(%arg5 : memref<640x128xf32, #tpu.memory_space<hbm>>) dst(%dma_wait3A_14 : memref<640x128xf32, #tpu.memory_space<vmem_shared>>)
    %dma_wait3A_15 = arith.constant 0 : i32
    %dma_wait3A_16 = tpu.memref_slice %arg2[%mul3A_2, %dma_wait3A_15] : memref<2560x125xi32, #tpu.memory_space<hbm>> -> memref<40x125xi32, #tpu.memory_space<hbm>>
    %dma_wait3A_17 = arith.constant 0 : i32
    %dma_wait3A_18 = tpu.memref_slice %arg2[%mul3A_2, %dma_wait3A_17] : memref<2560x125xi32, #tpu.memory_space<hbm>> -> memref<40x125xi32, #tpu.memory_space<hbm>>
    tpu.wait_dma2 semaphore(%arg12 : memref<!tpu.dma_semaphore, #tpu.memory_space<semaphore_mem>>) src(%dma_wait3A_18 : memref<40x125xi32, #tpu.memory_space<hbm>>) dst(%arg7 : memref<40x125xi32, #tpu.memory_space<vmem>>)
    %dma_wait3A_19 = arith.constant 0 : i32
    %dma_wait3A_20 = tpu.memref_slice %arg3[%mul3A_2, %dma_wait3A_19] : memref<2560x125xi32, #tpu.memory_space<hbm>> -> memref<40x125xi32, #tpu.memory_space<hbm>>
    %dma_wait3A_21 = arith.constant 0 : i32
    %dma_wait3A_22 = tpu.memref_slice %arg3[%mul3A_2, %dma_wait3A_21] : memref<2560x125xi32, #tpu.memory_space<hbm>> -> memref<40x125xi32, #tpu.memory_space<hbm>>
    tpu.wait_dma2 semaphore(%arg12 : memref<!tpu.dma_semaphore, #tpu.memory_space<semaphore_mem>>) src(%dma_wait3A_22 : memref<40x125xi32, #tpu.memory_space<hbm>>) dst(%arg8 : memref<40x125xi32, #tpu.memory_space<vmem>>)
    %barrier3A = arith.constant 0 : index
    tpu.barrier barrier_id(%barrier3A)
    %dma_start3A_23 = arith.constant 0 : i32
    %dma_start3A_24 = arith.constant 0 : i32
    %dma_start3A_25 = arith.constant 0 : i32
    %dma_start3A_26 = arith.constant 0 : i32
    %dma_start3A_27 = tpu.memref_slice %arg9[%dma_start3A_24, %dma_start3A_25, %dma_start3A_26] : memref<2x125x128xf32, #tpu.memory_space<vmem>> -> memref<1x125x128xf32, #tpu.memory_space<vmem>>
    %dma_start3A_28 = tpu.memref_squeeze %dma_start3A_27 : memref<1x125x128xf32, #tpu.memory_space<vmem>> -> memref<125x128xf32, #tpu.memory_space<vmem>>
    %dma_start3A_29 = arith.constant 0 : i32
    %dma_start3A_30 = tpu.memref_slice %arg7[%dma_start3A_23, %dma_start3A_29] : memref<40x125xi32, #tpu.memory_space<vmem>> -> memref<1x125xi32, #tpu.memory_space<vmem>>
    %dma_start3A_31 = tpu.memref_squeeze %dma_start3A_30 : memref<1x125xi32, #tpu.memory_space<vmem>> -> memref<125xi32, #tpu.memory_space<vmem>>
    %dma_start3A_32 = arith.constant 0 : i32
    %dma_start3A_33 = arith.constant 0 : i32
    %dma_start3A_34 = tpu.memref_slice %arg4[%dma_start3A_32, %dma_start3A_33] : memref<10000x128xf32, #tpu.memory_space<hbm>> -> memref<10000x128xf32, #tpu.memory_space<hbm>>
    tpu.enqueue_indirect_dma source(%dma_start3A_34 : memref<10000x128xf32, #tpu.memory_space<hbm>>) target(%dma_start3A_28 : memref<125x128xf32, #tpu.memory_space<vmem>>) offsets(%dma_start3A_31 : memref<125xi32, #tpu.memory_space<vmem>>) semaphore(%arg11 : memref<!tpu.dma_semaphore, #tpu.memory_space<semaphore_mem>>)
    %scan3A = arith.constant 0 : i32
    %scan3A_35 = arith.constant 20 : i32
    %scan3A_36 = arith.addi %scan3A, %scan3A_35 : i32
    %scan3A_37 = arith.constant 1 : i32
    scf.for %scan3A_65 = %scan3A to %scan3A_36 step %scan3A_37  : i32 {
      %mul3A_66 = arith.constant 2 : i32
      %mul3A_67 = arith.muli %mul3A_66, %scan3A_65 : i32
      %add3A_68 = arith.constant 1 : i32
      %add3A_69 = arith.addi %mul3A_67, %add3A_68 : i32
      %dma_start3A_70 = arith.constant 1 : i32
      %dma_start3A_71 = arith.constant 0 : i32
      %dma_start3A_72 = arith.constant 0 : i32
      %dma_start3A_73 = tpu.memref_slice %arg9[%dma_start3A_70, %dma_start3A_71, %dma_start3A_72] : memref<2x125x128xf32, #tpu.memory_space<vmem>> -> memref<1x125x128xf32, #tpu.memory_space<vmem>>
      %dma_start3A_74 = tpu.memref_squeeze %dma_start3A_73 : memref<1x125x128xf32, #tpu.memory_space<vmem>> -> memref<125x128xf32, #tpu.memory_space<vmem>>
      %dma_start3A_75 = arith.constant 0 : i32
      %dma_start3A_76 = tpu.memref_slice %arg7[%add3A_69, %dma_start3A_75] : memref<40x125xi32, #tpu.memory_space<vmem>> -> memref<1x125xi32, #tpu.memory_space<vmem>>
      %dma_start3A_77 = tpu.memref_squeeze %dma_start3A_76 : memref<1x125xi32, #tpu.memory_space<vmem>> -> memref<125xi32, #tpu.memory_space<vmem>>
      %dma_start3A_78 = arith.constant 0 : i32
      %dma_start3A_79 = arith.constant 0 : i32
      %dma_start3A_80 = tpu.memref_slice %arg4[%dma_start3A_78, %dma_start3A_79] : memref<10000x128xf32, #tpu.memory_space<hbm>> -> memref<10000x128xf32, #tpu.memory_space<hbm>>
      tpu.enqueue_indirect_dma source(%dma_start3A_80 : memref<10000x128xf32, #tpu.memory_space<hbm>>) target(%dma_start3A_74 : memref<125x128xf32, #tpu.memory_space<vmem>>) offsets(%dma_start3A_77 : memref<125xi32, #tpu.memory_space<vmem>>) semaphore(%arg12 : memref<!tpu.dma_semaphore, #tpu.memory_space<semaphore_mem>>)
      %dma_wait3A_81 = arith.constant 0 : i32
      %dma_wait3A_82 = arith.constant 0 : i32
      %dma_wait3A_83 = arith.constant 0 : i32
      %dma_wait3A_84 = tpu.memref_slice %arg9[%dma_wait3A_81, %dma_wait3A_82, %dma_wait3A_83] : memref<2x125x128xf32, #tpu.memory_space<vmem>> -> memref<1x125x128xf32, #tpu.memory_space<vmem>>
      %dma_wait3A_85 = tpu.memref_squeeze %dma_wait3A_84 : memref<1x125x128xf32, #tpu.memory_space<vmem>> -> memref<125x128xf32, #tpu.memory_space<vmem>>
      %dma_wait3A_86 = arith.constant 0 : i32
      %dma_wait3A_87 = tpu.memref_slice %arg7[%mul3A_67, %dma_wait3A_86] : memref<40x125xi32, #tpu.memory_space<vmem>> -> memref<1x125xi32, #tpu.memory_space<vmem>>
      %dma_wait3A_88 = tpu.memref_squeeze %dma_wait3A_87 : memref<1x125xi32, #tpu.memory_space<vmem>> -> memref<125xi32, #tpu.memory_space<vmem>>
      %dma_wait3A_89 = arith.constant 0 : i32
      %dma_wait3A_90 = arith.constant 0 : i32
      %dma_wait3A_91 = tpu.memref_slice %arg4[%dma_wait3A_89, %dma_wait3A_90] : memref<10000x128xf32, #tpu.memory_space<hbm>> -> memref<10000x128xf32, #tpu.memory_space<hbm>>
      tpu.wait_indirect_dma semaphore(%arg11 : memref<!tpu.dma_semaphore, #tpu.memory_space<semaphore_mem>>) src(%dma_wait3A_91 : memref<10000x128xf32, #tpu.memory_space<hbm>>) dst(%dma_wait3A_85 : memref<125x128xf32, #tpu.memory_space<vmem>>)
      %run_scoped3A = arith.constant 0 : i32
      "tpu.region"() ({
        %run_scoped3A_108 = tpu.sem_alloc : memref<!tpu.dma_semaphore, #tpu.memory_space<semaphore_mem>>
        %dma_start3A_109 = arith.constant 0 : i32
        %dma_start3A_110 = arith.constant 0 : i32
        %dma_start3A_111 = tpu.memref_slice %arg9[%run_scoped3A, %dma_start3A_109, %dma_start3A_110] : memref<2x125x128xf32, #tpu.memory_space<vmem>> -> memref<1x125x128xf32, #tpu.memory_space<vmem>>
        %dma_start3A_112 = tpu.memref_squeeze %dma_start3A_111 : memref<1x125x128xf32, #tpu.memory_space<vmem>> -> memref<125x128xf32, #tpu.memory_space<vmem>>
        %dma_start3A_113 = arith.constant 0 : i32
        %dma_start3A_114 = tpu.memref_slice %arg8[%mul3A_67, %dma_start3A_113] : memref<40x125xi32, #tpu.memory_space<vmem>> -> memref<1x125xi32, #tpu.memory_space<vmem>>
        %dma_start3A_115 = tpu.memref_squeeze %dma_start3A_114 : memref<1x125xi32, #tpu.memory_space<vmem>> -> memref<125xi32, #tpu.memory_space<vmem>>
        %dma_start3A_116 = arith.constant 0 : i32
        %dma_start3A_117 = arith.constant 0 : i32
        %dma_start3A_118 = tpu.memref_slice %arg10[%dma_start3A_116, %dma_start3A_117] : memref<10240x128xf32, #tpu.memory_space<vmem_shared>> -> memref<10240x128xf32, #tpu.memory_space<vmem_shared>>
        tpu.enqueue_indirect_dma source(%dma_start3A_112 : memref<125x128xf32, #tpu.memory_space<vmem>>) target(%dma_start3A_118 : memref<10240x128xf32, #tpu.memory_space<vmem_shared>>) offsets(%dma_start3A_115 : memref<125xi32, #tpu.memory_space<vmem>>) semaphore(%run_scoped3A_108 : memref<!tpu.dma_semaphore, #tpu.memory_space<semaphore_mem>>) {add = true}
        %dma_wait3A_119 = arith.constant 0 : i32
        %dma_wait3A_120 = arith.constant 0 : i32
        %dma_wait3A_121 = tpu.memref_slice %arg9[%run_scoped3A, %dma_wait3A_119, %dma_wait3A_120] : memref<2x125x128xf32, #tpu.memory_space<vmem>> -> memref<1x125x128xf32, #tpu.memory_space<vmem>>
        %dma_wait3A_122 = tpu.memref_squeeze %dma_wait3A_121 : memref<1x125x128xf32, #tpu.memory_space<vmem>> -> memref<125x128xf32, #tpu.memory_space<vmem>>
        %dma_wait3A_123 = arith.constant 0 : i32
        %dma_wait3A_124 = tpu.memref_slice %arg8[%mul3A_67, %dma_wait3A_123] : memref<40x125xi32, #tpu.memory_space<vmem>> -> memref<1x125xi32, #tpu.memory_space<vmem>>
        %dma_wait3A_125 = tpu.memref_squeeze %dma_wait3A_124 : memref<1x125xi32, #tpu.memory_space<vmem>> -> memref<125xi32, #tpu.memory_space<vmem>>
        %dma_wait3A_126 = arith.constant 0 : i32
        %dma_wait3A_127 = arith.constant 0 : i32
        %dma_wait3A_128 = tpu.memref_slice %arg10[%dma_wait3A_126, %dma_wait3A_127] : memref<10240x128xf32, #tpu.memory_space<vmem_shared>> -> memref<10240x128xf32, #tpu.memory_space<vmem_shared>>
        tpu.wait_indirect_dma semaphore(%run_scoped3A_108 : memref<!tpu.dma_semaphore, #tpu.memory_space<semaphore_mem>>) src(%dma_wait3A_122 : memref<125x128xf32, #tpu.memory_space<vmem>>) dst(%dma_wait3A_128 : memref<10240x128xf32, #tpu.memory_space<vmem_shared>>)
        tpu.yield
      }) : () -> ()
      %add3A_92 = arith.constant 2 : i32
      %add3A_93 = arith.addi %mul3A_67, %add3A_92 : i32
      %lt3A = arith.constant 40 : i32
      %lt3A_94 = arith.cmpi slt, %add3A_93, %lt3A : i32
      %convert_element_type3A = arith.extui %lt3A_94 : i1 to i32
      %cond3A = arith.constant 0 : i32
      %cond3A_95 = arith.cmpi ne, %convert_element_type3A, %cond3A : i32
      scf.if %cond3A_95 {
        %add3A_108 = arith.constant 2 : i32
        %add3A_109 = arith.addi %mul3A_67, %add3A_108 : i32
        %dma_start3A_110 = arith.constant 0 : i32
        %dma_start3A_111 = arith.constant 0 : i32
        %dma_start3A_112 = arith.constant 0 : i32
        %dma_start3A_113 = tpu.memref_slice %arg9[%dma_start3A_110, %dma_start3A_111, %dma_start3A_112] : memref<2x125x128xf32, #tpu.memory_space<vmem>> -> memref<1x125x128xf32, #tpu.memory_space<vmem>>
        %dma_start3A_114 = tpu.memref_squeeze %dma_start3A_113 : memref<1x125x128xf32, #tpu.memory_space<vmem>> -> memref<125x128xf32, #tpu.memory_space<vmem>>
        %dma_start3A_115 = arith.constant 0 : i32
        %dma_start3A_116 = tpu.memref_slice %arg7[%add3A_109, %dma_start3A_115] : memref<40x125xi32, #tpu.memory_space<vmem>> -> memref<1x125xi32, #tpu.memory_space<vmem>>
        %dma_start3A_117 = tpu.memref_squeeze %dma_start3A_116 : memref<1x125xi32, #tpu.memory_space<vmem>> -> memref<125xi32, #tpu.memory_space<vmem>>
        %dma_start3A_118 = arith.constant 0 : i32
        %dma_start3A_119 = arith.constant 0 : i32
        %dma_start3A_120 = tpu.memref_slice %arg4[%dma_start3A_118, %dma_start3A_119] : memref<10000x128xf32, #tpu.memory_space<hbm>> -> memref<10000x128xf32, #tpu.memory_space<hbm>>
        tpu.enqueue_indirect_dma source(%dma_start3A_120 : memref<10000x128xf32, #tpu.memory_space<hbm>>) target(%dma_start3A_114 : memref<125x128xf32, #tpu.memory_space<vmem>>) offsets(%dma_start3A_117 : memref<125xi32, #tpu.memory_space<vmem>>) semaphore(%arg11 : memref<!tpu.dma_semaphore, #tpu.memory_space<semaphore_mem>>)
      } else {
      }
      %dma_wait3A_96 = arith.constant 1 : i32
      %dma_wait3A_97 = arith.constant 0 : i32
      %dma_wait3A_98 = arith.constant 0 : i32
      %dma_wait3A_99 = tpu.memref_slice %arg9[%dma_wait3A_96, %dma_wait3A_97, %dma_wait3A_98] : memref<2x125x128xf32, #tpu.memory_space<vmem>> -> memref<1x125x128xf32, #tpu.memory_space<vmem>>
      %dma_wait3A_100 = tpu.memref_squeeze %dma_wait3A_99 : memref<1x125x128xf32, #tpu.memory_space<vmem>> -> memref<125x128xf32, #tpu.memory_space<vmem>>
      %dma_wait3A_101 = arith.constant 0 : i32
      %dma_wait3A_102 = tpu.memref_slice %arg7[%add3A_69, %dma_wait3A_101] : memref<40x125xi32, #tpu.memory_space<vmem>> -> memref<1x125xi32, #tpu.memory_space<vmem>>
      %dma_wait3A_103 = tpu.memref_squeeze %dma_wait3A_102 : memref<1x125xi32, #tpu.memory_space<vmem>> -> memref<125xi32, #tpu.memory_space<vmem>>
      %dma_wait3A_104 = arith.constant 0 : i32
      %dma_wait3A_105 = arith.constant 0 : i32
      %dma_wait3A_106 = tpu.memref_slice %arg4[%dma_wait3A_104, %dma_wait3A_105] : memref<10000x128xf32, #tpu.memory_space<hbm>> -> memref<10000x128xf32, #tpu.memory_space<hbm>>
      tpu.wait_indirect_dma semaphore(%arg12 : memref<!tpu.dma_semaphore, #tpu.memory_space<semaphore_mem>>) src(%dma_wait3A_106 : memref<10000x128xf32, #tpu.memory_space<hbm>>) dst(%dma_wait3A_100 : memref<125x128xf32, #tpu.memory_space<vmem>>)
      %run_scoped3A_107 = arith.constant 1 : i32
      "tpu.region"() ({
        %run_scoped3A_108 = tpu.sem_alloc : memref<!tpu.dma_semaphore, #tpu.memory_space<semaphore_mem>>
        %dma_start3A_109 = arith.constant 0 : i32
        %dma_start3A_110 = arith.constant 0 : i32
        %dma_start3A_111 = tpu.memref_slice %arg9[%run_scoped3A_107, %dma_start3A_109, %dma_start3A_110] : memref<2x125x128xf32, #tpu.memory_space<vmem>> -> memref<1x125x128xf32, #tpu.memory_space<vmem>>
        %dma_start3A_112 = tpu.memref_squeeze %dma_start3A_111 : memref<1x125x128xf32, #tpu.memory_space<vmem>> -> memref<125x128xf32, #tpu.memory_space<vmem>>
        %dma_start3A_113 = arith.constant 0 : i32
        %dma_start3A_114 = tpu.memref_slice %arg8[%add3A_69, %dma_start3A_113] : memref<40x125xi32, #tpu.memory_space<vmem>> -> memref<1x125xi32, #tpu.memory_space<vmem>>
        %dma_start3A_115 = tpu.memref_squeeze %dma_start3A_114 : memref<1x125xi32, #tpu.memory_space<vmem>> -> memref<125xi32, #tpu.memory_space<vmem>>
        %dma_start3A_116 = arith.constant 0 : i32
        %dma_start3A_117 = arith.constant 0 : i32
        %dma_start3A_118 = tpu.memref_slice %arg10[%dma_start3A_116, %dma_start3A_117] : memref<10240x128xf32, #tpu.memory_space<vmem_shared>> -> memref<10240x128xf32, #tpu.memory_space<vmem_shared>>
        tpu.enqueue_indirect_dma source(%dma_start3A_112 : memref<125x128xf32, #tpu.memory_space<vmem>>) target(%dma_start3A_118 : memref<10240x128xf32, #tpu.memory_space<vmem_shared>>) offsets(%dma_start3A_115 : memref<125xi32, #tpu.memory_space<vmem>>) semaphore(%run_scoped3A_108 : memref<!tpu.dma_semaphore, #tpu.memory_space<semaphore_mem>>) {add = true}
        %dma_wait3A_119 = arith.constant 0 : i32
        %dma_wait3A_120 = arith.constant 0 : i32
        %dma_wait3A_121 = tpu.memref_slice %arg9[%run_scoped3A_107, %dma_wait3A_119, %dma_wait3A_120] : memref<2x125x128xf32, #tpu.memory_space<vmem>> -> memref<1x125x128xf32, #tpu.memory_space<vmem>>
        %dma_wait3A_122 = tpu.memref_squeeze %dma_wait3A_121 : memref<1x125x128xf32, #tpu.memory_space<vmem>> -> memref<125x128xf32, #tpu.memory_space<vmem>>
        %dma_wait3A_123 = arith.constant 0 : i32
        %dma_wait3A_124 = tpu.memref_slice %arg8[%add3A_69, %dma_wait3A_123] : memref<40x125xi32, #tpu.memory_space<vmem>> -> memref<1x125xi32, #tpu.memory_space<vmem>>
        %dma_wait3A_125 = tpu.memref_squeeze %dma_wait3A_124 : memref<1x125xi32, #tpu.memory_space<vmem>> -> memref<125xi32, #tpu.memory_space<vmem>>
        %dma_wait3A_126 = arith.constant 0 : i32
        %dma_wait3A_127 = arith.constant 0 : i32
        %dma_wait3A_128 = tpu.memref_slice %arg10[%dma_wait3A_126, %dma_wait3A_127] : memref<10240x128xf32, #tpu.memory_space<vmem_shared>> -> memref<10240x128xf32, #tpu.memory_space<vmem_shared>>
        tpu.wait_indirect_dma semaphore(%run_scoped3A_108 : memref<!tpu.dma_semaphore, #tpu.memory_space<semaphore_mem>>) src(%dma_wait3A_122 : memref<125x128xf32, #tpu.memory_space<vmem>>) dst(%dma_wait3A_128 : memref<10240x128xf32, #tpu.memory_space<vmem_shared>>)
        tpu.yield
      }) : () -> ()
    }
    %scan3A_38 = arith.constant 20 : i32
    %add3A_39 = arith.constant 40 : i32
    %add3A_40 = arith.addi %mul3A_2, %add3A_39 : i32
    "tpu.region"() ({
      %run_scoped3A = tpu.sem_alloc : memref<!tpu.dma_semaphore, #tpu.memory_space<semaphore_mem>>
      %dma_start3A_65 = arith.constant 0 : i32
      %dma_start3A_66 = tpu.memref_slice %arg2[%add3A_40, %dma_start3A_65] : memref<2560x125xi32, #tpu.memory_space<hbm>> -> memref<40x125xi32, #tpu.memory_space<hbm>>
      %dma_start3A_67 = arith.constant 0 : i32
      %dma_start3A_68 = tpu.memref_slice %arg2[%add3A_40, %dma_start3A_67] : memref<2560x125xi32, #tpu.memory_space<hbm>> -> memref<40x125xi32, #tpu.memory_space<hbm>>
      tpu.enqueue_dma source(%dma_start3A_68 : memref<40x125xi32, #tpu.memory_space<hbm>>) target(%arg7 : memref<40x125xi32, #tpu.memory_space<vmem>>) target_semaphore(%run_scoped3A : memref<!tpu.dma_semaphore, #tpu.memory_space<semaphore_mem>>)
      %dma_wait3A_69 = arith.constant 0 : i32
      %dma_wait3A_70 = tpu.memref_slice %arg2[%add3A_40, %dma_wait3A_69] : memref<2560x125xi32, #tpu.memory_space<hbm>> -> memref<40x125xi32, #tpu.memory_space<hbm>>
      %dma_wait3A_71 = arith.constant 0 : i32
      %dma_wait3A_72 = tpu.memref_slice %arg2[%add3A_40, %dma_wait3A_71] : memref<2560x125xi32, #tpu.memory_space<hbm>> -> memref<40x125xi32, #tpu.memory_space<hbm>>
      tpu.wait_dma2 semaphore(%run_scoped3A : memref<!tpu.dma_semaphore, #tpu.memory_space<semaphore_mem>>) src(%dma_wait3A_72 : memref<40x125xi32, #tpu.memory_space<hbm>>) dst(%arg7 : memref<40x125xi32, #tpu.memory_space<vmem>>)
      tpu.yield
    }) : () -> ()
    %add3A_41 = arith.constant 40 : i32
    %add3A_42 = arith.addi %mul3A_2, %add3A_41 : i32
    "tpu.region"() ({
      %run_scoped3A = tpu.sem_alloc : memref<!tpu.dma_semaphore, #tpu.memory_space<semaphore_mem>>
      %dma_start3A_65 = arith.constant 0 : i32
      %dma_start3A_66 = tpu.memref_slice %arg3[%add3A_42, %dma_start3A_65] : memref<2560x125xi32, #tpu.memory_space<hbm>> -> memref<40x125xi32, #tpu.memory_space<hbm>>
      %dma_start3A_67 = arith.constant 0 : i32
      %dma_start3A_68 = tpu.memref_slice %arg3[%add3A_42, %dma_start3A_67] : memref<2560x125xi32, #tpu.memory_space<hbm>> -> memref<40x125xi32, #tpu.memory_space<hbm>>
      tpu.enqueue_dma source(%dma_start3A_68 : memref<40x125xi32, #tpu.memory_space<hbm>>) target(%arg8 : memref<40x125xi32, #tpu.memory_space<vmem>>) target_semaphore(%run_scoped3A : memref<!tpu.dma_semaphore, #tpu.memory_space<semaphore_mem>>)
      %dma_wait3A_69 = arith.constant 0 : i32
      %dma_wait3A_70 = tpu.memref_slice %arg3[%add3A_42, %dma_wait3A_69] : memref<2560x125xi32, #tpu.memory_space<hbm>> -> memref<40x125xi32, #tpu.memory_space<hbm>>
      %dma_wait3A_71 = arith.constant 0 : i32
      %dma_wait3A_72 = tpu.memref_slice %arg3[%add3A_42, %dma_wait3A_71] : memref<2560x125xi32, #tpu.memory_space<hbm>> -> memref<40x125xi32, #tpu.memory_space<hbm>>
      tpu.wait_dma2 semaphore(%run_scoped3A : memref<!tpu.dma_semaphore, #tpu.memory_space<semaphore_mem>>) src(%dma_wait3A_72 : memref<40x125xi32, #tpu.memory_space<hbm>>) dst(%arg8 : memref<40x125xi32, #tpu.memory_space<vmem>>)
      tpu.yield
    }) : () -> ()
    %dma_start3A_43 = arith.constant 0 : i32
    %dma_start3A_44 = arith.constant 0 : i32
    %dma_start3A_45 = arith.constant 0 : i32
    %dma_start3A_46 = arith.constant 0 : i32
    %dma_start3A_47 = tpu.memref_slice %arg9[%dma_start3A_44, %dma_start3A_45, %dma_start3A_46] : memref<2x125x128xf32, #tpu.memory_space<vmem>> -> memref<1x125x128xf32, #tpu.memory_space<vmem>>
    %dma_start3A_48 = tpu.memref_squeeze %dma_start3A_47 : memref<1x125x128xf32, #tpu.memory_space<vmem>> -> memref<125x128xf32, #tpu.memory_space<vmem>>
    %dma_start3A_49 = arith.constant 0 : i32
    %dma_start3A_50 = tpu.memref_slice %arg7[%dma_start3A_43, %dma_start3A_49] : memref<40x125xi32, #tpu.memory_space<vmem>> -> memref<1x125xi32, #tpu.memory_space<vmem>>
    %dma_start3A_51 = tpu.memref_squeeze %dma_start3A_50 : memref<1x125xi32, #tpu.memory_space<vmem>> -> memref<125xi32, #tpu.memory_space<vmem>>
    %dma_start3A_52 = arith.constant 0 : i32
    %dma_start3A_53 = arith.constant 0 : i32
    %dma_start3A_54 = tpu.memref_slice %arg4[%dma_start3A_52, %dma_start3A_53] : memref<10000x128xf32, #tpu.memory_space<hbm>> -> memref<10000x128xf32, #tpu.memory_space<hbm>>
    tpu.enqueue_indirect_dma source(%dma_start3A_54 : memref<10000x128xf32, #tpu.memory_space<hbm>>) target(%dma_start3A_48 : memref<125x128xf32, #tpu.memory_space<vmem>>) offsets(%dma_start3A_51 : memref<125xi32, #tpu.memory_space<vmem>>) semaphore(%arg11 : memref<!tpu.dma_semaphore, #tpu.memory_space<semaphore_mem>>)
    %scan3A_55 = arith.constant 0 : i32
    %scan3A_56 = arith.constant 20 : i32
    %scan3A_57 = arith.addi %scan3A_55, %scan3A_56 : i32
    %scan3A_58 = arith.constant 1 : i32
    scf.for %scan3A_65 = %scan3A_55 to %scan3A_57 step %scan3A_58  : i32 {
      %mul3A_66 = arith.constant 2 : i32
      %mul3A_67 = arith.muli %mul3A_66, %scan3A_65 : i32
      %add3A_68 = arith.constant 1 : i32
      %add3A_69 = arith.addi %mul3A_67, %add3A_68 : i32
      %dma_start3A_70 = arith.constant 1 : i32
      %dma_start3A_71 = arith.constant 0 : i32
      %dma_start3A_72 = arith.constant 0 : i32
      %dma_start3A_73 = tpu.memref_slice %arg9[%dma_start3A_70, %dma_start3A_71, %dma_start3A_72] : memref<2x125x128xf32, #tpu.memory_space<vmem>> -> memref<1x125x128xf32, #tpu.memory_space<vmem>>
      %dma_start3A_74 = tpu.memref_squeeze %dma_start3A_73 : memref<1x125x128xf32, #tpu.memory_space<vmem>> -> memref<125x128xf32, #tpu.memory_space<vmem>>
      %dma_start3A_75 = arith.constant 0 : i32
      %dma_start3A_76 = tpu.memref_slice %arg7[%add3A_69, %dma_start3A_75] : memref<40x125xi32, #tpu.memory_space<vmem>> -> memref<1x125xi32, #tpu.memory_space<vmem>>
      %dma_start3A_77 = tpu.memref_squeeze %dma_start3A_76 : memref<1x125xi32, #tpu.memory_space<vmem>> -> memref<125xi32, #tpu.memory_space<vmem>>
      %dma_start3A_78 = arith.constant 0 : i32
      %dma_start3A_79 = arith.constant 0 : i32
      %dma_start3A_80 = tpu.memref_slice %arg4[%dma_start3A_78, %dma_start3A_79] : memref<10000x128xf32, #tpu.memory_space<hbm>> -> memref<10000x128xf32, #tpu.memory_space<hbm>>
      tpu.enqueue_indirect_dma source(%dma_start3A_80 : memref<10000x128xf32, #tpu.memory_space<hbm>>) target(%dma_start3A_74 : memref<125x128xf32, #tpu.memory_space<vmem>>) offsets(%dma_start3A_77 : memref<125xi32, #tpu.memory_space<vmem>>) semaphore(%arg12 : memref<!tpu.dma_semaphore, #tpu.memory_space<semaphore_mem>>)
      %dma_wait3A_81 = arith.constant 0 : i32
      %dma_wait3A_82 = arith.constant 0 : i32
      %dma_wait3A_83 = arith.constant 0 : i32
      %dma_wait3A_84 = tpu.memref_slice %arg9[%dma_wait3A_81, %dma_wait3A_82, %dma_wait3A_83] : memref<2x125x128xf32, #tpu.memory_space<vmem>> -> memref<1x125x128xf32, #tpu.memory_space<vmem>>
      %dma_wait3A_85 = tpu.memref_squeeze %dma_wait3A_84 : memref<1x125x128xf32, #tpu.memory_space<vmem>> -> memref<125x128xf32, #tpu.memory_space<vmem>>
      %dma_wait3A_86 = arith.constant 0 : i32
      %dma_wait3A_87 = tpu.memref_slice %arg7[%mul3A_67, %dma_wait3A_86] : memref<40x125xi32, #tpu.memory_space<vmem>> -> memref<1x125xi32, #tpu.memory_space<vmem>>
      %dma_wait3A_88 = tpu.memref_squeeze %dma_wait3A_87 : memref<1x125xi32, #tpu.memory_space<vmem>> -> memref<125xi32, #tpu.memory_space<vmem>>
      %dma_wait3A_89 = arith.constant 0 : i32
      %dma_wait3A_90 = arith.constant 0 : i32
      %dma_wait3A_91 = tpu.memref_slice %arg4[%dma_wait3A_89, %dma_wait3A_90] : memref<10000x128xf32, #tpu.memory_space<hbm>> -> memref<10000x128xf32, #tpu.memory_space<hbm>>
      tpu.wait_indirect_dma semaphore(%arg11 : memref<!tpu.dma_semaphore, #tpu.memory_space<semaphore_mem>>) src(%dma_wait3A_91 : memref<10000x128xf32, #tpu.memory_space<hbm>>) dst(%dma_wait3A_85 : memref<125x128xf32, #tpu.memory_space<vmem>>)
      %run_scoped3A = arith.constant 0 : i32
      "tpu.region"() ({
        %run_scoped3A_108 = tpu.sem_alloc : memref<!tpu.dma_semaphore, #tpu.memory_space<semaphore_mem>>
        %dma_start3A_109 = arith.constant 0 : i32
        %dma_start3A_110 = arith.constant 0 : i32
        %dma_start3A_111 = tpu.memref_slice %arg9[%run_scoped3A, %dma_start3A_109, %dma_start3A_110] : memref<2x125x128xf32, #tpu.memory_space<vmem>> -> memref<1x125x128xf32, #tpu.memory_space<vmem>>
        %dma_start3A_112 = tpu.memref_squeeze %dma_start3A_111 : memref<1x125x128xf32, #tpu.memory_space<vmem>> -> memref<125x128xf32, #tpu.memory_space<vmem>>
        %dma_start3A_113 = arith.constant 0 : i32
        %dma_start3A_114 = tpu.memref_slice %arg8[%mul3A_67, %dma_start3A_113] : memref<40x125xi32, #tpu.memory_space<vmem>> -> memref<1x125xi32, #tpu.memory_space<vmem>>
        %dma_start3A_115 = tpu.memref_squeeze %dma_start3A_114 : memref<1x125xi32, #tpu.memory_space<vmem>> -> memref<125xi32, #tpu.memory_space<vmem>>
        %dma_start3A_116 = arith.constant 0 : i32
        %dma_start3A_117 = arith.constant 0 : i32
        %dma_start3A_118 = tpu.memref_slice %arg10[%dma_start3A_116, %dma_start3A_117] : memref<10240x128xf32, #tpu.memory_space<vmem_shared>> -> memref<10240x128xf32, #tpu.memory_space<vmem_shared>>
        tpu.enqueue_indirect_dma source(%dma_start3A_112 : memref<125x128xf32, #tpu.memory_space<vmem>>) target(%dma_start3A_118 : memref<10240x128xf32, #tpu.memory_space<vmem_shared>>) offsets(%dma_start3A_115 : memref<125xi32, #tpu.memory_space<vmem>>) semaphore(%run_scoped3A_108 : memref<!tpu.dma_semaphore, #tpu.memory_space<semaphore_mem>>) {add = true}
        %dma_wait3A_119 = arith.constant 0 : i32
        %dma_wait3A_120 = arith.constant 0 : i32
        %dma_wait3A_121 = tpu.memref_slice %arg9[%run_scoped3A, %dma_wait3A_119, %dma_wait3A_120] : memref<2x125x128xf32, #tpu.memory_space<vmem>> -> memref<1x125x128xf32, #tpu.memory_space<vmem>>
        %dma_wait3A_122 = tpu.memref_squeeze %dma_wait3A_121 : memref<1x125x128xf32, #tpu.memory_space<vmem>> -> memref<125x128xf32, #tpu.memory_space<vmem>>
        %dma_wait3A_123 = arith.constant 0 : i32
        %dma_wait3A_124 = tpu.memref_slice %arg8[%mul3A_67, %dma_wait3A_123] : memref<40x125xi32, #tpu.memory_space<vmem>> -> memref<1x125xi32, #tpu.memory_space<vmem>>
        %dma_wait3A_125 = tpu.memref_squeeze %dma_wait3A_124 : memref<1x125xi32, #tpu.memory_space<vmem>> -> memref<125xi32, #tpu.memory_space<vmem>>
        %dma_wait3A_126 = arith.constant 0 : i32
        %dma_wait3A_127 = arith.constant 0 : i32
        %dma_wait3A_128 = tpu.memref_slice %arg10[%dma_wait3A_126, %dma_wait3A_127] : memref<10240x128xf32, #tpu.memory_space<vmem_shared>> -> memref<10240x128xf32, #tpu.memory_space<vmem_shared>>
        tpu.wait_indirect_dma semaphore(%run_scoped3A_108 : memref<!tpu.dma_semaphore, #tpu.memory_space<semaphore_mem>>) src(%dma_wait3A_122 : memref<125x128xf32, #tpu.memory_space<vmem>>) dst(%dma_wait3A_128 : memref<10240x128xf32, #tpu.memory_space<vmem_shared>>)
        tpu.yield
      }) : () -> ()
      %add3A_92 = arith.constant 2 : i32
      %add3A_93 = arith.addi %mul3A_67, %add3A_92 : i32
      %lt3A = arith.constant 40 : i32
      %lt3A_94 = arith.cmpi slt, %add3A_93, %lt3A : i32
      %convert_element_type3A = arith.extui %lt3A_94 : i1 to i32
      %cond3A = arith.constant 0 : i32
      %cond3A_95 = arith.cmpi ne, %convert_element_type3A, %cond3A : i32
      scf.if %cond3A_95 {
        %add3A_108 = arith.constant 2 : i32
        %add3A_109 = arith.addi %mul3A_67, %add3A_108 : i32
        %dma_start3A_110 = arith.constant 0 : i32
        %dma_start3A_111 = arith.constant 0 : i32
        %dma_start3A_112 = arith.constant 0 : i32
        %dma_start3A_113 = tpu.memref_slice %arg9[%dma_start3A_110, %dma_start3A_111, %dma_start3A_112] : memref<2x125x128xf32, #tpu.memory_space<vmem>> -> memref<1x125x128xf32, #tpu.memory_space<vmem>>
        %dma_start3A_114 = tpu.memref_squeeze %dma_start3A_113 : memref<1x125x128xf32, #tpu.memory_space<vmem>> -> memref<125x128xf32, #tpu.memory_space<vmem>>
        %dma_start3A_115 = arith.constant 0 : i32
        %dma_start3A_116 = tpu.memref_slice %arg7[%add3A_109, %dma_start3A_115] : memref<40x125xi32, #tpu.memory_space<vmem>> -> memref<1x125xi32, #tpu.memory_space<vmem>>
        %dma_start3A_117 = tpu.memref_squeeze %dma_start3A_116 : memref<1x125xi32, #tpu.memory_space<vmem>> -> memref<125xi32, #tpu.memory_space<vmem>>
        %dma_start3A_118 = arith.constant 0 : i32
        %dma_start3A_119 = arith.constant 0 : i32
        %dma_start3A_120 = tpu.memref_slice %arg4[%dma_start3A_118, %dma_start3A_119] : memref<10000x128xf32, #tpu.memory_space<hbm>> -> memref<10000x128xf32, #tpu.memory_space<hbm>>
        tpu.enqueue_indirect_dma source(%dma_start3A_120 : memref<10000x128xf32, #tpu.memory_space<hbm>>) target(%dma_start3A_114 : memref<125x128xf32, #tpu.memory_space<vmem>>) offsets(%dma_start3A_117 : memref<125xi32, #tpu.memory_space<vmem>>) semaphore(%arg11 : memref<!tpu.dma_semaphore, #tpu.memory_space<semaphore_mem>>)
      } else {
      }
      %dma_wait3A_96 = arith.constant 1 : i32
      %dma_wait3A_97 = arith.constant 0 : i32
      %dma_wait3A_98 = arith.constant 0 : i32
      %dma_wait3A_99 = tpu.memref_slice %arg9[%dma_wait3A_96, %dma_wait3A_97, %dma_wait3A_98] : memref<2x125x128xf32, #tpu.memory_space<vmem>> -> memref<1x125x128xf32, #tpu.memory_space<vmem>>
      %dma_wait3A_100 = tpu.memref_squeeze %dma_wait3A_99 : memref<1x125x128xf32, #tpu.memory_space<vmem>> -> memref<125x128xf32, #tpu.memory_space<vmem>>
      %dma_wait3A_101 = arith.constant 0 : i32
      %dma_wait3A_102 = tpu.memref_slice %arg7[%add3A_69, %dma_wait3A_101] : memref<40x125xi32, #tpu.memory_space<vmem>> -> memref<1x125xi32, #tpu.memory_space<vmem>>
      %dma_wait3A_103 = tpu.memref_squeeze %dma_wait3A_102 : memref<1x125xi32, #tpu.memory_space<vmem>> -> memref<125xi32, #tpu.memory_space<vmem>>
      %dma_wait3A_104 = arith.constant 0 : i32
      %dma_wait3A_105 = arith.constant 0 : i32
      %dma_wait3A_106 = tpu.memref_slice %arg4[%dma_wait3A_104, %dma_wait3A_105] : memref<10000x128xf32, #tpu.memory_space<hbm>> -> memref<10000x128xf32, #tpu.memory_space<hbm>>
      tpu.wait_indirect_dma semaphore(%arg12 : memref<!tpu.dma_semaphore, #tpu.memory_space<semaphore_mem>>) src(%dma_wait3A_106 : memref<10000x128xf32, #tpu.memory_space<hbm>>) dst(%dma_wait3A_100 : memref<125x128xf32, #tpu.memory_space<vmem>>)
      %run_scoped3A_107 = arith.constant 1 : i32
      "tpu.region"() ({
        %run_scoped3A_108 = tpu.sem_alloc : memref<!tpu.dma_semaphore, #tpu.memory_space<semaphore_mem>>
        %dma_start3A_109 = arith.constant 0 : i32
        %dma_start3A_110 = arith.constant 0 : i32
        %dma_start3A_111 = tpu.memref_slice %arg9[%run_scoped3A_107, %dma_start3A_109, %dma_start3A_110] : memref<2x125x128xf32, #tpu.memory_space<vmem>> -> memref<1x125x128xf32, #tpu.memory_space<vmem>>
        %dma_start3A_112 = tpu.memref_squeeze %dma_start3A_111 : memref<1x125x128xf32, #tpu.memory_space<vmem>> -> memref<125x128xf32, #tpu.memory_space<vmem>>
        %dma_start3A_113 = arith.constant 0 : i32
        %dma_start3A_114 = tpu.memref_slice %arg8[%add3A_69, %dma_start3A_113] : memref<40x125xi32, #tpu.memory_space<vmem>> -> memref<1x125xi32, #tpu.memory_space<vmem>>
        %dma_start3A_115 = tpu.memref_squeeze %dma_start3A_114 : memref<1x125xi32, #tpu.memory_space<vmem>> -> memref<125xi32, #tpu.memory_space<vmem>>
        %dma_start3A_116 = arith.constant 0 : i32
        %dma_start3A_117 = arith.constant 0 : i32
        %dma_start3A_118 = tpu.memref_slice %arg10[%dma_start3A_116, %dma_start3A_117] : memref<10240x128xf32, #tpu.memory_space<vmem_shared>> -> memref<10240x128xf32, #tpu.memory_space<vmem_shared>>
        tpu.enqueue_indirect_dma source(%dma_start3A_112 : memref<125x128xf32, #tpu.memory_space<vmem>>) target(%dma_start3A_118 : memref<10240x128xf32, #tpu.memory_space<vmem_shared>>) offsets(%dma_start3A_115 : memref<125xi32, #tpu.memory_space<vmem>>) semaphore(%run_scoped3A_108 : memref<!tpu.dma_semaphore, #tpu.memory_space<semaphore_mem>>) {add = true}
        %dma_wait3A_119 = arith.constant 0 : i32
        %dma_wait3A_120 = arith.constant 0 : i32
        %dma_wait3A_121 = tpu.memref_slice %arg9[%run_scoped3A_107, %dma_wait3A_119, %dma_wait3A_120] : memref<2x125x128xf32, #tpu.memory_space<vmem>> -> memref<1x125x128xf32, #tpu.memory_space<vmem>>
        %dma_wait3A_122 = tpu.memref_squeeze %dma_wait3A_121 : memref<1x125x128xf32, #tpu.memory_space<vmem>> -> memref<125x128xf32, #tpu.memory_space<vmem>>
        %dma_wait3A_123 = arith.constant 0 : i32
        %dma_wait3A_124 = tpu.memref_slice %arg8[%add3A_69, %dma_wait3A_123] : memref<40x125xi32, #tpu.memory_space<vmem>> -> memref<1x125xi32, #tpu.memory_space<vmem>>
        %dma_wait3A_125 = tpu.memref_squeeze %dma_wait3A_124 : memref<1x125xi32, #tpu.memory_space<vmem>> -> memref<125xi32, #tpu.memory_space<vmem>>
        %dma_wait3A_126 = arith.constant 0 : i32
        %dma_wait3A_127 = arith.constant 0 : i32
        %dma_wait3A_128 = tpu.memref_slice %arg10[%dma_wait3A_126, %dma_wait3A_127] : memref<10240x128xf32, #tpu.memory_space<vmem_shared>> -> memref<10240x128xf32, #tpu.memory_space<vmem_shared>>
        tpu.wait_indirect_dma semaphore(%run_scoped3A_108 : memref<!tpu.dma_semaphore, #tpu.memory_space<semaphore_mem>>) src(%dma_wait3A_122 : memref<125x128xf32, #tpu.memory_space<vmem>>) dst(%dma_wait3A_128 : memref<10240x128xf32, #tpu.memory_space<vmem_shared>>)
        tpu.yield
      }) : () -> ()
    }
    %scan3A_59 = arith.constant 20 : i32
    %barrier3A_60 = arith.constant 0 : index
    tpu.barrier barrier_id(%barrier3A_60)
    %mul3A_61 = arith.constant 640 : i32
    %mul3A_62 = arith.muli %arg1, %mul3A_61 : i32
    %mul3A_63 = arith.constant 640 : i32
    %mul3A_64 = arith.muli %arg1, %mul3A_63 : i32
    "tpu.region"() ({
      %run_scoped3A = tpu.sem_alloc : memref<!tpu.dma_semaphore, #tpu.memory_space<semaphore_mem>>
      %dma_start3A_65 = arith.constant 0 : i32
      %dma_start3A_66 = tpu.memref_slice %arg6[%arg0, %mul3A_64, %dma_start3A_65] : memref<2x10240x128xf32, #tpu.memory_space<hbm>> -> memref<1x640x128xf32, #tpu.memory_space<hbm>>
      %dma_start3A_67 = tpu.memref_squeeze %dma_start3A_66 : memref<1x640x128xf32, #tpu.memory_space<hbm>> -> memref<640x128xf32, #tpu.memory_space<hbm>>
      %dma_start3A_68 = arith.constant 0 : i32
      %dma_start3A_69 = tpu.memref_slice %arg10[%mul3A_62, %dma_start3A_68] : memref<10240x128xf32, #tpu.memory_space<vmem_shared>> -> memref<640x128xf32, #tpu.memory_space<vmem_shared>>
      tpu.enqueue_dma source(%dma_start3A_69 : memref<640x128xf32, #tpu.memory_space<vmem_shared>>) target(%dma_start3A_67 : memref<640x128xf32, #tpu.memory_space<hbm>>) target_semaphore(%run_scoped3A : memref<!tpu.dma_semaphore, #tpu.memory_space<semaphore_mem>>)
      %dma_wait3A_70 = arith.constant 0 : i32
      %dma_wait3A_71 = tpu.memref_slice %arg6[%arg0, %mul3A_64, %dma_wait3A_70] : memref<2x10240x128xf32, #tpu.memory_space<hbm>> -> memref<1x640x128xf32, #tpu.memory_space<hbm>>
      %dma_wait3A_72 = tpu.memref_squeeze %dma_wait3A_71 : memref<1x640x128xf32, #tpu.memory_space<hbm>> -> memref<640x128xf32, #tpu.memory_space<hbm>>
      %dma_wait3A_73 = arith.constant 0 : i32
      %dma_wait3A_74 = tpu.memref_slice %arg10[%mul3A_62, %dma_wait3A_73] : memref<10240x128xf32, #tpu.memory_space<vmem_shared>> -> memref<640x128xf32, #tpu.memory_space<vmem_shared>>
      tpu.wait_dma2 semaphore(%run_scoped3A : memref<!tpu.dma_semaphore, #tpu.memory_space<semaphore_mem>>) src(%dma_wait3A_74 : memref<640x128xf32, #tpu.memory_space<vmem_shared>>) dst(%dma_wait3A_72 : memref<640x128xf32, #tpu.memory_space<hbm>>)
      tpu.yield
    }) : () -> ()
    return
  }
}

#map = affine_map<(d0, d1) -> (0, 0)>
#map1 = affine_map<(d0, d1) -> (0, 0, 0)>
module attributes {stable_mosaic.version = 14 : i64} {
  func.func @_seg_sum_body(%arg0: i32, %arg1: i32, %arg2: memref<2560x125xi32, #tpu.memory_space<hbm>>, %arg3: memref<2560x125xi32, #tpu.memory_space<hbm>>, %arg4: memref<10000x128xf32, #tpu.memory_space<hbm>>, %arg5: memref<640x128xf32, #tpu.memory_space<hbm>>, %arg6: memref<2x10240x128xf32, #tpu.memory_space<hbm>>, %arg7: memref<40x125xi32, #tpu.memory_space<vmem>>, %arg8: memref<40x125xi32, #tpu.memory_space<vmem>>, %arg9: memref<2x125x128xf32, #tpu.memory_space<vmem>>, %arg10: memref<10240x128xf32, #tpu.memory_space<vmem_shared>>, %arg11: memref<!tpu.dma_semaphore, #tpu.memory_space<semaphore_mem>>, %arg12: memref<!tpu.dma_semaphore, #tpu.memory_space<semaphore_mem>>) attributes {dimension_semantics = [#tpu.dimension_semantics<core_parallel>, #tpu.dimension_semantics<subcore_parallel>], iteration_bounds = array<i64: 2, 16>, scalar_prefetch = 0 : i64, scratch_operands = 6 : i64, tpu.core_type = #tpu.core_type<sc_vector_subcore>, window_params = [{transform_indices = #map}, {transform_indices = #map}, {transform_indices = #map}, {transform_indices = #map}, {transform_indices = #map1}]} {
    %mul3A = arith.constant 16 : i32
    %mul3A_0 = arith.muli %arg0, %mul3A : i32
    %add3A = arith.addi %mul3A_0, %arg1 : i32
    %mul3A_1 = arith.constant 80 : i32
    %mul3A_2 = arith.muli %add3A, %mul3A_1 : i32
    %mul3A_3 = arith.constant 640 : i32
    %mul3A_4 = arith.muli %arg1, %mul3A_3 : i32
    %dma_start3A = arith.constant 0 : i32
    %dma_start3A_5 = tpu.memref_slice %arg10[%mul3A_4, %dma_start3A] : memref<10240x128xf32, #tpu.memory_space<vmem_shared>> -> memref<640x128xf32, #tpu.memory_space<vmem_shared>>
    tpu.enqueue_dma source(%arg5 : memref<640x128xf32, #tpu.memory_space<hbm>>) target(%dma_start3A_5 : memref<640x128xf32, #tpu.memory_space<vmem_shared>>) target_semaphore(%arg11 : memref<!tpu.dma_semaphore, #tpu.memory_space<semaphore_mem>>)
    %dma_start3A_6 = arith.constant 0 : i32
    %dma_start3A_7 = tpu.memref_slice %arg2[%mul3A_2, %dma_start3A_6] : memref<2560x125xi32, #tpu.memory_space<hbm>> -> memref<40x125xi32, #tpu.memory_space<hbm>>
    %dma_start3A_8 = arith.constant 0 : i32
    %dma_start3A_9 = tpu.memref_slice %arg2[%mul3A_2, %dma_start3A_8] : memref<2560x125xi32, #tpu.memory_space<hbm>> -> memref<40x125xi32, #tpu.memory_space<hbm>>
    tpu.enqueue_dma source(%dma_start3A_9 : memref<40x125xi32, #tpu.memory_space<hbm>>) target(%arg7 : memref<40x125xi32, #tpu.memory_space<vmem>>) target_semaphore(%arg12 : memref<!tpu.dma_semaphore, #tpu.memory_space<semaphore_mem>>)
    %dma_start3A_10 = arith.constant 0 : i32
    %dma_start3A_11 = tpu.memref_slice %arg3[%mul3A_2, %dma_start3A_10] : memref<2560x125xi32, #tpu.memory_space<hbm>> -> memref<40x125xi32, #tpu.memory_space<hbm>>
    %dma_start3A_12 = arith.constant 0 : i32
    %dma_start3A_13 = tpu.memref_slice %arg3[%mul3A_2, %dma_start3A_12] : memref<2560x125xi32, #tpu.memory_space<hbm>> -> memref<40x125xi32, #tpu.memory_space<hbm>>
    tpu.enqueue_dma source(%dma_start3A_13 : memref<40x125xi32, #tpu.memory_space<hbm>>) target(%arg8 : memref<40x125xi32, #tpu.memory_space<vmem>>) target_semaphore(%arg12 : memref<!tpu.dma_semaphore, #tpu.memory_space<semaphore_mem>>)
    %dma_wait3A = arith.constant 0 : i32
    %dma_wait3A_14 = tpu.memref_slice %arg10[%mul3A_4, %dma_wait3A] : memref<10240x128xf32, #tpu.memory_space<vmem_shared>> -> memref<640x128xf32, #tpu.memory_space<vmem_shared>>
    tpu.wait_dma2 semaphore(%arg11 : memref<!tpu.dma_semaphore, #tpu.memory_space<semaphore_mem>>) src(%arg5 : memref<640x128xf32, #tpu.memory_space<hbm>>) dst(%dma_wait3A_14 : memref<640x128xf32, #tpu.memory_space<vmem_shared>>)
    %dma_wait3A_15 = arith.constant 0 : i32
    %dma_wait3A_16 = tpu.memref_slice %arg2[%mul3A_2, %dma_wait3A_15] : memref<2560x125xi32, #tpu.memory_space<hbm>> -> memref<40x125xi32, #tpu.memory_space<hbm>>
    %dma_wait3A_17 = arith.constant 0 : i32
    %dma_wait3A_18 = tpu.memref_slice %arg2[%mul3A_2, %dma_wait3A_17] : memref<2560x125xi32, #tpu.memory_space<hbm>> -> memref<40x125xi32, #tpu.memory_space<hbm>>
    tpu.wait_dma2 semaphore(%arg12 : memref<!tpu.dma_semaphore, #tpu.memory_space<semaphore_mem>>) src(%dma_wait3A_18 : memref<40x125xi32, #tpu.memory_space<hbm>>) dst(%arg7 : memref<40x125xi32, #tpu.memory_space<vmem>>)
    %dma_wait3A_19 = arith.constant 0 : i32
    %dma_wait3A_20 = tpu.memref_slice %arg3[%mul3A_2, %dma_wait3A_19] : memref<2560x125xi32, #tpu.memory_space<hbm>> -> memref<40x125xi32, #tpu.memory_space<hbm>>
    %dma_wait3A_21 = arith.constant 0 : i32
    %dma_wait3A_22 = tpu.memref_slice %arg3[%mul3A_2, %dma_wait3A_21] : memref<2560x125xi32, #tpu.memory_space<hbm>> -> memref<40x125xi32, #tpu.memory_space<hbm>>
    tpu.wait_dma2 semaphore(%arg12 : memref<!tpu.dma_semaphore, #tpu.memory_space<semaphore_mem>>) src(%dma_wait3A_22 : memref<40x125xi32, #tpu.memory_space<hbm>>) dst(%arg8 : memref<40x125xi32, #tpu.memory_space<vmem>>)
    %barrier3A = arith.constant 0 : index
    tpu.barrier barrier_id(%barrier3A)
    %dma_start3A_23 = arith.constant 0 : i32
    %dma_start3A_24 = arith.constant 0 : i32
    %dma_start3A_25 = arith.constant 0 : i32
    %dma_start3A_26 = arith.constant 0 : i32
    %dma_start3A_27 = tpu.memref_slice %arg9[%dma_start3A_24, %dma_start3A_25, %dma_start3A_26] : memref<2x125x128xf32, #tpu.memory_space<vmem>> -> memref<1x125x128xf32, #tpu.memory_space<vmem>>
    %dma_start3A_28 = tpu.memref_squeeze %dma_start3A_27 : memref<1x125x128xf32, #tpu.memory_space<vmem>> -> memref<125x128xf32, #tpu.memory_space<vmem>>
    %dma_start3A_29 = arith.constant 0 : i32
    %dma_start3A_30 = tpu.memref_slice %arg7[%dma_start3A_23, %dma_start3A_29] : memref<40x125xi32, #tpu.memory_space<vmem>> -> memref<1x125xi32, #tpu.memory_space<vmem>>
    %dma_start3A_31 = tpu.memref_squeeze %dma_start3A_30 : memref<1x125xi32, #tpu.memory_space<vmem>> -> memref<125xi32, #tpu.memory_space<vmem>>
    %dma_start3A_32 = arith.constant 0 : i32
    %dma_start3A_33 = arith.constant 0 : i32
    %dma_start3A_34 = tpu.memref_slice %arg4[%dma_start3A_32, %dma_start3A_33] : memref<10000x128xf32, #tpu.memory_space<hbm>> -> memref<10000x128xf32, #tpu.memory_space<hbm>>
    tpu.enqueue_indirect_dma source(%dma_start3A_34 : memref<10000x128xf32, #tpu.memory_space<hbm>>) target(%dma_start3A_28 : memref<125x128xf32, #tpu.memory_space<vmem>>) offsets(%dma_start3A_31 : memref<125xi32, #tpu.memory_space<vmem>>) semaphore(%arg11 : memref<!tpu.dma_semaphore, #tpu.memory_space<semaphore_mem>>)
    %scan3A = arith.constant 0 : i32
    %scan3A_35 = arith.constant 20 : i32
    %scan3A_36 = arith.addi %scan3A, %scan3A_35 : i32
    %scan3A_37 = arith.constant 1 : i32
    scf.for %scan3A_65 = %scan3A to %scan3A_36 step %scan3A_37  : i32 {
      %mul3A_66 = arith.constant 2 : i32
      %mul3A_67 = arith.muli %mul3A_66, %scan3A_65 : i32
      %add3A_68 = arith.constant 1 : i32
      %add3A_69 = arith.addi %mul3A_67, %add3A_68 : i32
      %dma_start3A_70 = arith.constant 1 : i32
      %dma_start3A_71 = arith.constant 0 : i32
      %dma_start3A_72 = arith.constant 0 : i32
      %dma_start3A_73 = tpu.memref_slice %arg9[%dma_start3A_70, %dma_start3A_71, %dma_start3A_72] : memref<2x125x128xf32, #tpu.memory_space<vmem>> -> memref<1x125x128xf32, #tpu.memory_space<vmem>>
      %dma_start3A_74 = tpu.memref_squeeze %dma_start3A_73 : memref<1x125x128xf32, #tpu.memory_space<vmem>> -> memref<125x128xf32, #tpu.memory_space<vmem>>
      %dma_start3A_75 = arith.constant 0 : i32
      %dma_start3A_76 = tpu.memref_slice %arg7[%add3A_69, %dma_start3A_75] : memref<40x125xi32, #tpu.memory_space<vmem>> -> memref<1x125xi32, #tpu.memory_space<vmem>>
      %dma_start3A_77 = tpu.memref_squeeze %dma_start3A_76 : memref<1x125xi32, #tpu.memory_space<vmem>> -> memref<125xi32, #tpu.memory_space<vmem>>
      %dma_start3A_78 = arith.constant 0 : i32
      %dma_start3A_79 = arith.constant 0 : i32
      %dma_start3A_80 = tpu.memref_slice %arg4[%dma_start3A_78, %dma_start3A_79] : memref<10000x128xf32, #tpu.memory_space<hbm>> -> memref<10000x128xf32, #tpu.memory_space<hbm>>
      tpu.enqueue_indirect_dma source(%dma_start3A_80 : memref<10000x128xf32, #tpu.memory_space<hbm>>) target(%dma_start3A_74 : memref<125x128xf32, #tpu.memory_space<vmem>>) offsets(%dma_start3A_77 : memref<125xi32, #tpu.memory_space<vmem>>) semaphore(%arg12 : memref<!tpu.dma_semaphore, #tpu.memory_space<semaphore_mem>>)
      %dma_wait3A_81 = arith.constant 0 : i32
      %dma_wait3A_82 = arith.constant 0 : i32
      %dma_wait3A_83 = arith.constant 0 : i32
      %dma_wait3A_84 = tpu.memref_slice %arg9[%dma_wait3A_81, %dma_wait3A_82, %dma_wait3A_83] : memref<2x125x128xf32, #tpu.memory_space<vmem>> -> memref<1x125x128xf32, #tpu.memory_space<vmem>>
      %dma_wait3A_85 = tpu.memref_squeeze %dma_wait3A_84 : memref<1x125x128xf32, #tpu.memory_space<vmem>> -> memref<125x128xf32, #tpu.memory_space<vmem>>
      %dma_wait3A_86 = arith.constant 0 : i32
      %dma_wait3A_87 = tpu.memref_slice %arg7[%mul3A_67, %dma_wait3A_86] : memref<40x125xi32, #tpu.memory_space<vmem>> -> memref<1x125xi32, #tpu.memory_space<vmem>>
      %dma_wait3A_88 = tpu.memref_squeeze %dma_wait3A_87 : memref<1x125xi32, #tpu.memory_space<vmem>> -> memref<125xi32, #tpu.memory_space<vmem>>
      %dma_wait3A_89 = arith.constant 0 : i32
      %dma_wait3A_90 = arith.constant 0 : i32
      %dma_wait3A_91 = tpu.memref_slice %arg4[%dma_wait3A_89, %dma_wait3A_90] : memref<10000x128xf32, #tpu.memory_space<hbm>> -> memref<10000x128xf32, #tpu.memory_space<hbm>>
      tpu.wait_indirect_dma semaphore(%arg11 : memref<!tpu.dma_semaphore, #tpu.memory_space<semaphore_mem>>) src(%dma_wait3A_91 : memref<10000x128xf32, #tpu.memory_space<hbm>>) dst(%dma_wait3A_85 : memref<125x128xf32, #tpu.memory_space<vmem>>)
      %run_scoped3A = arith.constant 0 : i32
      "tpu.region"() ({
        %run_scoped3A_108 = tpu.sem_alloc : memref<!tpu.dma_semaphore, #tpu.memory_space<semaphore_mem>>
        %dma_start3A_109 = arith.constant 0 : i32
        %dma_start3A_110 = arith.constant 0 : i32
        %dma_start3A_111 = tpu.memref_slice %arg9[%run_scoped3A, %dma_start3A_109, %dma_start3A_110] : memref<2x125x128xf32, #tpu.memory_space<vmem>> -> memref<1x125x128xf32, #tpu.memory_space<vmem>>
        %dma_start3A_112 = tpu.memref_squeeze %dma_start3A_111 : memref<1x125x128xf32, #tpu.memory_space<vmem>> -> memref<125x128xf32, #tpu.memory_space<vmem>>
        %dma_start3A_113 = arith.constant 0 : i32
        %dma_start3A_114 = tpu.memref_slice %arg8[%mul3A_67, %dma_start3A_113] : memref<40x125xi32, #tpu.memory_space<vmem>> -> memref<1x125xi32, #tpu.memory_space<vmem>>
        %dma_start3A_115 = tpu.memref_squeeze %dma_start3A_114 : memref<1x125xi32, #tpu.memory_space<vmem>> -> memref<125xi32, #tpu.memory_space<vmem>>
        %dma_start3A_116 = arith.constant 0 : i32
        %dma_start3A_117 = arith.constant 0 : i32
        %dma_start3A_118 = tpu.memref_slice %arg10[%dma_start3A_116, %dma_start3A_117] : memref<10240x128xf32, #tpu.memory_space<vmem_shared>> -> memref<10240x128xf32, #tpu.memory_space<vmem_shared>>
        tpu.enqueue_indirect_dma source(%dma_start3A_112 : memref<125x128xf32, #tpu.memory_space<vmem>>) target(%dma_start3A_118 : memref<10240x128xf32, #tpu.memory_space<vmem_shared>>) offsets(%dma_start3A_115 : memref<125xi32, #tpu.memory_space<vmem>>) semaphore(%run_scoped3A_108 : memref<!tpu.dma_semaphore, #tpu.memory_space<semaphore_mem>>) {add = true}
        %dma_wait3A_119 = arith.constant 0 : i32
        %dma_wait3A_120 = arith.constant 0 : i32
        %dma_wait3A_121 = tpu.memref_slice %arg9[%run_scoped3A, %dma_wait3A_119, %dma_wait3A_120] : memref<2x125x128xf32, #tpu.memory_space<vmem>> -> memref<1x125x128xf32, #tpu.memory_space<vmem>>
        %dma_wait3A_122 = tpu.memref_squeeze %dma_wait3A_121 : memref<1x125x128xf32, #tpu.memory_space<vmem>> -> memref<125x128xf32, #tpu.memory_space<vmem>>
        %dma_wait3A_123 = arith.constant 0 : i32
        %dma_wait3A_124 = tpu.memref_slice %arg8[%mul3A_67, %dma_wait3A_123] : memref<40x125xi32, #tpu.memory_space<vmem>> -> memref<1x125xi32, #tpu.memory_space<vmem>>
        %dma_wait3A_125 = tpu.memref_squeeze %dma_wait3A_124 : memref<1x125xi32, #tpu.memory_space<vmem>> -> memref<125xi32, #tpu.memory_space<vmem>>
        %dma_wait3A_126 = arith.constant 0 : i32
        %dma_wait3A_127 = arith.constant 0 : i32
        %dma_wait3A_128 = tpu.memref_slice %arg10[%dma_wait3A_126, %dma_wait3A_127] : memref<10240x128xf32, #tpu.memory_space<vmem_shared>> -> memref<10240x128xf32, #tpu.memory_space<vmem_shared>>
        tpu.wait_indirect_dma semaphore(%run_scoped3A_108 : memref<!tpu.dma_semaphore, #tpu.memory_space<semaphore_mem>>) src(%dma_wait3A_122 : memref<125x128xf32, #tpu.memory_space<vmem>>) dst(%dma_wait3A_128 : memref<10240x128xf32, #tpu.memory_space<vmem_shared>>)
        tpu.yield
      }) : () -> ()
      %add3A_92 = arith.constant 2 : i32
      %add3A_93 = arith.addi %mul3A_67, %add3A_92 : i32
      %lt3A = arith.constant 40 : i32
      %lt3A_94 = arith.cmpi slt, %add3A_93, %lt3A : i32
      %convert_element_type3A = arith.extui %lt3A_94 : i1 to i32
      %cond3A = arith.constant 0 : i32
      %cond3A_95 = arith.cmpi ne, %convert_element_type3A, %cond3A : i32
      scf.if %cond3A_95 {
        %add3A_108 = arith.constant 2 : i32
        %add3A_109 = arith.addi %mul3A_67, %add3A_108 : i32
        %dma_start3A_110 = arith.constant 0 : i32
        %dma_start3A_111 = arith.constant 0 : i32
        %dma_start3A_112 = arith.constant 0 : i32
        %dma_start3A_113 = tpu.memref_slice %arg9[%dma_start3A_110, %dma_start3A_111, %dma_start3A_112] : memref<2x125x128xf32, #tpu.memory_space<vmem>> -> memref<1x125x128xf32, #tpu.memory_space<vmem>>
        %dma_start3A_114 = tpu.memref_squeeze %dma_start3A_113 : memref<1x125x128xf32, #tpu.memory_space<vmem>> -> memref<125x128xf32, #tpu.memory_space<vmem>>
        %dma_start3A_115 = arith.constant 0 : i32
        %dma_start3A_116 = tpu.memref_slice %arg7[%add3A_109, %dma_start3A_115] : memref<40x125xi32, #tpu.memory_space<vmem>> -> memref<1x125xi32, #tpu.memory_space<vmem>>
        %dma_start3A_117 = tpu.memref_squeeze %dma_start3A_116 : memref<1x125xi32, #tpu.memory_space<vmem>> -> memref<125xi32, #tpu.memory_space<vmem>>
        %dma_start3A_118 = arith.constant 0 : i32
        %dma_start3A_119 = arith.constant 0 : i32
        %dma_start3A_120 = tpu.memref_slice %arg4[%dma_start3A_118, %dma_start3A_119] : memref<10000x128xf32, #tpu.memory_space<hbm>> -> memref<10000x128xf32, #tpu.memory_space<hbm>>
        tpu.enqueue_indirect_dma source(%dma_start3A_120 : memref<10000x128xf32, #tpu.memory_space<hbm>>) target(%dma_start3A_114 : memref<125x128xf32, #tpu.memory_space<vmem>>) offsets(%dma_start3A_117 : memref<125xi32, #tpu.memory_space<vmem>>) semaphore(%arg11 : memref<!tpu.dma_semaphore, #tpu.memory_space<semaphore_mem>>)
      } else {
      }
      %dma_wait3A_96 = arith.constant 1 : i32
      %dma_wait3A_97 = arith.constant 0 : i32
      %dma_wait3A_98 = arith.constant 0 : i32
      %dma_wait3A_99 = tpu.memref_slice %arg9[%dma_wait3A_96, %dma_wait3A_97, %dma_wait3A_98] : memref<2x125x128xf32, #tpu.memory_space<vmem>> -> memref<1x125x128xf32, #tpu.memory_space<vmem>>
      %dma_wait3A_100 = tpu.memref_squeeze %dma_wait3A_99 : memref<1x125x128xf32, #tpu.memory_space<vmem>> -> memref<125x128xf32, #tpu.memory_space<vmem>>
      %dma_wait3A_101 = arith.constant 0 : i32
      %dma_wait3A_102 = tpu.memref_slice %arg7[%add3A_69, %dma_wait3A_101] : memref<40x125xi32, #tpu.memory_space<vmem>> -> memref<1x125xi32, #tpu.memory_space<vmem>>
      %dma_wait3A_103 = tpu.memref_squeeze %dma_wait3A_102 : memref<1x125xi32, #tpu.memory_space<vmem>> -> memref<125xi32, #tpu.memory_space<vmem>>
      %dma_wait3A_104 = arith.constant 0 : i32
      %dma_wait3A_105 = arith.constant 0 : i32
      %dma_wait3A_106 = tpu.memref_slice %arg4[%dma_wait3A_104, %dma_wait3A_105] : memref<10000x128xf32, #tpu.memory_space<hbm>> -> memref<10000x128xf32, #tpu.memory_space<hbm>>
      tpu.wait_indirect_dma semaphore(%arg12 : memref<!tpu.dma_semaphore, #tpu.memory_space<semaphore_mem>>) src(%dma_wait3A_106 : memref<10000x128xf32, #tpu.memory_space<hbm>>) dst(%dma_wait3A_100 : memref<125x128xf32, #tpu.memory_space<vmem>>)
      %run_scoped3A_107 = arith.constant 1 : i32
      "tpu.region"() ({
        %run_scoped3A_108 = tpu.sem_alloc : memref<!tpu.dma_semaphore, #tpu.memory_space<semaphore_mem>>
        %dma_start3A_109 = arith.constant 0 : i32
        %dma_start3A_110 = arith.constant 0 : i32
        %dma_start3A_111 = tpu.memref_slice %arg9[%run_scoped3A_107, %dma_start3A_109, %dma_start3A_110] : memref<2x125x128xf32, #tpu.memory_space<vmem>> -> memref<1x125x128xf32, #tpu.memory_space<vmem>>
        %dma_start3A_112 = tpu.memref_squeeze %dma_start3A_111 : memref<1x125x128xf32, #tpu.memory_space<vmem>> -> memref<125x128xf32, #tpu.memory_space<vmem>>
        %dma_start3A_113 = arith.constant 0 : i32
        %dma_start3A_114 = tpu.memref_slice %arg8[%add3A_69, %dma_start3A_113] : memref<40x125xi32, #tpu.memory_space<vmem>> -> memref<1x125xi32, #tpu.memory_space<vmem>>
        %dma_start3A_115 = tpu.memref_squeeze %dma_start3A_114 : memref<1x125xi32, #tpu.memory_space<vmem>> -> memref<125xi32, #tpu.memory_space<vmem>>
        %dma_start3A_116 = arith.constant 0 : i32
        %dma_start3A_117 = arith.constant 0 : i32
        %dma_start3A_118 = tpu.memref_slice %arg10[%dma_start3A_116, %dma_start3A_117] : memref<10240x128xf32, #tpu.memory_space<vmem_shared>> -> memref<10240x128xf32, #tpu.memory_space<vmem_shared>>
        tpu.enqueue_indirect_dma source(%dma_start3A_112 : memref<125x128xf32, #tpu.memory_space<vmem>>) target(%dma_start3A_118 : memref<10240x128xf32, #tpu.memory_space<vmem_shared>>) offsets(%dma_start3A_115 : memref<125xi32, #tpu.memory_space<vmem>>) semaphore(%run_scoped3A_108 : memref<!tpu.dma_semaphore, #tpu.memory_space<semaphore_mem>>) {add = true}
        %dma_wait3A_119 = arith.constant 0 : i32
        %dma_wait3A_120 = arith.constant 0 : i32
        %dma_wait3A_121 = tpu.memref_slice %arg9[%run_scoped3A_107, %dma_wait3A_119, %dma_wait3A_120] : memref<2x125x128xf32, #tpu.memory_space<vmem>> -> memref<1x125x128xf32, #tpu.memory_space<vmem>>
        %dma_wait3A_122 = tpu.memref_squeeze %dma_wait3A_121 : memref<1x125x128xf32, #tpu.memory_space<vmem>> -> memref<125x128xf32, #tpu.memory_space<vmem>>
        %dma_wait3A_123 = arith.constant 0 : i32
        %dma_wait3A_124 = tpu.memref_slice %arg8[%add3A_69, %dma_wait3A_123] : memref<40x125xi32, #tpu.memory_space<vmem>> -> memref<1x125xi32, #tpu.memory_space<vmem>>
        %dma_wait3A_125 = tpu.memref_squeeze %dma_wait3A_124 : memref<1x125xi32, #tpu.memory_space<vmem>> -> memref<125xi32, #tpu.memory_space<vmem>>
        %dma_wait3A_126 = arith.constant 0 : i32
        %dma_wait3A_127 = arith.constant 0 : i32
        %dma_wait3A_128 = tpu.memref_slice %arg10[%dma_wait3A_126, %dma_wait3A_127] : memref<10240x128xf32, #tpu.memory_space<vmem_shared>> -> memref<10240x128xf32, #tpu.memory_space<vmem_shared>>
        tpu.wait_indirect_dma semaphore(%run_scoped3A_108 : memref<!tpu.dma_semaphore, #tpu.memory_space<semaphore_mem>>) src(%dma_wait3A_122 : memref<125x128xf32, #tpu.memory_space<vmem>>) dst(%dma_wait3A_128 : memref<10240x128xf32, #tpu.memory_space<vmem_shared>>)
        tpu.yield
      }) : () -> ()
    }
    %scan3A_38 = arith.constant 20 : i32
    %add3A_39 = arith.constant 40 : i32
    %add3A_40 = arith.addi %mul3A_2, %add3A_39 : i32
    "tpu.region"() ({
      %run_scoped3A = tpu.sem_alloc : memref<!tpu.dma_semaphore, #tpu.memory_space<semaphore_mem>>
      %dma_start3A_65 = arith.constant 0 : i32
      %dma_start3A_66 = tpu.memref_slice %arg2[%add3A_40, %dma_start3A_65] : memref<2560x125xi32, #tpu.memory_space<hbm>> -> memref<40x125xi32, #tpu.memory_space<hbm>>
      %dma_start3A_67 = arith.constant 0 : i32
      %dma_start3A_68 = tpu.memref_slice %arg2[%add3A_40, %dma_start3A_67] : memref<2560x125xi32, #tpu.memory_space<hbm>> -> memref<40x125xi32, #tpu.memory_space<hbm>>
      tpu.enqueue_dma source(%dma_start3A_68 : memref<40x125xi32, #tpu.memory_space<hbm>>) target(%arg7 : memref<40x125xi32, #tpu.memory_space<vmem>>) target_semaphore(%run_scoped3A : memref<!tpu.dma_semaphore, #tpu.memory_space<semaphore_mem>>)
      %dma_wait3A_69 = arith.constant 0 : i32
      %dma_wait3A_70 = tpu.memref_slice %arg2[%add3A_40, %dma_wait3A_69] : memref<2560x125xi32, #tpu.memory_space<hbm>> -> memref<40x125xi32, #tpu.memory_space<hbm>>
      %dma_wait3A_71 = arith.constant 0 : i32
      %dma_wait3A_72 = tpu.memref_slice %arg2[%add3A_40, %dma_wait3A_71] : memref<2560x125xi32, #tpu.memory_space<hbm>> -> memref<40x125xi32, #tpu.memory_space<hbm>>
      tpu.wait_dma2 semaphore(%run_scoped3A : memref<!tpu.dma_semaphore, #tpu.memory_space<semaphore_mem>>) src(%dma_wait3A_72 : memref<40x125xi32, #tpu.memory_space<hbm>>) dst(%arg7 : memref<40x125xi32, #tpu.memory_space<vmem>>)
      tpu.yield
    }) : () -> ()
    %add3A_41 = arith.constant 40 : i32
    %add3A_42 = arith.addi %mul3A_2, %add3A_41 : i32
    "tpu.region"() ({
      %run_scoped3A = tpu.sem_alloc : memref<!tpu.dma_semaphore, #tpu.memory_space<semaphore_mem>>
      %dma_start3A_65 = arith.constant 0 : i32
      %dma_start3A_66 = tpu.memref_slice %arg3[%add3A_42, %dma_start3A_65] : memref<2560x125xi32, #tpu.memory_space<hbm>> -> memref<40x125xi32, #tpu.memory_space<hbm>>
      %dma_start3A_67 = arith.constant 0 : i32
      %dma_start3A_68 = tpu.memref_slice %arg3[%add3A_42, %dma_start3A_67] : memref<2560x125xi32, #tpu.memory_space<hbm>> -> memref<40x125xi32, #tpu.memory_space<hbm>>
      tpu.enqueue_dma source(%dma_start3A_68 : memref<40x125xi32, #tpu.memory_space<hbm>>) target(%arg8 : memref<40x125xi32, #tpu.memory_space<vmem>>) target_semaphore(%run_scoped3A : memref<!tpu.dma_semaphore, #tpu.memory_space<semaphore_mem>>)
      %dma_wait3A_69 = arith.constant 0 : i32
      %dma_wait3A_70 = tpu.memref_slice %arg3[%add3A_42, %dma_wait3A_69] : memref<2560x125xi32, #tpu.memory_space<hbm>> -> memref<40x125xi32, #tpu.memory_space<hbm>>
      %dma_wait3A_71 = arith.constant 0 : i32
      %dma_wait3A_72 = tpu.memref_slice %arg3[%add3A_42, %dma_wait3A_71] : memref<2560x125xi32, #tpu.memory_space<hbm>> -> memref<40x125xi32, #tpu.memory_space<hbm>>
      tpu.wait_dma2 semaphore(%run_scoped3A : memref<!tpu.dma_semaphore, #tpu.memory_space<semaphore_mem>>) src(%dma_wait3A_72 : memref<40x125xi32, #tpu.memory_space<hbm>>) dst(%arg8 : memref<40x125xi32, #tpu.memory_space<vmem>>)
      tpu.yield
    }) : () -> ()
    %dma_start3A_43 = arith.constant 0 : i32
    %dma_start3A_44 = arith.constant 0 : i32
    %dma_start3A_45 = arith.constant 0 : i32
    %dma_start3A_46 = arith.constant 0 : i32
    %dma_start3A_47 = tpu.memref_slice %arg9[%dma_start3A_44, %dma_start3A_45, %dma_start3A_46] : memref<2x125x128xf32, #tpu.memory_space<vmem>> -> memref<1x125x128xf32, #tpu.memory_space<vmem>>
    %dma_start3A_48 = tpu.memref_squeeze %dma_start3A_47 : memref<1x125x128xf32, #tpu.memory_space<vmem>> -> memref<125x128xf32, #tpu.memory_space<vmem>>
    %dma_start3A_49 = arith.constant 0 : i32
    %dma_start3A_50 = tpu.memref_slice %arg7[%dma_start3A_43, %dma_start3A_49] : memref<40x125xi32, #tpu.memory_space<vmem>> -> memref<1x125xi32, #tpu.memory_space<vmem>>
    %dma_start3A_51 = tpu.memref_squeeze %dma_start3A_50 : memref<1x125xi32, #tpu.memory_space<vmem>> -> memref<125xi32, #tpu.memory_space<vmem>>
    %dma_start3A_52 = arith.constant 0 : i32
    %dma_start3A_53 = arith.constant 0 : i32
    %dma_start3A_54 = tpu.memref_slice %arg4[%dma_start3A_52, %dma_start3A_53] : memref<10000x128xf32, #tpu.memory_space<hbm>> -> memref<10000x128xf32, #tpu.memory_space<hbm>>
    tpu.enqueue_indirect_dma source(%dma_start3A_54 : memref<10000x128xf32, #tpu.memory_space<hbm>>) target(%dma_start3A_48 : memref<125x128xf32, #tpu.memory_space<vmem>>) offsets(%dma_start3A_51 : memref<125xi32, #tpu.memory_space<vmem>>) semaphore(%arg11 : memref<!tpu.dma_semaphore, #tpu.memory_space<semaphore_mem>>)
    %scan3A_55 = arith.constant 0 : i32
    %scan3A_56 = arith.constant 20 : i32
    %scan3A_57 = arith.addi %scan3A_55, %scan3A_56 : i32
    %scan3A_58 = arith.constant 1 : i32
    scf.for %scan3A_65 = %scan3A_55 to %scan3A_57 step %scan3A_58  : i32 {
      %mul3A_66 = arith.constant 2 : i32
      %mul3A_67 = arith.muli %mul3A_66, %scan3A_65 : i32
      %add3A_68 = arith.constant 1 : i32
      %add3A_69 = arith.addi %mul3A_67, %add3A_68 : i32
      %dma_start3A_70 = arith.constant 1 : i32
      %dma_start3A_71 = arith.constant 0 : i32
      %dma_start3A_72 = arith.constant 0 : i32
      %dma_start3A_73 = tpu.memref_slice %arg9[%dma_start3A_70, %dma_start3A_71, %dma_start3A_72] : memref<2x125x128xf32, #tpu.memory_space<vmem>> -> memref<1x125x128xf32, #tpu.memory_space<vmem>>
      %dma_start3A_74 = tpu.memref_squeeze %dma_start3A_73 : memref<1x125x128xf32, #tpu.memory_space<vmem>> -> memref<125x128xf32, #tpu.memory_space<vmem>>
      %dma_start3A_75 = arith.constant 0 : i32
      %dma_start3A_76 = tpu.memref_slice %arg7[%add3A_69, %dma_start3A_75] : memref<40x125xi32, #tpu.memory_space<vmem>> -> memref<1x125xi32, #tpu.memory_space<vmem>>
      %dma_start3A_77 = tpu.memref_squeeze %dma_start3A_76 : memref<1x125xi32, #tpu.memory_space<vmem>> -> memref<125xi32, #tpu.memory_space<vmem>>
      %dma_start3A_78 = arith.constant 0 : i32
      %dma_start3A_79 = arith.constant 0 : i32
      %dma_start3A_80 = tpu.memref_slice %arg4[%dma_start3A_78, %dma_start3A_79] : memref<10000x128xf32, #tpu.memory_space<hbm>> -> memref<10000x128xf32, #tpu.memory_space<hbm>>
      tpu.enqueue_indirect_dma source(%dma_start3A_80 : memref<10000x128xf32, #tpu.memory_space<hbm>>) target(%dma_start3A_74 : memref<125x128xf32, #tpu.memory_space<vmem>>) offsets(%dma_start3A_77 : memref<125xi32, #tpu.memory_space<vmem>>) semaphore(%arg12 : memref<!tpu.dma_semaphore, #tpu.memory_space<semaphore_mem>>)
      %dma_wait3A_81 = arith.constant 0 : i32
      %dma_wait3A_82 = arith.constant 0 : i32
      %dma_wait3A_83 = arith.constant 0 : i32
      %dma_wait3A_84 = tpu.memref_slice %arg9[%dma_wait3A_81, %dma_wait3A_82, %dma_wait3A_83] : memref<2x125x128xf32, #tpu.memory_space<vmem>> -> memref<1x125x128xf32, #tpu.memory_space<vmem>>
      %dma_wait3A_85 = tpu.memref_squeeze %dma_wait3A_84 : memref<1x125x128xf32, #tpu.memory_space<vmem>> -> memref<125x128xf32, #tpu.memory_space<vmem>>
      %dma_wait3A_86 = arith.constant 0 : i32
      %dma_wait3A_87 = tpu.memref_slice %arg7[%mul3A_67, %dma_wait3A_86] : memref<40x125xi32, #tpu.memory_space<vmem>> -> memref<1x125xi32, #tpu.memory_space<vmem>>
      %dma_wait3A_88 = tpu.memref_squeeze %dma_wait3A_87 : memref<1x125xi32, #tpu.memory_space<vmem>> -> memref<125xi32, #tpu.memory_space<vmem>>
      %dma_wait3A_89 = arith.constant 0 : i32
      %dma_wait3A_90 = arith.constant 0 : i32
      %dma_wait3A_91 = tpu.memref_slice %arg4[%dma_wait3A_89, %dma_wait3A_90] : memref<10000x128xf32, #tpu.memory_space<hbm>> -> memref<10000x128xf32, #tpu.memory_space<hbm>>
      tpu.wait_indirect_dma semaphore(%arg11 : memref<!tpu.dma_semaphore, #tpu.memory_space<semaphore_mem>>) src(%dma_wait3A_91 : memref<10000x128xf32, #tpu.memory_space<hbm>>) dst(%dma_wait3A_85 : memref<125x128xf32, #tpu.memory_space<vmem>>)
      %run_scoped3A = arith.constant 0 : i32
      "tpu.region"() ({
        %run_scoped3A_108 = tpu.sem_alloc : memref<!tpu.dma_semaphore, #tpu.memory_space<semaphore_mem>>
        %dma_start3A_109 = arith.constant 0 : i32
        %dma_start3A_110 = arith.constant 0 : i32
        %dma_start3A_111 = tpu.memref_slice %arg9[%run_scoped3A, %dma_start3A_109, %dma_start3A_110] : memref<2x125x128xf32, #tpu.memory_space<vmem>> -> memref<1x125x128xf32, #tpu.memory_space<vmem>>
        %dma_start3A_112 = tpu.memref_squeeze %dma_start3A_111 : memref<1x125x128xf32, #tpu.memory_space<vmem>> -> memref<125x128xf32, #tpu.memory_space<vmem>>
        %dma_start3A_113 = arith.constant 0 : i32
        %dma_start3A_114 = tpu.memref_slice %arg8[%mul3A_67, %dma_start3A_113] : memref<40x125xi32, #tpu.memory_space<vmem>> -> memref<1x125xi32, #tpu.memory_space<vmem>>
        %dma_start3A_115 = tpu.memref_squeeze %dma_start3A_114 : memref<1x125xi32, #tpu.memory_space<vmem>> -> memref<125xi32, #tpu.memory_space<vmem>>
        %dma_start3A_116 = arith.constant 0 : i32
        %dma_start3A_117 = arith.constant 0 : i32
        %dma_start3A_118 = tpu.memref_slice %arg10[%dma_start3A_116, %dma_start3A_117] : memref<10240x128xf32, #tpu.memory_space<vmem_shared>> -> memref<10240x128xf32, #tpu.memory_space<vmem_shared>>
        tpu.enqueue_indirect_dma source(%dma_start3A_112 : memref<125x128xf32, #tpu.memory_space<vmem>>) target(%dma_start3A_118 : memref<10240x128xf32, #tpu.memory_space<vmem_shared>>) offsets(%dma_start3A_115 : memref<125xi32, #tpu.memory_space<vmem>>) semaphore(%run_scoped3A_108 : memref<!tpu.dma_semaphore, #tpu.memory_space<semaphore_mem>>) {add = true}
        %dma_wait3A_119 = arith.constant 0 : i32
        %dma_wait3A_120 = arith.constant 0 : i32
        %dma_wait3A_121 = tpu.memref_slice %arg9[%run_scoped3A, %dma_wait3A_119, %dma_wait3A_120] : memref<2x125x128xf32, #tpu.memory_space<vmem>> -> memref<1x125x128xf32, #tpu.memory_space<vmem>>
        %dma_wait3A_122 = tpu.memref_squeeze %dma_wait3A_121 : memref<1x125x128xf32, #tpu.memory_space<vmem>> -> memref<125x128xf32, #tpu.memory_space<vmem>>
        %dma_wait3A_123 = arith.constant 0 : i32
        %dma_wait3A_124 = tpu.memref_slice %arg8[%mul3A_67, %dma_wait3A_123] : memref<40x125xi32, #tpu.memory_space<vmem>> -> memref<1x125xi32, #tpu.memory_space<vmem>>
        %dma_wait3A_125 = tpu.memref_squeeze %dma_wait3A_124 : memref<1x125xi32, #tpu.memory_space<vmem>> -> memref<125xi32, #tpu.memory_space<vmem>>
        %dma_wait3A_126 = arith.constant 0 : i32
        %dma_wait3A_127 = arith.constant 0 : i32
        %dma_wait3A_128 = tpu.memref_slice %arg10[%dma_wait3A_126, %dma_wait3A_127] : memref<10240x128xf32, #tpu.memory_space<vmem_shared>> -> memref<10240x128xf32, #tpu.memory_space<vmem_shared>>
        tpu.wait_indirect_dma semaphore(%run_scoped3A_108 : memref<!tpu.dma_semaphore, #tpu.memory_space<semaphore_mem>>) src(%dma_wait3A_122 : memref<125x128xf32, #tpu.memory_space<vmem>>) dst(%dma_wait3A_128 : memref<10240x128xf32, #tpu.memory_space<vmem_shared>>)
        tpu.yield
      }) : () -> ()
      %add3A_92 = arith.constant 2 : i32
      %add3A_93 = arith.addi %mul3A_67, %add3A_92 : i32
      %lt3A = arith.constant 40 : i32
      %lt3A_94 = arith.cmpi slt, %add3A_93, %lt3A : i32
      %convert_element_type3A = arith.extui %lt3A_94 : i1 to i32
      %cond3A = arith.constant 0 : i32
      %cond3A_95 = arith.cmpi ne, %convert_element_type3A, %cond3A : i32
      scf.if %cond3A_95 {
        %add3A_108 = arith.constant 2 : i32
        %add3A_109 = arith.addi %mul3A_67, %add3A_108 : i32
        %dma_start3A_110 = arith.constant 0 : i32
        %dma_start3A_111 = arith.constant 0 : i32
        %dma_start3A_112 = arith.constant 0 : i32
        %dma_start3A_113 = tpu.memref_slice %arg9[%dma_start3A_110, %dma_start3A_111, %dma_start3A_112] : memref<2x125x128xf32, #tpu.memory_space<vmem>> -> memref<1x125x128xf32, #tpu.memory_space<vmem>>
        %dma_start3A_114 = tpu.memref_squeeze %dma_start3A_113 : memref<1x125x128xf32, #tpu.memory_space<vmem>> -> memref<125x128xf32, #tpu.memory_space<vmem>>
        %dma_start3A_115 = arith.constant 0 : i32
        %dma_start3A_116 = tpu.memref_slice %arg7[%add3A_109, %dma_start3A_115] : memref<40x125xi32, #tpu.memory_space<vmem>> -> memref<1x125xi32, #tpu.memory_space<vmem>>
        %dma_start3A_117 = tpu.memref_squeeze %dma_start3A_116 : memref<1x125xi32, #tpu.memory_space<vmem>> -> memref<125xi32, #tpu.memory_space<vmem>>
        %dma_start3A_118 = arith.constant 0 : i32
        %dma_start3A_119 = arith.constant 0 : i32
        %dma_start3A_120 = tpu.memref_slice %arg4[%dma_start3A_118, %dma_start3A_119] : memref<10000x128xf32, #tpu.memory_space<hbm>> -> memref<10000x128xf32, #tpu.memory_space<hbm>>
        tpu.enqueue_indirect_dma source(%dma_start3A_120 : memref<10000x128xf32, #tpu.memory_space<hbm>>) target(%dma_start3A_114 : memref<125x128xf32, #tpu.memory_space<vmem>>) offsets(%dma_start3A_117 : memref<125xi32, #tpu.memory_space<vmem>>) semaphore(%arg11 : memref<!tpu.dma_semaphore, #tpu.memory_space<semaphore_mem>>)
      } else {
      }
      %dma_wait3A_96 = arith.constant 1 : i32
      %dma_wait3A_97 = arith.constant 0 : i32
      %dma_wait3A_98 = arith.constant 0 : i32
      %dma_wait3A_99 = tpu.memref_slice %arg9[%dma_wait3A_96, %dma_wait3A_97, %dma_wait3A_98] : memref<2x125x128xf32, #tpu.memory_space<vmem>> -> memref<1x125x128xf32, #tpu.memory_space<vmem>>
      %dma_wait3A_100 = tpu.memref_squeeze %dma_wait3A_99 : memref<1x125x128xf32, #tpu.memory_space<vmem>> -> memref<125x128xf32, #tpu.memory_space<vmem>>
      %dma_wait3A_101 = arith.constant 0 : i32
      %dma_wait3A_102 = tpu.memref_slice %arg7[%add3A_69, %dma_wait3A_101] : memref<40x125xi32, #tpu.memory_space<vmem>> -> memref<1x125xi32, #tpu.memory_space<vmem>>
      %dma_wait3A_103 = tpu.memref_squeeze %dma_wait3A_102 : memref<1x125xi32, #tpu.memory_space<vmem>> -> memref<125xi32, #tpu.memory_space<vmem>>
      %dma_wait3A_104 = arith.constant 0 : i32
      %dma_wait3A_105 = arith.constant 0 : i32
      %dma_wait3A_106 = tpu.memref_slice %arg4[%dma_wait3A_104, %dma_wait3A_105] : memref<10000x128xf32, #tpu.memory_space<hbm>> -> memref<10000x128xf32, #tpu.memory_space<hbm>>
      tpu.wait_indirect_dma semaphore(%arg12 : memref<!tpu.dma_semaphore, #tpu.memory_space<semaphore_mem>>) src(%dma_wait3A_106 : memref<10000x128xf32, #tpu.memory_space<hbm>>) dst(%dma_wait3A_100 : memref<125x128xf32, #tpu.memory_space<vmem>>)
      %run_scoped3A_107 = arith.constant 1 : i32
      "tpu.region"() ({
        %run_scoped3A_108 = tpu.sem_alloc : memref<!tpu.dma_semaphore, #tpu.memory_space<semaphore_mem>>
        %dma_start3A_109 = arith.constant 0 : i32
        %dma_start3A_110 = arith.constant 0 : i32
        %dma_start3A_111 = tpu.memref_slice %arg9[%run_scoped3A_107, %dma_start3A_109, %dma_start3A_110] : memref<2x125x128xf32, #tpu.memory_space<vmem>> -> memref<1x125x128xf32, #tpu.memory_space<vmem>>
        %dma_start3A_112 = tpu.memref_squeeze %dma_start3A_111 : memref<1x125x128xf32, #tpu.memory_space<vmem>> -> memref<125x128xf32, #tpu.memory_space<vmem>>
        %dma_start3A_113 = arith.constant 0 : i32
        %dma_start3A_114 = tpu.memref_slice %arg8[%add3A_69, %dma_start3A_113] : memref<40x125xi32, #tpu.memory_space<vmem>> -> memref<1x125xi32, #tpu.memory_space<vmem>>
        %dma_start3A_115 = tpu.memref_squeeze %dma_start3A_114 : memref<1x125xi32, #tpu.memory_space<vmem>> -> memref<125xi32, #tpu.memory_space<vmem>>
        %dma_start3A_116 = arith.constant 0 : i32
        %dma_start3A_117 = arith.constant 0 : i32
        %dma_start3A_118 = tpu.memref_slice %arg10[%dma_start3A_116, %dma_start3A_117] : memref<10240x128xf32, #tpu.memory_space<vmem_shared>> -> memref<10240x128xf32, #tpu.memory_space<vmem_shared>>
        tpu.enqueue_indirect_dma source(%dma_start3A_112 : memref<125x128xf32, #tpu.memory_space<vmem>>) target(%dma_start3A_118 : memref<10240x128xf32, #tpu.memory_space<vmem_shared>>) offsets(%dma_start3A_115 : memref<125xi32, #tpu.memory_space<vmem>>) semaphore(%run_scoped3A_108 : memref<!tpu.dma_semaphore, #tpu.memory_space<semaphore_mem>>) {add = true}
        %dma_wait3A_119 = arith.constant 0 : i32
        %dma_wait3A_120 = arith.constant 0 : i32
        %dma_wait3A_121 = tpu.memref_slice %arg9[%run_scoped3A_107, %dma_wait3A_119, %dma_wait3A_120] : memref<2x125x128xf32, #tpu.memory_space<vmem>> -> memref<1x125x128xf32, #tpu.memory_space<vmem>>
        %dma_wait3A_122 = tpu.memref_squeeze %dma_wait3A_121 : memref<1x125x128xf32, #tpu.memory_space<vmem>> -> memref<125x128xf32, #tpu.memory_space<vmem>>
        %dma_wait3A_123 = arith.constant 0 : i32
        %dma_wait3A_124 = tpu.memref_slice %arg8[%add3A_69, %dma_wait3A_123] : memref<40x125xi32, #tpu.memory_space<vmem>> -> memref<1x125xi32, #tpu.memory_space<vmem>>
        %dma_wait3A_125 = tpu.memref_squeeze %dma_wait3A_124 : memref<1x125xi32, #tpu.memory_space<vmem>> -> memref<125xi32, #tpu.memory_space<vmem>>
        %dma_wait3A_126 = arith.constant 0 : i32
        %dma_wait3A_127 = arith.constant 0 : i32
        %dma_wait3A_128 = tpu.memref_slice %arg10[%dma_wait3A_126, %dma_wait3A_127] : memref<10240x128xf32, #tpu.memory_space<vmem_shared>> -> memref<10240x128xf32, #tpu.memory_space<vmem_shared>>
        tpu.wait_indirect_dma semaphore(%run_scoped3A_108 : memref<!tpu.dma_semaphore, #tpu.memory_space<semaphore_mem>>) src(%dma_wait3A_122 : memref<125x128xf32, #tpu.memory_space<vmem>>) dst(%dma_wait3A_128 : memref<10240x128xf32, #tpu.memory_space<vmem_shared>>)
        tpu.yield
      }) : () -> ()
    }
    %scan3A_59 = arith.constant 20 : i32
    %barrier3A_60 = arith.constant 0 : index
    tpu.barrier barrier_id(%barrier3A_60)
    %mul3A_61 = arith.constant 640 : i32
    %mul3A_62 = arith.muli %arg1, %mul3A_61 : i32
    %mul3A_63 = arith.constant 640 : i32
    %mul3A_64 = arith.muli %arg1, %mul3A_63 : i32
    "tpu.region"() ({
      %run_scoped3A = tpu.sem_alloc : memref<!tpu.dma_semaphore, #tpu.memory_space<semaphore_mem>>
      %dma_start3A_65 = arith.constant 0 : i32
      %dma_start3A_66 = tpu.memref_slice %arg6[%arg0, %mul3A_64, %dma_start3A_65] : memref<2x10240x128xf32, #tpu.memory_space<hbm>> -> memref<1x640x128xf32, #tpu.memory_space<hbm>>
      %dma_start3A_67 = tpu.memref_squeeze %dma_start3A_66 : memref<1x640x128xf32, #tpu.memory_space<hbm>> -> memref<640x128xf32, #tpu.memory_space<hbm>>
      %dma_start3A_68 = arith.constant 0 : i32
      %dma_start3A_69 = tpu.memref_slice %arg10[%mul3A_62, %dma_start3A_68] : memref<10240x128xf32, #tpu.memory_space<vmem_shared>> -> memref<640x128xf32, #tpu.memory_space<vmem_shared>>
      tpu.enqueue_dma source(%dma_start3A_69 : memref<640x128xf32, #tpu.memory_space<vmem_shared>>) target(%dma_start3A_67 : memref<640x128xf32, #tpu.memory_space<hbm>>) target_semaphore(%run_scoped3A : memref<!tpu.dma_semaphore, #tpu.memory_space<semaphore_mem>>)
      %dma_wait3A_70 = arith.constant 0 : i32
      %dma_wait3A_71 = tpu.memref_slice %arg6[%arg0, %mul3A_64, %dma_wait3A_70] : memref<2x10240x128xf32, #tpu.memory_space<hbm>> -> memref<1x640x128xf32, #tpu.memory_space<hbm>>
      %dma_wait3A_72 = tpu.memref_squeeze %dma_wait3A_71 : memref<1x640x128xf32, #tpu.memory_space<hbm>> -> memref<640x128xf32, #tpu.memory_space<hbm>>
      %dma_wait3A_73 = arith.constant 0 : i32
      %dma_wait3A_74 = tpu.memref_slice %arg10[%mul3A_62, %dma_wait3A_73] : memref<10240x128xf32, #tpu.memory_space<vmem_shared>> -> memref<640x128xf32, #tpu.memory_space<vmem_shared>>
      tpu.wait_dma2 semaphore(%run_scoped3A : memref<!tpu.dma_semaphore, #tpu.memory_space<semaphore_mem>>) src(%dma_wait3A_74 : memref<640x128xf32, #tpu.memory_space<vmem_shared>>) dst(%dma_wait3A_72 : memref<640x128xf32, #tpu.memory_space<hbm>>)
      tpu.yield
    }) : () -> ()
    return
  }
}

#map = affine_map<(d0, d1) -> (0, 0)>
#map1 = affine_map<(d0, d1) -> (0, 0, 0)>
module attributes {stable_mosaic.version = 14 : i64} {
  func.func @_seg_sum_body(%arg0: i32, %arg1: i32, %arg2: memref<2560x125xi32, #tpu.memory_space<hbm>>, %arg3: memref<2560x125xi32, #tpu.memory_space<hbm>>, %arg4: memref<10000x128xf32, #tpu.memory_space<hbm>>, %arg5: memref<640x128xf32, #tpu.memory_space<hbm>>, %arg6: memref<2x10240x128xf32, #tpu.memory_space<hbm>>, %arg7: memref<40x125xi32, #tpu.memory_space<vmem>>, %arg8: memref<40x125xi32, #tpu.memory_space<vmem>>, %arg9: memref<2x125x128xf32, #tpu.memory_space<vmem>>, %arg10: memref<10240x128xf32, #tpu.memory_space<vmem_shared>>, %arg11: memref<!tpu.dma_semaphore, #tpu.memory_space<semaphore_mem>>, %arg12: memref<!tpu.dma_semaphore, #tpu.memory_space<semaphore_mem>>) attributes {dimension_semantics = [#tpu.dimension_semantics<core_parallel>, #tpu.dimension_semantics<subcore_parallel>], iteration_bounds = array<i64: 2, 16>, scalar_prefetch = 0 : i64, scratch_operands = 6 : i64, tpu.core_type = #tpu.core_type<sc_vector_subcore>, window_params = [{transform_indices = #map}, {transform_indices = #map}, {transform_indices = #map}, {transform_indices = #map}, {transform_indices = #map1}]} {
    %mul3A = arith.constant 16 : i32
    %mul3A_0 = arith.muli %arg0, %mul3A : i32
    %add3A = arith.addi %mul3A_0, %arg1 : i32
    %mul3A_1 = arith.constant 80 : i32
    %mul3A_2 = arith.muli %add3A, %mul3A_1 : i32
    %mul3A_3 = arith.constant 640 : i32
    %mul3A_4 = arith.muli %arg1, %mul3A_3 : i32
    %dma_start3A = arith.constant 0 : i32
    %dma_start3A_5 = tpu.memref_slice %arg10[%mul3A_4, %dma_start3A] : memref<10240x128xf32, #tpu.memory_space<vmem_shared>> -> memref<640x128xf32, #tpu.memory_space<vmem_shared>>
    tpu.enqueue_dma source(%arg5 : memref<640x128xf32, #tpu.memory_space<hbm>>) target(%dma_start3A_5 : memref<640x128xf32, #tpu.memory_space<vmem_shared>>) target_semaphore(%arg11 : memref<!tpu.dma_semaphore, #tpu.memory_space<semaphore_mem>>)
    %dma_start3A_6 = arith.constant 0 : i32
    %dma_start3A_7 = tpu.memref_slice %arg2[%mul3A_2, %dma_start3A_6] : memref<2560x125xi32, #tpu.memory_space<hbm>> -> memref<40x125xi32, #tpu.memory_space<hbm>>
    %dma_start3A_8 = arith.constant 0 : i32
    %dma_start3A_9 = tpu.memref_slice %arg2[%mul3A_2, %dma_start3A_8] : memref<2560x125xi32, #tpu.memory_space<hbm>> -> memref<40x125xi32, #tpu.memory_space<hbm>>
    tpu.enqueue_dma source(%dma_start3A_9 : memref<40x125xi32, #tpu.memory_space<hbm>>) target(%arg7 : memref<40x125xi32, #tpu.memory_space<vmem>>) target_semaphore(%arg12 : memref<!tpu.dma_semaphore, #tpu.memory_space<semaphore_mem>>)
    %dma_start3A_10 = arith.constant 0 : i32
    %dma_start3A_11 = tpu.memref_slice %arg3[%mul3A_2, %dma_start3A_10] : memref<2560x125xi32, #tpu.memory_space<hbm>> -> memref<40x125xi32, #tpu.memory_space<hbm>>
    %dma_start3A_12 = arith.constant 0 : i32
    %dma_start3A_13 = tpu.memref_slice %arg3[%mul3A_2, %dma_start3A_12] : memref<2560x125xi32, #tpu.memory_space<hbm>> -> memref<40x125xi32, #tpu.memory_space<hbm>>
    tpu.enqueue_dma source(%dma_start3A_13 : memref<40x125xi32, #tpu.memory_space<hbm>>) target(%arg8 : memref<40x125xi32, #tpu.memory_space<vmem>>) target_semaphore(%arg12 : memref<!tpu.dma_semaphore, #tpu.memory_space<semaphore_mem>>)
    %dma_wait3A = arith.constant 0 : i32
    %dma_wait3A_14 = tpu.memref_slice %arg10[%mul3A_4, %dma_wait3A] : memref<10240x128xf32, #tpu.memory_space<vmem_shared>> -> memref<640x128xf32, #tpu.memory_space<vmem_shared>>
    tpu.wait_dma2 semaphore(%arg11 : memref<!tpu.dma_semaphore, #tpu.memory_space<semaphore_mem>>) src(%arg5 : memref<640x128xf32, #tpu.memory_space<hbm>>) dst(%dma_wait3A_14 : memref<640x128xf32, #tpu.memory_space<vmem_shared>>)
    %dma_wait3A_15 = arith.constant 0 : i32
    %dma_wait3A_16 = tpu.memref_slice %arg2[%mul3A_2, %dma_wait3A_15] : memref<2560x125xi32, #tpu.memory_space<hbm>> -> memref<40x125xi32, #tpu.memory_space<hbm>>
    %dma_wait3A_17 = arith.constant 0 : i32
    %dma_wait3A_18 = tpu.memref_slice %arg2[%mul3A_2, %dma_wait3A_17] : memref<2560x125xi32, #tpu.memory_space<hbm>> -> memref<40x125xi32, #tpu.memory_space<hbm>>
    tpu.wait_dma2 semaphore(%arg12 : memref<!tpu.dma_semaphore, #tpu.memory_space<semaphore_mem>>) src(%dma_wait3A_18 : memref<40x125xi32, #tpu.memory_space<hbm>>) dst(%arg7 : memref<40x125xi32, #tpu.memory_space<vmem>>)
    %dma_wait3A_19 = arith.constant 0 : i32
    %dma_wait3A_20 = tpu.memref_slice %arg3[%mul3A_2, %dma_wait3A_19] : memref<2560x125xi32, #tpu.memory_space<hbm>> -> memref<40x125xi32, #tpu.memory_space<hbm>>
    %dma_wait3A_21 = arith.constant 0 : i32
    %dma_wait3A_22 = tpu.memref_slice %arg3[%mul3A_2, %dma_wait3A_21] : memref<2560x125xi32, #tpu.memory_space<hbm>> -> memref<40x125xi32, #tpu.memory_space<hbm>>
    tpu.wait_dma2 semaphore(%arg12 : memref<!tpu.dma_semaphore, #tpu.memory_space<semaphore_mem>>) src(%dma_wait3A_22 : memref<40x125xi32, #tpu.memory_space<hbm>>) dst(%arg8 : memref<40x125xi32, #tpu.memory_space<vmem>>)
    %barrier3A = arith.constant 0 : index
    tpu.barrier barrier_id(%barrier3A)
    %dma_start3A_23 = arith.constant 0 : i32
    %dma_start3A_24 = arith.constant 0 : i32
    %dma_start3A_25 = arith.constant 0 : i32
    %dma_start3A_26 = arith.constant 0 : i32
    %dma_start3A_27 = tpu.memref_slice %arg9[%dma_start3A_24, %dma_start3A_25, %dma_start3A_26] : memref<2x125x128xf32, #tpu.memory_space<vmem>> -> memref<1x125x128xf32, #tpu.memory_space<vmem>>
    %dma_start3A_28 = tpu.memref_squeeze %dma_start3A_27 : memref<1x125x128xf32, #tpu.memory_space<vmem>> -> memref<125x128xf32, #tpu.memory_space<vmem>>
    %dma_start3A_29 = arith.constant 0 : i32
    %dma_start3A_30 = tpu.memref_slice %arg7[%dma_start3A_23, %dma_start3A_29] : memref<40x125xi32, #tpu.memory_space<vmem>> -> memref<1x125xi32, #tpu.memory_space<vmem>>
    %dma_start3A_31 = tpu.memref_squeeze %dma_start3A_30 : memref<1x125xi32, #tpu.memory_space<vmem>> -> memref<125xi32, #tpu.memory_space<vmem>>
    %dma_start3A_32 = arith.constant 0 : i32
    %dma_start3A_33 = arith.constant 0 : i32
    %dma_start3A_34 = tpu.memref_slice %arg4[%dma_start3A_32, %dma_start3A_33] : memref<10000x128xf32, #tpu.memory_space<hbm>> -> memref<10000x128xf32, #tpu.memory_space<hbm>>
    tpu.enqueue_indirect_dma source(%dma_start3A_34 : memref<10000x128xf32, #tpu.memory_space<hbm>>) target(%dma_start3A_28 : memref<125x128xf32, #tpu.memory_space<vmem>>) offsets(%dma_start3A_31 : memref<125xi32, #tpu.memory_space<vmem>>) semaphore(%arg11 : memref<!tpu.dma_semaphore, #tpu.memory_space<semaphore_mem>>)
    %scan3A = arith.constant 0 : i32
    %scan3A_35 = arith.constant 20 : i32
    %scan3A_36 = arith.addi %scan3A, %scan3A_35 : i32
    %scan3A_37 = arith.constant 1 : i32
    scf.for %scan3A_65 = %scan3A to %scan3A_36 step %scan3A_37  : i32 {
      %mul3A_66 = arith.constant 2 : i32
      %mul3A_67 = arith.muli %mul3A_66, %scan3A_65 : i32
      %add3A_68 = arith.constant 1 : i32
      %add3A_69 = arith.addi %mul3A_67, %add3A_68 : i32
      %dma_start3A_70 = arith.constant 1 : i32
      %dma_start3A_71 = arith.constant 0 : i32
      %dma_start3A_72 = arith.constant 0 : i32
      %dma_start3A_73 = tpu.memref_slice %arg9[%dma_start3A_70, %dma_start3A_71, %dma_start3A_72] : memref<2x125x128xf32, #tpu.memory_space<vmem>> -> memref<1x125x128xf32, #tpu.memory_space<vmem>>
      %dma_start3A_74 = tpu.memref_squeeze %dma_start3A_73 : memref<1x125x128xf32, #tpu.memory_space<vmem>> -> memref<125x128xf32, #tpu.memory_space<vmem>>
      %dma_start3A_75 = arith.constant 0 : i32
      %dma_start3A_76 = tpu.memref_slice %arg7[%add3A_69, %dma_start3A_75] : memref<40x125xi32, #tpu.memory_space<vmem>> -> memref<1x125xi32, #tpu.memory_space<vmem>>
      %dma_start3A_77 = tpu.memref_squeeze %dma_start3A_76 : memref<1x125xi32, #tpu.memory_space<vmem>> -> memref<125xi32, #tpu.memory_space<vmem>>
      %dma_start3A_78 = arith.constant 0 : i32
      %dma_start3A_79 = arith.constant 0 : i32
      %dma_start3A_80 = tpu.memref_slice %arg4[%dma_start3A_78, %dma_start3A_79] : memref<10000x128xf32, #tpu.memory_space<hbm>> -> memref<10000x128xf32, #tpu.memory_space<hbm>>
      tpu.enqueue_indirect_dma source(%dma_start3A_80 : memref<10000x128xf32, #tpu.memory_space<hbm>>) target(%dma_start3A_74 : memref<125x128xf32, #tpu.memory_space<vmem>>) offsets(%dma_start3A_77 : memref<125xi32, #tpu.memory_space<vmem>>) semaphore(%arg12 : memref<!tpu.dma_semaphore, #tpu.memory_space<semaphore_mem>>)
      %dma_wait3A_81 = arith.constant 0 : i32
      %dma_wait3A_82 = arith.constant 0 : i32
      %dma_wait3A_83 = arith.constant 0 : i32
      %dma_wait3A_84 = tpu.memref_slice %arg9[%dma_wait3A_81, %dma_wait3A_82, %dma_wait3A_83] : memref<2x125x128xf32, #tpu.memory_space<vmem>> -> memref<1x125x128xf32, #tpu.memory_space<vmem>>
      %dma_wait3A_85 = tpu.memref_squeeze %dma_wait3A_84 : memref<1x125x128xf32, #tpu.memory_space<vmem>> -> memref<125x128xf32, #tpu.memory_space<vmem>>
      %dma_wait3A_86 = arith.constant 0 : i32
      %dma_wait3A_87 = tpu.memref_slice %arg7[%mul3A_67, %dma_wait3A_86] : memref<40x125xi32, #tpu.memory_space<vmem>> -> memref<1x125xi32, #tpu.memory_space<vmem>>
      %dma_wait3A_88 = tpu.memref_squeeze %dma_wait3A_87 : memref<1x125xi32, #tpu.memory_space<vmem>> -> memref<125xi32, #tpu.memory_space<vmem>>
      %dma_wait3A_89 = arith.constant 0 : i32
      %dma_wait3A_90 = arith.constant 0 : i32
      %dma_wait3A_91 = tpu.memref_slice %arg4[%dma_wait3A_89, %dma_wait3A_90] : memref<10000x128xf32, #tpu.memory_space<hbm>> -> memref<10000x128xf32, #tpu.memory_space<hbm>>
      tpu.wait_indirect_dma semaphore(%arg11 : memref<!tpu.dma_semaphore, #tpu.memory_space<semaphore_mem>>) src(%dma_wait3A_91 : memref<10000x128xf32, #tpu.memory_space<hbm>>) dst(%dma_wait3A_85 : memref<125x128xf32, #tpu.memory_space<vmem>>)
      %run_scoped3A = arith.constant 0 : i32
      "tpu.region"() ({
        %run_scoped3A_108 = tpu.sem_alloc : memref<!tpu.dma_semaphore, #tpu.memory_space<semaphore_mem>>
        %dma_start3A_109 = arith.constant 0 : i32
        %dma_start3A_110 = arith.constant 0 : i32
        %dma_start3A_111 = tpu.memref_slice %arg9[%run_scoped3A, %dma_start3A_109, %dma_start3A_110] : memref<2x125x128xf32, #tpu.memory_space<vmem>> -> memref<1x125x128xf32, #tpu.memory_space<vmem>>
        %dma_start3A_112 = tpu.memref_squeeze %dma_start3A_111 : memref<1x125x128xf32, #tpu.memory_space<vmem>> -> memref<125x128xf32, #tpu.memory_space<vmem>>
        %dma_start3A_113 = arith.constant 0 : i32
        %dma_start3A_114 = tpu.memref_slice %arg8[%mul3A_67, %dma_start3A_113] : memref<40x125xi32, #tpu.memory_space<vmem>> -> memref<1x125xi32, #tpu.memory_space<vmem>>
        %dma_start3A_115 = tpu.memref_squeeze %dma_start3A_114 : memref<1x125xi32, #tpu.memory_space<vmem>> -> memref<125xi32, #tpu.memory_space<vmem>>
        %dma_start3A_116 = arith.constant 0 : i32
        %dma_start3A_117 = arith.constant 0 : i32
        %dma_start3A_118 = tpu.memref_slice %arg10[%dma_start3A_116, %dma_start3A_117] : memref<10240x128xf32, #tpu.memory_space<vmem_shared>> -> memref<10240x128xf32, #tpu.memory_space<vmem_shared>>
        tpu.enqueue_indirect_dma source(%dma_start3A_112 : memref<125x128xf32, #tpu.memory_space<vmem>>) target(%dma_start3A_118 : memref<10240x128xf32, #tpu.memory_space<vmem_shared>>) offsets(%dma_start3A_115 : memref<125xi32, #tpu.memory_space<vmem>>) semaphore(%run_scoped3A_108 : memref<!tpu.dma_semaphore, #tpu.memory_space<semaphore_mem>>) {add = true}
        %dma_wait3A_119 = arith.constant 0 : i32
        %dma_wait3A_120 = arith.constant 0 : i32
        %dma_wait3A_121 = tpu.memref_slice %arg9[%run_scoped3A, %dma_wait3A_119, %dma_wait3A_120] : memref<2x125x128xf32, #tpu.memory_space<vmem>> -> memref<1x125x128xf32, #tpu.memory_space<vmem>>
        %dma_wait3A_122 = tpu.memref_squeeze %dma_wait3A_121 : memref<1x125x128xf32, #tpu.memory_space<vmem>> -> memref<125x128xf32, #tpu.memory_space<vmem>>
        %dma_wait3A_123 = arith.constant 0 : i32
        %dma_wait3A_124 = tpu.memref_slice %arg8[%mul3A_67, %dma_wait3A_123] : memref<40x125xi32, #tpu.memory_space<vmem>> -> memref<1x125xi32, #tpu.memory_space<vmem>>
        %dma_wait3A_125 = tpu.memref_squeeze %dma_wait3A_124 : memref<1x125xi32, #tpu.memory_space<vmem>> -> memref<125xi32, #tpu.memory_space<vmem>>
        %dma_wait3A_126 = arith.constant 0 : i32
        %dma_wait3A_127 = arith.constant 0 : i32
        %dma_wait3A_128 = tpu.memref_slice %arg10[%dma_wait3A_126, %dma_wait3A_127] : memref<10240x128xf32, #tpu.memory_space<vmem_shared>> -> memref<10240x128xf32, #tpu.memory_space<vmem_shared>>
        tpu.wait_indirect_dma semaphore(%run_scoped3A_108 : memref<!tpu.dma_semaphore, #tpu.memory_space<semaphore_mem>>) src(%dma_wait3A_122 : memref<125x128xf32, #tpu.memory_space<vmem>>) dst(%dma_wait3A_128 : memref<10240x128xf32, #tpu.memory_space<vmem_shared>>)
        tpu.yield
      }) : () -> ()
      %add3A_92 = arith.constant 2 : i32
      %add3A_93 = arith.addi %mul3A_67, %add3A_92 : i32
      %lt3A = arith.constant 40 : i32
      %lt3A_94 = arith.cmpi slt, %add3A_93, %lt3A : i32
      %convert_element_type3A = arith.extui %lt3A_94 : i1 to i32
      %cond3A = arith.constant 0 : i32
      %cond3A_95 = arith.cmpi ne, %convert_element_type3A, %cond3A : i32
      scf.if %cond3A_95 {
        %add3A_108 = arith.constant 2 : i32
        %add3A_109 = arith.addi %mul3A_67, %add3A_108 : i32
        %dma_start3A_110 = arith.constant 0 : i32
        %dma_start3A_111 = arith.constant 0 : i32
        %dma_start3A_112 = arith.constant 0 : i32
        %dma_start3A_113 = tpu.memref_slice %arg9[%dma_start3A_110, %dma_start3A_111, %dma_start3A_112] : memref<2x125x128xf32, #tpu.memory_space<vmem>> -> memref<1x125x128xf32, #tpu.memory_space<vmem>>
        %dma_start3A_114 = tpu.memref_squeeze %dma_start3A_113 : memref<1x125x128xf32, #tpu.memory_space<vmem>> -> memref<125x128xf32, #tpu.memory_space<vmem>>
        %dma_start3A_115 = arith.constant 0 : i32
        %dma_start3A_116 = tpu.memref_slice %arg7[%add3A_109, %dma_start3A_115] : memref<40x125xi32, #tpu.memory_space<vmem>> -> memref<1x125xi32, #tpu.memory_space<vmem>>
        %dma_start3A_117 = tpu.memref_squeeze %dma_start3A_116 : memref<1x125xi32, #tpu.memory_space<vmem>> -> memref<125xi32, #tpu.memory_space<vmem>>
        %dma_start3A_118 = arith.constant 0 : i32
        %dma_start3A_119 = arith.constant 0 : i32
        %dma_start3A_120 = tpu.memref_slice %arg4[%dma_start3A_118, %dma_start3A_119] : memref<10000x128xf32, #tpu.memory_space<hbm>> -> memref<10000x128xf32, #tpu.memory_space<hbm>>
        tpu.enqueue_indirect_dma source(%dma_start3A_120 : memref<10000x128xf32, #tpu.memory_space<hbm>>) target(%dma_start3A_114 : memref<125x128xf32, #tpu.memory_space<vmem>>) offsets(%dma_start3A_117 : memref<125xi32, #tpu.memory_space<vmem>>) semaphore(%arg11 : memref<!tpu.dma_semaphore, #tpu.memory_space<semaphore_mem>>)
      } else {
      }
      %dma_wait3A_96 = arith.constant 1 : i32
      %dma_wait3A_97 = arith.constant 0 : i32
      %dma_wait3A_98 = arith.constant 0 : i32
      %dma_wait3A_99 = tpu.memref_slice %arg9[%dma_wait3A_96, %dma_wait3A_97, %dma_wait3A_98] : memref<2x125x128xf32, #tpu.memory_space<vmem>> -> memref<1x125x128xf32, #tpu.memory_space<vmem>>
      %dma_wait3A_100 = tpu.memref_squeeze %dma_wait3A_99 : memref<1x125x128xf32, #tpu.memory_space<vmem>> -> memref<125x128xf32, #tpu.memory_space<vmem>>
      %dma_wait3A_101 = arith.constant 0 : i32
      %dma_wait3A_102 = tpu.memref_slice %arg7[%add3A_69, %dma_wait3A_101] : memref<40x125xi32, #tpu.memory_space<vmem>> -> memref<1x125xi32, #tpu.memory_space<vmem>>
      %dma_wait3A_103 = tpu.memref_squeeze %dma_wait3A_102 : memref<1x125xi32, #tpu.memory_space<vmem>> -> memref<125xi32, #tpu.memory_space<vmem>>
      %dma_wait3A_104 = arith.constant 0 : i32
      %dma_wait3A_105 = arith.constant 0 : i32
      %dma_wait3A_106 = tpu.memref_slice %arg4[%dma_wait3A_104, %dma_wait3A_105] : memref<10000x128xf32, #tpu.memory_space<hbm>> -> memref<10000x128xf32, #tpu.memory_space<hbm>>
      tpu.wait_indirect_dma semaphore(%arg12 : memref<!tpu.dma_semaphore, #tpu.memory_space<semaphore_mem>>) src(%dma_wait3A_106 : memref<10000x128xf32, #tpu.memory_space<hbm>>) dst(%dma_wait3A_100 : memref<125x128xf32, #tpu.memory_space<vmem>>)
      %run_scoped3A_107 = arith.constant 1 : i32
      "tpu.region"() ({
        %run_scoped3A_108 = tpu.sem_alloc : memref<!tpu.dma_semaphore, #tpu.memory_space<semaphore_mem>>
        %dma_start3A_109 = arith.constant 0 : i32
        %dma_start3A_110 = arith.constant 0 : i32
        %dma_start3A_111 = tpu.memref_slice %arg9[%run_scoped3A_107, %dma_start3A_109, %dma_start3A_110] : memref<2x125x128xf32, #tpu.memory_space<vmem>> -> memref<1x125x128xf32, #tpu.memory_space<vmem>>
        %dma_start3A_112 = tpu.memref_squeeze %dma_start3A_111 : memref<1x125x128xf32, #tpu.memory_space<vmem>> -> memref<125x128xf32, #tpu.memory_space<vmem>>
        %dma_start3A_113 = arith.constant 0 : i32
        %dma_start3A_114 = tpu.memref_slice %arg8[%add3A_69, %dma_start3A_113] : memref<40x125xi32, #tpu.memory_space<vmem>> -> memref<1x125xi32, #tpu.memory_space<vmem>>
        %dma_start3A_115 = tpu.memref_squeeze %dma_start3A_114 : memref<1x125xi32, #tpu.memory_space<vmem>> -> memref<125xi32, #tpu.memory_space<vmem>>
        %dma_start3A_116 = arith.constant 0 : i32
        %dma_start3A_117 = arith.constant 0 : i32
        %dma_start3A_118 = tpu.memref_slice %arg10[%dma_start3A_116, %dma_start3A_117] : memref<10240x128xf32, #tpu.memory_space<vmem_shared>> -> memref<10240x128xf32, #tpu.memory_space<vmem_shared>>
        tpu.enqueue_indirect_dma source(%dma_start3A_112 : memref<125x128xf32, #tpu.memory_space<vmem>>) target(%dma_start3A_118 : memref<10240x128xf32, #tpu.memory_space<vmem_shared>>) offsets(%dma_start3A_115 : memref<125xi32, #tpu.memory_space<vmem>>) semaphore(%run_scoped3A_108 : memref<!tpu.dma_semaphore, #tpu.memory_space<semaphore_mem>>) {add = true}
        %dma_wait3A_119 = arith.constant 0 : i32
        %dma_wait3A_120 = arith.constant 0 : i32
        %dma_wait3A_121 = tpu.memref_slice %arg9[%run_scoped3A_107, %dma_wait3A_119, %dma_wait3A_120] : memref<2x125x128xf32, #tpu.memory_space<vmem>> -> memref<1x125x128xf32, #tpu.memory_space<vmem>>
        %dma_wait3A_122 = tpu.memref_squeeze %dma_wait3A_121 : memref<1x125x128xf32, #tpu.memory_space<vmem>> -> memref<125x128xf32, #tpu.memory_space<vmem>>
        %dma_wait3A_123 = arith.constant 0 : i32
        %dma_wait3A_124 = tpu.memref_slice %arg8[%add3A_69, %dma_wait3A_123] : memref<40x125xi32, #tpu.memory_space<vmem>> -> memref<1x125xi32, #tpu.memory_space<vmem>>
        %dma_wait3A_125 = tpu.memref_squeeze %dma_wait3A_124 : memref<1x125xi32, #tpu.memory_space<vmem>> -> memref<125xi32, #tpu.memory_space<vmem>>
        %dma_wait3A_126 = arith.constant 0 : i32
        %dma_wait3A_127 = arith.constant 0 : i32
        %dma_wait3A_128 = tpu.memref_slice %arg10[%dma_wait3A_126, %dma_wait3A_127] : memref<10240x128xf32, #tpu.memory_space<vmem_shared>> -> memref<10240x128xf32, #tpu.memory_space<vmem_shared>>
        tpu.wait_indirect_dma semaphore(%run_scoped3A_108 : memref<!tpu.dma_semaphore, #tpu.memory_space<semaphore_mem>>) src(%dma_wait3A_122 : memref<125x128xf32, #tpu.memory_space<vmem>>) dst(%dma_wait3A_128 : memref<10240x128xf32, #tpu.memory_space<vmem_shared>>)
        tpu.yield
      }) : () -> ()
    }
    %scan3A_38 = arith.constant 20 : i32
    %add3A_39 = arith.constant 40 : i32
    %add3A_40 = arith.addi %mul3A_2, %add3A_39 : i32
    "tpu.region"() ({
      %run_scoped3A = tpu.sem_alloc : memref<!tpu.dma_semaphore, #tpu.memory_space<semaphore_mem>>
      %dma_start3A_65 = arith.constant 0 : i32
      %dma_start3A_66 = tpu.memref_slice %arg2[%add3A_40, %dma_start3A_65] : memref<2560x125xi32, #tpu.memory_space<hbm>> -> memref<40x125xi32, #tpu.memory_space<hbm>>
      %dma_start3A_67 = arith.constant 0 : i32
      %dma_start3A_68 = tpu.memref_slice %arg2[%add3A_40, %dma_start3A_67] : memref<2560x125xi32, #tpu.memory_space<hbm>> -> memref<40x125xi32, #tpu.memory_space<hbm>>
      tpu.enqueue_dma source(%dma_start3A_68 : memref<40x125xi32, #tpu.memory_space<hbm>>) target(%arg7 : memref<40x125xi32, #tpu.memory_space<vmem>>) target_semaphore(%run_scoped3A : memref<!tpu.dma_semaphore, #tpu.memory_space<semaphore_mem>>)
      %dma_wait3A_69 = arith.constant 0 : i32
      %dma_wait3A_70 = tpu.memref_slice %arg2[%add3A_40, %dma_wait3A_69] : memref<2560x125xi32, #tpu.memory_space<hbm>> -> memref<40x125xi32, #tpu.memory_space<hbm>>
      %dma_wait3A_71 = arith.constant 0 : i32
      %dma_wait3A_72 = tpu.memref_slice %arg2[%add3A_40, %dma_wait3A_71] : memref<2560x125xi32, #tpu.memory_space<hbm>> -> memref<40x125xi32, #tpu.memory_space<hbm>>
      tpu.wait_dma2 semaphore(%run_scoped3A : memref<!tpu.dma_semaphore, #tpu.memory_space<semaphore_mem>>) src(%dma_wait3A_72 : memref<40x125xi32, #tpu.memory_space<hbm>>) dst(%arg7 : memref<40x125xi32, #tpu.memory_space<vmem>>)
      tpu.yield
    }) : () -> ()
    %add3A_41 = arith.constant 40 : i32
    %add3A_42 = arith.addi %mul3A_2, %add3A_41 : i32
    "tpu.region"() ({
      %run_scoped3A = tpu.sem_alloc : memref<!tpu.dma_semaphore, #tpu.memory_space<semaphore_mem>>
      %dma_start3A_65 = arith.constant 0 : i32
      %dma_start3A_66 = tpu.memref_slice %arg3[%add3A_42, %dma_start3A_65] : memref<2560x125xi32, #tpu.memory_space<hbm>> -> memref<40x125xi32, #tpu.memory_space<hbm>>
      %dma_start3A_67 = arith.constant 0 : i32
      %dma_start3A_68 = tpu.memref_slice %arg3[%add3A_42, %dma_start3A_67] : memref<2560x125xi32, #tpu.memory_space<hbm>> -> memref<40x125xi32, #tpu.memory_space<hbm>>
      tpu.enqueue_dma source(%dma_start3A_68 : memref<40x125xi32, #tpu.memory_space<hbm>>) target(%arg8 : memref<40x125xi32, #tpu.memory_space<vmem>>) target_semaphore(%run_scoped3A : memref<!tpu.dma_semaphore, #tpu.memory_space<semaphore_mem>>)
      %dma_wait3A_69 = arith.constant 0 : i32
      %dma_wait3A_70 = tpu.memref_slice %arg3[%add3A_42, %dma_wait3A_69] : memref<2560x125xi32, #tpu.memory_space<hbm>> -> memref<40x125xi32, #tpu.memory_space<hbm>>
      %dma_wait3A_71 = arith.constant 0 : i32
      %dma_wait3A_72 = tpu.memref_slice %arg3[%add3A_42, %dma_wait3A_71] : memref<2560x125xi32, #tpu.memory_space<hbm>> -> memref<40x125xi32, #tpu.memory_space<hbm>>
      tpu.wait_dma2 semaphore(%run_scoped3A : memref<!tpu.dma_semaphore, #tpu.memory_space<semaphore_mem>>) src(%dma_wait3A_72 : memref<40x125xi32, #tpu.memory_space<hbm>>) dst(%arg8 : memref<40x125xi32, #tpu.memory_space<vmem>>)
      tpu.yield
    }) : () -> ()
    %dma_start3A_43 = arith.constant 0 : i32
    %dma_start3A_44 = arith.constant 0 : i32
    %dma_start3A_45 = arith.constant 0 : i32
    %dma_start3A_46 = arith.constant 0 : i32
    %dma_start3A_47 = tpu.memref_slice %arg9[%dma_start3A_44, %dma_start3A_45, %dma_start3A_46] : memref<2x125x128xf32, #tpu.memory_space<vmem>> -> memref<1x125x128xf32, #tpu.memory_space<vmem>>
    %dma_start3A_48 = tpu.memref_squeeze %dma_start3A_47 : memref<1x125x128xf32, #tpu.memory_space<vmem>> -> memref<125x128xf32, #tpu.memory_space<vmem>>
    %dma_start3A_49 = arith.constant 0 : i32
    %dma_start3A_50 = tpu.memref_slice %arg7[%dma_start3A_43, %dma_start3A_49] : memref<40x125xi32, #tpu.memory_space<vmem>> -> memref<1x125xi32, #tpu.memory_space<vmem>>
    %dma_start3A_51 = tpu.memref_squeeze %dma_start3A_50 : memref<1x125xi32, #tpu.memory_space<vmem>> -> memref<125xi32, #tpu.memory_space<vmem>>
    %dma_start3A_52 = arith.constant 0 : i32
    %dma_start3A_53 = arith.constant 0 : i32
    %dma_start3A_54 = tpu.memref_slice %arg4[%dma_start3A_52, %dma_start3A_53] : memref<10000x128xf32, #tpu.memory_space<hbm>> -> memref<10000x128xf32, #tpu.memory_space<hbm>>
    tpu.enqueue_indirect_dma source(%dma_start3A_54 : memref<10000x128xf32, #tpu.memory_space<hbm>>) target(%dma_start3A_48 : memref<125x128xf32, #tpu.memory_space<vmem>>) offsets(%dma_start3A_51 : memref<125xi32, #tpu.memory_space<vmem>>) semaphore(%arg11 : memref<!tpu.dma_semaphore, #tpu.memory_space<semaphore_mem>>)
    %scan3A_55 = arith.constant 0 : i32
    %scan3A_56 = arith.constant 20 : i32
    %scan3A_57 = arith.addi %scan3A_55, %scan3A_56 : i32
    %scan3A_58 = arith.constant 1 : i32
    scf.for %scan3A_65 = %scan3A_55 to %scan3A_57 step %scan3A_58  : i32 {
      %mul3A_66 = arith.constant 2 : i32
      %mul3A_67 = arith.muli %mul3A_66, %scan3A_65 : i32
      %add3A_68 = arith.constant 1 : i32
      %add3A_69 = arith.addi %mul3A_67, %add3A_68 : i32
      %dma_start3A_70 = arith.constant 1 : i32
      %dma_start3A_71 = arith.constant 0 : i32
      %dma_start3A_72 = arith.constant 0 : i32
      %dma_start3A_73 = tpu.memref_slice %arg9[%dma_start3A_70, %dma_start3A_71, %dma_start3A_72] : memref<2x125x128xf32, #tpu.memory_space<vmem>> -> memref<1x125x128xf32, #tpu.memory_space<vmem>>
      %dma_start3A_74 = tpu.memref_squeeze %dma_start3A_73 : memref<1x125x128xf32, #tpu.memory_space<vmem>> -> memref<125x128xf32, #tpu.memory_space<vmem>>
      %dma_start3A_75 = arith.constant 0 : i32
      %dma_start3A_76 = tpu.memref_slice %arg7[%add3A_69, %dma_start3A_75] : memref<40x125xi32, #tpu.memory_space<vmem>> -> memref<1x125xi32, #tpu.memory_space<vmem>>
      %dma_start3A_77 = tpu.memref_squeeze %dma_start3A_76 : memref<1x125xi32, #tpu.memory_space<vmem>> -> memref<125xi32, #tpu.memory_space<vmem>>
      %dma_start3A_78 = arith.constant 0 : i32
      %dma_start3A_79 = arith.constant 0 : i32
      %dma_start3A_80 = tpu.memref_slice %arg4[%dma_start3A_78, %dma_start3A_79] : memref<10000x128xf32, #tpu.memory_space<hbm>> -> memref<10000x128xf32, #tpu.memory_space<hbm>>
      tpu.enqueue_indirect_dma source(%dma_start3A_80 : memref<10000x128xf32, #tpu.memory_space<hbm>>) target(%dma_start3A_74 : memref<125x128xf32, #tpu.memory_space<vmem>>) offsets(%dma_start3A_77 : memref<125xi32, #tpu.memory_space<vmem>>) semaphore(%arg12 : memref<!tpu.dma_semaphore, #tpu.memory_space<semaphore_mem>>)
      %dma_wait3A_81 = arith.constant 0 : i32
      %dma_wait3A_82 = arith.constant 0 : i32
      %dma_wait3A_83 = arith.constant 0 : i32
      %dma_wait3A_84 = tpu.memref_slice %arg9[%dma_wait3A_81, %dma_wait3A_82, %dma_wait3A_83] : memref<2x125x128xf32, #tpu.memory_space<vmem>> -> memref<1x125x128xf32, #tpu.memory_space<vmem>>
      %dma_wait3A_85 = tpu.memref_squeeze %dma_wait3A_84 : memref<1x125x128xf32, #tpu.memory_space<vmem>> -> memref<125x128xf32, #tpu.memory_space<vmem>>
      %dma_wait3A_86 = arith.constant 0 : i32
      %dma_wait3A_87 = tpu.memref_slice %arg7[%mul3A_67, %dma_wait3A_86] : memref<40x125xi32, #tpu.memory_space<vmem>> -> memref<1x125xi32, #tpu.memory_space<vmem>>
      %dma_wait3A_88 = tpu.memref_squeeze %dma_wait3A_87 : memref<1x125xi32, #tpu.memory_space<vmem>> -> memref<125xi32, #tpu.memory_space<vmem>>
      %dma_wait3A_89 = arith.constant 0 : i32
      %dma_wait3A_90 = arith.constant 0 : i32
      %dma_wait3A_91 = tpu.memref_slice %arg4[%dma_wait3A_89, %dma_wait3A_90] : memref<10000x128xf32, #tpu.memory_space<hbm>> -> memref<10000x128xf32, #tpu.memory_space<hbm>>
      tpu.wait_indirect_dma semaphore(%arg11 : memref<!tpu.dma_semaphore, #tpu.memory_space<semaphore_mem>>) src(%dma_wait3A_91 : memref<10000x128xf32, #tpu.memory_space<hbm>>) dst(%dma_wait3A_85 : memref<125x128xf32, #tpu.memory_space<vmem>>)
      %run_scoped3A = arith.constant 0 : i32
      "tpu.region"() ({
        %run_scoped3A_108 = tpu.sem_alloc : memref<!tpu.dma_semaphore, #tpu.memory_space<semaphore_mem>>
        %dma_start3A_109 = arith.constant 0 : i32
        %dma_start3A_110 = arith.constant 0 : i32
        %dma_start3A_111 = tpu.memref_slice %arg9[%run_scoped3A, %dma_start3A_109, %dma_start3A_110] : memref<2x125x128xf32, #tpu.memory_space<vmem>> -> memref<1x125x128xf32, #tpu.memory_space<vmem>>
        %dma_start3A_112 = tpu.memref_squeeze %dma_start3A_111 : memref<1x125x128xf32, #tpu.memory_space<vmem>> -> memref<125x128xf32, #tpu.memory_space<vmem>>
        %dma_start3A_113 = arith.constant 0 : i32
        %dma_start3A_114 = tpu.memref_slice %arg8[%mul3A_67, %dma_start3A_113] : memref<40x125xi32, #tpu.memory_space<vmem>> -> memref<1x125xi32, #tpu.memory_space<vmem>>
        %dma_start3A_115 = tpu.memref_squeeze %dma_start3A_114 : memref<1x125xi32, #tpu.memory_space<vmem>> -> memref<125xi32, #tpu.memory_space<vmem>>
        %dma_start3A_116 = arith.constant 0 : i32
        %dma_start3A_117 = arith.constant 0 : i32
        %dma_start3A_118 = tpu.memref_slice %arg10[%dma_start3A_116, %dma_start3A_117] : memref<10240x128xf32, #tpu.memory_space<vmem_shared>> -> memref<10240x128xf32, #tpu.memory_space<vmem_shared>>
        tpu.enqueue_indirect_dma source(%dma_start3A_112 : memref<125x128xf32, #tpu.memory_space<vmem>>) target(%dma_start3A_118 : memref<10240x128xf32, #tpu.memory_space<vmem_shared>>) offsets(%dma_start3A_115 : memref<125xi32, #tpu.memory_space<vmem>>) semaphore(%run_scoped3A_108 : memref<!tpu.dma_semaphore, #tpu.memory_space<semaphore_mem>>) {add = true}
        %dma_wait3A_119 = arith.constant 0 : i32
        %dma_wait3A_120 = arith.constant 0 : i32
        %dma_wait3A_121 = tpu.memref_slice %arg9[%run_scoped3A, %dma_wait3A_119, %dma_wait3A_120] : memref<2x125x128xf32, #tpu.memory_space<vmem>> -> memref<1x125x128xf32, #tpu.memory_space<vmem>>
        %dma_wait3A_122 = tpu.memref_squeeze %dma_wait3A_121 : memref<1x125x128xf32, #tpu.memory_space<vmem>> -> memref<125x128xf32, #tpu.memory_space<vmem>>
        %dma_wait3A_123 = arith.constant 0 : i32
        %dma_wait3A_124 = tpu.memref_slice %arg8[%mul3A_67, %dma_wait3A_123] : memref<40x125xi32, #tpu.memory_space<vmem>> -> memref<1x125xi32, #tpu.memory_space<vmem>>
        %dma_wait3A_125 = tpu.memref_squeeze %dma_wait3A_124 : memref<1x125xi32, #tpu.memory_space<vmem>> -> memref<125xi32, #tpu.memory_space<vmem>>
        %dma_wait3A_126 = arith.constant 0 : i32
        %dma_wait3A_127 = arith.constant 0 : i32
        %dma_wait3A_128 = tpu.memref_slice %arg10[%dma_wait3A_126, %dma_wait3A_127] : memref<10240x128xf32, #tpu.memory_space<vmem_shared>> -> memref<10240x128xf32, #tpu.memory_space<vmem_shared>>
        tpu.wait_indirect_dma semaphore(%run_scoped3A_108 : memref<!tpu.dma_semaphore, #tpu.memory_space<semaphore_mem>>) src(%dma_wait3A_122 : memref<125x128xf32, #tpu.memory_space<vmem>>) dst(%dma_wait3A_128 : memref<10240x128xf32, #tpu.memory_space<vmem_shared>>)
        tpu.yield
      }) : () -> ()
      %add3A_92 = arith.constant 2 : i32
      %add3A_93 = arith.addi %mul3A_67, %add3A_92 : i32
      %lt3A = arith.constant 40 : i32
      %lt3A_94 = arith.cmpi slt, %add3A_93, %lt3A : i32
      %convert_element_type3A = arith.extui %lt3A_94 : i1 to i32
      %cond3A = arith.constant 0 : i32
      %cond3A_95 = arith.cmpi ne, %convert_element_type3A, %cond3A : i32
      scf.if %cond3A_95 {
        %add3A_108 = arith.constant 2 : i32
        %add3A_109 = arith.addi %mul3A_67, %add3A_108 : i32
        %dma_start3A_110 = arith.constant 0 : i32
        %dma_start3A_111 = arith.constant 0 : i32
        %dma_start3A_112 = arith.constant 0 : i32
        %dma_start3A_113 = tpu.memref_slice %arg9[%dma_start3A_110, %dma_start3A_111, %dma_start3A_112] : memref<2x125x128xf32, #tpu.memory_space<vmem>> -> memref<1x125x128xf32, #tpu.memory_space<vmem>>
        %dma_start3A_114 = tpu.memref_squeeze %dma_start3A_113 : memref<1x125x128xf32, #tpu.memory_space<vmem>> -> memref<125x128xf32, #tpu.memory_space<vmem>>
        %dma_start3A_115 = arith.constant 0 : i32
        %dma_start3A_116 = tpu.memref_slice %arg7[%add3A_109, %dma_start3A_115] : memref<40x125xi32, #tpu.memory_space<vmem>> -> memref<1x125xi32, #tpu.memory_space<vmem>>
        %dma_start3A_117 = tpu.memref_squeeze %dma_start3A_116 : memref<1x125xi32, #tpu.memory_space<vmem>> -> memref<125xi32, #tpu.memory_space<vmem>>
        %dma_start3A_118 = arith.constant 0 : i32
        %dma_start3A_119 = arith.constant 0 : i32
        %dma_start3A_120 = tpu.memref_slice %arg4[%dma_start3A_118, %dma_start3A_119] : memref<10000x128xf32, #tpu.memory_space<hbm>> -> memref<10000x128xf32, #tpu.memory_space<hbm>>
        tpu.enqueue_indirect_dma source(%dma_start3A_120 : memref<10000x128xf32, #tpu.memory_space<hbm>>) target(%dma_start3A_114 : memref<125x128xf32, #tpu.memory_space<vmem>>) offsets(%dma_start3A_117 : memref<125xi32, #tpu.memory_space<vmem>>) semaphore(%arg11 : memref<!tpu.dma_semaphore, #tpu.memory_space<semaphore_mem>>)
      } else {
      }
      %dma_wait3A_96 = arith.constant 1 : i32
      %dma_wait3A_97 = arith.constant 0 : i32
      %dma_wait3A_98 = arith.constant 0 : i32
      %dma_wait3A_99 = tpu.memref_slice %arg9[%dma_wait3A_96, %dma_wait3A_97, %dma_wait3A_98] : memref<2x125x128xf32, #tpu.memory_space<vmem>> -> memref<1x125x128xf32, #tpu.memory_space<vmem>>
      %dma_wait3A_100 = tpu.memref_squeeze %dma_wait3A_99 : memref<1x125x128xf32, #tpu.memory_space<vmem>> -> memref<125x128xf32, #tpu.memory_space<vmem>>
      %dma_wait3A_101 = arith.constant 0 : i32
      %dma_wait3A_102 = tpu.memref_slice %arg7[%add3A_69, %dma_wait3A_101] : memref<40x125xi32, #tpu.memory_space<vmem>> -> memref<1x125xi32, #tpu.memory_space<vmem>>
      %dma_wait3A_103 = tpu.memref_squeeze %dma_wait3A_102 : memref<1x125xi32, #tpu.memory_space<vmem>> -> memref<125xi32, #tpu.memory_space<vmem>>
      %dma_wait3A_104 = arith.constant 0 : i32
      %dma_wait3A_105 = arith.constant 0 : i32
      %dma_wait3A_106 = tpu.memref_slice %arg4[%dma_wait3A_104, %dma_wait3A_105] : memref<10000x128xf32, #tpu.memory_space<hbm>> -> memref<10000x128xf32, #tpu.memory_space<hbm>>
      tpu.wait_indirect_dma semaphore(%arg12 : memref<!tpu.dma_semaphore, #tpu.memory_space<semaphore_mem>>) src(%dma_wait3A_106 : memref<10000x128xf32, #tpu.memory_space<hbm>>) dst(%dma_wait3A_100 : memref<125x128xf32, #tpu.memory_space<vmem>>)
      %run_scoped3A_107 = arith.constant 1 : i32
      "tpu.region"() ({
        %run_scoped3A_108 = tpu.sem_alloc : memref<!tpu.dma_semaphore, #tpu.memory_space<semaphore_mem>>
        %dma_start3A_109 = arith.constant 0 : i32
        %dma_start3A_110 = arith.constant 0 : i32
        %dma_start3A_111 = tpu.memref_slice %arg9[%run_scoped3A_107, %dma_start3A_109, %dma_start3A_110] : memref<2x125x128xf32, #tpu.memory_space<vmem>> -> memref<1x125x128xf32, #tpu.memory_space<vmem>>
        %dma_start3A_112 = tpu.memref_squeeze %dma_start3A_111 : memref<1x125x128xf32, #tpu.memory_space<vmem>> -> memref<125x128xf32, #tpu.memory_space<vmem>>
        %dma_start3A_113 = arith.constant 0 : i32
        %dma_start3A_114 = tpu.memref_slice %arg8[%add3A_69, %dma_start3A_113] : memref<40x125xi32, #tpu.memory_space<vmem>> -> memref<1x125xi32, #tpu.memory_space<vmem>>
        %dma_start3A_115 = tpu.memref_squeeze %dma_start3A_114 : memref<1x125xi32, #tpu.memory_space<vmem>> -> memref<125xi32, #tpu.memory_space<vmem>>
        %dma_start3A_116 = arith.constant 0 : i32
        %dma_start3A_117 = arith.constant 0 : i32
        %dma_start3A_118 = tpu.memref_slice %arg10[%dma_start3A_116, %dma_start3A_117] : memref<10240x128xf32, #tpu.memory_space<vmem_shared>> -> memref<10240x128xf32, #tpu.memory_space<vmem_shared>>
        tpu.enqueue_indirect_dma source(%dma_start3A_112 : memref<125x128xf32, #tpu.memory_space<vmem>>) target(%dma_start3A_118 : memref<10240x128xf32, #tpu.memory_space<vmem_shared>>) offsets(%dma_start3A_115 : memref<125xi32, #tpu.memory_space<vmem>>) semaphore(%run_scoped3A_108 : memref<!tpu.dma_semaphore, #tpu.memory_space<semaphore_mem>>) {add = true}
        %dma_wait3A_119 = arith.constant 0 : i32
        %dma_wait3A_120 = arith.constant 0 : i32
        %dma_wait3A_121 = tpu.memref_slice %arg9[%run_scoped3A_107, %dma_wait3A_119, %dma_wait3A_120] : memref<2x125x128xf32, #tpu.memory_space<vmem>> -> memref<1x125x128xf32, #tpu.memory_space<vmem>>
        %dma_wait3A_122 = tpu.memref_squeeze %dma_wait3A_121 : memref<1x125x128xf32, #tpu.memory_space<vmem>> -> memref<125x128xf32, #tpu.memory_space<vmem>>
        %dma_wait3A_123 = arith.constant 0 : i32
        %dma_wait3A_124 = tpu.memref_slice %arg8[%add3A_69, %dma_wait3A_123] : memref<40x125xi32, #tpu.memory_space<vmem>> -> memref<1x125xi32, #tpu.memory_space<vmem>>
        %dma_wait3A_125 = tpu.memref_squeeze %dma_wait3A_124 : memref<1x125xi32, #tpu.memory_space<vmem>> -> memref<125xi32, #tpu.memory_space<vmem>>
        %dma_wait3A_126 = arith.constant 0 : i32
        %dma_wait3A_127 = arith.constant 0 : i32
        %dma_wait3A_128 = tpu.memref_slice %arg10[%dma_wait3A_126, %dma_wait3A_127] : memref<10240x128xf32, #tpu.memory_space<vmem_shared>> -> memref<10240x128xf32, #tpu.memory_space<vmem_shared>>
        tpu.wait_indirect_dma semaphore(%run_scoped3A_108 : memref<!tpu.dma_semaphore, #tpu.memory_space<semaphore_mem>>) src(%dma_wait3A_122 : memref<125x128xf32, #tpu.memory_space<vmem>>) dst(%dma_wait3A_128 : memref<10240x128xf32, #tpu.memory_space<vmem_shared>>)
        tpu.yield
      }) : () -> ()
    }
    %scan3A_59 = arith.constant 20 : i32
    %barrier3A_60 = arith.constant 0 : index
    tpu.barrier barrier_id(%barrier3A_60)
    %mul3A_61 = arith.constant 640 : i32
    %mul3A_62 = arith.muli %arg1, %mul3A_61 : i32
    %mul3A_63 = arith.constant 640 : i32
    %mul3A_64 = arith.muli %arg1, %mul3A_63 : i32
    "tpu.region"() ({
      %run_scoped3A = tpu.sem_alloc : memref<!tpu.dma_semaphore, #tpu.memory_space<semaphore_mem>>
      %dma_start3A_65 = arith.constant 0 : i32
      %dma_start3A_66 = tpu.memref_slice %arg6[%arg0, %mul3A_64, %dma_start3A_65] : memref<2x10240x128xf32, #tpu.memory_space<hbm>> -> memref<1x640x128xf32, #tpu.memory_space<hbm>>
      %dma_start3A_67 = tpu.memref_squeeze %dma_start3A_66 : memref<1x640x128xf32, #tpu.memory_space<hbm>> -> memref<640x128xf32, #tpu.memory_space<hbm>>
      %dma_start3A_68 = arith.constant 0 : i32
      %dma_start3A_69 = tpu.memref_slice %arg10[%mul3A_62, %dma_start3A_68] : memref<10240x128xf32, #tpu.memory_space<vmem_shared>> -> memref<640x128xf32, #tpu.memory_space<vmem_shared>>
      tpu.enqueue_dma source(%dma_start3A_69 : memref<640x128xf32, #tpu.memory_space<vmem_shared>>) target(%dma_start3A_67 : memref<640x128xf32, #tpu.memory_space<hbm>>) target_semaphore(%run_scoped3A : memref<!tpu.dma_semaphore, #tpu.memory_space<semaphore_mem>>)
      %dma_wait3A_70 = arith.constant 0 : i32
      %dma_wait3A_71 = tpu.memref_slice %arg6[%arg0, %mul3A_64, %dma_wait3A_70] : memref<2x10240x128xf32, #tpu.memory_space<hbm>> -> memref<1x640x128xf32, #tpu.memory_space<hbm>>
      %dma_wait3A_72 = tpu.memref_squeeze %dma_wait3A_71 : memref<1x640x128xf32, #tpu.memory_space<hbm>> -> memref<640x128xf32, #tpu.memory_space<hbm>>
      %dma_wait3A_73 = arith.constant 0 : i32
      %dma_wait3A_74 = tpu.memref_slice %arg10[%mul3A_62, %dma_wait3A_73] : memref<10240x128xf32, #tpu.memory_space<vmem_shared>> -> memref<640x128xf32, #tpu.memory_space<vmem_shared>>
      tpu.wait_dma2 semaphore(%run_scoped3A : memref<!tpu.dma_semaphore, #tpu.memory_space<semaphore_mem>>) src(%dma_wait3A_74 : memref<640x128xf32, #tpu.memory_space<vmem_shared>>) dst(%dma_wait3A_72 : memref<640x128xf32, #tpu.memory_space<hbm>>)
      tpu.yield
    }) : () -> ()
    return
  }
}

#map = affine_map<(d0, d1) -> (0, 0)>
#map1 = affine_map<(d0, d1) -> (0, 0, 0)>
module attributes {stable_mosaic.version = 14 : i64} {
  func.func @_seg_sum_body(%arg0: i32, %arg1: i32, %arg2: memref<2560x125xi32, #tpu.memory_space<hbm>>, %arg3: memref<2560x125xi32, #tpu.memory_space<hbm>>, %arg4: memref<10000x128xf32, #tpu.memory_space<hbm>>, %arg5: memref<640x128xf32, #tpu.memory_space<hbm>>, %arg6: memref<2x10240x128xf32, #tpu.memory_space<hbm>>, %arg7: memref<40x125xi32, #tpu.memory_space<vmem>>, %arg8: memref<40x125xi32, #tpu.memory_space<vmem>>, %arg9: memref<2x125x128xf32, #tpu.memory_space<vmem>>, %arg10: memref<10240x128xf32, #tpu.memory_space<vmem_shared>>, %arg11: memref<!tpu.dma_semaphore, #tpu.memory_space<semaphore_mem>>, %arg12: memref<!tpu.dma_semaphore, #tpu.memory_space<semaphore_mem>>) attributes {dimension_semantics = [#tpu.dimension_semantics<core_parallel>, #tpu.dimension_semantics<subcore_parallel>], iteration_bounds = array<i64: 2, 16>, scalar_prefetch = 0 : i64, scratch_operands = 6 : i64, tpu.core_type = #tpu.core_type<sc_vector_subcore>, window_params = [{transform_indices = #map}, {transform_indices = #map}, {transform_indices = #map}, {transform_indices = #map}, {transform_indices = #map1}]} {
    %mul3A = arith.constant 16 : i32
    %mul3A_0 = arith.muli %arg0, %mul3A : i32
    %add3A = arith.addi %mul3A_0, %arg1 : i32
    %mul3A_1 = arith.constant 80 : i32
    %mul3A_2 = arith.muli %add3A, %mul3A_1 : i32
    %mul3A_3 = arith.constant 640 : i32
    %mul3A_4 = arith.muli %arg1, %mul3A_3 : i32
    %dma_start3A = arith.constant 0 : i32
    %dma_start3A_5 = tpu.memref_slice %arg10[%mul3A_4, %dma_start3A] : memref<10240x128xf32, #tpu.memory_space<vmem_shared>> -> memref<640x128xf32, #tpu.memory_space<vmem_shared>>
    tpu.enqueue_dma source(%arg5 : memref<640x128xf32, #tpu.memory_space<hbm>>) target(%dma_start3A_5 : memref<640x128xf32, #tpu.memory_space<vmem_shared>>) target_semaphore(%arg11 : memref<!tpu.dma_semaphore, #tpu.memory_space<semaphore_mem>>)
    %dma_start3A_6 = arith.constant 0 : i32
    %dma_start3A_7 = tpu.memref_slice %arg2[%mul3A_2, %dma_start3A_6] : memref<2560x125xi32, #tpu.memory_space<hbm>> -> memref<40x125xi32, #tpu.memory_space<hbm>>
    %dma_start3A_8 = arith.constant 0 : i32
    %dma_start3A_9 = tpu.memref_slice %arg2[%mul3A_2, %dma_start3A_8] : memref<2560x125xi32, #tpu.memory_space<hbm>> -> memref<40x125xi32, #tpu.memory_space<hbm>>
    tpu.enqueue_dma source(%dma_start3A_9 : memref<40x125xi32, #tpu.memory_space<hbm>>) target(%arg7 : memref<40x125xi32, #tpu.memory_space<vmem>>) target_semaphore(%arg12 : memref<!tpu.dma_semaphore, #tpu.memory_space<semaphore_mem>>)
    %dma_start3A_10 = arith.constant 0 : i32
    %dma_start3A_11 = tpu.memref_slice %arg3[%mul3A_2, %dma_start3A_10] : memref<2560x125xi32, #tpu.memory_space<hbm>> -> memref<40x125xi32, #tpu.memory_space<hbm>>
    %dma_start3A_12 = arith.constant 0 : i32
    %dma_start3A_13 = tpu.memref_slice %arg3[%mul3A_2, %dma_start3A_12] : memref<2560x125xi32, #tpu.memory_space<hbm>> -> memref<40x125xi32, #tpu.memory_space<hbm>>
    tpu.enqueue_dma source(%dma_start3A_13 : memref<40x125xi32, #tpu.memory_space<hbm>>) target(%arg8 : memref<40x125xi32, #tpu.memory_space<vmem>>) target_semaphore(%arg12 : memref<!tpu.dma_semaphore, #tpu.memory_space<semaphore_mem>>)
    %dma_wait3A = arith.constant 0 : i32
    %dma_wait3A_14 = tpu.memref_slice %arg10[%mul3A_4, %dma_wait3A] : memref<10240x128xf32, #tpu.memory_space<vmem_shared>> -> memref<640x128xf32, #tpu.memory_space<vmem_shared>>
    tpu.wait_dma2 semaphore(%arg11 : memref<!tpu.dma_semaphore, #tpu.memory_space<semaphore_mem>>) src(%arg5 : memref<640x128xf32, #tpu.memory_space<hbm>>) dst(%dma_wait3A_14 : memref<640x128xf32, #tpu.memory_space<vmem_shared>>)
    %dma_wait3A_15 = arith.constant 0 : i32
    %dma_wait3A_16 = tpu.memref_slice %arg2[%mul3A_2, %dma_wait3A_15] : memref<2560x125xi32, #tpu.memory_space<hbm>> -> memref<40x125xi32, #tpu.memory_space<hbm>>
    %dma_wait3A_17 = arith.constant 0 : i32
    %dma_wait3A_18 = tpu.memref_slice %arg2[%mul3A_2, %dma_wait3A_17] : memref<2560x125xi32, #tpu.memory_space<hbm>> -> memref<40x125xi32, #tpu.memory_space<hbm>>
    tpu.wait_dma2 semaphore(%arg12 : memref<!tpu.dma_semaphore, #tpu.memory_space<semaphore_mem>>) src(%dma_wait3A_18 : memref<40x125xi32, #tpu.memory_space<hbm>>) dst(%arg7 : memref<40x125xi32, #tpu.memory_space<vmem>>)
    %dma_wait3A_19 = arith.constant 0 : i32
    %dma_wait3A_20 = tpu.memref_slice %arg3[%mul3A_2, %dma_wait3A_19] : memref<2560x125xi32, #tpu.memory_space<hbm>> -> memref<40x125xi32, #tpu.memory_space<hbm>>
    %dma_wait3A_21 = arith.constant 0 : i32
    %dma_wait3A_22 = tpu.memref_slice %arg3[%mul3A_2, %dma_wait3A_21] : memref<2560x125xi32, #tpu.memory_space<hbm>> -> memref<40x125xi32, #tpu.memory_space<hbm>>
    tpu.wait_dma2 semaphore(%arg12 : memref<!tpu.dma_semaphore, #tpu.memory_space<semaphore_mem>>) src(%dma_wait3A_22 : memref<40x125xi32, #tpu.memory_space<hbm>>) dst(%arg8 : memref<40x125xi32, #tpu.memory_space<vmem>>)
    %barrier3A = arith.constant 0 : index
    tpu.barrier barrier_id(%barrier3A)
    %dma_start3A_23 = arith.constant 0 : i32
    %dma_start3A_24 = arith.constant 0 : i32
    %dma_start3A_25 = arith.constant 0 : i32
    %dma_start3A_26 = arith.constant 0 : i32
    %dma_start3A_27 = tpu.memref_slice %arg9[%dma_start3A_24, %dma_start3A_25, %dma_start3A_26] : memref<2x125x128xf32, #tpu.memory_space<vmem>> -> memref<1x125x128xf32, #tpu.memory_space<vmem>>
    %dma_start3A_28 = tpu.memref_squeeze %dma_start3A_27 : memref<1x125x128xf32, #tpu.memory_space<vmem>> -> memref<125x128xf32, #tpu.memory_space<vmem>>
    %dma_start3A_29 = arith.constant 0 : i32
    %dma_start3A_30 = tpu.memref_slice %arg7[%dma_start3A_23, %dma_start3A_29] : memref<40x125xi32, #tpu.memory_space<vmem>> -> memref<1x125xi32, #tpu.memory_space<vmem>>
    %dma_start3A_31 = tpu.memref_squeeze %dma_start3A_30 : memref<1x125xi32, #tpu.memory_space<vmem>> -> memref<125xi32, #tpu.memory_space<vmem>>
    %dma_start3A_32 = arith.constant 0 : i32
    %dma_start3A_33 = arith.constant 0 : i32
    %dma_start3A_34 = tpu.memref_slice %arg4[%dma_start3A_32, %dma_start3A_33] : memref<10000x128xf32, #tpu.memory_space<hbm>> -> memref<10000x128xf32, #tpu.memory_space<hbm>>
    tpu.enqueue_indirect_dma source(%dma_start3A_34 : memref<10000x128xf32, #tpu.memory_space<hbm>>) target(%dma_start3A_28 : memref<125x128xf32, #tpu.memory_space<vmem>>) offsets(%dma_start3A_31 : memref<125xi32, #tpu.memory_space<vmem>>) semaphore(%arg11 : memref<!tpu.dma_semaphore, #tpu.memory_space<semaphore_mem>>)
    %scan3A = arith.constant 0 : i32
    %scan3A_35 = arith.constant 20 : i32
    %scan3A_36 = arith.addi %scan3A, %scan3A_35 : i32
    %scan3A_37 = arith.constant 1 : i32
    scf.for %scan3A_65 = %scan3A to %scan3A_36 step %scan3A_37  : i32 {
      %mul3A_66 = arith.constant 2 : i32
      %mul3A_67 = arith.muli %mul3A_66, %scan3A_65 : i32
      %add3A_68 = arith.constant 1 : i32
      %add3A_69 = arith.addi %mul3A_67, %add3A_68 : i32
      %dma_start3A_70 = arith.constant 1 : i32
      %dma_start3A_71 = arith.constant 0 : i32
      %dma_start3A_72 = arith.constant 0 : i32
      %dma_start3A_73 = tpu.memref_slice %arg9[%dma_start3A_70, %dma_start3A_71, %dma_start3A_72] : memref<2x125x128xf32, #tpu.memory_space<vmem>> -> memref<1x125x128xf32, #tpu.memory_space<vmem>>
      %dma_start3A_74 = tpu.memref_squeeze %dma_start3A_73 : memref<1x125x128xf32, #tpu.memory_space<vmem>> -> memref<125x128xf32, #tpu.memory_space<vmem>>
      %dma_start3A_75 = arith.constant 0 : i32
      %dma_start3A_76 = tpu.memref_slice %arg7[%add3A_69, %dma_start3A_75] : memref<40x125xi32, #tpu.memory_space<vmem>> -> memref<1x125xi32, #tpu.memory_space<vmem>>
      %dma_start3A_77 = tpu.memref_squeeze %dma_start3A_76 : memref<1x125xi32, #tpu.memory_space<vmem>> -> memref<125xi32, #tpu.memory_space<vmem>>
      %dma_start3A_78 = arith.constant 0 : i32
      %dma_start3A_79 = arith.constant 0 : i32
      %dma_start3A_80 = tpu.memref_slice %arg4[%dma_start3A_78, %dma_start3A_79] : memref<10000x128xf32, #tpu.memory_space<hbm>> -> memref<10000x128xf32, #tpu.memory_space<hbm>>
      tpu.enqueue_indirect_dma source(%dma_start3A_80 : memref<10000x128xf32, #tpu.memory_space<hbm>>) target(%dma_start3A_74 : memref<125x128xf32, #tpu.memory_space<vmem>>) offsets(%dma_start3A_77 : memref<125xi32, #tpu.memory_space<vmem>>) semaphore(%arg12 : memref<!tpu.dma_semaphore, #tpu.memory_space<semaphore_mem>>)
      %dma_wait3A_81 = arith.constant 0 : i32
      %dma_wait3A_82 = arith.constant 0 : i32
      %dma_wait3A_83 = arith.constant 0 : i32
      %dma_wait3A_84 = tpu.memref_slice %arg9[%dma_wait3A_81, %dma_wait3A_82, %dma_wait3A_83] : memref<2x125x128xf32, #tpu.memory_space<vmem>> -> memref<1x125x128xf32, #tpu.memory_space<vmem>>
      %dma_wait3A_85 = tpu.memref_squeeze %dma_wait3A_84 : memref<1x125x128xf32, #tpu.memory_space<vmem>> -> memref<125x128xf32, #tpu.memory_space<vmem>>
      %dma_wait3A_86 = arith.constant 0 : i32
      %dma_wait3A_87 = tpu.memref_slice %arg7[%mul3A_67, %dma_wait3A_86] : memref<40x125xi32, #tpu.memory_space<vmem>> -> memref<1x125xi32, #tpu.memory_space<vmem>>
      %dma_wait3A_88 = tpu.memref_squeeze %dma_wait3A_87 : memref<1x125xi32, #tpu.memory_space<vmem>> -> memref<125xi32, #tpu.memory_space<vmem>>
      %dma_wait3A_89 = arith.constant 0 : i32
      %dma_wait3A_90 = arith.constant 0 : i32
      %dma_wait3A_91 = tpu.memref_slice %arg4[%dma_wait3A_89, %dma_wait3A_90] : memref<10000x128xf32, #tpu.memory_space<hbm>> -> memref<10000x128xf32, #tpu.memory_space<hbm>>
      tpu.wait_indirect_dma semaphore(%arg11 : memref<!tpu.dma_semaphore, #tpu.memory_space<semaphore_mem>>) src(%dma_wait3A_91 : memref<10000x128xf32, #tpu.memory_space<hbm>>) dst(%dma_wait3A_85 : memref<125x128xf32, #tpu.memory_space<vmem>>)
      %run_scoped3A = arith.constant 0 : i32
      "tpu.region"() ({
        %run_scoped3A_108 = tpu.sem_alloc : memref<!tpu.dma_semaphore, #tpu.memory_space<semaphore_mem>>
        %dma_start3A_109 = arith.constant 0 : i32
        %dma_start3A_110 = arith.constant 0 : i32
        %dma_start3A_111 = tpu.memref_slice %arg9[%run_scoped3A, %dma_start3A_109, %dma_start3A_110] : memref<2x125x128xf32, #tpu.memory_space<vmem>> -> memref<1x125x128xf32, #tpu.memory_space<vmem>>
        %dma_start3A_112 = tpu.memref_squeeze %dma_start3A_111 : memref<1x125x128xf32, #tpu.memory_space<vmem>> -> memref<125x128xf32, #tpu.memory_space<vmem>>
        %dma_start3A_113 = arith.constant 0 : i32
        %dma_start3A_114 = tpu.memref_slice %arg8[%mul3A_67, %dma_start3A_113] : memref<40x125xi32, #tpu.memory_space<vmem>> -> memref<1x125xi32, #tpu.memory_space<vmem>>
        %dma_start3A_115 = tpu.memref_squeeze %dma_start3A_114 : memref<1x125xi32, #tpu.memory_space<vmem>> -> memref<125xi32, #tpu.memory_space<vmem>>
        %dma_start3A_116 = arith.constant 0 : i32
        %dma_start3A_117 = arith.constant 0 : i32
        %dma_start3A_118 = tpu.memref_slice %arg10[%dma_start3A_116, %dma_start3A_117] : memref<10240x128xf32, #tpu.memory_space<vmem_shared>> -> memref<10240x128xf32, #tpu.memory_space<vmem_shared>>
        tpu.enqueue_indirect_dma source(%dma_start3A_112 : memref<125x128xf32, #tpu.memory_space<vmem>>) target(%dma_start3A_118 : memref<10240x128xf32, #tpu.memory_space<vmem_shared>>) offsets(%dma_start3A_115 : memref<125xi32, #tpu.memory_space<vmem>>) semaphore(%run_scoped3A_108 : memref<!tpu.dma_semaphore, #tpu.memory_space<semaphore_mem>>) {add = true}
        %dma_wait3A_119 = arith.constant 0 : i32
        %dma_wait3A_120 = arith.constant 0 : i32
        %dma_wait3A_121 = tpu.memref_slice %arg9[%run_scoped3A, %dma_wait3A_119, %dma_wait3A_120] : memref<2x125x128xf32, #tpu.memory_space<vmem>> -> memref<1x125x128xf32, #tpu.memory_space<vmem>>
        %dma_wait3A_122 = tpu.memref_squeeze %dma_wait3A_121 : memref<1x125x128xf32, #tpu.memory_space<vmem>> -> memref<125x128xf32, #tpu.memory_space<vmem>>
        %dma_wait3A_123 = arith.constant 0 : i32
        %dma_wait3A_124 = tpu.memref_slice %arg8[%mul3A_67, %dma_wait3A_123] : memref<40x125xi32, #tpu.memory_space<vmem>> -> memref<1x125xi32, #tpu.memory_space<vmem>>
        %dma_wait3A_125 = tpu.memref_squeeze %dma_wait3A_124 : memref<1x125xi32, #tpu.memory_space<vmem>> -> memref<125xi32, #tpu.memory_space<vmem>>
        %dma_wait3A_126 = arith.constant 0 : i32
        %dma_wait3A_127 = arith.constant 0 : i32
        %dma_wait3A_128 = tpu.memref_slice %arg10[%dma_wait3A_126, %dma_wait3A_127] : memref<10240x128xf32, #tpu.memory_space<vmem_shared>> -> memref<10240x128xf32, #tpu.memory_space<vmem_shared>>
        tpu.wait_indirect_dma semaphore(%run_scoped3A_108 : memref<!tpu.dma_semaphore, #tpu.memory_space<semaphore_mem>>) src(%dma_wait3A_122 : memref<125x128xf32, #tpu.memory_space<vmem>>) dst(%dma_wait3A_128 : memref<10240x128xf32, #tpu.memory_space<vmem_shared>>)
        tpu.yield
      }) : () -> ()
      %add3A_92 = arith.constant 2 : i32
      %add3A_93 = arith.addi %mul3A_67, %add3A_92 : i32
      %lt3A = arith.constant 40 : i32
      %lt3A_94 = arith.cmpi slt, %add3A_93, %lt3A : i32
      %convert_element_type3A = arith.extui %lt3A_94 : i1 to i32
      %cond3A = arith.constant 0 : i32
      %cond3A_95 = arith.cmpi ne, %convert_element_type3A, %cond3A : i32
      scf.if %cond3A_95 {
        %add3A_108 = arith.constant 2 : i32
        %add3A_109 = arith.addi %mul3A_67, %add3A_108 : i32
        %dma_start3A_110 = arith.constant 0 : i32
        %dma_start3A_111 = arith.constant 0 : i32
        %dma_start3A_112 = arith.constant 0 : i32
        %dma_start3A_113 = tpu.memref_slice %arg9[%dma_start3A_110, %dma_start3A_111, %dma_start3A_112] : memref<2x125x128xf32, #tpu.memory_space<vmem>> -> memref<1x125x128xf32, #tpu.memory_space<vmem>>
        %dma_start3A_114 = tpu.memref_squeeze %dma_start3A_113 : memref<1x125x128xf32, #tpu.memory_space<vmem>> -> memref<125x128xf32, #tpu.memory_space<vmem>>
        %dma_start3A_115 = arith.constant 0 : i32
        %dma_start3A_116 = tpu.memref_slice %arg7[%add3A_109, %dma_start3A_115] : memref<40x125xi32, #tpu.memory_space<vmem>> -> memref<1x125xi32, #tpu.memory_space<vmem>>
        %dma_start3A_117 = tpu.memref_squeeze %dma_start3A_116 : memref<1x125xi32, #tpu.memory_space<vmem>> -> memref<125xi32, #tpu.memory_space<vmem>>
        %dma_start3A_118 = arith.constant 0 : i32
        %dma_start3A_119 = arith.constant 0 : i32
        %dma_start3A_120 = tpu.memref_slice %arg4[%dma_start3A_118, %dma_start3A_119] : memref<10000x128xf32, #tpu.memory_space<hbm>> -> memref<10000x128xf32, #tpu.memory_space<hbm>>
        tpu.enqueue_indirect_dma source(%dma_start3A_120 : memref<10000x128xf32, #tpu.memory_space<hbm>>) target(%dma_start3A_114 : memref<125x128xf32, #tpu.memory_space<vmem>>) offsets(%dma_start3A_117 : memref<125xi32, #tpu.memory_space<vmem>>) semaphore(%arg11 : memref<!tpu.dma_semaphore, #tpu.memory_space<semaphore_mem>>)
      } else {
      }
      %dma_wait3A_96 = arith.constant 1 : i32
      %dma_wait3A_97 = arith.constant 0 : i32
      %dma_wait3A_98 = arith.constant 0 : i32
      %dma_wait3A_99 = tpu.memref_slice %arg9[%dma_wait3A_96, %dma_wait3A_97, %dma_wait3A_98] : memref<2x125x128xf32, #tpu.memory_space<vmem>> -> memref<1x125x128xf32, #tpu.memory_space<vmem>>
      %dma_wait3A_100 = tpu.memref_squeeze %dma_wait3A_99 : memref<1x125x128xf32, #tpu.memory_space<vmem>> -> memref<125x128xf32, #tpu.memory_space<vmem>>
      %dma_wait3A_101 = arith.constant 0 : i32
      %dma_wait3A_102 = tpu.memref_slice %arg7[%add3A_69, %dma_wait3A_101] : memref<40x125xi32, #tpu.memory_space<vmem>> -> memref<1x125xi32, #tpu.memory_space<vmem>>
      %dma_wait3A_103 = tpu.memref_squeeze %dma_wait3A_102 : memref<1x125xi32, #tpu.memory_space<vmem>> -> memref<125xi32, #tpu.memory_space<vmem>>
      %dma_wait3A_104 = arith.constant 0 : i32
      %dma_wait3A_105 = arith.constant 0 : i32
      %dma_wait3A_106 = tpu.memref_slice %arg4[%dma_wait3A_104, %dma_wait3A_105] : memref<10000x128xf32, #tpu.memory_space<hbm>> -> memref<10000x128xf32, #tpu.memory_space<hbm>>
      tpu.wait_indirect_dma semaphore(%arg12 : memref<!tpu.dma_semaphore, #tpu.memory_space<semaphore_mem>>) src(%dma_wait3A_106 : memref<10000x128xf32, #tpu.memory_space<hbm>>) dst(%dma_wait3A_100 : memref<125x128xf32, #tpu.memory_space<vmem>>)
      %run_scoped3A_107 = arith.constant 1 : i32
      "tpu.region"() ({
        %run_scoped3A_108 = tpu.sem_alloc : memref<!tpu.dma_semaphore, #tpu.memory_space<semaphore_mem>>
        %dma_start3A_109 = arith.constant 0 : i32
        %dma_start3A_110 = arith.constant 0 : i32
        %dma_start3A_111 = tpu.memref_slice %arg9[%run_scoped3A_107, %dma_start3A_109, %dma_start3A_110] : memref<2x125x128xf32, #tpu.memory_space<vmem>> -> memref<1x125x128xf32, #tpu.memory_space<vmem>>
        %dma_start3A_112 = tpu.memref_squeeze %dma_start3A_111 : memref<1x125x128xf32, #tpu.memory_space<vmem>> -> memref<125x128xf32, #tpu.memory_space<vmem>>
        %dma_start3A_113 = arith.constant 0 : i32
        %dma_start3A_114 = tpu.memref_slice %arg8[%add3A_69, %dma_start3A_113] : memref<40x125xi32, #tpu.memory_space<vmem>> -> memref<1x125xi32, #tpu.memory_space<vmem>>
        %dma_start3A_115 = tpu.memref_squeeze %dma_start3A_114 : memref<1x125xi32, #tpu.memory_space<vmem>> -> memref<125xi32, #tpu.memory_space<vmem>>
        %dma_start3A_116 = arith.constant 0 : i32
        %dma_start3A_117 = arith.constant 0 : i32
        %dma_start3A_118 = tpu.memref_slice %arg10[%dma_start3A_116, %dma_start3A_117] : memref<10240x128xf32, #tpu.memory_space<vmem_shared>> -> memref<10240x128xf32, #tpu.memory_space<vmem_shared>>
        tpu.enqueue_indirect_dma source(%dma_start3A_112 : memref<125x128xf32, #tpu.memory_space<vmem>>) target(%dma_start3A_118 : memref<10240x128xf32, #tpu.memory_space<vmem_shared>>) offsets(%dma_start3A_115 : memref<125xi32, #tpu.memory_space<vmem>>) semaphore(%run_scoped3A_108 : memref<!tpu.dma_semaphore, #tpu.memory_space<semaphore_mem>>) {add = true}
        %dma_wait3A_119 = arith.constant 0 : i32
        %dma_wait3A_120 = arith.constant 0 : i32
        %dma_wait3A_121 = tpu.memref_slice %arg9[%run_scoped3A_107, %dma_wait3A_119, %dma_wait3A_120] : memref<2x125x128xf32, #tpu.memory_space<vmem>> -> memref<1x125x128xf32, #tpu.memory_space<vmem>>
        %dma_wait3A_122 = tpu.memref_squeeze %dma_wait3A_121 : memref<1x125x128xf32, #tpu.memory_space<vmem>> -> memref<125x128xf32, #tpu.memory_space<vmem>>
        %dma_wait3A_123 = arith.constant 0 : i32
        %dma_wait3A_124 = tpu.memref_slice %arg8[%add3A_69, %dma_wait3A_123] : memref<40x125xi32, #tpu.memory_space<vmem>> -> memref<1x125xi32, #tpu.memory_space<vmem>>
        %dma_wait3A_125 = tpu.memref_squeeze %dma_wait3A_124 : memref<1x125xi32, #tpu.memory_space<vmem>> -> memref<125xi32, #tpu.memory_space<vmem>>
        %dma_wait3A_126 = arith.constant 0 : i32
        %dma_wait3A_127 = arith.constant 0 : i32
        %dma_wait3A_128 = tpu.memref_slice %arg10[%dma_wait3A_126, %dma_wait3A_127] : memref<10240x128xf32, #tpu.memory_space<vmem_shared>> -> memref<10240x128xf32, #tpu.memory_space<vmem_shared>>
        tpu.wait_indirect_dma semaphore(%run_scoped3A_108 : memref<!tpu.dma_semaphore, #tpu.memory_space<semaphore_mem>>) src(%dma_wait3A_122 : memref<125x128xf32, #tpu.memory_space<vmem>>) dst(%dma_wait3A_128 : memref<10240x128xf32, #tpu.memory_space<vmem_shared>>)
        tpu.yield
      }) : () -> ()
    }
    %scan3A_38 = arith.constant 20 : i32
    %add3A_39 = arith.constant 40 : i32
    %add3A_40 = arith.addi %mul3A_2, %add3A_39 : i32
    "tpu.region"() ({
      %run_scoped3A = tpu.sem_alloc : memref<!tpu.dma_semaphore, #tpu.memory_space<semaphore_mem>>
      %dma_start3A_65 = arith.constant 0 : i32
      %dma_start3A_66 = tpu.memref_slice %arg2[%add3A_40, %dma_start3A_65] : memref<2560x125xi32, #tpu.memory_space<hbm>> -> memref<40x125xi32, #tpu.memory_space<hbm>>
      %dma_start3A_67 = arith.constant 0 : i32
      %dma_start3A_68 = tpu.memref_slice %arg2[%add3A_40, %dma_start3A_67] : memref<2560x125xi32, #tpu.memory_space<hbm>> -> memref<40x125xi32, #tpu.memory_space<hbm>>
      tpu.enqueue_dma source(%dma_start3A_68 : memref<40x125xi32, #tpu.memory_space<hbm>>) target(%arg7 : memref<40x125xi32, #tpu.memory_space<vmem>>) target_semaphore(%run_scoped3A : memref<!tpu.dma_semaphore, #tpu.memory_space<semaphore_mem>>)
      %dma_wait3A_69 = arith.constant 0 : i32
      %dma_wait3A_70 = tpu.memref_slice %arg2[%add3A_40, %dma_wait3A_69] : memref<2560x125xi32, #tpu.memory_space<hbm>> -> memref<40x125xi32, #tpu.memory_space<hbm>>
      %dma_wait3A_71 = arith.constant 0 : i32
      %dma_wait3A_72 = tpu.memref_slice %arg2[%add3A_40, %dma_wait3A_71] : memref<2560x125xi32, #tpu.memory_space<hbm>> -> memref<40x125xi32, #tpu.memory_space<hbm>>
      tpu.wait_dma2 semaphore(%run_scoped3A : memref<!tpu.dma_semaphore, #tpu.memory_space<semaphore_mem>>) src(%dma_wait3A_72 : memref<40x125xi32, #tpu.memory_space<hbm>>) dst(%arg7 : memref<40x125xi32, #tpu.memory_space<vmem>>)
      tpu.yield
    }) : () -> ()
    %add3A_41 = arith.constant 40 : i32
    %add3A_42 = arith.addi %mul3A_2, %add3A_41 : i32
    "tpu.region"() ({
      %run_scoped3A = tpu.sem_alloc : memref<!tpu.dma_semaphore, #tpu.memory_space<semaphore_mem>>
      %dma_start3A_65 = arith.constant 0 : i32
      %dma_start3A_66 = tpu.memref_slice %arg3[%add3A_42, %dma_start3A_65] : memref<2560x125xi32, #tpu.memory_space<hbm>> -> memref<40x125xi32, #tpu.memory_space<hbm>>
      %dma_start3A_67 = arith.constant 0 : i32
      %dma_start3A_68 = tpu.memref_slice %arg3[%add3A_42, %dma_start3A_67] : memref<2560x125xi32, #tpu.memory_space<hbm>> -> memref<40x125xi32, #tpu.memory_space<hbm>>
      tpu.enqueue_dma source(%dma_start3A_68 : memref<40x125xi32, #tpu.memory_space<hbm>>) target(%arg8 : memref<40x125xi32, #tpu.memory_space<vmem>>) target_semaphore(%run_scoped3A : memref<!tpu.dma_semaphore, #tpu.memory_space<semaphore_mem>>)
      %dma_wait3A_69 = arith.constant 0 : i32
      %dma_wait3A_70 = tpu.memref_slice %arg3[%add3A_42, %dma_wait3A_69] : memref<2560x125xi32, #tpu.memory_space<hbm>> -> memref<40x125xi32, #tpu.memory_space<hbm>>
      %dma_wait3A_71 = arith.constant 0 : i32
      %dma_wait3A_72 = tpu.memref_slice %arg3[%add3A_42, %dma_wait3A_71] : memref<2560x125xi32, #tpu.memory_space<hbm>> -> memref<40x125xi32, #tpu.memory_space<hbm>>
      tpu.wait_dma2 semaphore(%run_scoped3A : memref<!tpu.dma_semaphore, #tpu.memory_space<semaphore_mem>>) src(%dma_wait3A_72 : memref<40x125xi32, #tpu.memory_space<hbm>>) dst(%arg8 : memref<40x125xi32, #tpu.memory_space<vmem>>)
      tpu.yield
    }) : () -> ()
    %dma_start3A_43 = arith.constant 0 : i32
    %dma_start3A_44 = arith.constant 0 : i32
    %dma_start3A_45 = arith.constant 0 : i32
    %dma_start3A_46 = arith.constant 0 : i32
    %dma_start3A_47 = tpu.memref_slice %arg9[%dma_start3A_44, %dma_start3A_45, %dma_start3A_46] : memref<2x125x128xf32, #tpu.memory_space<vmem>> -> memref<1x125x128xf32, #tpu.memory_space<vmem>>
    %dma_start3A_48 = tpu.memref_squeeze %dma_start3A_47 : memref<1x125x128xf32, #tpu.memory_space<vmem>> -> memref<125x128xf32, #tpu.memory_space<vmem>>
    %dma_start3A_49 = arith.constant 0 : i32
    %dma_start3A_50 = tpu.memref_slice %arg7[%dma_start3A_43, %dma_start3A_49] : memref<40x125xi32, #tpu.memory_space<vmem>> -> memref<1x125xi32, #tpu.memory_space<vmem>>
    %dma_start3A_51 = tpu.memref_squeeze %dma_start3A_50 : memref<1x125xi32, #tpu.memory_space<vmem>> -> memref<125xi32, #tpu.memory_space<vmem>>
    %dma_start3A_52 = arith.constant 0 : i32
    %dma_start3A_53 = arith.constant 0 : i32
    %dma_start3A_54 = tpu.memref_slice %arg4[%dma_start3A_52, %dma_start3A_53] : memref<10000x128xf32, #tpu.memory_space<hbm>> -> memref<10000x128xf32, #tpu.memory_space<hbm>>
    tpu.enqueue_indirect_dma source(%dma_start3A_54 : memref<10000x128xf32, #tpu.memory_space<hbm>>) target(%dma_start3A_48 : memref<125x128xf32, #tpu.memory_space<vmem>>) offsets(%dma_start3A_51 : memref<125xi32, #tpu.memory_space<vmem>>) semaphore(%arg11 : memref<!tpu.dma_semaphore, #tpu.memory_space<semaphore_mem>>)
    %scan3A_55 = arith.constant 0 : i32
    %scan3A_56 = arith.constant 20 : i32
    %scan3A_57 = arith.addi %scan3A_55, %scan3A_56 : i32
    %scan3A_58 = arith.constant 1 : i32
    scf.for %scan3A_65 = %scan3A_55 to %scan3A_57 step %scan3A_58  : i32 {
      %mul3A_66 = arith.constant 2 : i32
      %mul3A_67 = arith.muli %mul3A_66, %scan3A_65 : i32
      %add3A_68 = arith.constant 1 : i32
      %add3A_69 = arith.addi %mul3A_67, %add3A_68 : i32
      %dma_start3A_70 = arith.constant 1 : i32
      %dma_start3A_71 = arith.constant 0 : i32
      %dma_start3A_72 = arith.constant 0 : i32
      %dma_start3A_73 = tpu.memref_slice %arg9[%dma_start3A_70, %dma_start3A_71, %dma_start3A_72] : memref<2x125x128xf32, #tpu.memory_space<vmem>> -> memref<1x125x128xf32, #tpu.memory_space<vmem>>
      %dma_start3A_74 = tpu.memref_squeeze %dma_start3A_73 : memref<1x125x128xf32, #tpu.memory_space<vmem>> -> memref<125x128xf32, #tpu.memory_space<vmem>>
      %dma_start3A_75 = arith.constant 0 : i32
      %dma_start3A_76 = tpu.memref_slice %arg7[%add3A_69, %dma_start3A_75] : memref<40x125xi32, #tpu.memory_space<vmem>> -> memref<1x125xi32, #tpu.memory_space<vmem>>
      %dma_start3A_77 = tpu.memref_squeeze %dma_start3A_76 : memref<1x125xi32, #tpu.memory_space<vmem>> -> memref<125xi32, #tpu.memory_space<vmem>>
      %dma_start3A_78 = arith.constant 0 : i32
      %dma_start3A_79 = arith.constant 0 : i32
      %dma_start3A_80 = tpu.memref_slice %arg4[%dma_start3A_78, %dma_start3A_79] : memref<10000x128xf32, #tpu.memory_space<hbm>> -> memref<10000x128xf32, #tpu.memory_space<hbm>>
      tpu.enqueue_indirect_dma source(%dma_start3A_80 : memref<10000x128xf32, #tpu.memory_space<hbm>>) target(%dma_start3A_74 : memref<125x128xf32, #tpu.memory_space<vmem>>) offsets(%dma_start3A_77 : memref<125xi32, #tpu.memory_space<vmem>>) semaphore(%arg12 : memref<!tpu.dma_semaphore, #tpu.memory_space<semaphore_mem>>)
      %dma_wait3A_81 = arith.constant 0 : i32
      %dma_wait3A_82 = arith.constant 0 : i32
      %dma_wait3A_83 = arith.constant 0 : i32
      %dma_wait3A_84 = tpu.memref_slice %arg9[%dma_wait3A_81, %dma_wait3A_82, %dma_wait3A_83] : memref<2x125x128xf32, #tpu.memory_space<vmem>> -> memref<1x125x128xf32, #tpu.memory_space<vmem>>
      %dma_wait3A_85 = tpu.memref_squeeze %dma_wait3A_84 : memref<1x125x128xf32, #tpu.memory_space<vmem>> -> memref<125x128xf32, #tpu.memory_space<vmem>>
      %dma_wait3A_86 = arith.constant 0 : i32
      %dma_wait3A_87 = tpu.memref_slice %arg7[%mul3A_67, %dma_wait3A_86] : memref<40x125xi32, #tpu.memory_space<vmem>> -> memref<1x125xi32, #tpu.memory_space<vmem>>
      %dma_wait3A_88 = tpu.memref_squeeze %dma_wait3A_87 : memref<1x125xi32, #tpu.memory_space<vmem>> -> memref<125xi32, #tpu.memory_space<vmem>>
      %dma_wait3A_89 = arith.constant 0 : i32
      %dma_wait3A_90 = arith.constant 0 : i32
      %dma_wait3A_91 = tpu.memref_slice %arg4[%dma_wait3A_89, %dma_wait3A_90] : memref<10000x128xf32, #tpu.memory_space<hbm>> -> memref<10000x128xf32, #tpu.memory_space<hbm>>
      tpu.wait_indirect_dma semaphore(%arg11 : memref<!tpu.dma_semaphore, #tpu.memory_space<semaphore_mem>>) src(%dma_wait3A_91 : memref<10000x128xf32, #tpu.memory_space<hbm>>) dst(%dma_wait3A_85 : memref<125x128xf32, #tpu.memory_space<vmem>>)
      %run_scoped3A = arith.constant 0 : i32
      "tpu.region"() ({
        %run_scoped3A_108 = tpu.sem_alloc : memref<!tpu.dma_semaphore, #tpu.memory_space<semaphore_mem>>
        %dma_start3A_109 = arith.constant 0 : i32
        %dma_start3A_110 = arith.constant 0 : i32
        %dma_start3A_111 = tpu.memref_slice %arg9[%run_scoped3A, %dma_start3A_109, %dma_start3A_110] : memref<2x125x128xf32, #tpu.memory_space<vmem>> -> memref<1x125x128xf32, #tpu.memory_space<vmem>>
        %dma_start3A_112 = tpu.memref_squeeze %dma_start3A_111 : memref<1x125x128xf32, #tpu.memory_space<vmem>> -> memref<125x128xf32, #tpu.memory_space<vmem>>
        %dma_start3A_113 = arith.constant 0 : i32
        %dma_start3A_114 = tpu.memref_slice %arg8[%mul3A_67, %dma_start3A_113] : memref<40x125xi32, #tpu.memory_space<vmem>> -> memref<1x125xi32, #tpu.memory_space<vmem>>
        %dma_start3A_115 = tpu.memref_squeeze %dma_start3A_114 : memref<1x125xi32, #tpu.memory_space<vmem>> -> memref<125xi32, #tpu.memory_space<vmem>>
        %dma_start3A_116 = arith.constant 0 : i32
        %dma_start3A_117 = arith.constant 0 : i32
        %dma_start3A_118 = tpu.memref_slice %arg10[%dma_start3A_116, %dma_start3A_117] : memref<10240x128xf32, #tpu.memory_space<vmem_shared>> -> memref<10240x128xf32, #tpu.memory_space<vmem_shared>>
        tpu.enqueue_indirect_dma source(%dma_start3A_112 : memref<125x128xf32, #tpu.memory_space<vmem>>) target(%dma_start3A_118 : memref<10240x128xf32, #tpu.memory_space<vmem_shared>>) offsets(%dma_start3A_115 : memref<125xi32, #tpu.memory_space<vmem>>) semaphore(%run_scoped3A_108 : memref<!tpu.dma_semaphore, #tpu.memory_space<semaphore_mem>>) {add = true}
        %dma_wait3A_119 = arith.constant 0 : i32
        %dma_wait3A_120 = arith.constant 0 : i32
        %dma_wait3A_121 = tpu.memref_slice %arg9[%run_scoped3A, %dma_wait3A_119, %dma_wait3A_120] : memref<2x125x128xf32, #tpu.memory_space<vmem>> -> memref<1x125x128xf32, #tpu.memory_space<vmem>>
        %dma_wait3A_122 = tpu.memref_squeeze %dma_wait3A_121 : memref<1x125x128xf32, #tpu.memory_space<vmem>> -> memref<125x128xf32, #tpu.memory_space<vmem>>
        %dma_wait3A_123 = arith.constant 0 : i32
        %dma_wait3A_124 = tpu.memref_slice %arg8[%mul3A_67, %dma_wait3A_123] : memref<40x125xi32, #tpu.memory_space<vmem>> -> memref<1x125xi32, #tpu.memory_space<vmem>>
        %dma_wait3A_125 = tpu.memref_squeeze %dma_wait3A_124 : memref<1x125xi32, #tpu.memory_space<vmem>> -> memref<125xi32, #tpu.memory_space<vmem>>
        %dma_wait3A_126 = arith.constant 0 : i32
        %dma_wait3A_127 = arith.constant 0 : i32
        %dma_wait3A_128 = tpu.memref_slice %arg10[%dma_wait3A_126, %dma_wait3A_127] : memref<10240x128xf32, #tpu.memory_space<vmem_shared>> -> memref<10240x128xf32, #tpu.memory_space<vmem_shared>>
        tpu.wait_indirect_dma semaphore(%run_scoped3A_108 : memref<!tpu.dma_semaphore, #tpu.memory_space<semaphore_mem>>) src(%dma_wait3A_122 : memref<125x128xf32, #tpu.memory_space<vmem>>) dst(%dma_wait3A_128 : memref<10240x128xf32, #tpu.memory_space<vmem_shared>>)
        tpu.yield
      }) : () -> ()
      %add3A_92 = arith.constant 2 : i32
      %add3A_93 = arith.addi %mul3A_67, %add3A_92 : i32
      %lt3A = arith.constant 40 : i32
      %lt3A_94 = arith.cmpi slt, %add3A_93, %lt3A : i32
      %convert_element_type3A = arith.extui %lt3A_94 : i1 to i32
      %cond3A = arith.constant 0 : i32
      %cond3A_95 = arith.cmpi ne, %convert_element_type3A, %cond3A : i32
      scf.if %cond3A_95 {
        %add3A_108 = arith.constant 2 : i32
        %add3A_109 = arith.addi %mul3A_67, %add3A_108 : i32
        %dma_start3A_110 = arith.constant 0 : i32
        %dma_start3A_111 = arith.constant 0 : i32
        %dma_start3A_112 = arith.constant 0 : i32
        %dma_start3A_113 = tpu.memref_slice %arg9[%dma_start3A_110, %dma_start3A_111, %dma_start3A_112] : memref<2x125x128xf32, #tpu.memory_space<vmem>> -> memref<1x125x128xf32, #tpu.memory_space<vmem>>
        %dma_start3A_114 = tpu.memref_squeeze %dma_start3A_113 : memref<1x125x128xf32, #tpu.memory_space<vmem>> -> memref<125x128xf32, #tpu.memory_space<vmem>>
        %dma_start3A_115 = arith.constant 0 : i32
        %dma_start3A_116 = tpu.memref_slice %arg7[%add3A_109, %dma_start3A_115] : memref<40x125xi32, #tpu.memory_space<vmem>> -> memref<1x125xi32, #tpu.memory_space<vmem>>
        %dma_start3A_117 = tpu.memref_squeeze %dma_start3A_116 : memref<1x125xi32, #tpu.memory_space<vmem>> -> memref<125xi32, #tpu.memory_space<vmem>>
        %dma_start3A_118 = arith.constant 0 : i32
        %dma_start3A_119 = arith.constant 0 : i32
        %dma_start3A_120 = tpu.memref_slice %arg4[%dma_start3A_118, %dma_start3A_119] : memref<10000x128xf32, #tpu.memory_space<hbm>> -> memref<10000x128xf32, #tpu.memory_space<hbm>>
        tpu.enqueue_indirect_dma source(%dma_start3A_120 : memref<10000x128xf32, #tpu.memory_space<hbm>>) target(%dma_start3A_114 : memref<125x128xf32, #tpu.memory_space<vmem>>) offsets(%dma_start3A_117 : memref<125xi32, #tpu.memory_space<vmem>>) semaphore(%arg11 : memref<!tpu.dma_semaphore, #tpu.memory_space<semaphore_mem>>)
      } else {
      }
      %dma_wait3A_96 = arith.constant 1 : i32
      %dma_wait3A_97 = arith.constant 0 : i32
      %dma_wait3A_98 = arith.constant 0 : i32
      %dma_wait3A_99 = tpu.memref_slice %arg9[%dma_wait3A_96, %dma_wait3A_97, %dma_wait3A_98] : memref<2x125x128xf32, #tpu.memory_space<vmem>> -> memref<1x125x128xf32, #tpu.memory_space<vmem>>
      %dma_wait3A_100 = tpu.memref_squeeze %dma_wait3A_99 : memref<1x125x128xf32, #tpu.memory_space<vmem>> -> memref<125x128xf32, #tpu.memory_space<vmem>>
      %dma_wait3A_101 = arith.constant 0 : i32
      %dma_wait3A_102 = tpu.memref_slice %arg7[%add3A_69, %dma_wait3A_101] : memref<40x125xi32, #tpu.memory_space<vmem>> -> memref<1x125xi32, #tpu.memory_space<vmem>>
      %dma_wait3A_103 = tpu.memref_squeeze %dma_wait3A_102 : memref<1x125xi32, #tpu.memory_space<vmem>> -> memref<125xi32, #tpu.memory_space<vmem>>
      %dma_wait3A_104 = arith.constant 0 : i32
      %dma_wait3A_105 = arith.constant 0 : i32
      %dma_wait3A_106 = tpu.memref_slice %arg4[%dma_wait3A_104, %dma_wait3A_105] : memref<10000x128xf32, #tpu.memory_space<hbm>> -> memref<10000x128xf32, #tpu.memory_space<hbm>>
      tpu.wait_indirect_dma semaphore(%arg12 : memref<!tpu.dma_semaphore, #tpu.memory_space<semaphore_mem>>) src(%dma_wait3A_106 : memref<10000x128xf32, #tpu.memory_space<hbm>>) dst(%dma_wait3A_100 : memref<125x128xf32, #tpu.memory_space<vmem>>)
      %run_scoped3A_107 = arith.constant 1 : i32
      "tpu.region"() ({
        %run_scoped3A_108 = tpu.sem_alloc : memref<!tpu.dma_semaphore, #tpu.memory_space<semaphore_mem>>
        %dma_start3A_109 = arith.constant 0 : i32
        %dma_start3A_110 = arith.constant 0 : i32
        %dma_start3A_111 = tpu.memref_slice %arg9[%run_scoped3A_107, %dma_start3A_109, %dma_start3A_110] : memref<2x125x128xf32, #tpu.memory_space<vmem>> -> memref<1x125x128xf32, #tpu.memory_space<vmem>>
        %dma_start3A_112 = tpu.memref_squeeze %dma_start3A_111 : memref<1x125x128xf32, #tpu.memory_space<vmem>> -> memref<125x128xf32, #tpu.memory_space<vmem>>
        %dma_start3A_113 = arith.constant 0 : i32
        %dma_start3A_114 = tpu.memref_slice %arg8[%add3A_69, %dma_start3A_113] : memref<40x125xi32, #tpu.memory_space<vmem>> -> memref<1x125xi32, #tpu.memory_space<vmem>>
        %dma_start3A_115 = tpu.memref_squeeze %dma_start3A_114 : memref<1x125xi32, #tpu.memory_space<vmem>> -> memref<125xi32, #tpu.memory_space<vmem>>
        %dma_start3A_116 = arith.constant 0 : i32
        %dma_start3A_117 = arith.constant 0 : i32
        %dma_start3A_118 = tpu.memref_slice %arg10[%dma_start3A_116, %dma_start3A_117] : memref<10240x128xf32, #tpu.memory_space<vmem_shared>> -> memref<10240x128xf32, #tpu.memory_space<vmem_shared>>
        tpu.enqueue_indirect_dma source(%dma_start3A_112 : memref<125x128xf32, #tpu.memory_space<vmem>>) target(%dma_start3A_118 : memref<10240x128xf32, #tpu.memory_space<vmem_shared>>) offsets(%dma_start3A_115 : memref<125xi32, #tpu.memory_space<vmem>>) semaphore(%run_scoped3A_108 : memref<!tpu.dma_semaphore, #tpu.memory_space<semaphore_mem>>) {add = true}
        %dma_wait3A_119 = arith.constant 0 : i32
        %dma_wait3A_120 = arith.constant 0 : i32
        %dma_wait3A_121 = tpu.memref_slice %arg9[%run_scoped3A_107, %dma_wait3A_119, %dma_wait3A_120] : memref<2x125x128xf32, #tpu.memory_space<vmem>> -> memref<1x125x128xf32, #tpu.memory_space<vmem>>
        %dma_wait3A_122 = tpu.memref_squeeze %dma_wait3A_121 : memref<1x125x128xf32, #tpu.memory_space<vmem>> -> memref<125x128xf32, #tpu.memory_space<vmem>>
        %dma_wait3A_123 = arith.constant 0 : i32
        %dma_wait3A_124 = tpu.memref_slice %arg8[%add3A_69, %dma_wait3A_123] : memref<40x125xi32, #tpu.memory_space<vmem>> -> memref<1x125xi32, #tpu.memory_space<vmem>>
        %dma_wait3A_125 = tpu.memref_squeeze %dma_wait3A_124 : memref<1x125xi32, #tpu.memory_space<vmem>> -> memref<125xi32, #tpu.memory_space<vmem>>
        %dma_wait3A_126 = arith.constant 0 : i32
        %dma_wait3A_127 = arith.constant 0 : i32
        %dma_wait3A_128 = tpu.memref_slice %arg10[%dma_wait3A_126, %dma_wait3A_127] : memref<10240x128xf32, #tpu.memory_space<vmem_shared>> -> memref<10240x128xf32, #tpu.memory_space<vmem_shared>>
        tpu.wait_indirect_dma semaphore(%run_scoped3A_108 : memref<!tpu.dma_semaphore, #tpu.memory_space<semaphore_mem>>) src(%dma_wait3A_122 : memref<125x128xf32, #tpu.memory_space<vmem>>) dst(%dma_wait3A_128 : memref<10240x128xf32, #tpu.memory_space<vmem_shared>>)
        tpu.yield
      }) : () -> ()
    }
    %scan3A_59 = arith.constant 20 : i32
    %barrier3A_60 = arith.constant 0 : index
    tpu.barrier barrier_id(%barrier3A_60)
    %mul3A_61 = arith.constant 640 : i32
    %mul3A_62 = arith.muli %arg1, %mul3A_61 : i32
    %mul3A_63 = arith.constant 640 : i32
    %mul3A_64 = arith.muli %arg1, %mul3A_63 : i32
    "tpu.region"() ({
      %run_scoped3A = tpu.sem_alloc : memref<!tpu.dma_semaphore, #tpu.memory_space<semaphore_mem>>
      %dma_start3A_65 = arith.constant 0 : i32
      %dma_start3A_66 = tpu.memref_slice %arg6[%arg0, %mul3A_64, %dma_start3A_65] : memref<2x10240x128xf32, #tpu.memory_space<hbm>> -> memref<1x640x128xf32, #tpu.memory_space<hbm>>
      %dma_start3A_67 = tpu.memref_squeeze %dma_start3A_66 : memref<1x640x128xf32, #tpu.memory_space<hbm>> -> memref<640x128xf32, #tpu.memory_space<hbm>>
      %dma_start3A_68 = arith.constant 0 : i32
      %dma_start3A_69 = tpu.memref_slice %arg10[%mul3A_62, %dma_start3A_68] : memref<10240x128xf32, #tpu.memory_space<vmem_shared>> -> memref<640x128xf32, #tpu.memory_space<vmem_shared>>
      tpu.enqueue_dma source(%dma_start3A_69 : memref<640x128xf32, #tpu.memory_space<vmem_shared>>) target(%dma_start3A_67 : memref<640x128xf32, #tpu.memory_space<hbm>>) target_semaphore(%run_scoped3A : memref<!tpu.dma_semaphore, #tpu.memory_space<semaphore_mem>>)
      %dma_wait3A_70 = arith.constant 0 : i32
      %dma_wait3A_71 = tpu.memref_slice %arg6[%arg0, %mul3A_64, %dma_wait3A_70] : memref<2x10240x128xf32, #tpu.memory_space<hbm>> -> memref<1x640x128xf32, #tpu.memory_space<hbm>>
      %dma_wait3A_72 = tpu.memref_squeeze %dma_wait3A_71 : memref<1x640x128xf32, #tpu.memory_space<hbm>> -> memref<640x128xf32, #tpu.memory_space<hbm>>
      %dma_wait3A_73 = arith.constant 0 : i32
      %dma_wait3A_74 = tpu.memref_slice %arg10[%mul3A_62, %dma_wait3A_73] : memref<10240x128xf32, #tpu.memory_space<vmem_shared>> -> memref<640x128xf32, #tpu.memory_space<vmem_shared>>
      tpu.wait_dma2 semaphore(%run_scoped3A : memref<!tpu.dma_semaphore, #tpu.memory_space<semaphore_mem>>) src(%dma_wait3A_74 : memref<640x128xf32, #tpu.memory_space<vmem_shared>>) dst(%dma_wait3A_72 : memref<640x128xf32, #tpu.memory_space<hbm>>)
      tpu.yield
    }) : () -> ()
    return
  }
}

#map = affine_map<(d0, d1) -> (0, 0)>
#map1 = affine_map<(d0, d1) -> (0, 0, 0)>
module attributes {stable_mosaic.version = 14 : i64} {
  func.func @_seg_sum_body(%arg0: i32, %arg1: i32, %arg2: memref<2560x125xi32, #tpu.memory_space<hbm>>, %arg3: memref<2560x125xi32, #tpu.memory_space<hbm>>, %arg4: memref<10000x128xf32, #tpu.memory_space<hbm>>, %arg5: memref<640x128xf32, #tpu.memory_space<hbm>>, %arg6: memref<2x10240x128xf32, #tpu.memory_space<hbm>>, %arg7: memref<40x125xi32, #tpu.memory_space<vmem>>, %arg8: memref<40x125xi32, #tpu.memory_space<vmem>>, %arg9: memref<2x125x128xf32, #tpu.memory_space<vmem>>, %arg10: memref<10240x128xf32, #tpu.memory_space<vmem_shared>>, %arg11: memref<!tpu.dma_semaphore, #tpu.memory_space<semaphore_mem>>, %arg12: memref<!tpu.dma_semaphore, #tpu.memory_space<semaphore_mem>>) attributes {dimension_semantics = [#tpu.dimension_semantics<core_parallel>, #tpu.dimension_semantics<subcore_parallel>], iteration_bounds = array<i64: 2, 16>, scalar_prefetch = 0 : i64, scratch_operands = 6 : i64, tpu.core_type = #tpu.core_type<sc_vector_subcore>, window_params = [{transform_indices = #map}, {transform_indices = #map}, {transform_indices = #map}, {transform_indices = #map}, {transform_indices = #map1}]} {
    %mul3A = arith.constant 16 : i32
    %mul3A_0 = arith.muli %arg0, %mul3A : i32
    %add3A = arith.addi %mul3A_0, %arg1 : i32
    %mul3A_1 = arith.constant 80 : i32
    %mul3A_2 = arith.muli %add3A, %mul3A_1 : i32
    %mul3A_3 = arith.constant 640 : i32
    %mul3A_4 = arith.muli %arg1, %mul3A_3 : i32
    %dma_start3A = arith.constant 0 : i32
    %dma_start3A_5 = tpu.memref_slice %arg10[%mul3A_4, %dma_start3A] : memref<10240x128xf32, #tpu.memory_space<vmem_shared>> -> memref<640x128xf32, #tpu.memory_space<vmem_shared>>
    tpu.enqueue_dma source(%arg5 : memref<640x128xf32, #tpu.memory_space<hbm>>) target(%dma_start3A_5 : memref<640x128xf32, #tpu.memory_space<vmem_shared>>) target_semaphore(%arg11 : memref<!tpu.dma_semaphore, #tpu.memory_space<semaphore_mem>>)
    %dma_start3A_6 = arith.constant 0 : i32
    %dma_start3A_7 = tpu.memref_slice %arg2[%mul3A_2, %dma_start3A_6] : memref<2560x125xi32, #tpu.memory_space<hbm>> -> memref<40x125xi32, #tpu.memory_space<hbm>>
    %dma_start3A_8 = arith.constant 0 : i32
    %dma_start3A_9 = tpu.memref_slice %arg2[%mul3A_2, %dma_start3A_8] : memref<2560x125xi32, #tpu.memory_space<hbm>> -> memref<40x125xi32, #tpu.memory_space<hbm>>
    tpu.enqueue_dma source(%dma_start3A_9 : memref<40x125xi32, #tpu.memory_space<hbm>>) target(%arg7 : memref<40x125xi32, #tpu.memory_space<vmem>>) target_semaphore(%arg12 : memref<!tpu.dma_semaphore, #tpu.memory_space<semaphore_mem>>)
    %dma_start3A_10 = arith.constant 0 : i32
    %dma_start3A_11 = tpu.memref_slice %arg3[%mul3A_2, %dma_start3A_10] : memref<2560x125xi32, #tpu.memory_space<hbm>> -> memref<40x125xi32, #tpu.memory_space<hbm>>
    %dma_start3A_12 = arith.constant 0 : i32
    %dma_start3A_13 = tpu.memref_slice %arg3[%mul3A_2, %dma_start3A_12] : memref<2560x125xi32, #tpu.memory_space<hbm>> -> memref<40x125xi32, #tpu.memory_space<hbm>>
    tpu.enqueue_dma source(%dma_start3A_13 : memref<40x125xi32, #tpu.memory_space<hbm>>) target(%arg8 : memref<40x125xi32, #tpu.memory_space<vmem>>) target_semaphore(%arg12 : memref<!tpu.dma_semaphore, #tpu.memory_space<semaphore_mem>>)
    %dma_wait3A = arith.constant 0 : i32
    %dma_wait3A_14 = tpu.memref_slice %arg10[%mul3A_4, %dma_wait3A] : memref<10240x128xf32, #tpu.memory_space<vmem_shared>> -> memref<640x128xf32, #tpu.memory_space<vmem_shared>>
    tpu.wait_dma2 semaphore(%arg11 : memref<!tpu.dma_semaphore, #tpu.memory_space<semaphore_mem>>) src(%arg5 : memref<640x128xf32, #tpu.memory_space<hbm>>) dst(%dma_wait3A_14 : memref<640x128xf32, #tpu.memory_space<vmem_shared>>)
    %dma_wait3A_15 = arith.constant 0 : i32
    %dma_wait3A_16 = tpu.memref_slice %arg2[%mul3A_2, %dma_wait3A_15] : memref<2560x125xi32, #tpu.memory_space<hbm>> -> memref<40x125xi32, #tpu.memory_space<hbm>>
    %dma_wait3A_17 = arith.constant 0 : i32
    %dma_wait3A_18 = tpu.memref_slice %arg2[%mul3A_2, %dma_wait3A_17] : memref<2560x125xi32, #tpu.memory_space<hbm>> -> memref<40x125xi32, #tpu.memory_space<hbm>>
    tpu.wait_dma2 semaphore(%arg12 : memref<!tpu.dma_semaphore, #tpu.memory_space<semaphore_mem>>) src(%dma_wait3A_18 : memref<40x125xi32, #tpu.memory_space<hbm>>) dst(%arg7 : memref<40x125xi32, #tpu.memory_space<vmem>>)
    %dma_wait3A_19 = arith.constant 0 : i32
    %dma_wait3A_20 = tpu.memref_slice %arg3[%mul3A_2, %dma_wait3A_19] : memref<2560x125xi32, #tpu.memory_space<hbm>> -> memref<40x125xi32, #tpu.memory_space<hbm>>
    %dma_wait3A_21 = arith.constant 0 : i32
    %dma_wait3A_22 = tpu.memref_slice %arg3[%mul3A_2, %dma_wait3A_21] : memref<2560x125xi32, #tpu.memory_space<hbm>> -> memref<40x125xi32, #tpu.memory_space<hbm>>
    tpu.wait_dma2 semaphore(%arg12 : memref<!tpu.dma_semaphore, #tpu.memory_space<semaphore_mem>>) src(%dma_wait3A_22 : memref<40x125xi32, #tpu.memory_space<hbm>>) dst(%arg8 : memref<40x125xi32, #tpu.memory_space<vmem>>)
    %barrier3A = arith.constant 0 : index
    tpu.barrier barrier_id(%barrier3A)
    %dma_start3A_23 = arith.constant 0 : i32
    %dma_start3A_24 = arith.constant 0 : i32
    %dma_start3A_25 = arith.constant 0 : i32
    %dma_start3A_26 = arith.constant 0 : i32
    %dma_start3A_27 = tpu.memref_slice %arg9[%dma_start3A_24, %dma_start3A_25, %dma_start3A_26] : memref<2x125x128xf32, #tpu.memory_space<vmem>> -> memref<1x125x128xf32, #tpu.memory_space<vmem>>
    %dma_start3A_28 = tpu.memref_squeeze %dma_start3A_27 : memref<1x125x128xf32, #tpu.memory_space<vmem>> -> memref<125x128xf32, #tpu.memory_space<vmem>>
    %dma_start3A_29 = arith.constant 0 : i32
    %dma_start3A_30 = tpu.memref_slice %arg7[%dma_start3A_23, %dma_start3A_29] : memref<40x125xi32, #tpu.memory_space<vmem>> -> memref<1x125xi32, #tpu.memory_space<vmem>>
    %dma_start3A_31 = tpu.memref_squeeze %dma_start3A_30 : memref<1x125xi32, #tpu.memory_space<vmem>> -> memref<125xi32, #tpu.memory_space<vmem>>
    %dma_start3A_32 = arith.constant 0 : i32
    %dma_start3A_33 = arith.constant 0 : i32
    %dma_start3A_34 = tpu.memref_slice %arg4[%dma_start3A_32, %dma_start3A_33] : memref<10000x128xf32, #tpu.memory_space<hbm>> -> memref<10000x128xf32, #tpu.memory_space<hbm>>
    tpu.enqueue_indirect_dma source(%dma_start3A_34 : memref<10000x128xf32, #tpu.memory_space<hbm>>) target(%dma_start3A_28 : memref<125x128xf32, #tpu.memory_space<vmem>>) offsets(%dma_start3A_31 : memref<125xi32, #tpu.memory_space<vmem>>) semaphore(%arg11 : memref<!tpu.dma_semaphore, #tpu.memory_space<semaphore_mem>>)
    %scan3A = arith.constant 0 : i32
    %scan3A_35 = arith.constant 20 : i32
    %scan3A_36 = arith.addi %scan3A, %scan3A_35 : i32
    %scan3A_37 = arith.constant 1 : i32
    scf.for %scan3A_65 = %scan3A to %scan3A_36 step %scan3A_37  : i32 {
      %mul3A_66 = arith.constant 2 : i32
      %mul3A_67 = arith.muli %mul3A_66, %scan3A_65 : i32
      %add3A_68 = arith.constant 1 : i32
      %add3A_69 = arith.addi %mul3A_67, %add3A_68 : i32
      %dma_start3A_70 = arith.constant 1 : i32
      %dma_start3A_71 = arith.constant 0 : i32
      %dma_start3A_72 = arith.constant 0 : i32
      %dma_start3A_73 = tpu.memref_slice %arg9[%dma_start3A_70, %dma_start3A_71, %dma_start3A_72] : memref<2x125x128xf32, #tpu.memory_space<vmem>> -> memref<1x125x128xf32, #tpu.memory_space<vmem>>
      %dma_start3A_74 = tpu.memref_squeeze %dma_start3A_73 : memref<1x125x128xf32, #tpu.memory_space<vmem>> -> memref<125x128xf32, #tpu.memory_space<vmem>>
      %dma_start3A_75 = arith.constant 0 : i32
      %dma_start3A_76 = tpu.memref_slice %arg7[%add3A_69, %dma_start3A_75] : memref<40x125xi32, #tpu.memory_space<vmem>> -> memref<1x125xi32, #tpu.memory_space<vmem>>
      %dma_start3A_77 = tpu.memref_squeeze %dma_start3A_76 : memref<1x125xi32, #tpu.memory_space<vmem>> -> memref<125xi32, #tpu.memory_space<vmem>>
      %dma_start3A_78 = arith.constant 0 : i32
      %dma_start3A_79 = arith.constant 0 : i32
      %dma_start3A_80 = tpu.memref_slice %arg4[%dma_start3A_78, %dma_start3A_79] : memref<10000x128xf32, #tpu.memory_space<hbm>> -> memref<10000x128xf32, #tpu.memory_space<hbm>>
      tpu.enqueue_indirect_dma source(%dma_start3A_80 : memref<10000x128xf32, #tpu.memory_space<hbm>>) target(%dma_start3A_74 : memref<125x128xf32, #tpu.memory_space<vmem>>) offsets(%dma_start3A_77 : memref<125xi32, #tpu.memory_space<vmem>>) semaphore(%arg12 : memref<!tpu.dma_semaphore, #tpu.memory_space<semaphore_mem>>)
      %dma_wait3A_81 = arith.constant 0 : i32
      %dma_wait3A_82 = arith.constant 0 : i32
      %dma_wait3A_83 = arith.constant 0 : i32
      %dma_wait3A_84 = tpu.memref_slice %arg9[%dma_wait3A_81, %dma_wait3A_82, %dma_wait3A_83] : memref<2x125x128xf32, #tpu.memory_space<vmem>> -> memref<1x125x128xf32, #tpu.memory_space<vmem>>
      %dma_wait3A_85 = tpu.memref_squeeze %dma_wait3A_84 : memref<1x125x128xf32, #tpu.memory_space<vmem>> -> memref<125x128xf32, #tpu.memory_space<vmem>>
      %dma_wait3A_86 = arith.constant 0 : i32
      %dma_wait3A_87 = tpu.memref_slice %arg7[%mul3A_67, %dma_wait3A_86] : memref<40x125xi32, #tpu.memory_space<vmem>> -> memref<1x125xi32, #tpu.memory_space<vmem>>
      %dma_wait3A_88 = tpu.memref_squeeze %dma_wait3A_87 : memref<1x125xi32, #tpu.memory_space<vmem>> -> memref<125xi32, #tpu.memory_space<vmem>>
      %dma_wait3A_89 = arith.constant 0 : i32
      %dma_wait3A_90 = arith.constant 0 : i32
      %dma_wait3A_91 = tpu.memref_slice %arg4[%dma_wait3A_89, %dma_wait3A_90] : memref<10000x128xf32, #tpu.memory_space<hbm>> -> memref<10000x128xf32, #tpu.memory_space<hbm>>
      tpu.wait_indirect_dma semaphore(%arg11 : memref<!tpu.dma_semaphore, #tpu.memory_space<semaphore_mem>>) src(%dma_wait3A_91 : memref<10000x128xf32, #tpu.memory_space<hbm>>) dst(%dma_wait3A_85 : memref<125x128xf32, #tpu.memory_space<vmem>>)
      %run_scoped3A = arith.constant 0 : i32
      "tpu.region"() ({
        %run_scoped3A_108 = tpu.sem_alloc : memref<!tpu.dma_semaphore, #tpu.memory_space<semaphore_mem>>
        %dma_start3A_109 = arith.constant 0 : i32
        %dma_start3A_110 = arith.constant 0 : i32
        %dma_start3A_111 = tpu.memref_slice %arg9[%run_scoped3A, %dma_start3A_109, %dma_start3A_110] : memref<2x125x128xf32, #tpu.memory_space<vmem>> -> memref<1x125x128xf32, #tpu.memory_space<vmem>>
        %dma_start3A_112 = tpu.memref_squeeze %dma_start3A_111 : memref<1x125x128xf32, #tpu.memory_space<vmem>> -> memref<125x128xf32, #tpu.memory_space<vmem>>
        %dma_start3A_113 = arith.constant 0 : i32
        %dma_start3A_114 = tpu.memref_slice %arg8[%mul3A_67, %dma_start3A_113] : memref<40x125xi32, #tpu.memory_space<vmem>> -> memref<1x125xi32, #tpu.memory_space<vmem>>
        %dma_start3A_115 = tpu.memref_squeeze %dma_start3A_114 : memref<1x125xi32, #tpu.memory_space<vmem>> -> memref<125xi32, #tpu.memory_space<vmem>>
        %dma_start3A_116 = arith.constant 0 : i32
        %dma_start3A_117 = arith.constant 0 : i32
        %dma_start3A_118 = tpu.memref_slice %arg10[%dma_start3A_116, %dma_start3A_117] : memref<10240x128xf32, #tpu.memory_space<vmem_shared>> -> memref<10240x128xf32, #tpu.memory_space<vmem_shared>>
        tpu.enqueue_indirect_dma source(%dma_start3A_112 : memref<125x128xf32, #tpu.memory_space<vmem>>) target(%dma_start3A_118 : memref<10240x128xf32, #tpu.memory_space<vmem_shared>>) offsets(%dma_start3A_115 : memref<125xi32, #tpu.memory_space<vmem>>) semaphore(%run_scoped3A_108 : memref<!tpu.dma_semaphore, #tpu.memory_space<semaphore_mem>>) {add = true}
        %dma_wait3A_119 = arith.constant 0 : i32
        %dma_wait3A_120 = arith.constant 0 : i32
        %dma_wait3A_121 = tpu.memref_slice %arg9[%run_scoped3A, %dma_wait3A_119, %dma_wait3A_120] : memref<2x125x128xf32, #tpu.memory_space<vmem>> -> memref<1x125x128xf32, #tpu.memory_space<vmem>>
        %dma_wait3A_122 = tpu.memref_squeeze %dma_wait3A_121 : memref<1x125x128xf32, #tpu.memory_space<vmem>> -> memref<125x128xf32, #tpu.memory_space<vmem>>
        %dma_wait3A_123 = arith.constant 0 : i32
        %dma_wait3A_124 = tpu.memref_slice %arg8[%mul3A_67, %dma_wait3A_123] : memref<40x125xi32, #tpu.memory_space<vmem>> -> memref<1x125xi32, #tpu.memory_space<vmem>>
        %dma_wait3A_125 = tpu.memref_squeeze %dma_wait3A_124 : memref<1x125xi32, #tpu.memory_space<vmem>> -> memref<125xi32, #tpu.memory_space<vmem>>
        %dma_wait3A_126 = arith.constant 0 : i32
        %dma_wait3A_127 = arith.constant 0 : i32
        %dma_wait3A_128 = tpu.memref_slice %arg10[%dma_wait3A_126, %dma_wait3A_127] : memref<10240x128xf32, #tpu.memory_space<vmem_shared>> -> memref<10240x128xf32, #tpu.memory_space<vmem_shared>>
        tpu.wait_indirect_dma semaphore(%run_scoped3A_108 : memref<!tpu.dma_semaphore, #tpu.memory_space<semaphore_mem>>) src(%dma_wait3A_122 : memref<125x128xf32, #tpu.memory_space<vmem>>) dst(%dma_wait3A_128 : memref<10240x128xf32, #tpu.memory_space<vmem_shared>>)
        tpu.yield
      }) : () -> ()
      %add3A_92 = arith.constant 2 : i32
      %add3A_93 = arith.addi %mul3A_67, %add3A_92 : i32
      %lt3A = arith.constant 40 : i32
      %lt3A_94 = arith.cmpi slt, %add3A_93, %lt3A : i32
      %convert_element_type3A = arith.extui %lt3A_94 : i1 to i32
      %cond3A = arith.constant 0 : i32
      %cond3A_95 = arith.cmpi ne, %convert_element_type3A, %cond3A : i32
      scf.if %cond3A_95 {
        %add3A_108 = arith.constant 2 : i32
        %add3A_109 = arith.addi %mul3A_67, %add3A_108 : i32
        %dma_start3A_110 = arith.constant 0 : i32
        %dma_start3A_111 = arith.constant 0 : i32
        %dma_start3A_112 = arith.constant 0 : i32
        %dma_start3A_113 = tpu.memref_slice %arg9[%dma_start3A_110, %dma_start3A_111, %dma_start3A_112] : memref<2x125x128xf32, #tpu.memory_space<vmem>> -> memref<1x125x128xf32, #tpu.memory_space<vmem>>
        %dma_start3A_114 = tpu.memref_squeeze %dma_start3A_113 : memref<1x125x128xf32, #tpu.memory_space<vmem>> -> memref<125x128xf32, #tpu.memory_space<vmem>>
        %dma_start3A_115 = arith.constant 0 : i32
        %dma_start3A_116 = tpu.memref_slice %arg7[%add3A_109, %dma_start3A_115] : memref<40x125xi32, #tpu.memory_space<vmem>> -> memref<1x125xi32, #tpu.memory_space<vmem>>
        %dma_start3A_117 = tpu.memref_squeeze %dma_start3A_116 : memref<1x125xi32, #tpu.memory_space<vmem>> -> memref<125xi32, #tpu.memory_space<vmem>>
        %dma_start3A_118 = arith.constant 0 : i32
        %dma_start3A_119 = arith.constant 0 : i32
        %dma_start3A_120 = tpu.memref_slice %arg4[%dma_start3A_118, %dma_start3A_119] : memref<10000x128xf32, #tpu.memory_space<hbm>> -> memref<10000x128xf32, #tpu.memory_space<hbm>>
        tpu.enqueue_indirect_dma source(%dma_start3A_120 : memref<10000x128xf32, #tpu.memory_space<hbm>>) target(%dma_start3A_114 : memref<125x128xf32, #tpu.memory_space<vmem>>) offsets(%dma_start3A_117 : memref<125xi32, #tpu.memory_space<vmem>>) semaphore(%arg11 : memref<!tpu.dma_semaphore, #tpu.memory_space<semaphore_mem>>)
      } else {
      }
      %dma_wait3A_96 = arith.constant 1 : i32
      %dma_wait3A_97 = arith.constant 0 : i32
      %dma_wait3A_98 = arith.constant 0 : i32
      %dma_wait3A_99 = tpu.memref_slice %arg9[%dma_wait3A_96, %dma_wait3A_97, %dma_wait3A_98] : memref<2x125x128xf32, #tpu.memory_space<vmem>> -> memref<1x125x128xf32, #tpu.memory_space<vmem>>
      %dma_wait3A_100 = tpu.memref_squeeze %dma_wait3A_99 : memref<1x125x128xf32, #tpu.memory_space<vmem>> -> memref<125x128xf32, #tpu.memory_space<vmem>>
      %dma_wait3A_101 = arith.constant 0 : i32
      %dma_wait3A_102 = tpu.memref_slice %arg7[%add3A_69, %dma_wait3A_101] : memref<40x125xi32, #tpu.memory_space<vmem>> -> memref<1x125xi32, #tpu.memory_space<vmem>>
      %dma_wait3A_103 = tpu.memref_squeeze %dma_wait3A_102 : memref<1x125xi32, #tpu.memory_space<vmem>> -> memref<125xi32, #tpu.memory_space<vmem>>
      %dma_wait3A_104 = arith.constant 0 : i32
      %dma_wait3A_105 = arith.constant 0 : i32
      %dma_wait3A_106 = tpu.memref_slice %arg4[%dma_wait3A_104, %dma_wait3A_105] : memref<10000x128xf32, #tpu.memory_space<hbm>> -> memref<10000x128xf32, #tpu.memory_space<hbm>>
      tpu.wait_indirect_dma semaphore(%arg12 : memref<!tpu.dma_semaphore, #tpu.memory_space<semaphore_mem>>) src(%dma_wait3A_106 : memref<10000x128xf32, #tpu.memory_space<hbm>>) dst(%dma_wait3A_100 : memref<125x128xf32, #tpu.memory_space<vmem>>)
      %run_scoped3A_107 = arith.constant 1 : i32
      "tpu.region"() ({
        %run_scoped3A_108 = tpu.sem_alloc : memref<!tpu.dma_semaphore, #tpu.memory_space<semaphore_mem>>
        %dma_start3A_109 = arith.constant 0 : i32
        %dma_start3A_110 = arith.constant 0 : i32
        %dma_start3A_111 = tpu.memref_slice %arg9[%run_scoped3A_107, %dma_start3A_109, %dma_start3A_110] : memref<2x125x128xf32, #tpu.memory_space<vmem>> -> memref<1x125x128xf32, #tpu.memory_space<vmem>>
        %dma_start3A_112 = tpu.memref_squeeze %dma_start3A_111 : memref<1x125x128xf32, #tpu.memory_space<vmem>> -> memref<125x128xf32, #tpu.memory_space<vmem>>
        %dma_start3A_113 = arith.constant 0 : i32
        %dma_start3A_114 = tpu.memref_slice %arg8[%add3A_69, %dma_start3A_113] : memref<40x125xi32, #tpu.memory_space<vmem>> -> memref<1x125xi32, #tpu.memory_space<vmem>>
        %dma_start3A_115 = tpu.memref_squeeze %dma_start3A_114 : memref<1x125xi32, #tpu.memory_space<vmem>> -> memref<125xi32, #tpu.memory_space<vmem>>
        %dma_start3A_116 = arith.constant 0 : i32
        %dma_start3A_117 = arith.constant 0 : i32
        %dma_start3A_118 = tpu.memref_slice %arg10[%dma_start3A_116, %dma_start3A_117] : memref<10240x128xf32, #tpu.memory_space<vmem_shared>> -> memref<10240x128xf32, #tpu.memory_space<vmem_shared>>
        tpu.enqueue_indirect_dma source(%dma_start3A_112 : memref<125x128xf32, #tpu.memory_space<vmem>>) target(%dma_start3A_118 : memref<10240x128xf32, #tpu.memory_space<vmem_shared>>) offsets(%dma_start3A_115 : memref<125xi32, #tpu.memory_space<vmem>>) semaphore(%run_scoped3A_108 : memref<!tpu.dma_semaphore, #tpu.memory_space<semaphore_mem>>) {add = true}
        %dma_wait3A_119 = arith.constant 0 : i32
        %dma_wait3A_120 = arith.constant 0 : i32
        %dma_wait3A_121 = tpu.memref_slice %arg9[%run_scoped3A_107, %dma_wait3A_119, %dma_wait3A_120] : memref<2x125x128xf32, #tpu.memory_space<vmem>> -> memref<1x125x128xf32, #tpu.memory_space<vmem>>
        %dma_wait3A_122 = tpu.memref_squeeze %dma_wait3A_121 : memref<1x125x128xf32, #tpu.memory_space<vmem>> -> memref<125x128xf32, #tpu.memory_space<vmem>>
        %dma_wait3A_123 = arith.constant 0 : i32
        %dma_wait3A_124 = tpu.memref_slice %arg8[%add3A_69, %dma_wait3A_123] : memref<40x125xi32, #tpu.memory_space<vmem>> -> memref<1x125xi32, #tpu.memory_space<vmem>>
        %dma_wait3A_125 = tpu.memref_squeeze %dma_wait3A_124 : memref<1x125xi32, #tpu.memory_space<vmem>> -> memref<125xi32, #tpu.memory_space<vmem>>
        %dma_wait3A_126 = arith.constant 0 : i32
        %dma_wait3A_127 = arith.constant 0 : i32
        %dma_wait3A_128 = tpu.memref_slice %arg10[%dma_wait3A_126, %dma_wait3A_127] : memref<10240x128xf32, #tpu.memory_space<vmem_shared>> -> memref<10240x128xf32, #tpu.memory_space<vmem_shared>>
        tpu.wait_indirect_dma semaphore(%run_scoped3A_108 : memref<!tpu.dma_semaphore, #tpu.memory_space<semaphore_mem>>) src(%dma_wait3A_122 : memref<125x128xf32, #tpu.memory_space<vmem>>) dst(%dma_wait3A_128 : memref<10240x128xf32, #tpu.memory_space<vmem_shared>>)
        tpu.yield
      }) : () -> ()
    }
    %scan3A_38 = arith.constant 20 : i32
    %add3A_39 = arith.constant 40 : i32
    %add3A_40 = arith.addi %mul3A_2, %add3A_39 : i32
    "tpu.region"() ({
      %run_scoped3A = tpu.sem_alloc : memref<!tpu.dma_semaphore, #tpu.memory_space<semaphore_mem>>
      %dma_start3A_65 = arith.constant 0 : i32
      %dma_start3A_66 = tpu.memref_slice %arg2[%add3A_40, %dma_start3A_65] : memref<2560x125xi32, #tpu.memory_space<hbm>> -> memref<40x125xi32, #tpu.memory_space<hbm>>
      %dma_start3A_67 = arith.constant 0 : i32
      %dma_start3A_68 = tpu.memref_slice %arg2[%add3A_40, %dma_start3A_67] : memref<2560x125xi32, #tpu.memory_space<hbm>> -> memref<40x125xi32, #tpu.memory_space<hbm>>
      tpu.enqueue_dma source(%dma_start3A_68 : memref<40x125xi32, #tpu.memory_space<hbm>>) target(%arg7 : memref<40x125xi32, #tpu.memory_space<vmem>>) target_semaphore(%run_scoped3A : memref<!tpu.dma_semaphore, #tpu.memory_space<semaphore_mem>>)
      %dma_wait3A_69 = arith.constant 0 : i32
      %dma_wait3A_70 = tpu.memref_slice %arg2[%add3A_40, %dma_wait3A_69] : memref<2560x125xi32, #tpu.memory_space<hbm>> -> memref<40x125xi32, #tpu.memory_space<hbm>>
      %dma_wait3A_71 = arith.constant 0 : i32
      %dma_wait3A_72 = tpu.memref_slice %arg2[%add3A_40, %dma_wait3A_71] : memref<2560x125xi32, #tpu.memory_space<hbm>> -> memref<40x125xi32, #tpu.memory_space<hbm>>
      tpu.wait_dma2 semaphore(%run_scoped3A : memref<!tpu.dma_semaphore, #tpu.memory_space<semaphore_mem>>) src(%dma_wait3A_72 : memref<40x125xi32, #tpu.memory_space<hbm>>) dst(%arg7 : memref<40x125xi32, #tpu.memory_space<vmem>>)
      tpu.yield
    }) : () -> ()
    %add3A_41 = arith.constant 40 : i32
    %add3A_42 = arith.addi %mul3A_2, %add3A_41 : i32
    "tpu.region"() ({
      %run_scoped3A = tpu.sem_alloc : memref<!tpu.dma_semaphore, #tpu.memory_space<semaphore_mem>>
      %dma_start3A_65 = arith.constant 0 : i32
      %dma_start3A_66 = tpu.memref_slice %arg3[%add3A_42, %dma_start3A_65] : memref<2560x125xi32, #tpu.memory_space<hbm>> -> memref<40x125xi32, #tpu.memory_space<hbm>>
      %dma_start3A_67 = arith.constant 0 : i32
      %dma_start3A_68 = tpu.memref_slice %arg3[%add3A_42, %dma_start3A_67] : memref<2560x125xi32, #tpu.memory_space<hbm>> -> memref<40x125xi32, #tpu.memory_space<hbm>>
      tpu.enqueue_dma source(%dma_start3A_68 : memref<40x125xi32, #tpu.memory_space<hbm>>) target(%arg8 : memref<40x125xi32, #tpu.memory_space<vmem>>) target_semaphore(%run_scoped3A : memref<!tpu.dma_semaphore, #tpu.memory_space<semaphore_mem>>)
      %dma_wait3A_69 = arith.constant 0 : i32
      %dma_wait3A_70 = tpu.memref_slice %arg3[%add3A_42, %dma_wait3A_69] : memref<2560x125xi32, #tpu.memory_space<hbm>> -> memref<40x125xi32, #tpu.memory_space<hbm>>
      %dma_wait3A_71 = arith.constant 0 : i32
      %dma_wait3A_72 = tpu.memref_slice %arg3[%add3A_42, %dma_wait3A_71] : memref<2560x125xi32, #tpu.memory_space<hbm>> -> memref<40x125xi32, #tpu.memory_space<hbm>>
      tpu.wait_dma2 semaphore(%run_scoped3A : memref<!tpu.dma_semaphore, #tpu.memory_space<semaphore_mem>>) src(%dma_wait3A_72 : memref<40x125xi32, #tpu.memory_space<hbm>>) dst(%arg8 : memref<40x125xi32, #tpu.memory_space<vmem>>)
      tpu.yield
    }) : () -> ()
    %dma_start3A_43 = arith.constant 0 : i32
    %dma_start3A_44 = arith.constant 0 : i32
    %dma_start3A_45 = arith.constant 0 : i32
    %dma_start3A_46 = arith.constant 0 : i32
    %dma_start3A_47 = tpu.memref_slice %arg9[%dma_start3A_44, %dma_start3A_45, %dma_start3A_46] : memref<2x125x128xf32, #tpu.memory_space<vmem>> -> memref<1x125x128xf32, #tpu.memory_space<vmem>>
    %dma_start3A_48 = tpu.memref_squeeze %dma_start3A_47 : memref<1x125x128xf32, #tpu.memory_space<vmem>> -> memref<125x128xf32, #tpu.memory_space<vmem>>
    %dma_start3A_49 = arith.constant 0 : i32
    %dma_start3A_50 = tpu.memref_slice %arg7[%dma_start3A_43, %dma_start3A_49] : memref<40x125xi32, #tpu.memory_space<vmem>> -> memref<1x125xi32, #tpu.memory_space<vmem>>
    %dma_start3A_51 = tpu.memref_squeeze %dma_start3A_50 : memref<1x125xi32, #tpu.memory_space<vmem>> -> memref<125xi32, #tpu.memory_space<vmem>>
    %dma_start3A_52 = arith.constant 0 : i32
    %dma_start3A_53 = arith.constant 0 : i32
    %dma_start3A_54 = tpu.memref_slice %arg4[%dma_start3A_52, %dma_start3A_53] : memref<10000x128xf32, #tpu.memory_space<hbm>> -> memref<10000x128xf32, #tpu.memory_space<hbm>>
    tpu.enqueue_indirect_dma source(%dma_start3A_54 : memref<10000x128xf32, #tpu.memory_space<hbm>>) target(%dma_start3A_48 : memref<125x128xf32, #tpu.memory_space<vmem>>) offsets(%dma_start3A_51 : memref<125xi32, #tpu.memory_space<vmem>>) semaphore(%arg11 : memref<!tpu.dma_semaphore, #tpu.memory_space<semaphore_mem>>)
    %scan3A_55 = arith.constant 0 : i32
    %scan3A_56 = arith.constant 20 : i32
    %scan3A_57 = arith.addi %scan3A_55, %scan3A_56 : i32
    %scan3A_58 = arith.constant 1 : i32
    scf.for %scan3A_65 = %scan3A_55 to %scan3A_57 step %scan3A_58  : i32 {
      %mul3A_66 = arith.constant 2 : i32
      %mul3A_67 = arith.muli %mul3A_66, %scan3A_65 : i32
      %add3A_68 = arith.constant 1 : i32
      %add3A_69 = arith.addi %mul3A_67, %add3A_68 : i32
      %dma_start3A_70 = arith.constant 1 : i32
      %dma_start3A_71 = arith.constant 0 : i32
      %dma_start3A_72 = arith.constant 0 : i32
      %dma_start3A_73 = tpu.memref_slice %arg9[%dma_start3A_70, %dma_start3A_71, %dma_start3A_72] : memref<2x125x128xf32, #tpu.memory_space<vmem>> -> memref<1x125x128xf32, #tpu.memory_space<vmem>>
      %dma_start3A_74 = tpu.memref_squeeze %dma_start3A_73 : memref<1x125x128xf32, #tpu.memory_space<vmem>> -> memref<125x128xf32, #tpu.memory_space<vmem>>
      %dma_start3A_75 = arith.constant 0 : i32
      %dma_start3A_76 = tpu.memref_slice %arg7[%add3A_69, %dma_start3A_75] : memref<40x125xi32, #tpu.memory_space<vmem>> -> memref<1x125xi32, #tpu.memory_space<vmem>>
      %dma_start3A_77 = tpu.memref_squeeze %dma_start3A_76 : memref<1x125xi32, #tpu.memory_space<vmem>> -> memref<125xi32, #tpu.memory_space<vmem>>
      %dma_start3A_78 = arith.constant 0 : i32
      %dma_start3A_79 = arith.constant 0 : i32
      %dma_start3A_80 = tpu.memref_slice %arg4[%dma_start3A_78, %dma_start3A_79] : memref<10000x128xf32, #tpu.memory_space<hbm>> -> memref<10000x128xf32, #tpu.memory_space<hbm>>
      tpu.enqueue_indirect_dma source(%dma_start3A_80 : memref<10000x128xf32, #tpu.memory_space<hbm>>) target(%dma_start3A_74 : memref<125x128xf32, #tpu.memory_space<vmem>>) offsets(%dma_start3A_77 : memref<125xi32, #tpu.memory_space<vmem>>) semaphore(%arg12 : memref<!tpu.dma_semaphore, #tpu.memory_space<semaphore_mem>>)
      %dma_wait3A_81 = arith.constant 0 : i32
      %dma_wait3A_82 = arith.constant 0 : i32
      %dma_wait3A_83 = arith.constant 0 : i32
      %dma_wait3A_84 = tpu.memref_slice %arg9[%dma_wait3A_81, %dma_wait3A_82, %dma_wait3A_83] : memref<2x125x128xf32, #tpu.memory_space<vmem>> -> memref<1x125x128xf32, #tpu.memory_space<vmem>>
      %dma_wait3A_85 = tpu.memref_squeeze %dma_wait3A_84 : memref<1x125x128xf32, #tpu.memory_space<vmem>> -> memref<125x128xf32, #tpu.memory_space<vmem>>
      %dma_wait3A_86 = arith.constant 0 : i32
      %dma_wait3A_87 = tpu.memref_slice %arg7[%mul3A_67, %dma_wait3A_86] : memref<40x125xi32, #tpu.memory_space<vmem>> -> memref<1x125xi32, #tpu.memory_space<vmem>>
      %dma_wait3A_88 = tpu.memref_squeeze %dma_wait3A_87 : memref<1x125xi32, #tpu.memory_space<vmem>> -> memref<125xi32, #tpu.memory_space<vmem>>
      %dma_wait3A_89 = arith.constant 0 : i32
      %dma_wait3A_90 = arith.constant 0 : i32
      %dma_wait3A_91 = tpu.memref_slice %arg4[%dma_wait3A_89, %dma_wait3A_90] : memref<10000x128xf32, #tpu.memory_space<hbm>> -> memref<10000x128xf32, #tpu.memory_space<hbm>>
      tpu.wait_indirect_dma semaphore(%arg11 : memref<!tpu.dma_semaphore, #tpu.memory_space<semaphore_mem>>) src(%dma_wait3A_91 : memref<10000x128xf32, #tpu.memory_space<hbm>>) dst(%dma_wait3A_85 : memref<125x128xf32, #tpu.memory_space<vmem>>)
      %run_scoped3A = arith.constant 0 : i32
      "tpu.region"() ({
        %run_scoped3A_108 = tpu.sem_alloc : memref<!tpu.dma_semaphore, #tpu.memory_space<semaphore_mem>>
        %dma_start3A_109 = arith.constant 0 : i32
        %dma_start3A_110 = arith.constant 0 : i32
        %dma_start3A_111 = tpu.memref_slice %arg9[%run_scoped3A, %dma_start3A_109, %dma_start3A_110] : memref<2x125x128xf32, #tpu.memory_space<vmem>> -> memref<1x125x128xf32, #tpu.memory_space<vmem>>
        %dma_start3A_112 = tpu.memref_squeeze %dma_start3A_111 : memref<1x125x128xf32, #tpu.memory_space<vmem>> -> memref<125x128xf32, #tpu.memory_space<vmem>>
        %dma_start3A_113 = arith.constant 0 : i32
        %dma_start3A_114 = tpu.memref_slice %arg8[%mul3A_67, %dma_start3A_113] : memref<40x125xi32, #tpu.memory_space<vmem>> -> memref<1x125xi32, #tpu.memory_space<vmem>>
        %dma_start3A_115 = tpu.memref_squeeze %dma_start3A_114 : memref<1x125xi32, #tpu.memory_space<vmem>> -> memref<125xi32, #tpu.memory_space<vmem>>
        %dma_start3A_116 = arith.constant 0 : i32
        %dma_start3A_117 = arith.constant 0 : i32
        %dma_start3A_118 = tpu.memref_slice %arg10[%dma_start3A_116, %dma_start3A_117] : memref<10240x128xf32, #tpu.memory_space<vmem_shared>> -> memref<10240x128xf32, #tpu.memory_space<vmem_shared>>
        tpu.enqueue_indirect_dma source(%dma_start3A_112 : memref<125x128xf32, #tpu.memory_space<vmem>>) target(%dma_start3A_118 : memref<10240x128xf32, #tpu.memory_space<vmem_shared>>) offsets(%dma_start3A_115 : memref<125xi32, #tpu.memory_space<vmem>>) semaphore(%run_scoped3A_108 : memref<!tpu.dma_semaphore, #tpu.memory_space<semaphore_mem>>) {add = true}
        %dma_wait3A_119 = arith.constant 0 : i32
        %dma_wait3A_120 = arith.constant 0 : i32
        %dma_wait3A_121 = tpu.memref_slice %arg9[%run_scoped3A, %dma_wait3A_119, %dma_wait3A_120] : memref<2x125x128xf32, #tpu.memory_space<vmem>> -> memref<1x125x128xf32, #tpu.memory_space<vmem>>
        %dma_wait3A_122 = tpu.memref_squeeze %dma_wait3A_121 : memref<1x125x128xf32, #tpu.memory_space<vmem>> -> memref<125x128xf32, #tpu.memory_space<vmem>>
        %dma_wait3A_123 = arith.constant 0 : i32
        %dma_wait3A_124 = tpu.memref_slice %arg8[%mul3A_67, %dma_wait3A_123] : memref<40x125xi32, #tpu.memory_space<vmem>> -> memref<1x125xi32, #tpu.memory_space<vmem>>
        %dma_wait3A_125 = tpu.memref_squeeze %dma_wait3A_124 : memref<1x125xi32, #tpu.memory_space<vmem>> -> memref<125xi32, #tpu.memory_space<vmem>>
        %dma_wait3A_126 = arith.constant 0 : i32
        %dma_wait3A_127 = arith.constant 0 : i32
        %dma_wait3A_128 = tpu.memref_slice %arg10[%dma_wait3A_126, %dma_wait3A_127] : memref<10240x128xf32, #tpu.memory_space<vmem_shared>> -> memref<10240x128xf32, #tpu.memory_space<vmem_shared>>
        tpu.wait_indirect_dma semaphore(%run_scoped3A_108 : memref<!tpu.dma_semaphore, #tpu.memory_space<semaphore_mem>>) src(%dma_wait3A_122 : memref<125x128xf32, #tpu.memory_space<vmem>>) dst(%dma_wait3A_128 : memref<10240x128xf32, #tpu.memory_space<vmem_shared>>)
        tpu.yield
      }) : () -> ()
      %add3A_92 = arith.constant 2 : i32
      %add3A_93 = arith.addi %mul3A_67, %add3A_92 : i32
      %lt3A = arith.constant 40 : i32
      %lt3A_94 = arith.cmpi slt, %add3A_93, %lt3A : i32
      %convert_element_type3A = arith.extui %lt3A_94 : i1 to i32
      %cond3A = arith.constant 0 : i32
      %cond3A_95 = arith.cmpi ne, %convert_element_type3A, %cond3A : i32
      scf.if %cond3A_95 {
        %add3A_108 = arith.constant 2 : i32
        %add3A_109 = arith.addi %mul3A_67, %add3A_108 : i32
        %dma_start3A_110 = arith.constant 0 : i32
        %dma_start3A_111 = arith.constant 0 : i32
        %dma_start3A_112 = arith.constant 0 : i32
        %dma_start3A_113 = tpu.memref_slice %arg9[%dma_start3A_110, %dma_start3A_111, %dma_start3A_112] : memref<2x125x128xf32, #tpu.memory_space<vmem>> -> memref<1x125x128xf32, #tpu.memory_space<vmem>>
        %dma_start3A_114 = tpu.memref_squeeze %dma_start3A_113 : memref<1x125x128xf32, #tpu.memory_space<vmem>> -> memref<125x128xf32, #tpu.memory_space<vmem>>
        %dma_start3A_115 = arith.constant 0 : i32
        %dma_start3A_116 = tpu.memref_slice %arg7[%add3A_109, %dma_start3A_115] : memref<40x125xi32, #tpu.memory_space<vmem>> -> memref<1x125xi32, #tpu.memory_space<vmem>>
        %dma_start3A_117 = tpu.memref_squeeze %dma_start3A_116 : memref<1x125xi32, #tpu.memory_space<vmem>> -> memref<125xi32, #tpu.memory_space<vmem>>
        %dma_start3A_118 = arith.constant 0 : i32
        %dma_start3A_119 = arith.constant 0 : i32
        %dma_start3A_120 = tpu.memref_slice %arg4[%dma_start3A_118, %dma_start3A_119] : memref<10000x128xf32, #tpu.memory_space<hbm>> -> memref<10000x128xf32, #tpu.memory_space<hbm>>
        tpu.enqueue_indirect_dma source(%dma_start3A_120 : memref<10000x128xf32, #tpu.memory_space<hbm>>) target(%dma_start3A_114 : memref<125x128xf32, #tpu.memory_space<vmem>>) offsets(%dma_start3A_117 : memref<125xi32, #tpu.memory_space<vmem>>) semaphore(%arg11 : memref<!tpu.dma_semaphore, #tpu.memory_space<semaphore_mem>>)
      } else {
      }
      %dma_wait3A_96 = arith.constant 1 : i32
      %dma_wait3A_97 = arith.constant 0 : i32
      %dma_wait3A_98 = arith.constant 0 : i32
      %dma_wait3A_99 = tpu.memref_slice %arg9[%dma_wait3A_96, %dma_wait3A_97, %dma_wait3A_98] : memref<2x125x128xf32, #tpu.memory_space<vmem>> -> memref<1x125x128xf32, #tpu.memory_space<vmem>>
      %dma_wait3A_100 = tpu.memref_squeeze %dma_wait3A_99 : memref<1x125x128xf32, #tpu.memory_space<vmem>> -> memref<125x128xf32, #tpu.memory_space<vmem>>
      %dma_wait3A_101 = arith.constant 0 : i32
      %dma_wait3A_102 = tpu.memref_slice %arg7[%add3A_69, %dma_wait3A_101] : memref<40x125xi32, #tpu.memory_space<vmem>> -> memref<1x125xi32, #tpu.memory_space<vmem>>
      %dma_wait3A_103 = tpu.memref_squeeze %dma_wait3A_102 : memref<1x125xi32, #tpu.memory_space<vmem>> -> memref<125xi32, #tpu.memory_space<vmem>>
      %dma_wait3A_104 = arith.constant 0 : i32
      %dma_wait3A_105 = arith.constant 0 : i32
      %dma_wait3A_106 = tpu.memref_slice %arg4[%dma_wait3A_104, %dma_wait3A_105] : memref<10000x128xf32, #tpu.memory_space<hbm>> -> memref<10000x128xf32, #tpu.memory_space<hbm>>
      tpu.wait_indirect_dma semaphore(%arg12 : memref<!tpu.dma_semaphore, #tpu.memory_space<semaphore_mem>>) src(%dma_wait3A_106 : memref<10000x128xf32, #tpu.memory_space<hbm>>) dst(%dma_wait3A_100 : memref<125x128xf32, #tpu.memory_space<vmem>>)
      %run_scoped3A_107 = arith.constant 1 : i32
      "tpu.region"() ({
        %run_scoped3A_108 = tpu.sem_alloc : memref<!tpu.dma_semaphore, #tpu.memory_space<semaphore_mem>>
        %dma_start3A_109 = arith.constant 0 : i32
        %dma_start3A_110 = arith.constant 0 : i32
        %dma_start3A_111 = tpu.memref_slice %arg9[%run_scoped3A_107, %dma_start3A_109, %dma_start3A_110] : memref<2x125x128xf32, #tpu.memory_space<vmem>> -> memref<1x125x128xf32, #tpu.memory_space<vmem>>
        %dma_start3A_112 = tpu.memref_squeeze %dma_start3A_111 : memref<1x125x128xf32, #tpu.memory_space<vmem>> -> memref<125x128xf32, #tpu.memory_space<vmem>>
        %dma_start3A_113 = arith.constant 0 : i32
        %dma_start3A_114 = tpu.memref_slice %arg8[%add3A_69, %dma_start3A_113] : memref<40x125xi32, #tpu.memory_space<vmem>> -> memref<1x125xi32, #tpu.memory_space<vmem>>
        %dma_start3A_115 = tpu.memref_squeeze %dma_start3A_114 : memref<1x125xi32, #tpu.memory_space<vmem>> -> memref<125xi32, #tpu.memory_space<vmem>>
        %dma_start3A_116 = arith.constant 0 : i32
        %dma_start3A_117 = arith.constant 0 : i32
        %dma_start3A_118 = tpu.memref_slice %arg10[%dma_start3A_116, %dma_start3A_117] : memref<10240x128xf32, #tpu.memory_space<vmem_shared>> -> memref<10240x128xf32, #tpu.memory_space<vmem_shared>>
        tpu.enqueue_indirect_dma source(%dma_start3A_112 : memref<125x128xf32, #tpu.memory_space<vmem>>) target(%dma_start3A_118 : memref<10240x128xf32, #tpu.memory_space<vmem_shared>>) offsets(%dma_start3A_115 : memref<125xi32, #tpu.memory_space<vmem>>) semaphore(%run_scoped3A_108 : memref<!tpu.dma_semaphore, #tpu.memory_space<semaphore_mem>>) {add = true}
        %dma_wait3A_119 = arith.constant 0 : i32
        %dma_wait3A_120 = arith.constant 0 : i32
        %dma_wait3A_121 = tpu.memref_slice %arg9[%run_scoped3A_107, %dma_wait3A_119, %dma_wait3A_120] : memref<2x125x128xf32, #tpu.memory_space<vmem>> -> memref<1x125x128xf32, #tpu.memory_space<vmem>>
        %dma_wait3A_122 = tpu.memref_squeeze %dma_wait3A_121 : memref<1x125x128xf32, #tpu.memory_space<vmem>> -> memref<125x128xf32, #tpu.memory_space<vmem>>
        %dma_wait3A_123 = arith.constant 0 : i32
        %dma_wait3A_124 = tpu.memref_slice %arg8[%add3A_69, %dma_wait3A_123] : memref<40x125xi32, #tpu.memory_space<vmem>> -> memref<1x125xi32, #tpu.memory_space<vmem>>
        %dma_wait3A_125 = tpu.memref_squeeze %dma_wait3A_124 : memref<1x125xi32, #tpu.memory_space<vmem>> -> memref<125xi32, #tpu.memory_space<vmem>>
        %dma_wait3A_126 = arith.constant 0 : i32
        %dma_wait3A_127 = arith.constant 0 : i32
        %dma_wait3A_128 = tpu.memref_slice %arg10[%dma_wait3A_126, %dma_wait3A_127] : memref<10240x128xf32, #tpu.memory_space<vmem_shared>> -> memref<10240x128xf32, #tpu.memory_space<vmem_shared>>
        tpu.wait_indirect_dma semaphore(%run_scoped3A_108 : memref<!tpu.dma_semaphore, #tpu.memory_space<semaphore_mem>>) src(%dma_wait3A_122 : memref<125x128xf32, #tpu.memory_space<vmem>>) dst(%dma_wait3A_128 : memref<10240x128xf32, #tpu.memory_space<vmem_shared>>)
        tpu.yield
      }) : () -> ()
    }
    %scan3A_59 = arith.constant 20 : i32
    %barrier3A_60 = arith.constant 0 : index
    tpu.barrier barrier_id(%barrier3A_60)
    %mul3A_61 = arith.constant 640 : i32
    %mul3A_62 = arith.muli %arg1, %mul3A_61 : i32
    %mul3A_63 = arith.constant 640 : i32
    %mul3A_64 = arith.muli %arg1, %mul3A_63 : i32
    "tpu.region"() ({
      %run_scoped3A = tpu.sem_alloc : memref<!tpu.dma_semaphore, #tpu.memory_space<semaphore_mem>>
      %dma_start3A_65 = arith.constant 0 : i32
      %dma_start3A_66 = tpu.memref_slice %arg6[%arg0, %mul3A_64, %dma_start3A_65] : memref<2x10240x128xf32, #tpu.memory_space<hbm>> -> memref<1x640x128xf32, #tpu.memory_space<hbm>>
      %dma_start3A_67 = tpu.memref_squeeze %dma_start3A_66 : memref<1x640x128xf32, #tpu.memory_space<hbm>> -> memref<640x128xf32, #tpu.memory_space<hbm>>
      %dma_start3A_68 = arith.constant 0 : i32
      %dma_start3A_69 = tpu.memref_slice %arg10[%mul3A_62, %dma_start3A_68] : memref<10240x128xf32, #tpu.memory_space<vmem_shared>> -> memref<640x128xf32, #tpu.memory_space<vmem_shared>>
      tpu.enqueue_dma source(%dma_start3A_69 : memref<640x128xf32, #tpu.memory_space<vmem_shared>>) target(%dma_start3A_67 : memref<640x128xf32, #tpu.memory_space<hbm>>) target_semaphore(%run_scoped3A : memref<!tpu.dma_semaphore, #tpu.memory_space<semaphore_mem>>)
      %dma_wait3A_70 = arith.constant 0 : i32
      %dma_wait3A_71 = tpu.memref_slice %arg6[%arg0, %mul3A_64, %dma_wait3A_70] : memref<2x10240x128xf32, #tpu.memory_space<hbm>> -> memref<1x640x128xf32, #tpu.memory_space<hbm>>
      %dma_wait3A_72 = tpu.memref_squeeze %dma_wait3A_71 : memref<1x640x128xf32, #tpu.memory_space<hbm>> -> memref<640x128xf32, #tpu.memory_space<hbm>>
      %dma_wait3A_73 = arith.constant 0 : i32
      %dma_wait3A_74 = tpu.memref_slice %arg10[%mul3A_62, %dma_wait3A_73] : memref<10240x128xf32, #tpu.memory_space<vmem_shared>> -> memref<640x128xf32, #tpu.memory_space<vmem_shared>>
      tpu.wait_dma2 semaphore(%run_scoped3A : memref<!tpu.dma_semaphore, #tpu.memory_space<semaphore_mem>>) src(%dma_wait3A_74 : memref<640x128xf32, #tpu.memory_space<vmem_shared>>) dst(%dma_wait3A_72 : memref<640x128xf32, #tpu.memory_space<hbm>>)
      tpu.yield
    }) : () -> ()
    return
  }
}

module attributes {stable_mosaic.version = 14 : i64} {
  func.func @_mlp_body(%arg0: memref<10000x128xf32, #tpu.memory_space<vmem>>, %arg1: memref<2x10240x128xf32, #tpu.memory_space<vmem>>, %arg2: memref<128x128xf32, #tpu.memory_space<vmem>>, %arg3: memref<128xf32, #tpu.memory_space<vmem>>, %arg4: memref<128x128xf32, #tpu.memory_space<vmem>>, %arg5: memref<128xf32, #tpu.memory_space<vmem>>, %arg6: memref<128xf32, #tpu.memory_space<vmem>>, %arg7: memref<128xf32, #tpu.memory_space<vmem>>, %arg8: memref<10000x128xf32, #tpu.memory_space<vmem>>) attributes {dimension_semantics = [], scalar_prefetch = 0 : i64, scratch_operands = 0 : i64, tpu.core_type = #tpu.core_type<tc>} {
    %get3A = arith.constant 0 : index
    %get3A_0 = arith.constant 0 : index
    %get3A_1 = vector.load %arg0[%get3A, %get3A_0] : memref<10000x128xf32, #tpu.memory_space<vmem>>, vector<10000x128xf32>
    %get3A_2 = arith.constant 0 : index
    %get3A_3 = arith.constant 0 : index
    %get3A_4 = arith.constant 0 : index
    %get3A_5 = vector.load %arg1[%get3A_2, %get3A_3, %get3A_4] : memref<2x10240x128xf32, #tpu.memory_space<vmem>>, vector<1x10000x128xf32>
    %get3A_6 = vector.shape_cast %get3A_5 : vector<1x10000x128xf32> to vector<10000x128xf32>
    %add3A = arith.addf %get3A_1, %get3A_6 : vector<10000x128xf32>
    %get3A_7 = arith.constant 1 : index
    %get3A_8 = arith.constant 0 : index
    %get3A_9 = arith.constant 0 : index
    %get3A_10 = vector.load %arg1[%get3A_7, %get3A_8, %get3A_9] : memref<2x10240x128xf32, #tpu.memory_space<vmem>>, vector<1x10000x128xf32>
    %get3A_11 = vector.shape_cast %get3A_10 : vector<1x10000x128xf32> to vector<10000x128xf32>
    %add3A_12 = arith.addf %add3A, %get3A_11 : vector<10000x128xf32>
    %get3A_13 = arith.constant 0 : index
    %get3A_14 = arith.constant 0 : index
    %get3A_15 = vector.load %arg2[%get3A_13, %get3A_14] : memref<128x128xf32, #tpu.memory_space<vmem>>, vector<128x128xf32>
    %dot_general3A = arith.constant dense<0.000000e+00> : vector<10000x128xf32>
    %dot_general3A_16 = tpu.matmul %add3A_12, %get3A_15, %dot_general3A {dimension_numbers = #tpu.dot_dimension_numbers<[1], [0], [0], [1], [0, 0, 1, 1], [], []>, transpose_lhs_hint = false} : vector<10000x128xf32>, vector<128x128xf32>, vector<10000x128xf32> -> vector<10000x128xf32>
    %get3A_17 = arith.constant 0 : index
    %get3A_18 = vector.load %arg3[%get3A_17] : memref<128xf32, #tpu.memory_space<vmem>>, vector<128xf32>
    %broadcast_in_dim3A = vector.shape_cast %get3A_18 : vector<128xf32> to vector<1x128xf32>
    %add3A_19 = vector.broadcast %broadcast_in_dim3A : vector<1x128xf32> to vector<10000x128xf32>
    %add3A_20 = arith.addf %dot_general3A_16, %add3A_19 : vector<10000x128xf32>
    %max3A = arith.constant 0.000000e+00 : f32
    %max3A_21 = vector.broadcast %max3A : f32 to vector<10000x128xf32>
    %max3A_22 = arith.maximumf %add3A_20, %max3A_21 : vector<10000x128xf32>
    %get3A_23 = arith.constant 0 : index
    %get3A_24 = arith.constant 0 : index
    %get3A_25 = vector.load %arg4[%get3A_23, %get3A_24] : memref<128x128xf32, #tpu.memory_space<vmem>>, vector<128x128xf32>
    %dot_general3A_26 = arith.constant dense<0.000000e+00> : vector<10000x128xf32>
    %dot_general3A_27 = tpu.matmul %max3A_22, %get3A_25, %dot_general3A_26 {dimension_numbers = #tpu.dot_dimension_numbers<[1], [0], [0], [1], [0, 0, 1, 1], [], []>, transpose_lhs_hint = false} : vector<10000x128xf32>, vector<128x128xf32>, vector<10000x128xf32> -> vector<10000x128xf32>
    %get3A_28 = arith.constant 0 : index
    %get3A_29 = vector.load %arg5[%get3A_28] : memref<128xf32, #tpu.memory_space<vmem>>, vector<128xf32>
    %broadcast_in_dim3A_30 = vector.shape_cast %get3A_29 : vector<128xf32> to vector<1x128xf32>
    %add3A_31 = vector.broadcast %broadcast_in_dim3A_30 : vector<1x128xf32> to vector<10000x128xf32>
    %add3A_32 = arith.addf %dot_general3A_27, %add3A_31 : vector<10000x128xf32>
    %max3A_33 = arith.constant 0.000000e+00 : f32
    %max3A_34 = vector.broadcast %max3A_33 : f32 to vector<10000x128xf32>
    %max3A_35 = arith.maximumf %add3A_32, %max3A_34 : vector<10000x128xf32>
    %reduce_sum3A = arith.constant dense<0.000000e+00> : vector<128xf32>
    %reduce_sum3A_36 = vector.multi_reduction <add>, %max3A_35, %reduce_sum3A [0] : vector<10000x128xf32> to vector<128xf32>
    %broadcast_in_dim3A_37 = vector.shape_cast %reduce_sum3A_36 : vector<128xf32> to vector<1x128xf32>
    %div3A = arith.constant 1.000000e+04 : f32
    %div3A_38 = vector.broadcast %div3A : f32 to vector<1x128xf32>
    %div3A_39 = arith.divf %broadcast_in_dim3A_37, %div3A_38 : vector<1x128xf32>
    %sub3A = vector.broadcast %div3A_39 : vector<1x128xf32> to vector<10000x128xf32>
    %sub3A_40 = arith.subf %max3A_35, %sub3A : vector<10000x128xf32>
    %integer_pow3A = arith.mulf %sub3A_40, %sub3A_40 : vector<10000x128xf32>
    %reduce_sum3A_41 = arith.constant dense<0.000000e+00> : vector<128xf32>
    %reduce_sum3A_42 = vector.multi_reduction <add>, %integer_pow3A, %reduce_sum3A_41 [0] : vector<10000x128xf32> to vector<128xf32>
    %broadcast_in_dim3A_43 = vector.shape_cast %reduce_sum3A_42 : vector<128xf32> to vector<1x128xf32>
    %div3A_44 = arith.constant 1.000000e+04 : f32
    %div3A_45 = vector.broadcast %div3A_44 : f32 to vector<1x128xf32>
    %div3A_46 = arith.divf %broadcast_in_dim3A_43, %div3A_45 : vector<1x128xf32>
    %sub3A_47 = vector.broadcast %div3A_39 : vector<1x128xf32> to vector<10000x128xf32>
    %sub3A_48 = arith.subf %max3A_35, %sub3A_47 : vector<10000x128xf32>
    %add3A_49 = arith.constant 9.99999974E-6 : f32
    %add3A_50 = vector.broadcast %add3A_49 : f32 to vector<1x128xf32>
    %add3A_51 = arith.addf %div3A_46, %add3A_50 : vector<1x128xf32>
    %sqrt3A = math.sqrt %add3A_51 : vector<1x128xf32>
    %div3A_52 = vector.broadcast %sqrt3A : vector<1x128xf32> to vector<10000x128xf32>
    %div3A_53 = arith.divf %sub3A_48, %div3A_52 : vector<10000x128xf32>
    %get3A_54 = arith.constant 0 : index
    %get3A_55 = vector.load %arg6[%get3A_54] : memref<128xf32, #tpu.memory_space<vmem>>, vector<128xf32>
    %broadcast_in_dim3A_56 = vector.shape_cast %get3A_55 : vector<128xf32> to vector<1x128xf32>
    %mul3A = vector.broadcast %broadcast_in_dim3A_56 : vector<1x128xf32> to vector<10000x128xf32>
    %mul3A_57 = arith.mulf %div3A_53, %mul3A : vector<10000x128xf32>
    %get3A_58 = arith.constant 0 : index
    %get3A_59 = vector.load %arg7[%get3A_58] : memref<128xf32, #tpu.memory_space<vmem>>, vector<128xf32>
    %broadcast_in_dim3A_60 = vector.shape_cast %get3A_59 : vector<128xf32> to vector<1x128xf32>
    %add3A_61 = vector.broadcast %broadcast_in_dim3A_60 : vector<1x128xf32> to vector<10000x128xf32>
    %add3A_62 = arith.addf %mul3A_57, %add3A_61 : vector<10000x128xf32>
    %swap3A = arith.constant 0 : index
    %swap3A_63 = arith.constant 0 : index
    %swap3A_64 = vector.load %arg8[%swap3A, %swap3A_63] : memref<10000x128xf32, #tpu.memory_space<vmem>>, vector<10000x128xf32>
    tpu.vector_store %arg8[%swap3A, %swap3A_63], %add3A_62 {strides = array<i32>} : memref<10000x128xf32, #tpu.memory_space<vmem>>, vector<10000x128xf32>,
    return
  }
}

module attributes {stable_mosaic.version = 14 : i64} {
  func.func @_mlp_body(%arg0: memref<10000x128xf32, #tpu.memory_space<vmem>>, %arg1: memref<2x10240x128xf32, #tpu.memory_space<vmem>>, %arg2: memref<128x128xf32, #tpu.memory_space<vmem>>, %arg3: memref<128xf32, #tpu.memory_space<vmem>>, %arg4: memref<128x128xf32, #tpu.memory_space<vmem>>, %arg5: memref<128xf32, #tpu.memory_space<vmem>>, %arg6: memref<128xf32, #tpu.memory_space<vmem>>, %arg7: memref<128xf32, #tpu.memory_space<vmem>>, %arg8: memref<10000x128xf32, #tpu.memory_space<vmem>>) attributes {dimension_semantics = [], scalar_prefetch = 0 : i64, scratch_operands = 0 : i64, tpu.core_type = #tpu.core_type<tc>} {
    %get3A = arith.constant 0 : index
    %get3A_0 = arith.constant 0 : index
    %get3A_1 = vector.load %arg0[%get3A, %get3A_0] : memref<10000x128xf32, #tpu.memory_space<vmem>>, vector<10000x128xf32>
    %get3A_2 = arith.constant 0 : index
    %get3A_3 = arith.constant 0 : index
    %get3A_4 = arith.constant 0 : index
    %get3A_5 = vector.load %arg1[%get3A_2, %get3A_3, %get3A_4] : memref<2x10240x128xf32, #tpu.memory_space<vmem>>, vector<1x10000x128xf32>
    %get3A_6 = vector.shape_cast %get3A_5 : vector<1x10000x128xf32> to vector<10000x128xf32>
    %add3A = arith.addf %get3A_1, %get3A_6 : vector<10000x128xf32>
    %get3A_7 = arith.constant 1 : index
    %get3A_8 = arith.constant 0 : index
    %get3A_9 = arith.constant 0 : index
    %get3A_10 = vector.load %arg1[%get3A_7, %get3A_8, %get3A_9] : memref<2x10240x128xf32, #tpu.memory_space<vmem>>, vector<1x10000x128xf32>
    %get3A_11 = vector.shape_cast %get3A_10 : vector<1x10000x128xf32> to vector<10000x128xf32>
    %add3A_12 = arith.addf %add3A, %get3A_11 : vector<10000x128xf32>
    %get3A_13 = arith.constant 0 : index
    %get3A_14 = arith.constant 0 : index
    %get3A_15 = vector.load %arg2[%get3A_13, %get3A_14] : memref<128x128xf32, #tpu.memory_space<vmem>>, vector<128x128xf32>
    %dot_general3A = arith.constant dense<0.000000e+00> : vector<10000x128xf32>
    %dot_general3A_16 = tpu.matmul %add3A_12, %get3A_15, %dot_general3A {dimension_numbers = #tpu.dot_dimension_numbers<[1], [0], [0], [1], [0, 0, 1, 1], [], []>, transpose_lhs_hint = false} : vector<10000x128xf32>, vector<128x128xf32>, vector<10000x128xf32> -> vector<10000x128xf32>
    %get3A_17 = arith.constant 0 : index
    %get3A_18 = vector.load %arg3[%get3A_17] : memref<128xf32, #tpu.memory_space<vmem>>, vector<128xf32>
    %broadcast_in_dim3A = vector.shape_cast %get3A_18 : vector<128xf32> to vector<1x128xf32>
    %add3A_19 = vector.broadcast %broadcast_in_dim3A : vector<1x128xf32> to vector<10000x128xf32>
    %add3A_20 = arith.addf %dot_general3A_16, %add3A_19 : vector<10000x128xf32>
    %max3A = arith.constant 0.000000e+00 : f32
    %max3A_21 = vector.broadcast %max3A : f32 to vector<10000x128xf32>
    %max3A_22 = arith.maximumf %add3A_20, %max3A_21 : vector<10000x128xf32>
    %get3A_23 = arith.constant 0 : index
    %get3A_24 = arith.constant 0 : index
    %get3A_25 = vector.load %arg4[%get3A_23, %get3A_24] : memref<128x128xf32, #tpu.memory_space<vmem>>, vector<128x128xf32>
    %dot_general3A_26 = arith.constant dense<0.000000e+00> : vector<10000x128xf32>
    %dot_general3A_27 = tpu.matmul %max3A_22, %get3A_25, %dot_general3A_26 {dimension_numbers = #tpu.dot_dimension_numbers<[1], [0], [0], [1], [0, 0, 1, 1], [], []>, transpose_lhs_hint = false} : vector<10000x128xf32>, vector<128x128xf32>, vector<10000x128xf32> -> vector<10000x128xf32>
    %get3A_28 = arith.constant 0 : index
    %get3A_29 = vector.load %arg5[%get3A_28] : memref<128xf32, #tpu.memory_space<vmem>>, vector<128xf32>
    %broadcast_in_dim3A_30 = vector.shape_cast %get3A_29 : vector<128xf32> to vector<1x128xf32>
    %add3A_31 = vector.broadcast %broadcast_in_dim3A_30 : vector<1x128xf32> to vector<10000x128xf32>
    %add3A_32 = arith.addf %dot_general3A_27, %add3A_31 : vector<10000x128xf32>
    %max3A_33 = arith.constant 0.000000e+00 : f32
    %max3A_34 = vector.broadcast %max3A_33 : f32 to vector<10000x128xf32>
    %max3A_35 = arith.maximumf %add3A_32, %max3A_34 : vector<10000x128xf32>
    %swap3A = arith.constant 0 : index
    %swap3A_36 = arith.constant 0 : index
    %swap3A_37 = vector.load %arg8[%swap3A, %swap3A_36] : memref<10000x128xf32, #tpu.memory_space<vmem>>, vector<10000x128xf32>
    tpu.vector_store %arg8[%swap3A, %swap3A_36], %max3A_35 {strides = array<i32>} : memref<10000x128xf32, #tpu.memory_space<vmem>>, vector<10000x128xf32>,
    return
  }
}

</mosaic_0001>

<sc_bundles>
// kernel: kernel.12.cloned.1.call-start
scs
__scs_entry_jumppad:
0x0: {  	(pc) =	sbr.rel $0x88, $3  }
0x1: {  	(tag) =	ssettag $0x0;
	lr =	simm.s32 $0x1  }
0x2: {  	[smem:$0x3F99] =	sst lr;
	_ =	strace $0xD0000000  }
0x3: {  	_ = 	snop  }
0x4: {  	_ = 	snop  }
0x5: {  	_ = 	snop  }
0x6: {  	_ = 	snop  }
0x7: {  	_ = 	snop  }
__scs_overlays_trampoline_lowered:
0x8: {  	[smem:$0x3FA8] =	sst s0  }
0x9: {  	[smem:$0x3FA9] =	sst s1  }
0xa: {  	[smem:$0x3FAA] =	sst s2  }
0xb: {  	[smem:$0x3FAB] =	sst s3  }
0xc: {  	[smem:$0x3FAC] =	sst s4  }
0xd: {  	[smem:$0x3FAD] =	sst s5  }
0xe: {  	[smem:$0x3FAE] =	sst s6  }
0xf: {  	[smem:$0x3FAF] =	sst s7  }
0x10: {  	[smem:$0x3FB0] =	sst s8  }
0x11: {  	[smem:$0x3FB1] =	sst s9;
	s0 =	simm.s32 @!p0 $0x0  }
0x12: {  	s1 =	sld [smem:$0x3F97];
	s0 =	simm.s32 @p0 $0x1  }
0x13: {  	[smem:$0x3FB2] =	sst s0;
	s0 =	simm.s32 @!p1 $0x0  }
0x14: {  	s2 =	sld [smem:$0x3F96];
	s0 =	simm.s32 @p1 $0x1  }
0x15: {  	[smem:$0x3FB3] =	sst s0;
	s0 =	simm.s32 @!p2 $0x0  }
0x16: {  	s3 =	sld [smem:$0x3FDB];
	s0 =	simm.s32 @p2 $0x1  }
0x17: {  	s4 =	simm.s32 $0x1BF5;
	[smem:$0x3FB5] =	sst s0  }
0x18: {  	s0 =	sld [smem:$0x3F98];
	_ =	swait.ge [sflag:s4], $0x0  }
0x19: {  	s7 =	sld [smem:$0x3F99]  }
0x1a: {  	s8 =	sadd.s32 $0xFFFFE003, lr  }
0x1b: {  	s9 =	sadd.s32 $0xFFFFFEF7, lr;
	s5 =	simm.s32 $0xFFFFFFFF;
	p2 =	slt.u32 s8, $0xFFFFF086  }
0x1c: {  	p1 =	slt.u32 s9, $0xF7A;
	s5 =	simm.s32 @!p2 $0x0  }
0x1d: {  	s5 =	simm.s32 @p1 $0x1;
	p0 =	seq.s32 s7, s2  }
0x1e: {  	s7 =	smul.u32 @!p0 $0xF7A, s2;
	p2 =	seq.s32 @!p0 s5, $0x0  }
0x1f: {  	s9 =	smul.u32 $0xF7A, s1;
	s8 =	simm.s32 @!p0 $0x1BF5;
	p2 =	por !p2, p0  }
0x20: {  	[sflag:s8] =	ssyncset.s32 @!p0 $0xFFFFF086;
	s6 =	sadd.s32 @!p0 s3, s7;
	s7 =	simm.s32 @!p0 $0x108  }
0x21: {  	s3 =	sadd.s32 s3, s9;
	s6 =	sadd.s32 @!p0 $0x88, s6;
	s7 =	simm.s32 @p2 $0x1082  }
0x22: {  	[simem:s7], [sflag:s8] =	dma.local @!p0 [hbm:s6], $0xF7A  }
0x23: {  	s9 =	sor.u32 $0xD0000000, s2;
	s6 =	simm.s32 $0x108;
	_ =	swait.ge @!p0 [sflag:s8], $0x0  }
0x24: {  	s3 =	sadd.s32 $0x88, s3;
	s6 =	simm.s32 @!p1 $0x1082;
	[sflag:s4] =	ssyncset.s32 $0xFFFFF086  }
0x25: {  	[simem:s6], [sflag:s4] =	dma.local [hbm:s3], $0xF7A  }
0x26: {  	[smem:$0x3F99] =	sst s1;
	(tag) =	ssettag s2;
	_ =	strace s9  }
0x27: {  	s1 =	sld [smem:$0x3FA9]  }
0x28: {  	s2 =	sld [smem:$0x3FAA]  }
0x29: {  	s4 =	sld [smem:$0x3FAC]  }
0x2a: {  	p0 =	seq.s32 s5, $0x0;
	s5 =	sld [smem:$0x3FAD]  }
0x2b: {  	s6 =	sld [smem:$0x3FAE]  }
0x2c: {  	s7 =	sld [smem:$0x3FAF]  }
0x2d: {  	s3 =	simm.s32 $0x108;
	s8 =	sld [smem:$0x3FB0]  }
0x2e: {  	s3 =	simm.s32 @!p0 $0x1082;
	s9 =	sld [smem:$0x3FB1]  }
0x2f: {  	lr =	sadd.s32 s0, s3;
	s0 =	sld [smem:$0x3FA8]  }
0x30: {  	s3 =	sld [smem:$0x3FAB]  }
0x31: {  	[smem:$0x3FB4] =	sst s10  }
0x32: {  	s10 =	sld [smem:$0x3FB2];
	_ =	sdelay $0x3  }
0x33: {  	p0 =	seq.s32 s10, $0x1;
	s10 =	sld [smem:$0x3FB4];
	_ =	sdelay $0x3  }
0x34: {  	[smem:$0x3FB4] =	sst s10  }
0x35: {  	s10 =	sld [smem:$0x3FB3];
	_ =	sdelay $0x3  }
0x36: {  	p1 =	seq.s32 s10, $0x1;
	s10 =	sld [smem:$0x3FB4];
	_ =	sdelay $0x3  }
0x37: {  	[smem:$0x3FB4] =	sst s10  }
0x38: {  	s10 =	sld [smem:$0x3FB5]  }
0x39: {  	_ = 	snop;
	(pc) =	sbr.ind lr, $3  }
0x3a: {  	_ = 	snop  }
0x3b: {  	_ = 	snop  }
0x3c: {  	p2 =	seq.s32 s10, $0x1;
	s10 =	sld [smem:$0x3FB4]  }
0x3d: {  	_ =	shalt  }
0x3e: {  	_ =	shalt  }
0x3f: {  	_ =	shalt  }
0x40: {  	_ =	shalt  }
0x41: {  	_ =	shalt  }
0x42: {  	_ =	shalt  }
0x43: {  	_ =	shalt  }
0x44: {  	_ =	shalt  }
0x45: {  	_ =	shalt  }
0x46: {  	_ =	shalt  }
0x47: {  	_ =	shalt  }
0x48: {  	_ =	shalt  }
0x49: {  	_ =	shalt  }
0x4a: {  	_ =	shalt  }
0x4b: {  	_ =	shalt  }
0x4c: {  	_ =	shalt  }
0x4d: {  	_ =	shalt  }
0x4e: {  	_ =	shalt  }
0x4f: {  	_ =	shalt  }
0x50: {  	_ =	shalt  }
0x51: {  	_ =	shalt  }
0x52: {  	_ =	shalt  }
0x53: {  	_ =	shalt  }
0x54: {  	_ =	shalt  }
0x55: {  	_ =	shalt  }
0x56: {  	_ =	shalt  }
0x57: {  	_ =	shalt  }
0x58: {  	_ =	shalt  }
0x59: {  	_ =	shalt  }
0x5a: {  	_ =	shalt  }
0x5b: {  	_ =	shalt  }
0x5c: {  	_ =	shalt  }
0x5d: {  	_ =	shalt  }
0x5e: {  	_ =	shalt  }
0x5f: {  	_ =	shalt  }
0x60: {  	_ =	shalt  }
0x61: {  	_ =	shalt  }
0x62: {  	_ =	shalt  }
0x63: {  	_ =	shalt  }
0x64: {  	_ =	shalt  }
0x65: {  	_ =	shalt  }
0x66: {  	_ =	shalt  }
0x67: {  	_ =	shalt  }
0x68: {  	_ =	shalt  }
0x69: {  	_ =	shalt  }
0x6a: {  	_ =	shalt  }
0x6b: {  	_ =	shalt  }
0x6c: {  	_ =	shalt  }
0x6d: {  	_ =	shalt  }
0x6e: {  	_ =	shalt  }
0x6f: {  	_ =	shalt  }
0x70: {  	_ =	shalt  }
0x71: {  	_ =	shalt  }
0x72: {  	_ =	shalt  }
0x73: {  	_ =	shalt  }
0x74: {  	_ =	shalt  }
0x75: {  	_ =	shalt  }
0x76: {  	_ =	shalt  }
0x77: {  	_ =	shalt  }
0x78: {  	_ =	shalt  }
0x79: {  	_ =	shalt  }
0x7a: {  	_ =	shalt  }
0x7b: {  	_ =	shalt  }
0x7c: {  	_ =	shalt  }
0x7d: {  	_ =	shalt  }
0x7e: {  	_ =	shalt  }
0x7f: {  	_ =	shalt  }
0x80: {  	_ =	shalt  }
0x81: {  	_ =	shalt  }
0x82: {  	_ =	shalt  }
0x83: {  	_ =	shalt  }
0x84: {  	_ =	shalt  }
0x85: {  	_ =	shalt  }
0x86: {  	_ =	shalt  }
0x87: {  	_ =	shalt  }
.Lfunc_end0:
.L_simem_size_0:
called_computation_lowered:
.L_overlay_start_0:
0x88: {  	s2 =	sld [smem:$0x3FD9]  }
0x89: {  	s3 =	sld [smem:$0x3FFE];
	_ =	sdelay $0x1  }
0x8a: {  	s1 =	srdreg.scid  }
0x8b: {  	s0 =	sand.u32 $0x1, s1  }
0x8c: {  	s17 =	sshll.u32 s0, $0xA;
	s2 =	sadd.s32 s3, s2  }
0x8d: {  	s2 =	sadd.s32 s2, s17  }
0x8e: {  	[smem:$0x3FC0] =	sst s2  }
0x8f: {  	_ = 	snop  }
0x90: {  	s2 =	sld [smem:$0x3FC9];
	(tm) =	ssettm $0x1  }
0x91: {  	s18 =	sld [smem:$0x3FFB];
	_ =	sdelay $0x3  }
0x92: {  	_ =	strace s18  }
0x93: {  	s3 =	sld [smem:$0x3FFC];
	_ =	sdelay $0x3  }
0x94: {  	_ =	strace s3  }
0x95: {  	s3 =	sld [smem:$0x3FFD];
	_ =	sdelay $0x3  }
0x96: {  	_ =	strace s3  }
0x97: {  	_ =	strace $0x8FFFFFFF  }
0x98: {  	s19 =	sld [smem:$0x3FDB];
	_ =	sdelay $0x1  }
0x99: {  	s4 =	simm.s32 $_scs_section_size  }
0x9a: {  	s5 =	simm.s32 $_size__tile_overlayer_lowered;
	s6 =	simm.s32 $_tile_overlayer_lowered  }
0x9b: {  	s22 =	simm.s32 $0x1BFF;
	s21 =	sshll.u32 s6, $0x1;
	s3 =	sadd.s32 s4, s19  }
0x9c: {  	s7 =	simm.s32 $0x0;
	s20 =	sshll.u32 s5, $0x1;
	s5 =	sadd.s32 s21, s3  }
0x9d: {  	[timem:s7], [sflag:s22] =	dma.local [hbm:s5], s20  }
0x9e: {  	_ =	swait.ge [sflag:s22], s20  }
0x9f: {  	s4 =	ssub.s32 $0x0, s20;
	[sflag:s22] =	ssyncset.done $0x0  }
0xa0: {  	[sflag:s22] =	ssyncadd.s32 s4;
	_ =	sdelay $0x1  }
0xa1: {  	s23 =	simm.s32 $0x1B8B  }
0xa2: {  	_ =	swait.ge [sflag:s23], $0x1  }
0xa3: {  	[sflag:s23] =	ssyncset.done $0x0  }
0xa4: {  	s25 =	simm.s32 $0x1B8E;
	s24 =	sld [smem:$0x3FFE];
	[sflag:s23] =	ssyncadd.s32 $0xFFFFFFFF  }
0xa5: {  	s26 =	simm.s32 $execute0_lowered;
	[smem:$0x3FD2] =	sst s25  }
0xa6: {  	s5 =	sshll.u32 s26, $0x1;
	_ =	strace $0x80000046;
	[dreg:$0x1] =	wrdreg $0xFFFFFFFF  }
0xa7: {  	s28 =	simm.s32 $_size_execute0_lowered;
	s3 =	sadd.s32 s3, s5;
	[dreg:$0x0] =	wrdreg $0x0  }
0xa8: {  	s5 =	sshll.u32 s28, $0x1;
	[dreg:$0x2] =	wrdreg s3  }
0xa9: {  	[dreg:$0x3] =	wrdreg s5  }
0xaa: {  	[dreg:$0x4] =	wrdreg $0xC0  }
0xab: {  	_ =	task [dreg:s7], $0x5FFFF  }
0xac: {  	[dreg:$0x1] =	wrdreg $0xFFFFFFFF  }
0xad: {  	[dreg:$0x0] =	wrdreg $0x60  }
0xae: {  	[dreg:$0x2] =	wrdreg s24  }
0xaf: {  	[dreg:$0x3] =	wrdreg s2  }
0xb0: {  	[dreg:$0x4] =	wrdreg $0xA8000  }
0xb1: {  	[dreg:$0x5] =	wrdreg $0x9  }
0xb2: {  	_ =	task.clear_ibuf [dreg:s7], $0x6FFFF;
	_ =	strace $0x90000046  }
0xb3: {  	s29 =	simm.s32 $0x9;
	_ =	strace $0x80000048  }
0xb4: {  	_ =	swait.ge [sflag:s29], $0x1  }
0xb5: {  	[sflag:s29] =	ssyncadd.s32 $0xFFFFFFFF  }
0xb6: {  	_ =	strace $0x90000048  }
0xb7: {  	_ =	sfence  }
0xb8: {  	s30 =	sld [smem:$0x0];
	_ =	sdelay $0x2  }
0xb9: {  	s31 =	sshll.u32 s1, $0xD;
	s1 =	sshrl.u32 s1, $0x2  }
0xba: {  	s3 =	sand.u32 $0x4000, s31;
	s1 =	sadd.s32 s1, s30  }
0xbb: {  	s0 =	sor.u32 s3, s0;
	s1 =	sshll.u32 s1, $0x11  }
0xbc: {  	s0 =	sor.u32 s1, s0  }
0xbd: {  	s0 =	sadd.s32 $0x8F2B, s0  }
0xbe: {  	[sflag:s0] =	ssyncadd.remote.s32 $0x1  }
0xbf: {  	_ =	sfence.sel $0xFFFF  }
0xc0: {  	[dreg:$0x0] =	wrdreg $0xFFFFFFFF;
	(pc) =	sbr.abs _section_cstart, $3  }
0xc1: {  	[dreg:$0x1] =	wrdreg $0xFFFFFFFF  }
0xc2: {  	_ =	task.clear_ibuf [dreg:s7], $0x2FFFF;
	_ =	strace $0x9FFFFFFF  }
0xc3: {  	(tm) =	ssettm $0x7FFFFFFF  }
tec
execute0_lowered:
.L_overlay_start_1:
0x0: {  	(tag) =	ssettag $0x1  }
0x1: {  	s6 =	rddreg [dreg:$0x0]  }
0x2: {  	s1 =	rddreg [dreg:$0x1]  }
0x3: {  	s2 =	rddreg [dreg:$0x2]  }
0x4: {  	s3 =	srdreg.scid;
	s0 =	rddreg [dreg:$0x3]  }
0x5: {  	s4 =	simm.s32 $0x0;
	s16 =	simm.s32 $0x1;
	s17 =	simm.s32 $0x2  }
0x6: {  	s18 =	simm.s32 $0x7D;
	s19 =	simm.s32 $0x2800;
	s20 =	simm.s32 $0x6800  }
0x7: {  	s21 =	simm.s32 $0x3;
	s22 =	simm.s32 $0x1380;
	s23 =	simm.s32 $0x2700  }
0x8: {  	s24 =	simm.s32 $0x2780;
	s25 =	simm.s32 $0x0;
	s7 =	sand.u32 $0x1, s3  }
0x9: {  	s3 =	stileid.u32;
	[smem:$0x7FF] =	sst s4;
	s10 =	sadd.s32 $0xE000, s6  }
0xa: {  	s11 =	sadd.s32 $0x4000, s6;
	s5 =	sadd.s32 $0x18000, s6;
	s8 =	smul.u32 $0x140000, s7  }
0xb: {  	s9 =	smul.u32 $0x14000, s3;
	s26 =	sshll.u32 s7, $0x4;
	s7 =	ssub.s32 $0x2, s7  }
0xc: {  	_ =	strace $0x80000047;
	s12 =	smul.u32 $0x50000, s3;
	s13 =	sshrl.u32 s7, $0x1  }
0xd: {  	s8 =	sadd.s32 s9, s8;
	s9 =	sor.u32 s3, s26;
	s13 =	ssub.s32 s7, s13  }
0xe: {  	s28 =	sshrl.u32 s12, $0x2;
	s8 =	sshrl.u32 s8, $0x3;
	s14 =	smul.u32 $0x2800, s9  }
0xf: {  	s9 =	smul.u32 $0x500, s9;
	s30 =	sadd.s32 s28, s2;
	s13 =	smax.u32 s13, $0x1  }
0x10: {  	s15 =	sadd.s32 s8, s6;
	s6 =	sshll.u32 s3, $0x6;
	s29 =	sshrl.u32 s14, $0x3  }
0x11: {  	s7 =	sor.u32 $0x1C01, s6;
	s8 =	sadd.s32 s10, s9;
	s9 =	sadd.s32 s11, s9  }
0x12: {  	s12 =	sadd.s32 $0x1A800, s15;
	s14 =	sshrl.u32 s30, $0x3;
	s31 =	sadd.s32 $0x280, s29  }
0x13: {  	s15 =	simm.s32 $0x1400;
	s10 =	sadd.s32 s10, s31;
	s11 =	sadd.s32 s11, s31  }
.LBB2_1:
0x14: {  	[spmem:s14], [sflag:s7] =	dma.local [hbm:s5], $0x2800  }
0x15: {  	[tilespmem:s4], [sflag:$0x2] =	stream.linear.gather [hbm4b:s8+s4], $0x1400, $0x38;
	[tilespmem:$0x1E800] =	vst v63  }
0x16: {  	_ = 	snop  }
0x17: {  	[tilespmem:s15], [sflag:$0x2] =	stream.linear.gather [hbm4b:s9+s4], $0x1400, $0x38;
	[tilespmem:$0x1E800] =	vst v63  }
0x18: {  	_ =	swait.ge [sflag:s16], $0x2800  }
0x19: {  	[sflag:s16] =	ssyncset.done $0x0  }
0x1a: {  	[sflag:s16] =	ssyncadd.s32 $0xFFFFD800  }
0x1b: {  	_ =	swait.ge [sflag:s17], $0x1400  }
0x1c: {  	[sflag:s17] =	ssyncset.done $0x0  }
0x1d: {  	[sflag:s17] =	ssyncadd.s32 $0xFFFFEC00  }
0x1e: {  	_ =	swait.ge [sflag:s17], $0x1400  }
0x1f: {  	[sflag:s17] =	ssyncset.done $0x0  }
0x20: {  	[sflag:s17] =	ssyncadd.s32 $0xFFFFEC00  }
0x21: {  	[bflag:$0x0] =	sbarrier.arrive $0xFFFF  }
0x22: {  	[tilespmem:s19], [sflag:$0x1] =	stream.indirect.gather [hbm4b:s1+s18], $0x80, s4, s18, $0xb8;
	[tilespmem:$0x1E800] =	vst v63  }
0x23: {  	s26 =	simm.s32 $0x80  }
0x24: {  	[tilespmem:s20], [sflag:$0x2] =	stream.indirect.gather [hbm4b:s1+s18], $0x80, s26, s18, $0xb8;
	[tilespmem:$0x1E800] =	vst v63  }
0x25: {  	_ =	swait.ge [sflag:s16], $0x3E80  }
0x26: {  	[sflag:s16] =	ssyncset.done $0x0  }
0x27: {  	s29 =	simm.s32 $0x1400;
	[sflag:s16] =	ssyncadd.s32 $0xFFFFC180  }
0x28: {  	[spmem:s2] =	stream.indirect.scatter.add.f32 [tilespmem:s19], [sflag:$0x3], $0x80, s29, s18, $0xb8;
	[tilespmem:$0x1E800] =	vst v63  }
0x29: {  	_ =	swait.ge [sflag:s21], $0x3E80  }
0x2a: {  	[sflag:s21] =	ssyncset.done $0x0  }
0x2b: {  	s30 =	simm.s32 $0x100;
	[sflag:s21] =	ssyncadd.s32 $0xFFFFC180  }
0x2c: {  	[tilespmem:s19], [sflag:$0x1] =	stream.indirect.gather [hbm4b:s1+s18], $0x80, s30, s18, $0xb8;
	[tilespmem:$0x1E800] =	vst v63  }
0x2d: {  	_ =	swait.ge [sflag:s17], $0x3E80  }
0x2e: {  	[sflag:s17] =	ssyncset.done $0x0  }
0x2f: {  	s31 =	simm.s32 $0x1480;
	[sflag:s17] =	ssyncadd.s32 $0xFFFFC180  }
0x30: {  	[spmem:s2] =	stream.indirect.scatter.add.f32 [tilespmem:s20], [sflag:$0x3], $0x80, s31, s18, $0xb8;
	[tilespmem:$0x1E800] =	vst v63  }
0x31: {  	_ =	swait.ge [sflag:s21], $0x3E80  }
0x32: {  	s28 =	simm.s32 $0x800;
	s26 =	simm.s32 $0x100;
	[sflag:s21] =	ssyncset.done $0x0  }
.LBB2_2:
0x33: {  	s29 =	sadd.s32 $0x80, s26  }
0x34: {  	[sflag:s21] =	ssyncadd.s32 $0xFFFFC180;
	s30 =	smov.u32 s28;
	s31 =	sadd.s32 $0x400, s28  }
0x35: {  	[tilespmem:s20], [sflag:$0x2] =	stream.indirect.gather [hbm4b:s1+s18], $0x80, s29, s18, $0xb8;
	[tilespmem:$0x1E800] =	vst v63  }
0x36: {  	p0 =	sne.s32 s28, $0x4800;
	_ =	swait.ge [sflag:s16], $0x3E80  }
0x37: {  	[sflag:s16] =	ssyncset.done $0x0  }
0x38: {  	s28 =	sadd.s32 $0x1400, s26;
	[sflag:s16] =	ssyncadd.s32 $0xFFFFC180  }
0x39: {  	[spmem:s2] =	stream.indirect.scatter.add.f32 [tilespmem:s19], [sflag:$0x3], $0x80, s28, s18, $0xb8;
	[tilespmem:$0x1E800] =	vst v63  }
0x3a: {  	_ =	swait.ge [sflag:s21], $0x3E80  }
0x3b: {  	[sflag:s21] =	ssyncset.done $0x0  }
0x3c: {  	s28 =	sadd.s32 $0x100, s26;
	[sflag:s21] =	ssyncadd.s32 $0xFFFFC180  }
0x3d: {  	[tilespmem:s19], [sflag:$0x1] =	stream.indirect.gather [hbm4b:s1+s18], $0x80, s28, s18, $0xb8;
	[tilespmem:$0x1E800] =	vst v63  }
0x3e: {  	_ =	swait.ge [sflag:s17], $0x3E80  }
.Ltmp0:
0x3f: {  	[sflag:s17] =	ssyncset.done $0x0;
	(pc) =	sbr.rel @p0 .LBB2_2-.Ltmp0, $4  }
0x40: {  	s26 =	sadd.s32 $0x1480, s26;
	[sflag:s17] =	ssyncadd.s32 $0xFFFFC180  }
0x41: {  	[spmem:s2] =	stream.indirect.scatter.add.f32 [tilespmem:s20], [sflag:$0x3], $0x80, s26, s18, $0xb8;
	[tilespmem:$0x1E800] =	vst v63  }
0x42: {  	_ =	swait.ge [sflag:s21], $0x3E80  }
0x43: {  	s28 =	smov.u32 s31;
	s26 =	sshra.s32 s30, $0x2;
	[sflag:s21] =	ssyncset.done $0x0  }
0x44: {  	s28 =	sadd.s32 $0x80, s26;
	[sflag:s21] =	ssyncadd.s32 $0xFFFFC180  }
0x45: {  	[tilespmem:s20], [sflag:$0x2] =	stream.indirect.gather [hbm4b:s1+s18], $0x80, s28, s18, $0xb8;
	[tilespmem:$0x1E800] =	vst v63  }
0x46: {  	_ =	swait.ge [sflag:s16], $0x3E80  }
0x47: {  	[sflag:s16] =	ssyncset.done $0x0  }
0x48: {  	s28 =	sadd.s32 $0x1400, s26;
	[sflag:s16] =	ssyncadd.s32 $0xFFFFC180  }
0x49: {  	[spmem:s2] =	stream.indirect.scatter.add.f32 [tilespmem:s19], [sflag:$0x3], $0x80, s28, s18, $0xb8;
	[tilespmem:$0x1E800] =	vst v63  }
0x4a: {  	_ =	swait.ge [sflag:s21], $0x3E80  }
0x4b: {  	[sflag:s21] =	ssyncset.done $0x0  }
0x4c: {  	s28 =	sadd.s32 $0x100, s26;
	[sflag:s21] =	ssyncadd.s32 $0xFFFFC180  }
0x4d: {  	[tilespmem:s19], [sflag:$0x1] =	stream.indirect.gather [hbm4b:s1+s18], $0x80, s28, s18, $0xb8;
	[tilespmem:$0x1E800] =	vst v63  }
0x4e: {  	_ =	swait.ge [sflag:s17], $0x3E80  }
0x4f: {  	[sflag:s17] =	ssyncset.done $0x0  }
0x50: {  	s29 =	sadd.s32 $0x1480, s26;
	[sflag:s17] =	ssyncadd.s32 $0xFFFFC180  }
0x51: {  	[spmem:s2] =	stream.indirect.scatter.add.f32 [tilespmem:s20], [sflag:$0x3], $0x80, s29, s18, $0xb8;
	[tilespmem:$0x1E800] =	vst v63  }
0x52: {  	_ =	swait.ge [sflag:s21], $0x3E80  }
0x53: {  	[sflag:s21] =	ssyncset.done $0x0  }
0x54: {  	[sflag:s21] =	ssyncadd.s32 $0xFFFFC180  }
0x55: {  	[tilespmem:s20], [sflag:$0x2] =	stream.indirect.gather [hbm4b:s1+s18], $0x80, s22, s18, $0xb8;
	[tilespmem:$0x1E800] =	vst v63  }
0x56: {  	_ =	swait.ge [sflag:s16], $0x3E80  }
0x57: {  	[sflag:s16] =	ssyncset.done $0x0  }
0x58: {  	[sflag:s16] =	ssyncadd.s32 $0xFFFFC180  }
0x59: {  	[spmem:s2] =	stream.indirect.scatter.add.f32 [tilespmem:s19], [sflag:$0x3], $0x80, s23, s18, $0xb8;
	[tilespmem:$0x1E800] =	vst v63  }
0x5a: {  	_ =	swait.ge [sflag:s21], $0x3E80  }
0x5b: {  	[sflag:s21] =	ssyncset.done $0x0  }
0x5c: {  	[sflag:s21] =	ssyncadd.s32 $0xFFFFC180  }
0x5d: {  	_ =	swait.ge [sflag:s17], $0x3E80  }
0x5e: {  	[sflag:s17] =	ssyncset.done $0x0  }
0x5f: {  	[sflag:s17] =	ssyncadd.s32 $0xFFFFC180  }
0x60: {  	[spmem:s2] =	stream.indirect.scatter.add.f32 [tilespmem:s20], [sflag:$0x3], $0x80, s24, s18, $0xb8;
	[tilespmem:$0x1E800] =	vst v63  }
0x61: {  	_ =	swait.ge [sflag:s21], $0x3E80  }
0x62: {  	[sflag:s21] =	ssyncset.done $0x0  }
0x63: {  	s30 =	simm.s32 $0x0;
	[sflag:s21] =	ssyncadd.s32 $0xFFFFC180  }
0x64: {  	[tilespmem:s30], [sflag:$0x3] =	stream.linear.gather [hbm4b:s10+s30], $0x1400, $0x38;
	[tilespmem:$0x1E800] =	vst v63  }
0x65: {  	_ =	swait.ge [sflag:s21], $0x1400  }
0x66: {  	[sflag:s21] =	ssyncset.done $0x0  }
0x67: {  	[sflag:s21] =	ssyncadd.s32 $0xFFFFEC00  }
0x68: {  	[tilespmem:s15], [sflag:$0x3] =	stream.linear.gather [hbm4b:s11+s30], $0x1400, $0x38;
	[tilespmem:$0x1E800] =	vst v63  }
0x69: {  	_ =	swait.ge [sflag:s21], $0x1400  }
0x6a: {  	[sflag:s21] =	ssyncset.done $0x0  }
0x6b: {  	[sflag:s21] =	ssyncadd.s32 $0xFFFFEC00  }
0x6c: {  	[tilespmem:s19], [sflag:$0x1] =	stream.indirect.gather [hbm4b:s1+s18], $0x80, s30, s18, $0xb8;
	[tilespmem:$0x1E800] =	vst v63  }
0x6d: {  	s31 =	simm.s32 $0x80  }
0x6e: {  	[tilespmem:s20], [sflag:$0x2] =	stream.indirect.gather [hbm4b:s1+s18], $0x80, s31, s18, $0xb8;
	[tilespmem:$0x1E800] =	vst v63  }
0x6f: {  	_ =	swait.ge [sflag:s16], $0x3E80  }
0x70: {  	[sflag:s16] =	ssyncset.done $0x0  }
0x71: {  	s29 =	simm.s32 $0x1400;
	[sflag:s16] =	ssyncadd.s32 $0xFFFFC180  }
0x72: {  	[spmem:s2] =	stream.indirect.scatter.add.f32 [tilespmem:s19], [sflag:$0x3], $0x80, s29, s18, $0xb8;
	[tilespmem:$0x1E800] =	vst v63  }
0x73: {  	_ =	swait.ge [sflag:s21], $0x3E80  }
0x74: {  	[sflag:s21] =	ssyncset.done $0x0  }
0x75: {  	s30 =	simm.s32 $0x100;
	[sflag:s21] =	ssyncadd.s32 $0xFFFFC180  }
0x76: {  	[tilespmem:s19], [sflag:$0x1] =	stream.indirect.gather [hbm4b:s1+s18], $0x80, s30, s18, $0xb8;
	[tilespmem:$0x1E800] =	vst v63  }
0x77: {  	_ =	swait.ge [sflag:s17], $0x3E80  }
0x78: {  	[sflag:s17] =	ssyncset.done $0x0  }
0x79: {  	s31 =	simm.s32 $0x1480;
	[sflag:s17] =	ssyncadd.s32 $0xFFFFC180  }
0x7a: {  	[spmem:s2] =	stream.indirect.scatter.add.f32 [tilespmem:s20], [sflag:$0x3], $0x80, s31, s18, $0xb8;
	[tilespmem:$0x1E800] =	vst v63  }
0x7b: {  	_ =	swait.ge [sflag:s21], $0x3E80  }
0x7c: {  	s26 =	simm.s32 $0x100;
	s28 =	simm.s32 $0x800;
	[sflag:s21] =	ssyncset.done $0x0  }
.LBB2_4:
0x7d: {  	s29 =	sadd.s32 $0x80, s26  }
0x7e: {  	[sflag:s21] =	ssyncadd.s32 $0xFFFFC180;
	s30 =	smov.u32 s28;
	s31 =	sadd.s32 $0x400, s28  }
0x7f: {  	[tilespmem:s20], [sflag:$0x2] =	stream.indirect.gather [hbm4b:s1+s18], $0x80, s29, s18, $0xb8;
	[tilespmem:$0x1E800] =	vst v63  }
0x80: {  	p0 =	sne.s32 s28, $0x4800;
	_ =	swait.ge [sflag:s16], $0x3E80  }
0x81: {  	[sflag:s16] =	ssyncset.done $0x0  }
0x82: {  	s28 =	sadd.s32 $0x1400, s26;
	[sflag:s16] =	ssyncadd.s32 $0xFFFFC180  }
0x83: {  	[spmem:s2] =	stream.indirect.scatter.add.f32 [tilespmem:s19], [sflag:$0x3], $0x80, s28, s18, $0xb8;
	[tilespmem:$0x1E800] =	vst v63  }
0x84: {  	_ =	swait.ge [sflag:s21], $0x3E80  }
0x85: {  	[sflag:s21] =	ssyncset.done $0x0  }
0x86: {  	s28 =	sadd.s32 $0x100, s26;
	[sflag:s21] =	ssyncadd.s32 $0xFFFFC180  }
0x87: {  	[tilespmem:s19], [sflag:$0x1] =	stream.indirect.gather [hbm4b:s1+s18], $0x80, s28, s18, $0xb8;
	[tilespmem:$0x1E800] =	vst v63  }
0x88: {  	_ =	swait.ge [sflag:s17], $0x3E80  }
.Ltmp1:
0x89: {  	[sflag:s17] =	ssyncset.done $0x0;
	(pc) =	sbr.rel @p0 .LBB2_4-.Ltmp1, $4  }
0x8a: {  	s26 =	sadd.s32 $0x1480, s26;
	[sflag:s17] =	ssyncadd.s32 $0xFFFFC180  }
0x8b: {  	[spmem:s2] =	stream.indirect.scatter.add.f32 [tilespmem:s20], [sflag:$0x3], $0x80, s26, s18, $0xb8;
	[tilespmem:$0x1E800] =	vst v63  }
0x8c: {  	_ =	swait.ge [sflag:s21], $0x3E80  }
0x8d: {  	s28 =	smov.u32 s31;
	s26 =	sshra.s32 s30, $0x2;
	[sflag:s21] =	ssyncset.done $0x0  }
0x8e: {  	s28 =	sadd.s32 $0x80, s26;
	[sflag:s21] =	ssyncadd.s32 $0xFFFFC180  }
0x8f: {  	[tilespmem:s20], [sflag:$0x2] =	stream.indirect.gather [hbm4b:s1+s18], $0x80, s28, s18, $0xb8;
	[tilespmem:$0x1E800] =	vst v63  }
0x90: {  	_ =	swait.ge [sflag:s16], $0x3E80  }
0x91: {  	[sflag:s16] =	ssyncset.done $0x0  }
0x92: {  	s31 =	sadd.s32 $0x1400, s26;
	[sflag:s16] =	ssyncadd.s32 $0xFFFFC180  }
0x93: {  	[spmem:s2] =	stream.indirect.scatter.add.f32 [tilespmem:s19], [sflag:$0x3], $0x80, s31, s18, $0xb8;
	[tilespmem:$0x1E800] =	vst v63  }
0x94: {  	_ =	swait.ge [sflag:s21], $0x3E80  }
0x95: {  	[sflag:s21] =	ssyncset.done $0x0  }
0x96: {  	s29 =	sadd.s32 $0x100, s26;
	[sflag:s21] =	ssyncadd.s32 $0xFFFFC180  }
0x97: {  	[tilespmem:s19], [sflag:$0x1] =	stream.indirect.gather [hbm4b:s1+s18], $0x80, s29, s18, $0xb8;
	[tilespmem:$0x1E800] =	vst v63  }
0x98: {  	_ =	swait.ge [sflag:s17], $0x3E80  }
0x99: {  	[sflag:s17] =	ssyncset.done $0x0  }
0x9a: {  	s30 =	sadd.s32 $0x1480, s26;
	[sflag:s17] =	ssyncadd.s32 $0xFFFFC180  }
0x9b: {  	[spmem:s2] =	stream.indirect.scatter.add.f32 [tilespmem:s20], [sflag:$0x3], $0x80, s30, s18, $0xb8;
	[tilespmem:$0x1E800] =	vst v63  }
0x9c: {  	_ =	swait.ge [sflag:s21], $0x3E80  }
0x9d: {  	[sflag:s21] =	ssyncset.done $0x0  }
0x9e: {  	[sflag:s21] =	ssyncadd.s32 $0xFFFFC180  }
0x9f: {  	[tilespmem:s20], [sflag:$0x2] =	stream.indirect.gather [hbm4b:s1+s18], $0x80, s22, s18, $0xb8;
	[tilespmem:$0x1E800] =	vst v63  }
0xa0: {  	_ =	swait.ge [sflag:s16], $0x3E80  }
0xa1: {  	[sflag:s16] =	ssyncset.done $0x0  }
0xa2: {  	[sflag:s16] =	ssyncadd.s32 $0xFFFFC180  }
0xa3: {  	[spmem:s2] =	stream.indirect.scatter.add.f32 [tilespmem:s19], [sflag:$0x3], $0x80, s23, s18, $0xb8;
	[tilespmem:$0x1E800] =	vst v63  }
0xa4: {  	_ =	swait.ge [sflag:s21], $0x3E80  }
0xa5: {  	[sflag:s21] =	ssyncset.done $0x0  }
0xa6: {  	[sflag:s21] =	ssyncadd.s32 $0xFFFFC180  }
0xa7: {  	_ =	swait.ge [sflag:s17], $0x3E80  }
0xa8: {  	[sflag:s17] =	ssyncset.done $0x0  }
0xa9: {  	[sflag:s17] =	ssyncadd.s32 $0xFFFFC180  }
0xaa: {  	[spmem:s2] =	stream.indirect.scatter.add.f32 [tilespmem:s20], [sflag:$0x3], $0x80, s24, s18, $0xb8;
	[tilespmem:$0x1E800] =	vst v63  }
0xab: {  	_ =	swait.ge [sflag:s21], $0x3E80  }
0xac: {  	s25 =	sadd.s32 $0x1, s25;
	[sflag:s21] =	ssyncset.done $0x0  }
0xad: {  	p0 =	sne.s32 s25, s13;
	[sflag:s21] =	ssyncadd.s32 $0xFFFFC180  }
.Ltmp2:
0xae: {  	s31 =	sor.u32 $0x1C03, s6;
	[bflag:$0x0] =	sbarrier.arrive $0xFFFF;
	(pc) =	sbr.rel @p0 .LBB2_1-.Ltmp2, $4  }
0xaf: {  	[hbm:s12], [sflag:s31] =	dma.local [spmem:s14], $0x2800  }
0xb0: {  	_ =	swait.ge [sflag:s21], $0x2800  }
0xb1: {  	[sflag:s21] =	ssyncset.done $0x0  }
0xb2: {  	[sflag:s21] =	ssyncadd.s32 $0xFFFFD800  }
0xb3: {  	_ =	sfence.sel $0x180000  }
0xb4: {  	[bflag:$0x0] =	sbarrier.arrive $0xFFFF  }
0xb5: {  	p0 =	sne.s32 s3, $0x0;
	_ =	strace $0x90000047  }
0xb6: {  	s0 =	sadd.s32 @!p0 $0x100000, s0;
	[bflag:$0x2] =	sbarrier.arrive $0xFFFF  }
0xb7: {  	[sflag:s0] =	ssyncadd.tile.s32 @!p0 $0x1;
	_ =	shalt  }
.Lfunc_end2:
_tile_overlayer_lowered:
.L_overlay_start_2:
0xb8: {  	(tag) =	ssettag $0x2  }
0xb9: {  	s0 =	rddreg [dreg:$0x0];
	s2 =	stileid.u32  }
0xba: {  	s1 =	rddreg [dreg:$0x1];
	p0 =	sne.s32 s2, $0x0  }
0xbb: {  	s3 =	rddreg [dreg:$0x2];
	[bflag:$0x3] =	sbarrier.arrive $0xFFFF;
	s2 =	simm.s32 @!p0 $0x1C03  }
0xbc: {  	[timem:s3], [sflag:s2] =	dma.local @!p0 [hbm:s0], s1  }
0xbd: {  	s0 =	simm.s32 @!p0 $0x3  }
0xbe: {  	_ =	swait.ge @!p0 [sflag:s0], s1  }
0xbf: {  	s1 =	ssub.s32 @!p0 $0x0, s1;
	[sflag:s0] =	ssyncset.done @!p0 $0x0  }
0xc0: {  	[sflag:s0] =	ssyncadd.s32 @!p0 s1  }
0xc1: {  	[bflag:$0x3] =	sbarrier.arrive $0xFFFF  }
0xc2: {  	_ =	shalt  }

// kernel: kernel.15.cloned.1.call-start
scs
__scs_entry_jumppad:
0x0: {  	(pc) =	sbr.rel $0x88, $3  }
0x1: {  	(tag) =	ssettag $0x0;
	lr =	simm.s32 $0x1  }
0x2: {  	[smem:$0x3F99] =	sst lr;
	_ =	strace $0xD0000000  }
0x3: {  	_ = 	snop  }
0x4: {  	_ = 	snop  }
0x5: {  	_ = 	snop  }
0x6: {  	_ = 	snop  }
0x7: {  	_ = 	snop  }
__scs_overlays_trampoline_lowered:
0x8: {  	[smem:$0x3FA8] =	sst s0  }
0x9: {  	[smem:$0x3FA9] =	sst s1  }
0xa: {  	[smem:$0x3FAA] =	sst s2  }
0xb: {  	[smem:$0x3FAB] =	sst s3  }
0xc: {  	[smem:$0x3FAC] =	sst s4  }
0xd: {  	[smem:$0x3FAD] =	sst s5  }
0xe: {  	[smem:$0x3FAE] =	sst s6  }
0xf: {  	[smem:$0x3FAF] =	sst s7  }
0x10: {  	[smem:$0x3FB0] =	sst s8  }
0x11: {  	[smem:$0x3FB1] =	sst s9;
	s0 =	simm.s32 @!p0 $0x0  }
0x12: {  	s1 =	sld [smem:$0x3F97];
	s0 =	simm.s32 @p0 $0x1  }
0x13: {  	[smem:$0x3FB2] =	sst s0;
	s0 =	simm.s32 @!p1 $0x0  }
0x14: {  	s2 =	sld [smem:$0x3F96];
	s0 =	simm.s32 @p1 $0x1  }
0x15: {  	[smem:$0x3FB3] =	sst s0;
	s0 =	simm.s32 @!p2 $0x0  }
0x16: {  	s3 =	sld [smem:$0x3FDB];
	s0 =	simm.s32 @p2 $0x1  }
0x17: {  	s4 =	simm.s32 $0x1BF5;
	[smem:$0x3FB5] =	sst s0  }
0x18: {  	s0 =	sld [smem:$0x3F98];
	_ =	swait.ge [sflag:s4], $0x0  }
0x19: {  	s7 =	sld [smem:$0x3F99]  }
0x1a: {  	s8 =	sadd.s32 $0xFFFFE003, lr  }
0x1b: {  	s9 =	sadd.s32 $0xFFFFFEF7, lr;
	s5 =	simm.s32 $0xFFFFFFFF;
	p2 =	slt.u32 s8, $0xFFFFF086  }
0x1c: {  	p1 =	slt.u32 s9, $0xF7A;
	s5 =	simm.s32 @!p2 $0x0  }
0x1d: {  	s5 =	simm.s32 @p1 $0x1;
	p0 =	seq.s32 s7, s2  }
0x1e: {  	s7 =	smul.u32 @!p0 $0xF7A, s2;
	p2 =	seq.s32 @!p0 s5, $0x0  }
0x1f: {  	s9 =	smul.u32 $0xF7A, s1;
	s8 =	simm.s32 @!p0 $0x1BF5;
	p2 =	por !p2, p0  }
0x20: {  	[sflag:s8] =	ssyncset.s32 @!p0 $0xFFFFF086;
	s6 =	sadd.s32 @!p0 s3, s7;
	s7 =	simm.s32 @!p0 $0x108  }
0x21: {  	s3 =	sadd.s32 s3, s9;
	s6 =	sadd.s32 @!p0 $0x88, s6;
	s7 =	simm.s32 @p2 $0x1082  }
0x22: {  	[simem:s7], [sflag:s8] =	dma.local @!p0 [hbm:s6], $0xF7A  }
0x23: {  	s9 =	sor.u32 $0xD0000000, s2;
	s6 =	simm.s32 $0x108;
	_ =	swait.ge @!p0 [sflag:s8], $0x0  }
0x24: {  	s3 =	sadd.s32 $0x88, s3;
	s6 =	simm.s32 @!p1 $0x1082;
	[sflag:s4] =	ssyncset.s32 $0xFFFFF086  }
0x25: {  	[simem:s6], [sflag:s4] =	dma.local [hbm:s3], $0xF7A  }
0x26: {  	[smem:$0x3F99] =	sst s1;
	(tag) =	ssettag s2;
	_ =	strace s9  }
0x27: {  	s1 =	sld [smem:$0x3FA9]  }
0x28: {  	s2 =	sld [smem:$0x3FAA]  }
0x29: {  	s4 =	sld [smem:$0x3FAC]  }
0x2a: {  	p0 =	seq.s32 s5, $0x0;
	s5 =	sld [smem:$0x3FAD]  }
0x2b: {  	s6 =	sld [smem:$0x3FAE]  }
0x2c: {  	s7 =	sld [smem:$0x3FAF]  }
0x2d: {  	s3 =	simm.s32 $0x108;
	s8 =	sld [smem:$0x3FB0]  }
0x2e: {  	s3 =	simm.s32 @!p0 $0x1082;
	s9 =	sld [smem:$0x3FB1]  }
0x2f: {  	lr =	sadd.s32 s0, s3;
	s0 =	sld [smem:$0x3FA8]  }
0x30: {  	s3 =	sld [smem:$0x3FAB]  }
0x31: {  	[smem:$0x3FB4] =	sst s10  }
0x32: {  	s10 =	sld [smem:$0x3FB2];
	_ =	sdelay $0x3  }
0x33: {  	p0 =	seq.s32 s10, $0x1;
	s10 =	sld [smem:$0x3FB4];
	_ =	sdelay $0x3  }
0x34: {  	[smem:$0x3FB4] =	sst s10  }
0x35: {  	s10 =	sld [smem:$0x3FB3];
	_ =	sdelay $0x3  }
0x36: {  	p1 =	seq.s32 s10, $0x1;
	s10 =	sld [smem:$0x3FB4];
	_ =	sdelay $0x3  }
0x37: {  	[smem:$0x3FB4] =	sst s10  }
0x38: {  	s10 =	sld [smem:$0x3FB5]  }
0x39: {  	_ = 	snop;
	(pc) =	sbr.ind lr, $3  }
0x3a: {  	_ = 	snop  }
0x3b: {  	_ = 	snop  }
0x3c: {  	p2 =	seq.s32 s10, $0x1;
	s10 =	sld [smem:$0x3FB4]  }
0x3d: {  	_ =	shalt  }
0x3e: {  	_ =	shalt  }
0x3f: {  	_ =	shalt  }
0x40: {  	_ =	shalt  }
0x41: {  	_ =	shalt  }
0x42: {  	_ =	shalt  }
0x43: {  	_ =	shalt  }
0x44: {  	_ =	shalt  }
0x45: {  	_ =	shalt  }
0x46: {  	_ =	shalt  }
0x47: {  	_ =	shalt  }
0x48: {  	_ =	shalt  }
0x49: {  	_ =	shalt  }
0x4a: {  	_ =	shalt  }
0x4b: {  	_ =	shalt  }
0x4c: {  	_ =	shalt  }
0x4d: {  	_ =	shalt  }
0x4e: {  	_ =	shalt  }
0x4f: {  	_ =	shalt  }
0x50: {  	_ =	shalt  }
0x51: {  	_ =	shalt  }
0x52: {  	_ =	shalt  }
0x53: {  	_ =	shalt  }
0x54: {  	_ =	shalt  }
0x55: {  	_ =	shalt  }
0x56: {  	_ =	shalt  }
0x57: {  	_ =	shalt  }
0x58: {  	_ =	shalt  }
0x59: {  	_ =	shalt  }
0x5a: {  	_ =	shalt  }
0x5b: {  	_ =	shalt  }
0x5c: {  	_ =	shalt  }
0x5d: {  	_ =	shalt  }
0x5e: {  	_ =	shalt  }
0x5f: {  	_ =	shalt  }
0x60: {  	_ =	shalt  }
0x61: {  	_ =	shalt  }
0x62: {  	_ =	shalt  }
0x63: {  	_ =	shalt  }
0x64: {  	_ =	shalt  }
0x65: {  	_ =	shalt  }
0x66: {  	_ =	shalt  }
0x67: {  	_ =	shalt  }
0x68: {  	_ =	shalt  }
0x69: {  	_ =	shalt  }
0x6a: {  	_ =	shalt  }
0x6b: {  	_ =	shalt  }
0x6c: {  	_ =	shalt  }
0x6d: {  	_ =	shalt  }
0x6e: {  	_ =	shalt  }
0x6f: {  	_ =	shalt  }
0x70: {  	_ =	shalt  }
0x71: {  	_ =	shalt  }
0x72: {  	_ =	shalt  }
0x73: {  	_ =	shalt  }
0x74: {  	_ =	shalt  }
0x75: {  	_ =	shalt  }
0x76: {  	_ =	shalt  }
0x77: {  	_ =	shalt  }
0x78: {  	_ =	shalt  }
0x79: {  	_ =	shalt  }
0x7a: {  	_ =	shalt  }
0x7b: {  	_ =	shalt  }
0x7c: {  	_ =	shalt  }
0x7d: {  	_ =	shalt  }
0x7e: {  	_ =	shalt  }
0x7f: {  	_ =	shalt  }
0x80: {  	_ =	shalt  }
0x81: {  	_ =	shalt  }
0x82: {  	_ =	shalt  }
0x83: {  	_ =	shalt  }
0x84: {  	_ =	shalt  }
0x85: {  	_ =	shalt  }
0x86: {  	_ =	shalt  }
0x87: {  	_ =	shalt  }
.Lfunc_end0:
.L_simem_size_0:
called_computation.1_lowered:
.L_overlay_start_0:
0x88: {  	s2 =	sld [smem:$0x3FD9]  }
0x89: {  	s3 =	sld [smem:$0x3FFE];
	_ =	sdelay $0x1  }
0x8a: {  	s1 =	srdreg.scid  }
0x8b: {  	s0 =	sand.u32 $0x1, s1  }
0x8c: {  	s17 =	sshll.u32 s0, $0xA;
	s2 =	sadd.s32 s3, s2  }
0x8d: {  	s2 =	sadd.s32 s2, s17  }
0x8e: {  	[smem:$0x3FC0] =	sst s2  }
0x8f: {  	_ = 	snop  }
0x90: {  	s2 =	sld [smem:$0x3FD0];
	(tm) =	ssettm $0x1  }
0x91: {  	s18 =	sld [smem:$0x3FFB];
	_ =	sdelay $0x3  }
0x92: {  	_ =	strace s18  }
0x93: {  	s3 =	sld [smem:$0x3FFC];
	_ =	sdelay $0x3  }
0x94: {  	_ =	strace s3  }
0x95: {  	s3 =	sld [smem:$0x3FFD];
	_ =	sdelay $0x3  }
0x96: {  	_ =	strace s3  }
0x97: {  	_ =	strace $0x8FFFFFFF  }
0x98: {  	s19 =	sld [smem:$0x3FDB];
	_ =	sdelay $0x1  }
0x99: {  	s4 =	simm.s32 $_scs_section_size  }
0x9a: {  	s5 =	simm.s32 $_size__tile_overlayer_lowered;
	s6 =	simm.s32 $_tile_overlayer_lowered  }
0x9b: {  	s22 =	simm.s32 $0x1BFF;
	s21 =	sshll.u32 s6, $0x1;
	s3 =	sadd.s32 s4, s19  }
0x9c: {  	s7 =	simm.s32 $0x0;
	s20 =	sshll.u32 s5, $0x1;
	s5 =	sadd.s32 s21, s3  }
0x9d: {  	[timem:s7], [sflag:s22] =	dma.local [hbm:s5], s20  }
0x9e: {  	_ =	swait.ge [sflag:s22], s20  }
0x9f: {  	s4 =	ssub.s32 $0x0, s20;
	[sflag:s22] =	ssyncset.done $0x0  }
0xa0: {  	[sflag:s22] =	ssyncadd.s32 s4;
	_ =	sdelay $0x1  }
0xa1: {  	s23 =	simm.s32 $0x1B8B  }
0xa2: {  	_ =	swait.ge [sflag:s23], $0x1  }
0xa3: {  	[sflag:s23] =	ssyncset.done $0x0  }
0xa4: {  	s25 =	simm.s32 $0x1B8E;
	s24 =	sld [smem:$0x3FFE];
	[sflag:s23] =	ssyncadd.s32 $0xFFFFFFFF  }
0xa5: {  	s26 =	simm.s32 $execute0_lowered;
	[smem:$0x3FD2] =	sst s25  }
0xa6: {  	s5 =	sshll.u32 s26, $0x1;
	_ =	strace $0x80000049;
	[dreg:$0x1] =	wrdreg $0xFFFFFFFF  }
0xa7: {  	s28 =	simm.s32 $_size_execute0_lowered;
	s3 =	sadd.s32 s3, s5;
	[dreg:$0x0] =	wrdreg $0x0  }
0xa8: {  	s5 =	sshll.u32 s28, $0x1;
	[dreg:$0x2] =	wrdreg s3  }
0xa9: {  	[dreg:$0x3] =	wrdreg s5  }
0xaa: {  	[dreg:$0x4] =	wrdreg $0xC0  }
0xab: {  	_ =	task [dreg:s7], $0x5FFFF  }
0xac: {  	[dreg:$0x1] =	wrdreg $0xFFFFFFFF  }
0xad: {  	[dreg:$0x0] =	wrdreg $0x60  }
0xae: {  	[dreg:$0x2] =	wrdreg s24  }
0xaf: {  	[dreg:$0x3] =	wrdreg s2  }
0xb0: {  	[dreg:$0x4] =	wrdreg $0xA8000  }
0xb1: {  	[dreg:$0x5] =	wrdreg $0x9  }
0xb2: {  	_ =	task.clear_ibuf [dreg:s7], $0x6FFFF;
	_ =	strace $0x90000049  }
0xb3: {  	s29 =	simm.s32 $0x9;
	_ =	strace $0x8000004B  }
0xb4: {  	_ =	swait.ge [sflag:s29], $0x1  }
0xb5: {  	[sflag:s29] =	ssyncadd.s32 $0xFFFFFFFF  }
0xb6: {  	_ =	strace $0x9000004B  }
0xb7: {  	_ =	sfence  }
0xb8: {  	s30 =	sld [smem:$0x0];
	_ =	sdelay $0x2  }
0xb9: {  	s31 =	sshll.u32 s1, $0xD;
	s1 =	sshrl.u32 s1, $0x2  }
0xba: {  	s3 =	sand.u32 $0x4000, s31;
	s1 =	sadd.s32 s1, s30  }
0xbb: {  	s0 =	sor.u32 s3, s0;
	s1 =	sshll.u32 s1, $0x11  }
0xbc: {  	s0 =	sor.u32 s1, s0  }
0xbd: {  	s0 =	sadd.s32 $0x8F2B, s0  }
0xbe: {  	[sflag:s0] =	ssyncadd.remote.s32 $0x1  }
0xbf: {  	_ =	sfence.sel $0xFFFF  }
0xc0: {  	[dreg:$0x0] =	wrdreg $0xFFFFFFFF;
	(pc) =	sbr.abs _section_cstart, $3  }
0xc1: {  	[dreg:$0x1] =	wrdreg $0xFFFFFFFF  }
0xc2: {  	_ =	task.clear_ibuf [dreg:s7], $0x2FFFF;
	_ =	strace $0x9FFFFFFF  }
0xc3: {  	(tm) =	ssettm $0x7FFFFFFF  }
tec
execute0_lowered:
.L_overlay_start_1:
0x0: {  	(tag) =	ssettag $0x1  }
0x1: {  	s6 =	rddreg [dreg:$0x0]  }
0x2: {  	s1 =	rddreg [dreg:$0x1]  }
0x3: {  	s2 =	rddreg [dreg:$0x2]  }
0x4: {  	s3 =	srdreg.scid;
	s0 =	rddreg [dreg:$0x3]  }
0x5: {  	s4 =	simm.s32 $0x0;
	s16 =	simm.s32 $0x1;
	s17 =	simm.s32 $0x2  }
0x6: {  	s18 =	simm.s32 $0x7D;
	s19 =	simm.s32 $0x2800;
	s20 =	simm.s32 $0x6800  }
0x7: {  	s21 =	simm.s32 $0x3;
	s22 =	simm.s32 $0x1380;
	s23 =	simm.s32 $0x2700  }
0x8: {  	s24 =	simm.s32 $0x2780;
	s25 =	simm.s32 $0x0;
	s7 =	sand.u32 $0x1, s3  }
0x9: {  	s3 =	stileid.u32;
	[smem:$0x7FF] =	sst s4;
	s10 =	sadd.s32 $0xE000, s6  }
0xa: {  	s11 =	sadd.s32 $0x4000, s6;
	s5 =	sadd.s32 $0x18000, s6;
	s8 =	smul.u32 $0x140000, s7  }
0xb: {  	s9 =	smul.u32 $0x14000, s3;
	s26 =	sshll.u32 s7, $0x4;
	s7 =	ssub.s32 $0x2, s7  }
0xc: {  	_ =	strace $0x8000004A;
	s12 =	smul.u32 $0x50000, s3;
	s13 =	sshrl.u32 s7, $0x1  }
0xd: {  	s8 =	sadd.s32 s9, s8;
	s9 =	sor.u32 s3, s26;
	s13 =	ssub.s32 s7, s13  }
0xe: {  	s28 =	sshrl.u32 s12, $0x2;
	s8 =	sshrl.u32 s8, $0x3;
	s14 =	smul.u32 $0x2800, s9  }
0xf: {  	s9 =	smul.u32 $0x500, s9;
	s30 =	sadd.s32 s28, s2;
	s13 =	smax.u32 s13, $0x1  }
0x10: {  	s15 =	sadd.s32 s8, s6;
	s6 =	sshll.u32 s3, $0x6;
	s29 =	sshrl.u32 s14, $0x3  }
0x11: {  	s7 =	sor.u32 $0x1C01, s6;
	s8 =	sadd.s32 s10, s9;
	s9 =	sadd.s32 s11, s9  }
0x12: {  	s12 =	sadd.s32 $0x1A800, s15;
	s14 =	sshrl.u32 s30, $0x3;
	s31 =	sadd.s32 $0x280, s29  }
0x13: {  	s15 =	simm.s32 $0x1400;
	s10 =	sadd.s32 s10, s31;
	s11 =	sadd.s32 s11, s31  }
.LBB2_1:
0x14: {  	[spmem:s14], [sflag:s7] =	dma.local [hbm:s5], $0x2800  }
0x15: {  	[tilespmem:s4], [sflag:$0x2] =	stream.linear.gather [hbm4b:s8+s4], $0x1400, $0x38;
	[tilespmem:$0x1E800] =	vst v63  }
0x16: {  	_ = 	snop  }
0x17: {  	[tilespmem:s15], [sflag:$0x2] =	stream.linear.gather [hbm4b:s9+s4], $0x1400, $0x38;
	[tilespmem:$0x1E800] =	vst v63  }
0x18: {  	_ =	swait.ge [sflag:s16], $0x2800  }
0x19: {  	[sflag:s16] =	ssyncset.done $0x0  }
0x1a: {  	[sflag:s16] =	ssyncadd.s32 $0xFFFFD800  }
0x1b: {  	_ =	swait.ge [sflag:s17], $0x1400  }
0x1c: {  	[sflag:s17] =	ssyncset.done $0x0  }
0x1d: {  	[sflag:s17] =	ssyncadd.s32 $0xFFFFEC00  }
0x1e: {  	_ =	swait.ge [sflag:s17], $0x1400  }
0x1f: {  	[sflag:s17] =	ssyncset.done $0x0  }
0x20: {  	[sflag:s17] =	ssyncadd.s32 $0xFFFFEC00  }
0x21: {  	[bflag:$0x0] =	sbarrier.arrive $0xFFFF  }
0x22: {  	[tilespmem:s19], [sflag:$0x1] =	stream.indirect.gather [hbm4b:s1+s18], $0x80, s4, s18, $0xb8;
	[tilespmem:$0x1E800] =	vst v63  }
0x23: {  	s26 =	simm.s32 $0x80  }
0x24: {  	[tilespmem:s20], [sflag:$0x2] =	stream.indirect.gather [hbm4b:s1+s18], $0x80, s26, s18, $0xb8;
	[tilespmem:$0x1E800] =	vst v63  }
0x25: {  	_ =	swait.ge [sflag:s16], $0x3E80  }
0x26: {  	[sflag:s16] =	ssyncset.done $0x0  }
0x27: {  	s29 =	simm.s32 $0x1400;
	[sflag:s16] =	ssyncadd.s32 $0xFFFFC180  }
0x28: {  	[spmem:s2] =	stream.indirect.scatter.add.f32 [tilespmem:s19], [sflag:$0x3], $0x80, s29, s18, $0xb8;
	[tilespmem:$0x1E800] =	vst v63  }
0x29: {  	_ =	swait.ge [sflag:s21], $0x3E80  }
0x2a: {  	[sflag:s21] =	ssyncset.done $0x0  }
0x2b: {  	s30 =	simm.s32 $0x100;
	[sflag:s21] =	ssyncadd.s32 $0xFFFFC180  }
0x2c: {  	[tilespmem:s19], [sflag:$0x1] =	stream.indirect.gather [hbm4b:s1+s18], $0x80, s30, s18, $0xb8;
	[tilespmem:$0x1E800] =	vst v63  }
0x2d: {  	_ =	swait.ge [sflag:s17], $0x3E80  }
0x2e: {  	[sflag:s17] =	ssyncset.done $0x0  }
0x2f: {  	s31 =	simm.s32 $0x1480;
	[sflag:s17] =	ssyncadd.s32 $0xFFFFC180  }
0x30: {  	[spmem:s2] =	stream.indirect.scatter.add.f32 [tilespmem:s20], [sflag:$0x3], $0x80, s31, s18, $0xb8;
	[tilespmem:$0x1E800] =	vst v63  }
0x31: {  	_ =	swait.ge [sflag:s21], $0x3E80  }
0x32: {  	s28 =	simm.s32 $0x800;
	s26 =	simm.s32 $0x100;
	[sflag:s21] =	ssyncset.done $0x0  }
.LBB2_2:
0x33: {  	s29 =	sadd.s32 $0x80, s26  }
0x34: {  	[sflag:s21] =	ssyncadd.s32 $0xFFFFC180;
	s30 =	smov.u32 s28;
	s31 =	sadd.s32 $0x400, s28  }
0x35: {  	[tilespmem:s20], [sflag:$0x2] =	stream.indirect.gather [hbm4b:s1+s18], $0x80, s29, s18, $0xb8;
	[tilespmem:$0x1E800] =	vst v63  }
0x36: {  	p0 =	sne.s32 s28, $0x4800;
	_ =	swait.ge [sflag:s16], $0x3E80  }
0x37: {  	[sflag:s16] =	ssyncset.done $0x0  }
0x38: {  	s28 =	sadd.s32 $0x1400, s26;
	[sflag:s16] =	ssyncadd.s32 $0xFFFFC180  }
0x39: {  	[spmem:s2] =	stream.indirect.scatter.add.f32 [tilespmem:s19], [sflag:$0x3], $0x80, s28, s18, $0xb8;
	[tilespmem:$0x1E800] =	vst v63  }
0x3a: {  	_ =	swait.ge [sflag:s21], $0x3E80  }
0x3b: {  	[sflag:s21] =	ssyncset.done $0x0  }
0x3c: {  	s28 =	sadd.s32 $0x100, s26;
	[sflag:s21] =	ssyncadd.s32 $0xFFFFC180  }
0x3d: {  	[tilespmem:s19], [sflag:$0x1] =	stream.indirect.gather [hbm4b:s1+s18], $0x80, s28, s18, $0xb8;
	[tilespmem:$0x1E800] =	vst v63  }
0x3e: {  	_ =	swait.ge [sflag:s17], $0x3E80  }
.Ltmp0:
0x3f: {  	[sflag:s17] =	ssyncset.done $0x0;
	(pc) =	sbr.rel @p0 .LBB2_2-.Ltmp0, $4  }
0x40: {  	s26 =	sadd.s32 $0x1480, s26;
	[sflag:s17] =	ssyncadd.s32 $0xFFFFC180  }
0x41: {  	[spmem:s2] =	stream.indirect.scatter.add.f32 [tilespmem:s20], [sflag:$0x3], $0x80, s26, s18, $0xb8;
	[tilespmem:$0x1E800] =	vst v63  }
0x42: {  	_ =	swait.ge [sflag:s21], $0x3E80  }
0x43: {  	s28 =	smov.u32 s31;
	s26 =	sshra.s32 s30, $0x2;
	[sflag:s21] =	ssyncset.done $0x0  }
0x44: {  	s28 =	sadd.s32 $0x80, s26;
	[sflag:s21] =	ssyncadd.s32 $0xFFFFC180  }
0x45: {  	[tilespmem:s20], [sflag:$0x2] =	stream.indirect.gather [hbm4b:s1+s18], $0x80, s28, s18, $0xb8;
	[tilespmem:$0x1E800] =	vst v63  }
0x46: {  	_ =	swait.ge [sflag:s16], $0x3E80  }
0x47: {  	[sflag:s16] =	ssyncset.done $0x0  }
0x48: {  	s28 =	sadd.s32 $0x1400, s26;
	[sflag:s16] =	ssyncadd.s32 $0xFFFFC180  }
0x49: {  	[spmem:s2] =	stream.indirect.scatter.add.f32 [tilespmem:s19], [sflag:$0x3], $0x80, s28, s18, $0xb8;
	[tilespmem:$0x1E800] =	vst v63  }
0x4a: {  	_ =	swait.ge [sflag:s21], $0x3E80  }
0x4b: {  	[sflag:s21] =	ssyncset.done $0x0  }
0x4c: {  	s28 =	sadd.s32 $0x100, s26;
	[sflag:s21] =	ssyncadd.s32 $0xFFFFC180  }
0x4d: {  	[tilespmem:s19], [sflag:$0x1] =	stream.indirect.gather [hbm4b:s1+s18], $0x80, s28, s18, $0xb8;
	[tilespmem:$0x1E800] =	vst v63  }
0x4e: {  	_ =	swait.ge [sflag:s17], $0x3E80  }
0x4f: {  	[sflag:s17] =	ssyncset.done $0x0  }
0x50: {  	s29 =	sadd.s32 $0x1480, s26;
	[sflag:s17] =	ssyncadd.s32 $0xFFFFC180  }
0x51: {  	[spmem:s2] =	stream.indirect.scatter.add.f32 [tilespmem:s20], [sflag:$0x3], $0x80, s29, s18, $0xb8;
	[tilespmem:$0x1E800] =	vst v63  }
0x52: {  	_ =	swait.ge [sflag:s21], $0x3E80  }
0x53: {  	[sflag:s21] =	ssyncset.done $0x0  }
0x54: {  	[sflag:s21] =	ssyncadd.s32 $0xFFFFC180  }
0x55: {  	[tilespmem:s20], [sflag:$0x2] =	stream.indirect.gather [hbm4b:s1+s18], $0x80, s22, s18, $0xb8;
	[tilespmem:$0x1E800] =	vst v63  }
0x56: {  	_ =	swait.ge [sflag:s16], $0x3E80  }
0x57: {  	[sflag:s16] =	ssyncset.done $0x0  }
0x58: {  	[sflag:s16] =	ssyncadd.s32 $0xFFFFC180  }
0x59: {  	[spmem:s2] =	stream.indirect.scatter.add.f32 [tilespmem:s19], [sflag:$0x3], $0x80, s23, s18, $0xb8;
	[tilespmem:$0x1E800] =	vst v63  }
0x5a: {  	_ =	swait.ge [sflag:s21], $0x3E80  }
0x5b: {  	[sflag:s21] =	ssyncset.done $0x0  }
0x5c: {  	[sflag:s21] =	ssyncadd.s32 $0xFFFFC180  }
0x5d: {  	_ =	swait.ge [sflag:s17], $0x3E80  }
0x5e: {  	[sflag:s17] =	ssyncset.done $0x0  }
0x5f: {  	[sflag:s17] =	ssyncadd.s32 $0xFFFFC180  }
0x60: {  	[spmem:s2] =	stream.indirect.scatter.add.f32 [tilespmem:s20], [sflag:$0x3], $0x80, s24, s18, $0xb8;
	[tilespmem:$0x1E800] =	vst v63  }
0x61: {  	_ =	swait.ge [sflag:s21], $0x3E80  }
0x62: {  	[sflag:s21] =	ssyncset.done $0x0  }
0x63: {  	s30 =	simm.s32 $0x0;
	[sflag:s21] =	ssyncadd.s32 $0xFFFFC180  }
0x64: {  	[tilespmem:s30], [sflag:$0x3] =	stream.linear.gather [hbm4b:s10+s30], $0x1400, $0x38;
	[tilespmem:$0x1E800] =	vst v63  }
0x65: {  	_ =	swait.ge [sflag:s21], $0x1400  }
0x66: {  	[sflag:s21] =	ssyncset.done $0x0  }
0x67: {  	[sflag:s21] =	ssyncadd.s32 $0xFFFFEC00  }
0x68: {  	[tilespmem:s15], [sflag:$0x3] =	stream.linear.gather [hbm4b:s11+s30], $0x1400, $0x38;
	[tilespmem:$0x1E800] =	vst v63  }
0x69: {  	_ =	swait.ge [sflag:s21], $0x1400  }
0x6a: {  	[sflag:s21] =	ssyncset.done $0x0  }
0x6b: {  	[sflag:s21] =	ssyncadd.s32 $0xFFFFEC00  }
0x6c: {  	[tilespmem:s19], [sflag:$0x1] =	stream.indirect.gather [hbm4b:s1+s18], $0x80, s30, s18, $0xb8;
	[tilespmem:$0x1E800] =	vst v63  }
0x6d: {  	s31 =	simm.s32 $0x80  }
0x6e: {  	[tilespmem:s20], [sflag:$0x2] =	stream.indirect.gather [hbm4b:s1+s18], $0x80, s31, s18, $0xb8;
	[tilespmem:$0x1E800] =	vst v63  }
0x6f: {  	_ =	swait.ge [sflag:s16], $0x3E80  }
0x70: {  	[sflag:s16] =	ssyncset.done $0x0  }
0x71: {  	s29 =	simm.s32 $0x1400;
	[sflag:s16] =	ssyncadd.s32 $0xFFFFC180  }
0x72: {  	[spmem:s2] =	stream.indirect.scatter.add.f32 [tilespmem:s19], [sflag:$0x3], $0x80, s29, s18, $0xb8;
	[tilespmem:$0x1E800] =	vst v63  }
0x73: {  	_ =	swait.ge [sflag:s21], $0x3E80  }
0x74: {  	[sflag:s21] =	ssyncset.done $0x0  }
0x75: {  	s30 =	simm.s32 $0x100;
	[sflag:s21] =	ssyncadd.s32 $0xFFFFC180  }
0x76: {  	[tilespmem:s19], [sflag:$0x1] =	stream.indirect.gather [hbm4b:s1+s18], $0x80, s30, s18, $0xb8;
	[tilespmem:$0x1E800] =	vst v63  }
0x77: {  	_ =	swait.ge [sflag:s17], $0x3E80  }
0x78: {  	[sflag:s17] =	ssyncset.done $0x0  }
0x79: {  	s31 =	simm.s32 $0x1480;
	[sflag:s17] =	ssyncadd.s32 $0xFFFFC180  }
0x7a: {  	[spmem:s2] =	stream.indirect.scatter.add.f32 [tilespmem:s20], [sflag:$0x3], $0x80, s31, s18, $0xb8;
	[tilespmem:$0x1E800] =	vst v63  }
0x7b: {  	_ =	swait.ge [sflag:s21], $0x3E80  }
0x7c: {  	s26 =	simm.s32 $0x100;
	s28 =	simm.s32 $0x800;
	[sflag:s21] =	ssyncset.done $0x0  }
.LBB2_4:
0x7d: {  	s29 =	sadd.s32 $0x80, s26  }
0x7e: {  	[sflag:s21] =	ssyncadd.s32 $0xFFFFC180;
	s30 =	smov.u32 s28;
	s31 =	sadd.s32 $0x400, s28  }
0x7f: {  	[tilespmem:s20], [sflag:$0x2] =	stream.indirect.gather [hbm4b:s1+s18], $0x80, s29, s18, $0xb8;
	[tilespmem:$0x1E800] =	vst v63  }
0x80: {  	p0 =	sne.s32 s28, $0x4800;
	_ =	swait.ge [sflag:s16], $0x3E80  }
0x81: {  	[sflag:s16] =	ssyncset.done $0x0  }
0x82: {  	s28 =	sadd.s32 $0x1400, s26;
	[sflag:s16] =	ssyncadd.s32 $0xFFFFC180  }
0x83: {  	[spmem:s2] =	stream.indirect.scatter.add.f32 [tilespmem:s19], [sflag:$0x3], $0x80, s28, s18, $0xb8;
	[tilespmem:$0x1E800] =	vst v63  }
0x84: {  	_ =	swait.ge [sflag:s21], $0x3E80  }
0x85: {  	[sflag:s21] =	ssyncset.done $0x0  }
0x86: {  	s28 =	sadd.s32 $0x100, s26;
	[sflag:s21] =	ssyncadd.s32 $0xFFFFC180  }
0x87: {  	[tilespmem:s19], [sflag:$0x1] =	stream.indirect.gather [hbm4b:s1+s18], $0x80, s28, s18, $0xb8;
	[tilespmem:$0x1E800] =	vst v63  }
0x88: {  	_ =	swait.ge [sflag:s17], $0x3E80  }
.Ltmp1:
0x89: {  	[sflag:s17] =	ssyncset.done $0x0;
	(pc) =	sbr.rel @p0 .LBB2_4-.Ltmp1, $4  }
0x8a: {  	s26 =	sadd.s32 $0x1480, s26;
	[sflag:s17] =	ssyncadd.s32 $0xFFFFC180  }
0x8b: {  	[spmem:s2] =	stream.indirect.scatter.add.f32 [tilespmem:s20], [sflag:$0x3], $0x80, s26, s18, $0xb8;
	[tilespmem:$0x1E800] =	vst v63  }
0x8c: {  	_ =	swait.ge [sflag:s21], $0x3E80  }
0x8d: {  	s28 =	smov.u32 s31;
	s26 =	sshra.s32 s30, $0x2;
	[sflag:s21] =	ssyncset.done $0x0  }
0x8e: {  	s28 =	sadd.s32 $0x80, s26;
	[sflag:s21] =	ssyncadd.s32 $0xFFFFC180  }
0x8f: {  	[tilespmem:s20], [sflag:$0x2] =	stream.indirect.gather [hbm4b:s1+s18], $0x80, s28, s18, $0xb8;
	[tilespmem:$0x1E800] =	vst v63  }
0x90: {  	_ =	swait.ge [sflag:s16], $0x3E80  }
0x91: {  	[sflag:s16] =	ssyncset.done $0x0  }
0x92: {  	s31 =	sadd.s32 $0x1400, s26;
	[sflag:s16] =	ssyncadd.s32 $0xFFFFC180  }
0x93: {  	[spmem:s2] =	stream.indirect.scatter.add.f32 [tilespmem:s19], [sflag:$0x3], $0x80, s31, s18, $0xb8;
	[tilespmem:$0x1E800] =	vst v63  }
0x94: {  	_ =	swait.ge [sflag:s21], $0x3E80  }
0x95: {  	[sflag:s21] =	ssyncset.done $0x0  }
0x96: {  	s29 =	sadd.s32 $0x100, s26;
	[sflag:s21] =	ssyncadd.s32 $0xFFFFC180  }
0x97: {  	[tilespmem:s19], [sflag:$0x1] =	stream.indirect.gather [hbm4b:s1+s18], $0x80, s29, s18, $0xb8;
	[tilespmem:$0x1E800] =	vst v63  }
0x98: {  	_ =	swait.ge [sflag:s17], $0x3E80  }
0x99: {  	[sflag:s17] =	ssyncset.done $0x0  }
0x9a: {  	s30 =	sadd.s32 $0x1480, s26;
	[sflag:s17] =	ssyncadd.s32 $0xFFFFC180  }
0x9b: {  	[spmem:s2] =	stream.indirect.scatter.add.f32 [tilespmem:s20], [sflag:$0x3], $0x80, s30, s18, $0xb8;
	[tilespmem:$0x1E800] =	vst v63  }
0x9c: {  	_ =	swait.ge [sflag:s21], $0x3E80  }
0x9d: {  	[sflag:s21] =	ssyncset.done $0x0  }
0x9e: {  	[sflag:s21] =	ssyncadd.s32 $0xFFFFC180  }
0x9f: {  	[tilespmem:s20], [sflag:$0x2] =	stream.indirect.gather [hbm4b:s1+s18], $0x80, s22, s18, $0xb8;
	[tilespmem:$0x1E800] =	vst v63  }
0xa0: {  	_ =	swait.ge [sflag:s16], $0x3E80  }
0xa1: {  	[sflag:s16] =	ssyncset.done $0x0  }
0xa2: {  	[sflag:s16] =	ssyncadd.s32 $0xFFFFC180  }
0xa3: {  	[spmem:s2] =	stream.indirect.scatter.add.f32 [tilespmem:s19], [sflag:$0x3], $0x80, s23, s18, $0xb8;
	[tilespmem:$0x1E800] =	vst v63  }
0xa4: {  	_ =	swait.ge [sflag:s21], $0x3E80  }
0xa5: {  	[sflag:s21] =	ssyncset.done $0x0  }
0xa6: {  	[sflag:s21] =	ssyncadd.s32 $0xFFFFC180  }
0xa7: {  	_ =	swait.ge [sflag:s17], $0x3E80  }
0xa8: {  	[sflag:s17] =	ssyncset.done $0x0  }
0xa9: {  	[sflag:s17] =	ssyncadd.s32 $0xFFFFC180  }
0xaa: {  	[spmem:s2] =	stream.indirect.scatter.add.f32 [tilespmem:s20], [sflag:$0x3], $0x80, s24, s18, $0xb8;
	[tilespmem:$0x1E800] =	vst v63  }
0xab: {  	_ =	swait.ge [sflag:s21], $0x3E80  }
0xac: {  	s25 =	sadd.s32 $0x1, s25;
	[sflag:s21] =	ssyncset.done $0x0  }
0xad: {  	p0 =	sne.s32 s25, s13;
	[sflag:s21] =	ssyncadd.s32 $0xFFFFC180  }
.Ltmp2:
0xae: {  	s31 =	sor.u32 $0x1C03, s6;
	[bflag:$0x0] =	sbarrier.arrive $0xFFFF;
	(pc) =	sbr.rel @p0 .LBB2_1-.Ltmp2, $4  }
0xaf: {  	[hbm:s12], [sflag:s31] =	dma.local [spmem:s14], $0x2800  }
0xb0: {  	_ =	swait.ge [sflag:s21], $0x2800  }
0xb1: {  	[sflag:s21] =	ssyncset.done $0x0  }
0xb2: {  	[sflag:s21] =	ssyncadd.s32 $0xFFFFD800  }
0xb3: {  	_ =	sfence.sel $0x180000  }
0xb4: {  	[bflag:$0x0] =	sbarrier.arrive $0xFFFF  }
0xb5: {  	p0 =	sne.s32 s3, $0x0;
	_ =	strace $0x9000004A  }
0xb6: {  	s0 =	sadd.s32 @!p0 $0x100000, s0;
	[bflag:$0x2] =	sbarrier.arrive $0xFFFF  }
0xb7: {  	[sflag:s0] =	ssyncadd.tile.s32 @!p0 $0x1;
	_ =	shalt  }
.Lfunc_end2:
_tile_overlayer_lowered:
.L_overlay_start_2:
0xb8: {  	(tag) =	ssettag $0x2  }
0xb9: {  	s0 =	rddreg [dreg:$0x0];
	s2 =	stileid.u32  }
0xba: {  	s1 =	rddreg [dreg:$0x1];
	p0 =	sne.s32 s2, $0x0  }
0xbb: {  	s3 =	rddreg [dreg:$0x2];
	[bflag:$0x3] =	sbarrier.arrive $0xFFFF;
	s2 =	simm.s32 @!p0 $0x1C03  }
0xbc: {  	[timem:s3], [sflag:s2] =	dma.local @!p0 [hbm:s0], s1  }
0xbd: {  	s0 =	simm.s32 @!p0 $0x3  }
0xbe: {  	_ =	swait.ge @!p0 [sflag:s0], s1  }
0xbf: {  	s1 =	ssub.s32 @!p0 $0x0, s1;
	[sflag:s0] =	ssyncset.done @!p0 $0x0  }
0xc0: {  	[sflag:s0] =	ssyncadd.s32 @!p0 s1  }
0xc1: {  	[bflag:$0x3] =	sbarrier.arrive $0xFFFF  }
0xc2: {  	_ =	shalt  }

// kernel: kernel.18.cloned.1.call-start
scs
__scs_entry_jumppad:
0x0: {  	(pc) =	sbr.rel $0x88, $3  }
0x1: {  	(tag) =	ssettag $0x0;
	lr =	simm.s32 $0x1  }
0x2: {  	[smem:$0x3F99] =	sst lr;
	_ =	strace $0xD0000000  }
0x3: {  	_ = 	snop  }
0x4: {  	_ = 	snop  }
0x5: {  	_ = 	snop  }
0x6: {  	_ = 	snop  }
0x7: {  	_ = 	snop  }
__scs_overlays_trampoline_lowered:
0x8: {  	[smem:$0x3FA8] =	sst s0  }
0x9: {  	[smem:$0x3FA9] =	sst s1  }
0xa: {  	[smem:$0x3FAA] =	sst s2  }
0xb: {  	[smem:$0x3FAB] =	sst s3  }
0xc: {  	[smem:$0x3FAC] =	sst s4  }
0xd: {  	[smem:$0x3FAD] =	sst s5  }
0xe: {  	[smem:$0x3FAE] =	sst s6  }
0xf: {  	[smem:$0x3FAF] =	sst s7  }
0x10: {  	[smem:$0x3FB0] =	sst s8  }
0x11: {  	[smem:$0x3FB1] =	sst s9;
	s0 =	simm.s32 @!p0 $0x0  }
0x12: {  	s1 =	sld [smem:$0x3F97];
	s0 =	simm.s32 @p0 $0x1  }
0x13: {  	[smem:$0x3FB2] =	sst s0;
	s0 =	simm.s32 @!p1 $0x0  }
0x14: {  	s2 =	sld [smem:$0x3F96];
	s0 =	simm.s32 @p1 $0x1  }
0x15: {  	[smem:$0x3FB3] =	sst s0;
	s0 =	simm.s32 @!p2 $0x0  }
0x16: {  	s3 =	sld [smem:$0x3FDB];
	s0 =	simm.s32 @p2 $0x1  }
0x17: {  	s4 =	simm.s32 $0x1BF5;
	[smem:$0x3FB5] =	sst s0  }
0x18: {  	s0 =	sld [smem:$0x3F98];
	_ =	swait.ge [sflag:s4], $0x0  }
0x19: {  	s7 =	sld [smem:$0x3F99]  }
0x1a: {  	s8 =	sadd.s32 $0xFFFFE003, lr  }
0x1b: {  	s9 =	sadd.s32 $0xFFFFFEF7, lr;
	s5 =	simm.s32 $0xFFFFFFFF;
	p2 =	slt.u32 s8, $0xFFFFF086  }
0x1c: {  	p1 =	slt.u32 s9, $0xF7A;
	s5 =	simm.s32 @!p2 $0x0  }
0x1d: {  	s5 =	simm.s32 @p1 $0x1;
	p0 =	seq.s32 s7, s2  }
0x1e: {  	s7 =	smul.u32 @!p0 $0xF7A, s2;
	p2 =	seq.s32 @!p0 s5, $0x0  }
0x1f: {  	s9 =	smul.u32 $0xF7A, s1;
	s8 =	simm.s32 @!p0 $0x1BF5;
	p2 =	por !p2, p0  }
0x20: {  	[sflag:s8] =	ssyncset.s32 @!p0 $0xFFFFF086;
	s6 =	sadd.s32 @!p0 s3, s7;
	s7 =	simm.s32 @!p0 $0x108  }
0x21: {  	s3 =	sadd.s32 s3, s9;
	s6 =	sadd.s32 @!p0 $0x88, s6;
	s7 =	simm.s32 @p2 $0x1082  }
0x22: {  	[simem:s7], [sflag:s8] =	dma.local @!p0 [hbm:s6], $0xF7A  }
0x23: {  	s9 =	sor.u32 $0xD0000000, s2;
	s6 =	simm.s32 $0x108;
	_ =	swait.ge @!p0 [sflag:s8], $0x0  }
0x24: {  	s3 =	sadd.s32 $0x88, s3;
	s6 =	simm.s32 @!p1 $0x1082;
	[sflag:s4] =	ssyncset.s32 $0xFFFFF086  }
0x25: {  	[simem:s6], [sflag:s4] =	dma.local [hbm:s3], $0xF7A  }
0x26: {  	[smem:$0x3F99] =	sst s1;
	(tag) =	ssettag s2;
	_ =	strace s9  }
0x27: {  	s1 =	sld [smem:$0x3FA9]  }
0x28: {  	s2 =	sld [smem:$0x3FAA]  }
0x29: {  	s4 =	sld [smem:$0x3FAC]  }
0x2a: {  	p0 =	seq.s32 s5, $0x0;
	s5 =	sld [smem:$0x3FAD]  }
0x2b: {  	s6 =	sld [smem:$0x3FAE]  }
0x2c: {  	s7 =	sld [smem:$0x3FAF]  }
0x2d: {  	s3 =	simm.s32 $0x108;
	s8 =	sld [smem:$0x3FB0]  }
0x2e: {  	s3 =	simm.s32 @!p0 $0x1082;
	s9 =	sld [smem:$0x3FB1]  }
0x2f: {  	lr =	sadd.s32 s0, s3;
	s0 =	sld [smem:$0x3FA8]  }
0x30: {  	s3 =	sld [smem:$0x3FAB]  }
0x31: {  	[smem:$0x3FB4] =	sst s10  }
0x32: {  	s10 =	sld [smem:$0x3FB2];
	_ =	sdelay $0x3  }
0x33: {  	p0 =	seq.s32 s10, $0x1;
	s10 =	sld [smem:$0x3FB4];
	_ =	sdelay $0x3  }
0x34: {  	[smem:$0x3FB4] =	sst s10  }
0x35: {  	s10 =	sld [smem:$0x3FB3];
	_ =	sdelay $0x3  }
0x36: {  	p1 =	seq.s32 s10, $0x1;
	s10 =	sld [smem:$0x3FB4];
	_ =	sdelay $0x3  }
0x37: {  	[smem:$0x3FB4] =	sst s10  }
0x38: {  	s10 =	sld [smem:$0x3FB5]  }
0x39: {  	_ = 	snop;
	(pc) =	sbr.ind lr, $3  }
0x3a: {  	_ = 	snop  }
0x3b: {  	_ = 	snop  }
0x3c: {  	p2 =	seq.s32 s10, $0x1;
	s10 =	sld [smem:$0x3FB4]  }
0x3d: {  	_ =	shalt  }
0x3e: {  	_ =	shalt  }
0x3f: {  	_ =	shalt  }
0x40: {  	_ =	shalt  }
0x41: {  	_ =	shalt  }
0x42: {  	_ =	shalt  }
0x43: {  	_ =	shalt  }
0x44: {  	_ =	shalt  }
0x45: {  	_ =	shalt  }
0x46: {  	_ =	shalt  }
0x47: {  	_ =	shalt  }
0x48: {  	_ =	shalt  }
0x49: {  	_ =	shalt  }
0x4a: {  	_ =	shalt  }
0x4b: {  	_ =	shalt  }
0x4c: {  	_ =	shalt  }
0x4d: {  	_ =	shalt  }
0x4e: {  	_ =	shalt  }
0x4f: {  	_ =	shalt  }
0x50: {  	_ =	shalt  }
0x51: {  	_ =	shalt  }
0x52: {  	_ =	shalt  }
0x53: {  	_ =	shalt  }
0x54: {  	_ =	shalt  }
0x55: {  	_ =	shalt  }
0x56: {  	_ =	shalt  }
0x57: {  	_ =	shalt  }
0x58: {  	_ =	shalt  }
0x59: {  	_ =	shalt  }
0x5a: {  	_ =	shalt  }
0x5b: {  	_ =	shalt  }
0x5c: {  	_ =	shalt  }
0x5d: {  	_ =	shalt  }
0x5e: {  	_ =	shalt  }
0x5f: {  	_ =	shalt  }
0x60: {  	_ =	shalt  }
0x61: {  	_ =	shalt  }
0x62: {  	_ =	shalt  }
0x63: {  	_ =	shalt  }
0x64: {  	_ =	shalt  }
0x65: {  	_ =	shalt  }
0x66: {  	_ =	shalt  }
0x67: {  	_ =	shalt  }
0x68: {  	_ =	shalt  }
0x69: {  	_ =	shalt  }
0x6a: {  	_ =	shalt  }
0x6b: {  	_ =	shalt  }
0x6c: {  	_ =	shalt  }
0x6d: {  	_ =	shalt  }
0x6e: {  	_ =	shalt  }
0x6f: {  	_ =	shalt  }
0x70: {  	_ =	shalt  }
0x71: {  	_ =	shalt  }
0x72: {  	_ =	shalt  }
0x73: {  	_ =	shalt  }
0x74: {  	_ =	shalt  }
0x75: {  	_ =	shalt  }
0x76: {  	_ =	shalt  }
0x77: {  	_ =	shalt  }
0x78: {  	_ =	shalt  }
0x79: {  	_ =	shalt  }
0x7a: {  	_ =	shalt  }
0x7b: {  	_ =	shalt  }
0x7c: {  	_ =	shalt  }
0x7d: {  	_ =	shalt  }
0x7e: {  	_ =	shalt  }
0x7f: {  	_ =	shalt  }
0x80: {  	_ =	shalt  }
0x81: {  	_ =	shalt  }
0x82: {  	_ =	shalt  }
0x83: {  	_ =	shalt  }
0x84: {  	_ =	shalt  }
0x85: {  	_ =	shalt  }
0x86: {  	_ =	shalt  }
0x87: {  	_ =	shalt  }
.Lfunc_end0:
.L_simem_size_0:
called_computation.2_lowered:
.L_overlay_start_0:
0x88: {  	s2 =	sld [smem:$0x3FD9]  }
0x89: {  	s3 =	sld [smem:$0x3FFE];
	_ =	sdelay $0x1  }
0x8a: {  	s1 =	srdreg.scid  }
0x8b: {  	s0 =	sand.u32 $0x1, s1  }
0x8c: {  	s17 =	sshll.u32 s0, $0xA;
	s2 =	sadd.s32 s3, s2  }
0x8d: {  	s2 =	sadd.s32 s2, s17  }
0x8e: {  	[smem:$0x3FC0] =	sst s2  }
0x8f: {  	_ = 	snop  }
0x90: {  	s2 =	sld [smem:$0x3FD0];
	(tm) =	ssettm $0x1  }
0x91: {  	s18 =	sld [smem:$0x3FFB];
	_ =	sdelay $0x3  }
0x92: {  	_ =	strace s18  }
0x93: {  	s3 =	sld [smem:$0x3FFC];
	_ =	sdelay $0x3  }
0x94: {  	_ =	strace s3  }
0x95: {  	s3 =	sld [smem:$0x3FFD];
	_ =	sdelay $0x3  }
0x96: {  	_ =	strace s3  }
0x97: {  	_ =	strace $0x8FFFFFFF  }
0x98: {  	s19 =	sld [smem:$0x3FDB];
	_ =	sdelay $0x1  }
0x99: {  	s4 =	simm.s32 $_scs_section_size  }
0x9a: {  	s5 =	simm.s32 $_size__tile_overlayer_lowered;
	s6 =	simm.s32 $_tile_overlayer_lowered  }
0x9b: {  	s22 =	simm.s32 $0x1BFF;
	s21 =	sshll.u32 s6, $0x1;
	s3 =	sadd.s32 s4, s19  }
0x9c: {  	s7 =	simm.s32 $0x0;
	s20 =	sshll.u32 s5, $0x1;
	s5 =	sadd.s32 s21, s3  }
0x9d: {  	[timem:s7], [sflag:s22] =	dma.local [hbm:s5], s20  }
0x9e: {  	_ =	swait.ge [sflag:s22], s20  }
0x9f: {  	s4 =	ssub.s32 $0x0, s20;
	[sflag:s22] =	ssyncset.done $0x0  }
0xa0: {  	[sflag:s22] =	ssyncadd.s32 s4;
	_ =	sdelay $0x1  }
0xa1: {  	s23 =	simm.s32 $0x1B8B  }
0xa2: {  	_ =	swait.ge [sflag:s23], $0x1  }
0xa3: {  	[sflag:s23] =	ssyncset.done $0x0  }
0xa4: {  	s25 =	simm.s32 $0x1B8E;
	s24 =	sld [smem:$0x3FFE];
	[sflag:s23] =	ssyncadd.s32 $0xFFFFFFFF  }
0xa5: {  	s26 =	simm.s32 $execute0_lowered;
	[smem:$0x3FD2] =	sst s25  }
0xa6: {  	s5 =	sshll.u32 s26, $0x1;
	_ =	strace $0x8000004C;
	[dreg:$0x1] =	wrdreg $0xFFFFFFFF  }
0xa7: {  	s28 =	simm.s32 $_size_execute0_lowered;
	s3 =	sadd.s32 s3, s5;
	[dreg:$0x0] =	wrdreg $0x0  }
0xa8: {  	s5 =	sshll.u32 s28, $0x1;
	[dreg:$0x2] =	wrdreg s3  }
0xa9: {  	[dreg:$0x3] =	wrdreg s5  }
0xaa: {  	[dreg:$0x4] =	wrdreg $0xC0  }
0xab: {  	_ =	task [dreg:s7], $0x5FFFF  }
0xac: {  	[dreg:$0x1] =	wrdreg $0xFFFFFFFF  }
0xad: {  	[dreg:$0x0] =	wrdreg $0x60  }
0xae: {  	[dreg:$0x2] =	wrdreg s24  }
0xaf: {  	[dreg:$0x3] =	wrdreg s2  }
0xb0: {  	[dreg:$0x4] =	wrdreg $0xA8000  }
0xb1: {  	[dreg:$0x5] =	wrdreg $0x9  }
0xb2: {  	_ =	task.clear_ibuf [dreg:s7], $0x6FFFF;
	_ =	strace $0x9000004C  }
0xb3: {  	s29 =	simm.s32 $0x9;
	_ =	strace $0x8000004E  }
0xb4: {  	_ =	swait.ge [sflag:s29], $0x1  }
0xb5: {  	[sflag:s29] =	ssyncadd.s32 $0xFFFFFFFF  }
0xb6: {  	_ =	strace $0x9000004E  }
0xb7: {  	_ =	sfence  }
0xb8: {  	s30 =	sld [smem:$0x0];
	_ =	sdelay $0x2  }
0xb9: {  	s31 =	sshll.u32 s1, $0xD;
	s1 =	sshrl.u32 s1, $0x2  }
0xba: {  	s3 =	sand.u32 $0x4000, s31;
	s1 =	sadd.s32 s1, s30  }
0xbb: {  	s0 =	sor.u32 s3, s0;
	s1 =	sshll.u32 s1, $0x11  }
0xbc: {  	s0 =	sor.u32 s1, s0  }
0xbd: {  	s0 =	sadd.s32 $0x8F2B, s0  }
0xbe: {  	[sflag:s0] =	ssyncadd.remote.s32 $0x1  }
0xbf: {  	_ =	sfence.sel $0xFFFF  }
0xc0: {  	[dreg:$0x0] =	wrdreg $0xFFFFFFFF;
	(pc) =	sbr.abs _section_cstart, $3  }
0xc1: {  	[dreg:$0x1] =	wrdreg $0xFFFFFFFF  }
0xc2: {  	_ =	task.clear_ibuf [dreg:s7], $0x2FFFF;
	_ =	strace $0x9FFFFFFF  }
0xc3: {  	(tm) =	ssettm $0x7FFFFFFF  }
tec
execute0_lowered:
.L_overlay_start_1:
0x0: {  	(tag) =	ssettag $0x1  }
0x1: {  	s6 =	rddreg [dreg:$0x0]  }
0x2: {  	s1 =	rddreg [dreg:$0x1]  }
0x3: {  	s2 =	rddreg [dreg:$0x2]  }
0x4: {  	s3 =	srdreg.scid;
	s0 =	rddreg [dreg:$0x3]  }
0x5: {  	s4 =	simm.s32 $0x0;
	s16 =	simm.s32 $0x1;
	s17 =	simm.s32 $0x2  }
0x6: {  	s18 =	simm.s32 $0x7D;
	s19 =	simm.s32 $0x2800;
	s20 =	simm.s32 $0x6800  }
0x7: {  	s21 =	simm.s32 $0x3;
	s22 =	simm.s32 $0x1380;
	s23 =	simm.s32 $0x2700  }
0x8: {  	s24 =	simm.s32 $0x2780;
	s25 =	simm.s32 $0x0;
	s7 =	sand.u32 $0x1, s3  }
0x9: {  	s3 =	stileid.u32;
	[smem:$0x7FF] =	sst s4;
	s10 =	sadd.s32 $0xE000, s6  }
0xa: {  	s11 =	sadd.s32 $0x4000, s6;
	s5 =	sadd.s32 $0x18000, s6;
	s8 =	smul.u32 $0x140000, s7  }
0xb: {  	s9 =	smul.u32 $0x14000, s3;
	s26 =	sshll.u32 s7, $0x4;
	s7 =	ssub.s32 $0x2, s7  }
0xc: {  	_ =	strace $0x8000004D;
	s12 =	smul.u32 $0x50000, s3;
	s13 =	sshrl.u32 s7, $0x1  }
0xd: {  	s8 =	sadd.s32 s9, s8;
	s9 =	sor.u32 s3, s26;
	s13 =	ssub.s32 s7, s13  }
0xe: {  	s28 =	sshrl.u32 s12, $0x2;
	s8 =	sshrl.u32 s8, $0x3;
	s14 =	smul.u32 $0x2800, s9  }
0xf: {  	s9 =	smul.u32 $0x500, s9;
	s30 =	sadd.s32 s28, s2;
	s13 =	smax.u32 s13, $0x1  }
0x10: {  	s15 =	sadd.s32 s8, s6;
	s6 =	sshll.u32 s3, $0x6;
	s29 =	sshrl.u32 s14, $0x3  }
0x11: {  	s7 =	sor.u32 $0x1C01, s6;
	s8 =	sadd.s32 s10, s9;
	s9 =	sadd.s32 s11, s9  }
0x12: {  	s12 =	sadd.s32 $0x1A800, s15;
	s14 =	sshrl.u32 s30, $0x3;
	s31 =	sadd.s32 $0x280, s29  }
0x13: {  	s15 =	simm.s32 $0x1400;
	s10 =	sadd.s32 s10, s31;
	s11 =	sadd.s32 s11, s31  }
.LBB2_1:
0x14: {  	[spmem:s14], [sflag:s7] =	dma.local [hbm:s5], $0x2800  }
0x15: {  	[tilespmem:s4], [sflag:$0x2] =	stream.linear.gather [hbm4b:s8+s4], $0x1400, $0x38;
	[tilespmem:$0x1E800] =	vst v63  }
0x16: {  	_ = 	snop  }
0x17: {  	[tilespmem:s15], [sflag:$0x2] =	stream.linear.gather [hbm4b:s9+s4], $0x1400, $0x38;
	[tilespmem:$0x1E800] =	vst v63  }
0x18: {  	_ =	swait.ge [sflag:s16], $0x2800  }
0x19: {  	[sflag:s16] =	ssyncset.done $0x0  }
0x1a: {  	[sflag:s16] =	ssyncadd.s32 $0xFFFFD800  }
0x1b: {  	_ =	swait.ge [sflag:s17], $0x1400  }
0x1c: {  	[sflag:s17] =	ssyncset.done $0x0  }
0x1d: {  	[sflag:s17] =	ssyncadd.s32 $0xFFFFEC00  }
0x1e: {  	_ =	swait.ge [sflag:s17], $0x1400  }
0x1f: {  	[sflag:s17] =	ssyncset.done $0x0  }
0x20: {  	[sflag:s17] =	ssyncadd.s32 $0xFFFFEC00  }
0x21: {  	[bflag:$0x0] =	sbarrier.arrive $0xFFFF  }
0x22: {  	[tilespmem:s19], [sflag:$0x1] =	stream.indirect.gather [hbm4b:s1+s18], $0x80, s4, s18, $0xb8;
	[tilespmem:$0x1E800] =	vst v63  }
0x23: {  	s26 =	simm.s32 $0x80  }
0x24: {  	[tilespmem:s20], [sflag:$0x2] =	stream.indirect.gather [hbm4b:s1+s18], $0x80, s26, s18, $0xb8;
	[tilespmem:$0x1E800] =	vst v63  }
0x25: {  	_ =	swait.ge [sflag:s16], $0x3E80  }
0x26: {  	[sflag:s16] =	ssyncset.done $0x0  }
0x27: {  	s29 =	simm.s32 $0x1400;
	[sflag:s16] =	ssyncadd.s32 $0xFFFFC180  }
0x28: {  	[spmem:s2] =	stream.indirect.scatter.add.f32 [tilespmem:s19], [sflag:$0x3], $0x80, s29, s18, $0xb8;
	[tilespmem:$0x1E800] =	vst v63  }
0x29: {  	_ =	swait.ge [sflag:s21], $0x3E80  }
0x2a: {  	[sflag:s21] =	ssyncset.done $0x0  }
0x2b: {  	s30 =	simm.s32 $0x100;
	[sflag:s21] =	ssyncadd.s32 $0xFFFFC180  }
0x2c: {  	[tilespmem:s19], [sflag:$0x1] =	stream.indirect.gather [hbm4b:s1+s18], $0x80, s30, s18, $0xb8;
	[tilespmem:$0x1E800] =	vst v63  }
0x2d: {  	_ =	swait.ge [sflag:s17], $0x3E80  }
0x2e: {  	[sflag:s17] =	ssyncset.done $0x0  }
0x2f: {  	s31 =	simm.s32 $0x1480;
	[sflag:s17] =	ssyncadd.s32 $0xFFFFC180  }
0x30: {  	[spmem:s2] =	stream.indirect.scatter.add.f32 [tilespmem:s20], [sflag:$0x3], $0x80, s31, s18, $0xb8;
	[tilespmem:$0x1E800] =	vst v63  }
0x31: {  	_ =	swait.ge [sflag:s21], $0x3E80  }
0x32: {  	s28 =	simm.s32 $0x800;
	s26 =	simm.s32 $0x100;
	[sflag:s21] =	ssyncset.done $0x0  }
.LBB2_2:
0x33: {  	s29 =	sadd.s32 $0x80, s26  }
0x34: {  	[sflag:s21] =	ssyncadd.s32 $0xFFFFC180;
	s30 =	smov.u32 s28;
	s31 =	sadd.s32 $0x400, s28  }
0x35: {  	[tilespmem:s20], [sflag:$0x2] =	stream.indirect.gather [hbm4b:s1+s18], $0x80, s29, s18, $0xb8;
	[tilespmem:$0x1E800] =	vst v63  }
0x36: {  	p0 =	sne.s32 s28, $0x4800;
	_ =	swait.ge [sflag:s16], $0x3E80  }
0x37: {  	[sflag:s16] =	ssyncset.done $0x0  }
0x38: {  	s28 =	sadd.s32 $0x1400, s26;
	[sflag:s16] =	ssyncadd.s32 $0xFFFFC180  }
0x39: {  	[spmem:s2] =	stream.indirect.scatter.add.f32 [tilespmem:s19], [sflag:$0x3], $0x80, s28, s18, $0xb8;
	[tilespmem:$0x1E800] =	vst v63  }
0x3a: {  	_ =	swait.ge [sflag:s21], $0x3E80  }
0x3b: {  	[sflag:s21] =	ssyncset.done $0x0  }
0x3c: {  	s28 =	sadd.s32 $0x100, s26;
	[sflag:s21] =	ssyncadd.s32 $0xFFFFC180  }
0x3d: {  	[tilespmem:s19], [sflag:$0x1] =	stream.indirect.gather [hbm4b:s1+s18], $0x80, s28, s18, $0xb8;
	[tilespmem:$0x1E800] =	vst v63  }
0x3e: {  	_ =	swait.ge [sflag:s17], $0x3E80  }
.Ltmp0:
0x3f: {  	[sflag:s17] =	ssyncset.done $0x0;
	(pc) =	sbr.rel @p0 .LBB2_2-.Ltmp0, $4  }
0x40: {  	s26 =	sadd.s32 $0x1480, s26;
	[sflag:s17] =	ssyncadd.s32 $0xFFFFC180  }
0x41: {  	[spmem:s2] =	stream.indirect.scatter.add.f32 [tilespmem:s20], [sflag:$0x3], $0x80, s26, s18, $0xb8;
	[tilespmem:$0x1E800] =	vst v63  }
0x42: {  	_ =	swait.ge [sflag:s21], $0x3E80  }
0x43: {  	s28 =	smov.u32 s31;
	s26 =	sshra.s32 s30, $0x2;
	[sflag:s21] =	ssyncset.done $0x0  }
0x44: {  	s28 =	sadd.s32 $0x80, s26;
	[sflag:s21] =	ssyncadd.s32 $0xFFFFC180  }
0x45: {  	[tilespmem:s20], [sflag:$0x2] =	stream.indirect.gather [hbm4b:s1+s18], $0x80, s28, s18, $0xb8;
	[tilespmem:$0x1E800] =	vst v63  }
0x46: {  	_ =	swait.ge [sflag:s16], $0x3E80  }
0x47: {  	[sflag:s16] =	ssyncset.done $0x0  }
0x48: {  	s28 =	sadd.s32 $0x1400, s26;
	[sflag:s16] =	ssyncadd.s32 $0xFFFFC180  }
0x49: {  	[spmem:s2] =	stream.indirect.scatter.add.f32 [tilespmem:s19], [sflag:$0x3], $0x80, s28, s18, $0xb8;
	[tilespmem:$0x1E800] =	vst v63  }
0x4a: {  	_ =	swait.ge [sflag:s21], $0x3E80  }
0x4b: {  	[sflag:s21] =	ssyncset.done $0x0  }
0x4c: {  	s28 =	sadd.s32 $0x100, s26;
	[sflag:s21] =	ssyncadd.s32 $0xFFFFC180  }
0x4d: {  	[tilespmem:s19], [sflag:$0x1] =	stream.indirect.gather [hbm4b:s1+s18], $0x80, s28, s18, $0xb8;
	[tilespmem:$0x1E800] =	vst v63  }
0x4e: {  	_ =	swait.ge [sflag:s17], $0x3E80  }
0x4f: {  	[sflag:s17] =	ssyncset.done $0x0  }
0x50: {  	s29 =	sadd.s32 $0x1480, s26;
	[sflag:s17] =	ssyncadd.s32 $0xFFFFC180  }
0x51: {  	[spmem:s2] =	stream.indirect.scatter.add.f32 [tilespmem:s20], [sflag:$0x3], $0x80, s29, s18, $0xb8;
	[tilespmem:$0x1E800] =	vst v63  }
0x52: {  	_ =	swait.ge [sflag:s21], $0x3E80  }
0x53: {  	[sflag:s21] =	ssyncset.done $0x0  }
0x54: {  	[sflag:s21] =	ssyncadd.s32 $0xFFFFC180  }
0x55: {  	[tilespmem:s20], [sflag:$0x2] =	stream.indirect.gather [hbm4b:s1+s18], $0x80, s22, s18, $0xb8;
	[tilespmem:$0x1E800] =	vst v63  }
0x56: {  	_ =	swait.ge [sflag:s16], $0x3E80  }
0x57: {  	[sflag:s16] =	ssyncset.done $0x0  }
0x58: {  	[sflag:s16] =	ssyncadd.s32 $0xFFFFC180  }
0x59: {  	[spmem:s2] =	stream.indirect.scatter.add.f32 [tilespmem:s19], [sflag:$0x3], $0x80, s23, s18, $0xb8;
	[tilespmem:$0x1E800] =	vst v63  }
0x5a: {  	_ =	swait.ge [sflag:s21], $0x3E80  }
0x5b: {  	[sflag:s21] =	ssyncset.done $0x0  }
0x5c: {  	[sflag:s21] =	ssyncadd.s32 $0xFFFFC180  }
0x5d: {  	_ =	swait.ge [sflag:s17], $0x3E80  }
0x5e: {  	[sflag:s17] =	ssyncset.done $0x0  }
0x5f: {  	[sflag:s17] =	ssyncadd.s32 $0xFFFFC180  }
0x60: {  	[spmem:s2] =	stream.indirect.scatter.add.f32 [tilespmem:s20], [sflag:$0x3], $0x80, s24, s18, $0xb8;
	[tilespmem:$0x1E800] =	vst v63  }
0x61: {  	_ =	swait.ge [sflag:s21], $0x3E80  }
0x62: {  	[sflag:s21] =	ssyncset.done $0x0  }
0x63: {  	s30 =	simm.s32 $0x0;
	[sflag:s21] =	ssyncadd.s32 $0xFFFFC180  }
0x64: {  	[tilespmem:s30], [sflag:$0x3] =	stream.linear.gather [hbm4b:s10+s30], $0x1400, $0x38;
	[tilespmem:$0x1E800] =	vst v63  }
0x65: {  	_ =	swait.ge [sflag:s21], $0x1400  }
0x66: {  	[sflag:s21] =	ssyncset.done $0x0  }
0x67: {  	[sflag:s21] =	ssyncadd.s32 $0xFFFFEC00  }
0x68: {  	[tilespmem:s15], [sflag:$0x3] =	stream.linear.gather [hbm4b:s11+s30], $0x1400, $0x38;
	[tilespmem:$0x1E800] =	vst v63  }
0x69: {  	_ =	swait.ge [sflag:s21], $0x1400  }
0x6a: {  	[sflag:s21] =	ssyncset.done $0x0  }
0x6b: {  	[sflag:s21] =	ssyncadd.s32 $0xFFFFEC00  }
0x6c: {  	[tilespmem:s19], [sflag:$0x1] =	stream.indirect.gather [hbm4b:s1+s18], $0x80, s30, s18, $0xb8;
	[tilespmem:$0x1E800] =	vst v63  }
0x6d: {  	s31 =	simm.s32 $0x80  }
0x6e: {  	[tilespmem:s20], [sflag:$0x2] =	stream.indirect.gather [hbm4b:s1+s18], $0x80, s31, s18, $0xb8;
	[tilespmem:$0x1E800] =	vst v63  }
0x6f: {  	_ =	swait.ge [sflag:s16], $0x3E80  }
0x70: {  	[sflag:s16] =	ssyncset.done $0x0  }
0x71: {  	s29 =	simm.s32 $0x1400;
	[sflag:s16] =	ssyncadd.s32 $0xFFFFC180  }
0x72: {  	[spmem:s2] =	stream.indirect.scatter.add.f32 [tilespmem:s19], [sflag:$0x3], $0x80, s29, s18, $0xb8;
	[tilespmem:$0x1E800] =	vst v63  }
0x73: {  	_ =	swait.ge [sflag:s21], $0x3E80  }
0x74: {  	[sflag:s21] =	ssyncset.done $0x0  }
0x75: {  	s30 =	simm.s32 $0x100;
	[sflag:s21] =	ssyncadd.s32 $0xFFFFC180  }
0x76: {  	[tilespmem:s19], [sflag:$0x1] =	stream.indirect.gather [hbm4b:s1+s18], $0x80, s30, s18, $0xb8;
	[tilespmem:$0x1E800] =	vst v63  }
0x77: {  	_ =	swait.ge [sflag:s17], $0x3E80  }
0x78: {  	[sflag:s17] =	ssyncset.done $0x0  }
0x79: {  	s31 =	simm.s32 $0x1480;
	[sflag:s17] =	ssyncadd.s32 $0xFFFFC180  }
0x7a: {  	[spmem:s2] =	stream.indirect.scatter.add.f32 [tilespmem:s20], [sflag:$0x3], $0x80, s31, s18, $0xb8;
	[tilespmem:$0x1E800] =	vst v63  }
0x7b: {  	_ =	swait.ge [sflag:s21], $0x3E80  }
0x7c: {  	s26 =	simm.s32 $0x100;
	s28 =	simm.s32 $0x800;
	[sflag:s21] =	ssyncset.done $0x0  }
.LBB2_4:
0x7d: {  	s29 =	sadd.s32 $0x80, s26  }
0x7e: {  	[sflag:s21] =	ssyncadd.s32 $0xFFFFC180;
	s30 =	smov.u32 s28;
	s31 =	sadd.s32 $0x400, s28  }
0x7f: {  	[tilespmem:s20], [sflag:$0x2] =	stream.indirect.gather [hbm4b:s1+s18], $0x80, s29, s18, $0xb8;
	[tilespmem:$0x1E800] =	vst v63  }
0x80: {  	p0 =	sne.s32 s28, $0x4800;
	_ =	swait.ge [sflag:s16], $0x3E80  }
0x81: {  	[sflag:s16] =	ssyncset.done $0x0  }
0x82: {  	s28 =	sadd.s32 $0x1400, s26;
	[sflag:s16] =	ssyncadd.s32 $0xFFFFC180  }
0x83: {  	[spmem:s2] =	stream.indirect.scatter.add.f32 [tilespmem:s19], [sflag:$0x3], $0x80, s28, s18, $0xb8;
	[tilespmem:$0x1E800] =	vst v63  }
0x84: {  	_ =	swait.ge [sflag:s21], $0x3E80  }
0x85: {  	[sflag:s21] =	ssyncset.done $0x0  }
0x86: {  	s28 =	sadd.s32 $0x100, s26;
	[sflag:s21] =	ssyncadd.s32 $0xFFFFC180  }
0x87: {  	[tilespmem:s19], [sflag:$0x1] =	stream.indirect.gather [hbm4b:s1+s18], $0x80, s28, s18, $0xb8;
	[tilespmem:$0x1E800] =	vst v63  }
0x88: {  	_ =	swait.ge [sflag:s17], $0x3E80  }
.Ltmp1:
0x89: {  	[sflag:s17] =	ssyncset.done $0x0;
	(pc) =	sbr.rel @p0 .LBB2_4-.Ltmp1, $4  }
0x8a: {  	s26 =	sadd.s32 $0x1480, s26;
	[sflag:s17] =	ssyncadd.s32 $0xFFFFC180  }
0x8b: {  	[spmem:s2] =	stream.indirect.scatter.add.f32 [tilespmem:s20], [sflag:$0x3], $0x80, s26, s18, $0xb8;
	[tilespmem:$0x1E800] =	vst v63  }
0x8c: {  	_ =	swait.ge [sflag:s21], $0x3E80  }
0x8d: {  	s28 =	smov.u32 s31;
	s26 =	sshra.s32 s30, $0x2;
	[sflag:s21] =	ssyncset.done $0x0  }
0x8e: {  	s28 =	sadd.s32 $0x80, s26;
	[sflag:s21] =	ssyncadd.s32 $0xFFFFC180  }
0x8f: {  	[tilespmem:s20], [sflag:$0x2] =	stream.indirect.gather [hbm4b:s1+s18], $0x80, s28, s18, $0xb8;
	[tilespmem:$0x1E800] =	vst v63  }
0x90: {  	_ =	swait.ge [sflag:s16], $0x3E80  }
0x91: {  	[sflag:s16] =	ssyncset.done $0x0  }
0x92: {  	s31 =	sadd.s32 $0x1400, s26;
	[sflag:s16] =	ssyncadd.s32 $0xFFFFC180  }
0x93: {  	[spmem:s2] =	stream.indirect.scatter.add.f32 [tilespmem:s19], [sflag:$0x3], $0x80, s31, s18, $0xb8;
	[tilespmem:$0x1E800] =	vst v63  }
0x94: {  	_ =	swait.ge [sflag:s21], $0x3E80  }
0x95: {  	[sflag:s21] =	ssyncset.done $0x0  }
0x96: {  	s29 =	sadd.s32 $0x100, s26;
	[sflag:s21] =	ssyncadd.s32 $0xFFFFC180  }
0x97: {  	[tilespmem:s19], [sflag:$0x1] =	stream.indirect.gather [hbm4b:s1+s18], $0x80, s29, s18, $0xb8;
	[tilespmem:$0x1E800] =	vst v63  }
0x98: {  	_ =	swait.ge [sflag:s17], $0x3E80  }
0x99: {  	[sflag:s17] =	ssyncset.done $0x0  }
0x9a: {  	s30 =	sadd.s32 $0x1480, s26;
	[sflag:s17] =	ssyncadd.s32 $0xFFFFC180  }
0x9b: {  	[spmem:s2] =	stream.indirect.scatter.add.f32 [tilespmem:s20], [sflag:$0x3], $0x80, s30, s18, $0xb8;
	[tilespmem:$0x1E800] =	vst v63  }
0x9c: {  	_ =	swait.ge [sflag:s21], $0x3E80  }
0x9d: {  	[sflag:s21] =	ssyncset.done $0x0  }
0x9e: {  	[sflag:s21] =	ssyncadd.s32 $0xFFFFC180  }
0x9f: {  	[tilespmem:s20], [sflag:$0x2] =	stream.indirect.gather [hbm4b:s1+s18], $0x80, s22, s18, $0xb8;
	[tilespmem:$0x1E800] =	vst v63  }
0xa0: {  	_ =	swait.ge [sflag:s16], $0x3E80  }
0xa1: {  	[sflag:s16] =	ssyncset.done $0x0  }
0xa2: {  	[sflag:s16] =	ssyncadd.s32 $0xFFFFC180  }
0xa3: {  	[spmem:s2] =	stream.indirect.scatter.add.f32 [tilespmem:s19], [sflag:$0x3], $0x80, s23, s18, $0xb8;
	[tilespmem:$0x1E800] =	vst v63  }
0xa4: {  	_ =	swait.ge [sflag:s21], $0x3E80  }
0xa5: {  	[sflag:s21] =	ssyncset.done $0x0  }
0xa6: {  	[sflag:s21] =	ssyncadd.s32 $0xFFFFC180  }
0xa7: {  	_ =	swait.ge [sflag:s17], $0x3E80  }
0xa8: {  	[sflag:s17] =	ssyncset.done $0x0  }
0xa9: {  	[sflag:s17] =	ssyncadd.s32 $0xFFFFC180  }
0xaa: {  	[spmem:s2] =	stream.indirect.scatter.add.f32 [tilespmem:s20], [sflag:$0x3], $0x80, s24, s18, $0xb8;
	[tilespmem:$0x1E800] =	vst v63  }
0xab: {  	_ =	swait.ge [sflag:s21], $0x3E80  }
0xac: {  	s25 =	sadd.s32 $0x1, s25;
	[sflag:s21] =	ssyncset.done $0x0  }
0xad: {  	p0 =	sne.s32 s25, s13;
	[sflag:s21] =	ssyncadd.s32 $0xFFFFC180  }
.Ltmp2:
0xae: {  	s31 =	sor.u32 $0x1C03, s6;
	[bflag:$0x0] =	sbarrier.arrive $0xFFFF;
	(pc) =	sbr.rel @p0 .LBB2_1-.Ltmp2, $4  }
0xaf: {  	[hbm:s12], [sflag:s31] =	dma.local [spmem:s14], $0x2800  }
0xb0: {  	_ =	swait.ge [sflag:s21], $0x2800  }
0xb1: {  	[sflag:s21] =	ssyncset.done $0x0  }
0xb2: {  	[sflag:s21] =	ssyncadd.s32 $0xFFFFD800  }
0xb3: {  	_ =	sfence.sel $0x180000  }
0xb4: {  	[bflag:$0x0] =	sbarrier.arrive $0xFFFF  }
0xb5: {  	p0 =	sne.s32 s3, $0x0;
	_ =	strace $0x9000004D  }
0xb6: {  	s0 =	sadd.s32 @!p0 $0x100000, s0;
	[bflag:$0x2] =	sbarrier.arrive $0xFFFF  }
0xb7: {  	[sflag:s0] =	ssyncadd.tile.s32 @!p0 $0x1;
	_ =	shalt  }
.Lfunc_end2:
_tile_overlayer_lowered:
.L_overlay_start_2:
0xb8: {  	(tag) =	ssettag $0x2  }
0xb9: {  	s0 =	rddreg [dreg:$0x0];
	s2 =	stileid.u32  }
0xba: {  	s1 =	rddreg [dreg:$0x1];
	p0 =	sne.s32 s2, $0x0  }
0xbb: {  	s3 =	rddreg [dreg:$0x2];
	[bflag:$0x3] =	sbarrier.arrive $0xFFFF;
	s2 =	simm.s32 @!p0 $0x1C03  }
0xbc: {  	[timem:s3], [sflag:s2] =	dma.local @!p0 [hbm:s0], s1  }
0xbd: {  	s0 =	simm.s32 @!p0 $0x3  }
0xbe: {  	_ =	swait.ge @!p0 [sflag:s0], s1  }
0xbf: {  	s1 =	ssub.s32 @!p0 $0x0, s1;
	[sflag:s0] =	ssyncset.done @!p0 $0x0  }
0xc0: {  	[sflag:s0] =	ssyncadd.s32 @!p0 s1  }
0xc1: {  	[bflag:$0x3] =	sbarrier.arrive $0xFFFF  }
0xc2: {  	_ =	shalt  }

// kernel: kernel.21.cloned.1.call-start
scs
__scs_entry_jumppad:
0x0: {  	(pc) =	sbr.rel $0x88, $3  }
0x1: {  	(tag) =	ssettag $0x0;
	lr =	simm.s32 $0x1  }
0x2: {  	[smem:$0x3F99] =	sst lr;
	_ =	strace $0xD0000000  }
0x3: {  	_ = 	snop  }
0x4: {  	_ = 	snop  }
0x5: {  	_ = 	snop  }
0x6: {  	_ = 	snop  }
0x7: {  	_ = 	snop  }
__scs_overlays_trampoline_lowered:
0x8: {  	[smem:$0x3FA8] =	sst s0  }
0x9: {  	[smem:$0x3FA9] =	sst s1  }
0xa: {  	[smem:$0x3FAA] =	sst s2  }
0xb: {  	[smem:$0x3FAB] =	sst s3  }
0xc: {  	[smem:$0x3FAC] =	sst s4  }
0xd: {  	[smem:$0x3FAD] =	sst s5  }
0xe: {  	[smem:$0x3FAE] =	sst s6  }
0xf: {  	[smem:$0x3FAF] =	sst s7  }
0x10: {  	[smem:$0x3FB0] =	sst s8  }
0x11: {  	[smem:$0x3FB1] =	sst s9;
	s0 =	simm.s32 @!p0 $0x0  }
0x12: {  	s1 =	sld [smem:$0x3F97];
	s0 =	simm.s32 @p0 $0x1  }
0x13: {  	[smem:$0x3FB2] =	sst s0;
	s0 =	simm.s32 @!p1 $0x0  }
0x14: {  	s2 =	sld [smem:$0x3F96];
	s0 =	simm.s32 @p1 $0x1  }
0x15: {  	[smem:$0x3FB3] =	sst s0;
	s0 =	simm.s32 @!p2 $0x0  }
0x16: {  	s3 =	sld [smem:$0x3FDB];
	s0 =	simm.s32 @p2 $0x1  }
0x17: {  	s4 =	simm.s32 $0x1BF5;
	[smem:$0x3FB5] =	sst s0  }
0x18: {  	s0 =	sld [smem:$0x3F98];
	_ =	swait.ge [sflag:s4], $0x0  }
0x19: {  	s7 =	sld [smem:$0x3F99]  }
0x1a: {  	s8 =	sadd.s32 $0xFFFFE003, lr  }
0x1b: {  	s9 =	sadd.s32 $0xFFFFFEF7, lr;
	s5 =	simm.s32 $0xFFFFFFFF;
	p2 =	slt.u32 s8, $0xFFFFF086  }
0x1c: {  	p1 =	slt.u32 s9, $0xF7A;
	s5 =	simm.s32 @!p2 $0x0  }
0x1d: {  	s5 =	simm.s32 @p1 $0x1;
	p0 =	seq.s32 s7, s2  }
0x1e: {  	s7 =	smul.u32 @!p0 $0xF7A, s2;
	p2 =	seq.s32 @!p0 s5, $0x0  }
0x1f: {  	s9 =	smul.u32 $0xF7A, s1;
	s8 =	simm.s32 @!p0 $0x1BF5;
	p2 =	por !p2, p0  }
0x20: {  	[sflag:s8] =	ssyncset.s32 @!p0 $0xFFFFF086;
	s6 =	sadd.s32 @!p0 s3, s7;
	s7 =	simm.s32 @!p0 $0x108  }
0x21: {  	s3 =	sadd.s32 s3, s9;
	s6 =	sadd.s32 @!p0 $0x88, s6;
	s7 =	simm.s32 @p2 $0x1082  }
0x22: {  	[simem:s7], [sflag:s8] =	dma.local @!p0 [hbm:s6], $0xF7A  }
0x23: {  	s9 =	sor.u32 $0xD0000000, s2;
	s6 =	simm.s32 $0x108;
	_ =	swait.ge @!p0 [sflag:s8], $0x0  }
0x24: {  	s3 =	sadd.s32 $0x88, s3;
	s6 =	simm.s32 @!p1 $0x1082;
	[sflag:s4] =	ssyncset.s32 $0xFFFFF086  }
0x25: {  	[simem:s6], [sflag:s4] =	dma.local [hbm:s3], $0xF7A  }
0x26: {  	[smem:$0x3F99] =	sst s1;
	(tag) =	ssettag s2;
	_ =	strace s9  }
0x27: {  	s1 =	sld [smem:$0x3FA9]  }
0x28: {  	s2 =	sld [smem:$0x3FAA]  }
0x29: {  	s4 =	sld [smem:$0x3FAC]  }
0x2a: {  	p0 =	seq.s32 s5, $0x0;
	s5 =	sld [smem:$0x3FAD]  }
0x2b: {  	s6 =	sld [smem:$0x3FAE]  }
0x2c: {  	s7 =	sld [smem:$0x3FAF]  }
0x2d: {  	s3 =	simm.s32 $0x108;
	s8 =	sld [smem:$0x3FB0]  }
0x2e: {  	s3 =	simm.s32 @!p0 $0x1082;
	s9 =	sld [smem:$0x3FB1]  }
0x2f: {  	lr =	sadd.s32 s0, s3;
	s0 =	sld [smem:$0x3FA8]  }
0x30: {  	s3 =	sld [smem:$0x3FAB]  }
0x31: {  	[smem:$0x3FB4] =	sst s10  }
0x32: {  	s10 =	sld [smem:$0x3FB2];
	_ =	sdelay $0x3  }
0x33: {  	p0 =	seq.s32 s10, $0x1;
	s10 =	sld [smem:$0x3FB4];
	_ =	sdelay $0x3  }
0x34: {  	[smem:$0x3FB4] =	sst s10  }
0x35: {  	s10 =	sld [smem:$0x3FB3];
	_ =	sdelay $0x3  }
0x36: {  	p1 =	seq.s32 s10, $0x1;
	s10 =	sld [smem:$0x3FB4];
	_ =	sdelay $0x3  }
0x37: {  	[smem:$0x3FB4] =	sst s10  }
0x38: {  	s10 =	sld [smem:$0x3FB5]  }
0x39: {  	_ = 	snop;
	(pc) =	sbr.ind lr, $3  }
0x3a: {  	_ = 	snop  }
0x3b: {  	_ = 	snop  }
0x3c: {  	p2 =	seq.s32 s10, $0x1;
	s10 =	sld [smem:$0x3FB4]  }
0x3d: {  	_ =	shalt  }
0x3e: {  	_ =	shalt  }
0x3f: {  	_ =	shalt  }
0x40: {  	_ =	shalt  }
0x41: {  	_ =	shalt  }
0x42: {  	_ =	shalt  }
0x43: {  	_ =	shalt  }
0x44: {  	_ =	shalt  }
0x45: {  	_ =	shalt  }
0x46: {  	_ =	shalt  }
0x47: {  	_ =	shalt  }
0x48: {  	_ =	shalt  }
0x49: {  	_ =	shalt  }
0x4a: {  	_ =	shalt  }
0x4b: {  	_ =	shalt  }
0x4c: {  	_ =	shalt  }
0x4d: {  	_ =	shalt  }
0x4e: {  	_ =	shalt  }
0x4f: {  	_ =	shalt  }
0x50: {  	_ =	shalt  }
0x51: {  	_ =	shalt  }
0x52: {  	_ =	shalt  }
0x53: {  	_ =	shalt  }
0x54: {  	_ =	shalt  }
0x55: {  	_ =	shalt  }
0x56: {  	_ =	shalt  }
0x57: {  	_ =	shalt  }
0x58: {  	_ =	shalt  }
0x59: {  	_ =	shalt  }
0x5a: {  	_ =	shalt  }
0x5b: {  	_ =	shalt  }
0x5c: {  	_ =	shalt  }
0x5d: {  	_ =	shalt  }
0x5e: {  	_ =	shalt  }
0x5f: {  	_ =	shalt  }
0x60: {  	_ =	shalt  }
0x61: {  	_ =	shalt  }
0x62: {  	_ =	shalt  }
0x63: {  	_ =	shalt  }
0x64: {  	_ =	shalt  }
0x65: {  	_ =	shalt  }
0x66: {  	_ =	shalt  }
0x67: {  	_ =	shalt  }
0x68: {  	_ =	shalt  }
0x69: {  	_ =	shalt  }
0x6a: {  	_ =	shalt  }
0x6b: {  	_ =	shalt  }
0x6c: {  	_ =	shalt  }
0x6d: {  	_ =	shalt  }
0x6e: {  	_ =	shalt  }
0x6f: {  	_ =	shalt  }
0x70: {  	_ =	shalt  }
0x71: {  	_ =	shalt  }
0x72: {  	_ =	shalt  }
0x73: {  	_ =	shalt  }
0x74: {  	_ =	shalt  }
0x75: {  	_ =	shalt  }
0x76: {  	_ =	shalt  }
0x77: {  	_ =	shalt  }
0x78: {  	_ =	shalt  }
0x79: {  	_ =	shalt  }
0x7a: {  	_ =	shalt  }
0x7b: {  	_ =	shalt  }
0x7c: {  	_ =	shalt  }
0x7d: {  	_ =	shalt  }
0x7e: {  	_ =	shalt  }
0x7f: {  	_ =	shalt  }
0x80: {  	_ =	shalt  }
0x81: {  	_ =	shalt  }
0x82: {  	_ =	shalt  }
0x83: {  	_ =	shalt  }
0x84: {  	_ =	shalt  }
0x85: {  	_ =	shalt  }
0x86: {  	_ =	shalt  }
0x87: {  	_ =	shalt  }
.Lfunc_end0:
.L_simem_size_0:
called_computation.3_lowered:
.L_overlay_start_0:
0x88: {  	s2 =	sld [smem:$0x3FD9]  }
0x89: {  	s3 =	sld [smem:$0x3FFE];
	_ =	sdelay $0x1  }
0x8a: {  	s1 =	srdreg.scid  }
0x8b: {  	s0 =	sand.u32 $0x1, s1  }
0x8c: {  	s17 =	sshll.u32 s0, $0xA;
	s2 =	sadd.s32 s3, s2  }
0x8d: {  	s2 =	sadd.s32 s2, s17  }
0x8e: {  	[smem:$0x3FC0] =	sst s2  }
0x8f: {  	_ = 	snop  }
0x90: {  	s2 =	sld [smem:$0x3FD0];
	(tm) =	ssettm $0x1  }
0x91: {  	s18 =	sld [smem:$0x3FFB];
	_ =	sdelay $0x3  }
0x92: {  	_ =	strace s18  }
0x93: {  	s3 =	sld [smem:$0x3FFC];
	_ =	sdelay $0x3  }
0x94: {  	_ =	strace s3  }
0x95: {  	s3 =	sld [smem:$0x3FFD];
	_ =	sdelay $0x3  }
0x96: {  	_ =	strace s3  }
0x97: {  	_ =	strace $0x8FFFFFFF  }
0x98: {  	s19 =	sld [smem:$0x3FDB];
	_ =	sdelay $0x1  }
0x99: {  	s4 =	simm.s32 $_scs_section_size  }
0x9a: {  	s5 =	simm.s32 $_size__tile_overlayer_lowered;
	s6 =	simm.s32 $_tile_overlayer_lowered  }
0x9b: {  	s22 =	simm.s32 $0x1BFF;
	s21 =	sshll.u32 s6, $0x1;
	s3 =	sadd.s32 s4, s19  }
0x9c: {  	s7 =	simm.s32 $0x0;
	s20 =	sshll.u32 s5, $0x1;
	s5 =	sadd.s32 s21, s3  }
0x9d: {  	[timem:s7], [sflag:s22] =	dma.local [hbm:s5], s20  }
0x9e: {  	_ =	swait.ge [sflag:s22], s20  }
0x9f: {  	s4 =	ssub.s32 $0x0, s20;
	[sflag:s22] =	ssyncset.done $0x0  }
0xa0: {  	[sflag:s22] =	ssyncadd.s32 s4;
	_ =	sdelay $0x1  }
0xa1: {  	s23 =	simm.s32 $0x1B8B  }
0xa2: {  	_ =	swait.ge [sflag:s23], $0x1  }
0xa3: {  	[sflag:s23] =	ssyncset.done $0x0  }
0xa4: {  	s25 =	simm.s32 $0x1B8E;
	s24 =	sld [smem:$0x3FFE];
	[sflag:s23] =	ssyncadd.s32 $0xFFFFFFFF  }
0xa5: {  	s26 =	simm.s32 $execute0_lowered;
	[smem:$0x3FD2] =	sst s25  }
0xa6: {  	s5 =	sshll.u32 s26, $0x1;
	_ =	strace $0x8000004F;
	[dreg:$0x1] =	wrdreg $0xFFFFFFFF  }
0xa7: {  	s28 =	simm.s32 $_size_execute0_lowered;
	s3 =	sadd.s32 s3, s5;
	[dreg:$0x0] =	wrdreg $0x0  }
0xa8: {  	s5 =	sshll.u32 s28, $0x1;
	[dreg:$0x2] =	wrdreg s3  }
0xa9: {  	[dreg:$0x3] =	wrdreg s5  }
0xaa: {  	[dreg:$0x4] =	wrdreg $0xC0  }
0xab: {  	_ =	task [dreg:s7], $0x5FFFF  }
0xac: {  	[dreg:$0x1] =	wrdreg $0xFFFFFFFF  }
0xad: {  	[dreg:$0x0] =	wrdreg $0x60  }
0xae: {  	[dreg:$0x2] =	wrdreg s24  }
0xaf: {  	[dreg:$0x3] =	wrdreg s2  }
0xb0: {  	[dreg:$0x4] =	wrdreg $0xA8000  }
0xb1: {  	[dreg:$0x5] =	wrdreg $0x9  }
0xb2: {  	_ =	task.clear_ibuf [dreg:s7], $0x6FFFF;
	_ =	strace $0x9000004F  }
0xb3: {  	s29 =	simm.s32 $0x9;
	_ =	strace $0x80000051  }
0xb4: {  	_ =	swait.ge [sflag:s29], $0x1  }
0xb5: {  	[sflag:s29] =	ssyncadd.s32 $0xFFFFFFFF  }
0xb6: {  	_ =	strace $0x90000051  }
0xb7: {  	_ =	sfence  }
0xb8: {  	s30 =	sld [smem:$0x0];
	_ =	sdelay $0x2  }
0xb9: {  	s31 =	sshll.u32 s1, $0xD;
	s1 =	sshrl.u32 s1, $0x2  }
0xba: {  	s3 =	sand.u32 $0x4000, s31;
	s1 =	sadd.s32 s1, s30  }
0xbb: {  	s0 =	sor.u32 s3, s0;
	s1 =	sshll.u32 s1, $0x11  }
0xbc: {  	s0 =	sor.u32 s1, s0  }
0xbd: {  	s0 =	sadd.s32 $0x8F2B, s0  }
0xbe: {  	[sflag:s0] =	ssyncadd.remote.s32 $0x1  }
0xbf: {  	_ =	sfence.sel $0xFFFF  }
0xc0: {  	[dreg:$0x0] =	wrdreg $0xFFFFFFFF;
	(pc) =	sbr.abs _section_cstart, $3  }
0xc1: {  	[dreg:$0x1] =	wrdreg $0xFFFFFFFF  }
0xc2: {  	_ =	task.clear_ibuf [dreg:s7], $0x2FFFF;
	_ =	strace $0x9FFFFFFF  }
0xc3: {  	(tm) =	ssettm $0x7FFFFFFF  }
tec
execute0_lowered:
.L_overlay_start_1:
0x0: {  	(tag) =	ssettag $0x1  }
0x1: {  	s6 =	rddreg [dreg:$0x0]  }
0x2: {  	s1 =	rddreg [dreg:$0x1]  }
0x3: {  	s2 =	rddreg [dreg:$0x2]  }
0x4: {  	s3 =	srdreg.scid;
	s0 =	rddreg [dreg:$0x3]  }
0x5: {  	s4 =	simm.s32 $0x0;
	s16 =	simm.s32 $0x1;
	s17 =	simm.s32 $0x2  }
0x6: {  	s18 =	simm.s32 $0x7D;
	s19 =	simm.s32 $0x2800;
	s20 =	simm.s32 $0x6800  }
0x7: {  	s21 =	simm.s32 $0x3;
	s22 =	simm.s32 $0x1380;
	s23 =	simm.s32 $0x2700  }
0x8: {  	s24 =	simm.s32 $0x2780;
	s25 =	simm.s32 $0x0;
	s7 =	sand.u32 $0x1, s3  }
0x9: {  	s3 =	stileid.u32;
	[smem:$0x7FF] =	sst s4;
	s10 =	sadd.s32 $0xE000, s6  }
0xa: {  	s11 =	sadd.s32 $0x4000, s6;
	s5 =	sadd.s32 $0x18000, s6;
	s8 =	smul.u32 $0x140000, s7  }
0xb: {  	s9 =	smul.u32 $0x14000, s3;
	s26 =	sshll.u32 s7, $0x4;
	s7 =	ssub.s32 $0x2, s7  }
0xc: {  	_ =	strace $0x80000050;
	s12 =	smul.u32 $0x50000, s3;
	s13 =	sshrl.u32 s7, $0x1  }
0xd: {  	s8 =	sadd.s32 s9, s8;
	s9 =	sor.u32 s3, s26;
	s13 =	ssub.s32 s7, s13  }
0xe: {  	s28 =	sshrl.u32 s12, $0x2;
	s8 =	sshrl.u32 s8, $0x3;
	s14 =	smul.u32 $0x2800, s9  }
0xf: {  	s9 =	smul.u32 $0x500, s9;
	s30 =	sadd.s32 s28, s2;
	s13 =	smax.u32 s13, $0x1  }
0x10: {  	s15 =	sadd.s32 s8, s6;
	s6 =	sshll.u32 s3, $0x6;
	s29 =	sshrl.u32 s14, $0x3  }
0x11: {  	s7 =	sor.u32 $0x1C01, s6;
	s8 =	sadd.s32 s10, s9;
	s9 =	sadd.s32 s11, s9  }
0x12: {  	s12 =	sadd.s32 $0x1A800, s15;
	s14 =	sshrl.u32 s30, $0x3;
	s31 =	sadd.s32 $0x280, s29  }
0x13: {  	s15 =	simm.s32 $0x1400;
	s10 =	sadd.s32 s10, s31;
	s11 =	sadd.s32 s11, s31  }
.LBB2_1:
0x14: {  	[spmem:s14], [sflag:s7] =	dma.local [hbm:s5], $0x2800  }
0x15: {  	[tilespmem:s4], [sflag:$0x2] =	stream.linear.gather [hbm4b:s8+s4], $0x1400, $0x38;
	[tilespmem:$0x1E800] =	vst v63  }
0x16: {  	_ = 	snop  }
0x17: {  	[tilespmem:s15], [sflag:$0x2] =	stream.linear.gather [hbm4b:s9+s4], $0x1400, $0x38;
	[tilespmem:$0x1E800] =	vst v63  }
0x18: {  	_ =	swait.ge [sflag:s16], $0x2800  }
0x19: {  	[sflag:s16] =	ssyncset.done $0x0  }
0x1a: {  	[sflag:s16] =	ssyncadd.s32 $0xFFFFD800  }
0x1b: {  	_ =	swait.ge [sflag:s17], $0x1400  }
0x1c: {  	[sflag:s17] =	ssyncset.done $0x0  }
0x1d: {  	[sflag:s17] =	ssyncadd.s32 $0xFFFFEC00  }
0x1e: {  	_ =	swait.ge [sflag:s17], $0x1400  }
0x1f: {  	[sflag:s17] =	ssyncset.done $0x0  }
0x20: {  	[sflag:s17] =	ssyncadd.s32 $0xFFFFEC00  }
0x21: {  	[bflag:$0x0] =	sbarrier.arrive $0xFFFF  }
0x22: {  	[tilespmem:s19], [sflag:$0x1] =	stream.indirect.gather [hbm4b:s1+s18], $0x80, s4, s18, $0xb8;
	[tilespmem:$0x1E800] =	vst v63  }
0x23: {  	s26 =	simm.s32 $0x80  }
0x24: {  	[tilespmem:s20], [sflag:$0x2] =	stream.indirect.gather [hbm4b:s1+s18], $0x80, s26, s18, $0xb8;
	[tilespmem:$0x1E800] =	vst v63  }
0x25: {  	_ =	swait.ge [sflag:s16], $0x3E80  }
0x26: {  	[sflag:s16] =	ssyncset.done $0x0  }
0x27: {  	s29 =	simm.s32 $0x1400;
	[sflag:s16] =	ssyncadd.s32 $0xFFFFC180  }
0x28: {  	[spmem:s2] =	stream.indirect.scatter.add.f32 [tilespmem:s19], [sflag:$0x3], $0x80, s29, s18, $0xb8;
	[tilespmem:$0x1E800] =	vst v63  }
0x29: {  	_ =	swait.ge [sflag:s21], $0x3E80  }
0x2a: {  	[sflag:s21] =	ssyncset.done $0x0  }
0x2b: {  	s30 =	simm.s32 $0x100;
	[sflag:s21] =	ssyncadd.s32 $0xFFFFC180  }
0x2c: {  	[tilespmem:s19], [sflag:$0x1] =	stream.indirect.gather [hbm4b:s1+s18], $0x80, s30, s18, $0xb8;
	[tilespmem:$0x1E800] =	vst v63  }
0x2d: {  	_ =	swait.ge [sflag:s17], $0x3E80  }
0x2e: {  	[sflag:s17] =	ssyncset.done $0x0  }
0x2f: {  	s31 =	simm.s32 $0x1480;
	[sflag:s17] =	ssyncadd.s32 $0xFFFFC180  }
0x30: {  	[spmem:s2] =	stream.indirect.scatter.add.f32 [tilespmem:s20], [sflag:$0x3], $0x80, s31, s18, $0xb8;
	[tilespmem:$0x1E800] =	vst v63  }
0x31: {  	_ =	swait.ge [sflag:s21], $0x3E80  }
0x32: {  	s28 =	simm.s32 $0x800;
	s26 =	simm.s32 $0x100;
	[sflag:s21] =	ssyncset.done $0x0  }
.LBB2_2:
0x33: {  	s29 =	sadd.s32 $0x80, s26  }
0x34: {  	[sflag:s21] =	ssyncadd.s32 $0xFFFFC180;
	s30 =	smov.u32 s28;
	s31 =	sadd.s32 $0x400, s28  }
0x35: {  	[tilespmem:s20], [sflag:$0x2] =	stream.indirect.gather [hbm4b:s1+s18], $0x80, s29, s18, $0xb8;
	[tilespmem:$0x1E800] =	vst v63  }
0x36: {  	p0 =	sne.s32 s28, $0x4800;
	_ =	swait.ge [sflag:s16], $0x3E80  }
0x37: {  	[sflag:s16] =	ssyncset.done $0x0  }
0x38: {  	s28 =	sadd.s32 $0x1400, s26;
	[sflag:s16] =	ssyncadd.s32 $0xFFFFC180  }
0x39: {  	[spmem:s2] =	stream.indirect.scatter.add.f32 [tilespmem:s19], [sflag:$0x3], $0x80, s28, s18, $0xb8;
	[tilespmem:$0x1E800] =	vst v63  }
0x3a: {  	_ =	swait.ge [sflag:s21], $0x3E80  }
0x3b: {  	[sflag:s21] =	ssyncset.done $0x0  }
0x3c: {  	s28 =	sadd.s32 $0x100, s26;
	[sflag:s21] =	ssyncadd.s32 $0xFFFFC180  }
0x3d: {  	[tilespmem:s19], [sflag:$0x1] =	stream.indirect.gather [hbm4b:s1+s18], $0x80, s28, s18, $0xb8;
	[tilespmem:$0x1E800] =	vst v63  }
0x3e: {  	_ =	swait.ge [sflag:s17], $0x3E80  }
.Ltmp0:
0x3f: {  	[sflag:s17] =	ssyncset.done $0x0;
	(pc) =	sbr.rel @p0 .LBB2_2-.Ltmp0, $4  }
0x40: {  	s26 =	sadd.s32 $0x1480, s26;
	[sflag:s17] =	ssyncadd.s32 $0xFFFFC180  }
0x41: {  	[spmem:s2] =	stream.indirect.scatter.add.f32 [tilespmem:s20], [sflag:$0x3], $0x80, s26, s18, $0xb8;
	[tilespmem:$0x1E800] =	vst v63  }
0x42: {  	_ =	swait.ge [sflag:s21], $0x3E80  }
0x43: {  	s28 =	smov.u32 s31;
	s26 =	sshra.s32 s30, $0x2;
	[sflag:s21] =	ssyncset.done $0x0  }
0x44: {  	s28 =	sadd.s32 $0x80, s26;
	[sflag:s21] =	ssyncadd.s32 $0xFFFFC180  }
0x45: {  	[tilespmem:s20], [sflag:$0x2] =	stream.indirect.gather [hbm4b:s1+s18], $0x80, s28, s18, $0xb8;
	[tilespmem:$0x1E800] =	vst v63  }
0x46: {  	_ =	swait.ge [sflag:s16], $0x3E80  }
0x47: {  	[sflag:s16] =	ssyncset.done $0x0  }
0x48: {  	s28 =	sadd.s32 $0x1400, s26;
	[sflag:s16] =	ssyncadd.s32 $0xFFFFC180  }
0x49: {  	[spmem:s2] =	stream.indirect.scatter.add.f32 [tilespmem:s19], [sflag:$0x3], $0x80, s28, s18, $0xb8;
	[tilespmem:$0x1E800] =	vst v63  }
0x4a: {  	_ =	swait.ge [sflag:s21], $0x3E80  }
0x4b: {  	[sflag:s21] =	ssyncset.done $0x0  }
0x4c: {  	s28 =	sadd.s32 $0x100, s26;
	[sflag:s21] =	ssyncadd.s32 $0xFFFFC180  }
0x4d: {  	[tilespmem:s19], [sflag:$0x1] =	stream.indirect.gather [hbm4b:s1+s18], $0x80, s28, s18, $0xb8;
	[tilespmem:$0x1E800] =	vst v63  }
0x4e: {  	_ =	swait.ge [sflag:s17], $0x3E80  }
0x4f: {  	[sflag:s17] =	ssyncset.done $0x0  }
0x50: {  	s29 =	sadd.s32 $0x1480, s26;
	[sflag:s17] =	ssyncadd.s32 $0xFFFFC180  }
0x51: {  	[spmem:s2] =	stream.indirect.scatter.add.f32 [tilespmem:s20], [sflag:$0x3], $0x80, s29, s18, $0xb8;
	[tilespmem:$0x1E800] =	vst v63  }
0x52: {  	_ =	swait.ge [sflag:s21], $0x3E80  }
0x53: {  	[sflag:s21] =	ssyncset.done $0x0  }
0x54: {  	[sflag:s21] =	ssyncadd.s32 $0xFFFFC180  }
0x55: {  	[tilespmem:s20], [sflag:$0x2] =	stream.indirect.gather [hbm4b:s1+s18], $0x80, s22, s18, $0xb8;
	[tilespmem:$0x1E800] =	vst v63  }
0x56: {  	_ =	swait.ge [sflag:s16], $0x3E80  }
0x57: {  	[sflag:s16] =	ssyncset.done $0x0  }
0x58: {  	[sflag:s16] =	ssyncadd.s32 $0xFFFFC180  }
0x59: {  	[spmem:s2] =	stream.indirect.scatter.add.f32 [tilespmem:s19], [sflag:$0x3], $0x80, s23, s18, $0xb8;
	[tilespmem:$0x1E800] =	vst v63  }
0x5a: {  	_ =	swait.ge [sflag:s21], $0x3E80  }
0x5b: {  	[sflag:s21] =	ssyncset.done $0x0  }
0x5c: {  	[sflag:s21] =	ssyncadd.s32 $0xFFFFC180  }
0x5d: {  	_ =	swait.ge [sflag:s17], $0x3E80  }
0x5e: {  	[sflag:s17] =	ssyncset.done $0x0  }
0x5f: {  	[sflag:s17] =	ssyncadd.s32 $0xFFFFC180  }
0x60: {  	[spmem:s2] =	stream.indirect.scatter.add.f32 [tilespmem:s20], [sflag:$0x3], $0x80, s24, s18, $0xb8;
	[tilespmem:$0x1E800] =	vst v63  }
0x61: {  	_ =	swait.ge [sflag:s21], $0x3E80  }
0x62: {  	[sflag:s21] =	ssyncset.done $0x0  }
0x63: {  	s30 =	simm.s32 $0x0;
	[sflag:s21] =	ssyncadd.s32 $0xFFFFC180  }
0x64: {  	[tilespmem:s30], [sflag:$0x3] =	stream.linear.gather [hbm4b:s10+s30], $0x1400, $0x38;
	[tilespmem:$0x1E800] =	vst v63  }
0x65: {  	_ =	swait.ge [sflag:s21], $0x1400  }
0x66: {  	[sflag:s21] =	ssyncset.done $0x0  }
0x67: {  	[sflag:s21] =	ssyncadd.s32 $0xFFFFEC00  }
0x68: {  	[tilespmem:s15], [sflag:$0x3] =	stream.linear.gather [hbm4b:s11+s30], $0x1400, $0x38;
	[tilespmem:$0x1E800] =	vst v63  }
0x69: {  	_ =	swait.ge [sflag:s21], $0x1400  }
0x6a: {  	[sflag:s21] =	ssyncset.done $0x0  }
0x6b: {  	[sflag:s21] =	ssyncadd.s32 $0xFFFFEC00  }
0x6c: {  	[tilespmem:s19], [sflag:$0x1] =	stream.indirect.gather [hbm4b:s1+s18], $0x80, s30, s18, $0xb8;
	[tilespmem:$0x1E800] =	vst v63  }
0x6d: {  	s31 =	simm.s32 $0x80  }
0x6e: {  	[tilespmem:s20], [sflag:$0x2] =	stream.indirect.gather [hbm4b:s1+s18], $0x80, s31, s18, $0xb8;
	[tilespmem:$0x1E800] =	vst v63  }
0x6f: {  	_ =	swait.ge [sflag:s16], $0x3E80  }
0x70: {  	[sflag:s16] =	ssyncset.done $0x0  }
0x71: {  	s29 =	simm.s32 $0x1400;
	[sflag:s16] =	ssyncadd.s32 $0xFFFFC180  }
0x72: {  	[spmem:s2] =	stream.indirect.scatter.add.f32 [tilespmem:s19], [sflag:$0x3], $0x80, s29, s18, $0xb8;
	[tilespmem:$0x1E800] =	vst v63  }
0x73: {  	_ =	swait.ge [sflag:s21], $0x3E80  }
0x74: {  	[sflag:s21] =	ssyncset.done $0x0  }
0x75: {  	s30 =	simm.s32 $0x100;
	[sflag:s21] =	ssyncadd.s32 $0xFFFFC180  }
0x76: {  	[tilespmem:s19], [sflag:$0x1] =	stream.indirect.gather [hbm4b:s1+s18], $0x80, s30, s18, $0xb8;
	[tilespmem:$0x1E800] =	vst v63  }
0x77: {  	_ =	swait.ge [sflag:s17], $0x3E80  }
0x78: {  	[sflag:s17] =	ssyncset.done $0x0  }
0x79: {  	s31 =	simm.s32 $0x1480;
	[sflag:s17] =	ssyncadd.s32 $0xFFFFC180  }
0x7a: {  	[spmem:s2] =	stream.indirect.scatter.add.f32 [tilespmem:s20], [sflag:$0x3], $0x80, s31, s18, $0xb8;
	[tilespmem:$0x1E800] =	vst v63  }
0x7b: {  	_ =	swait.ge [sflag:s21], $0x3E80  }
0x7c: {  	s26 =	simm.s32 $0x100;
	s28 =	simm.s32 $0x800;
	[sflag:s21] =	ssyncset.done $0x0  }
.LBB2_4:
0x7d: {  	s29 =	sadd.s32 $0x80, s26  }
0x7e: {  	[sflag:s21] =	ssyncadd.s32 $0xFFFFC180;
	s30 =	smov.u32 s28;
	s31 =	sadd.s32 $0x400, s28  }
0x7f: {  	[tilespmem:s20], [sflag:$0x2] =	stream.indirect.gather [hbm4b:s1+s18], $0x80, s29, s18, $0xb8;
	[tilespmem:$0x1E800] =	vst v63  }
0x80: {  	p0 =	sne.s32 s28, $0x4800;
	_ =	swait.ge [sflag:s16], $0x3E80  }
0x81: {  	[sflag:s16] =	ssyncset.done $0x0  }
0x82: {  	s28 =	sadd.s32 $0x1400, s26;
	[sflag:s16] =	ssyncadd.s32 $0xFFFFC180  }
0x83: {  	[spmem:s2] =	stream.indirect.scatter.add.f32 [tilespmem:s19], [sflag:$0x3], $0x80, s28, s18, $0xb8;
	[tilespmem:$0x1E800] =	vst v63  }
0x84: {  	_ =	swait.ge [sflag:s21], $0x3E80  }
0x85: {  	[sflag:s21] =	ssyncset.done $0x0  }
0x86: {  	s28 =	sadd.s32 $0x100, s26;
	[sflag:s21] =	ssyncadd.s32 $0xFFFFC180  }
0x87: {  	[tilespmem:s19], [sflag:$0x1] =	stream.indirect.gather [hbm4b:s1+s18], $0x80, s28, s18, $0xb8;
	[tilespmem:$0x1E800] =	vst v63  }
0x88: {  	_ =	swait.ge [sflag:s17], $0x3E80  }
.Ltmp1:
0x89: {  	[sflag:s17] =	ssyncset.done $0x0;
	(pc) =	sbr.rel @p0 .LBB2_4-.Ltmp1, $4  }
0x8a: {  	s26 =	sadd.s32 $0x1480, s26;
	[sflag:s17] =	ssyncadd.s32 $0xFFFFC180  }
0x8b: {  	[spmem:s2] =	stream.indirect.scatter.add.f32 [tilespmem:s20], [sflag:$0x3], $0x80, s26, s18, $0xb8;
	[tilespmem:$0x1E800] =	vst v63  }
0x8c: {  	_ =	swait.ge [sflag:s21], $0x3E80  }
0x8d: {  	s28 =	smov.u32 s31;
	s26 =	sshra.s32 s30, $0x2;
	[sflag:s21] =	ssyncset.done $0x0  }
0x8e: {  	s28 =	sadd.s32 $0x80, s26;
	[sflag:s21] =	ssyncadd.s32 $0xFFFFC180  }
0x8f: {  	[tilespmem:s20], [sflag:$0x2] =	stream.indirect.gather [hbm4b:s1+s18], $0x80, s28, s18, $0xb8;
	[tilespmem:$0x1E800] =	vst v63  }
0x90: {  	_ =	swait.ge [sflag:s16], $0x3E80  }
0x91: {  	[sflag:s16] =	ssyncset.done $0x0  }
0x92: {  	s31 =	sadd.s32 $0x1400, s26;
	[sflag:s16] =	ssyncadd.s32 $0xFFFFC180  }
0x93: {  	[spmem:s2] =	stream.indirect.scatter.add.f32 [tilespmem:s19], [sflag:$0x3], $0x80, s31, s18, $0xb8;
	[tilespmem:$0x1E800] =	vst v63  }
0x94: {  	_ =	swait.ge [sflag:s21], $0x3E80  }
0x95: {  	[sflag:s21] =	ssyncset.done $0x0  }
0x96: {  	s29 =	sadd.s32 $0x100, s26;
	[sflag:s21] =	ssyncadd.s32 $0xFFFFC180  }
0x97: {  	[tilespmem:s19], [sflag:$0x1] =	stream.indirect.gather [hbm4b:s1+s18], $0x80, s29, s18, $0xb8;
	[tilespmem:$0x1E800] =	vst v63  }
0x98: {  	_ =	swait.ge [sflag:s17], $0x3E80  }
0x99: {  	[sflag:s17] =	ssyncset.done $0x0  }
0x9a: {  	s30 =	sadd.s32 $0x1480, s26;
	[sflag:s17] =	ssyncadd.s32 $0xFFFFC180  }
0x9b: {  	[spmem:s2] =	stream.indirect.scatter.add.f32 [tilespmem:s20], [sflag:$0x3], $0x80, s30, s18, $0xb8;
	[tilespmem:$0x1E800] =	vst v63  }
0x9c: {  	_ =	swait.ge [sflag:s21], $0x3E80  }
0x9d: {  	[sflag:s21] =	ssyncset.done $0x0  }
0x9e: {  	[sflag:s21] =	ssyncadd.s32 $0xFFFFC180  }
0x9f: {  	[tilespmem:s20], [sflag:$0x2] =	stream.indirect.gather [hbm4b:s1+s18], $0x80, s22, s18, $0xb8;
	[tilespmem:$0x1E800] =	vst v63  }
0xa0: {  	_ =	swait.ge [sflag:s16], $0x3E80  }
0xa1: {  	[sflag:s16] =	ssyncset.done $0x0  }
0xa2: {  	[sflag:s16] =	ssyncadd.s32 $0xFFFFC180  }
0xa3: {  	[spmem:s2] =	stream.indirect.scatter.add.f32 [tilespmem:s19], [sflag:$0x3], $0x80, s23, s18, $0xb8;
	[tilespmem:$0x1E800] =	vst v63  }
0xa4: {  	_ =	swait.ge [sflag:s21], $0x3E80  }
0xa5: {  	[sflag:s21] =	ssyncset.done $0x0  }
0xa6: {  	[sflag:s21] =	ssyncadd.s32 $0xFFFFC180  }
0xa7: {  	_ =	swait.ge [sflag:s17], $0x3E80  }
0xa8: {  	[sflag:s17] =	ssyncset.done $0x0  }
0xa9: {  	[sflag:s17] =	ssyncadd.s32 $0xFFFFC180  }
0xaa: {  	[spmem:s2] =	stream.indirect.scatter.add.f32 [tilespmem:s20], [sflag:$0x3], $0x80, s24, s18, $0xb8;
	[tilespmem:$0x1E800] =	vst v63  }
0xab: {  	_ =	swait.ge [sflag:s21], $0x3E80  }
0xac: {  	s25 =	sadd.s32 $0x1, s25;
	[sflag:s21] =	ssyncset.done $0x0  }
0xad: {  	p0 =	sne.s32 s25, s13;
	[sflag:s21] =	ssyncadd.s32 $0xFFFFC180  }
.Ltmp2:
0xae: {  	s31 =	sor.u32 $0x1C03, s6;
	[bflag:$0x0] =	sbarrier.arrive $0xFFFF;
	(pc) =	sbr.rel @p0 .LBB2_1-.Ltmp2, $4  }
0xaf: {  	[hbm:s12], [sflag:s31] =	dma.local [spmem:s14], $0x2800  }
0xb0: {  	_ =	swait.ge [sflag:s21], $0x2800  }
0xb1: {  	[sflag:s21] =	ssyncset.done $0x0  }
0xb2: {  	[sflag:s21] =	ssyncadd.s32 $0xFFFFD800  }
0xb3: {  	_ =	sfence.sel $0x180000  }
0xb4: {  	[bflag:$0x0] =	sbarrier.arrive $0xFFFF  }
0xb5: {  	p0 =	sne.s32 s3, $0x0;
	_ =	strace $0x90000050  }
0xb6: {  	s0 =	sadd.s32 @!p0 $0x100000, s0;
	[bflag:$0x2] =	sbarrier.arrive $0xFFFF  }
0xb7: {  	[sflag:s0] =	ssyncadd.tile.s32 @!p0 $0x1;
	_ =	shalt  }
.Lfunc_end2:
_tile_overlayer_lowered:
.L_overlay_start_2:
0xb8: {  	(tag) =	ssettag $0x2  }
0xb9: {  	s0 =	rddreg [dreg:$0x0];
	s2 =	stileid.u32  }
0xba: {  	s1 =	rddreg [dreg:$0x1];
	p0 =	sne.s32 s2, $0x0  }
0xbb: {  	s3 =	rddreg [dreg:$0x2];
	[bflag:$0x3] =	sbarrier.arrive $0xFFFF;
	s2 =	simm.s32 @!p0 $0x1C03  }
0xbc: {  	[timem:s3], [sflag:s2] =	dma.local @!p0 [hbm:s0], s1  }
0xbd: {  	s0 =	simm.s32 @!p0 $0x3  }
0xbe: {  	_ =	swait.ge @!p0 [sflag:s0], s1  }
0xbf: {  	s1 =	ssub.s32 @!p0 $0x0, s1;
	[sflag:s0] =	ssyncset.done @!p0 $0x0  }
0xc0: {  	[sflag:s0] =	ssyncadd.s32 @!p0 s1  }
0xc1: {  	[bflag:$0x3] =	sbarrier.arrive $0xFFFF  }
0xc2: {  	_ =	shalt  }

// kernel: kernel.24.cloned.1.call-start
scs
__scs_entry_jumppad:
0x0: {  	(pc) =	sbr.rel $0x88, $3  }
0x1: {  	(tag) =	ssettag $0x0;
	lr =	simm.s32 $0x1  }
0x2: {  	[smem:$0x3F99] =	sst lr;
	_ =	strace $0xD0000000  }
0x3: {  	_ = 	snop  }
0x4: {  	_ = 	snop  }
0x5: {  	_ = 	snop  }
0x6: {  	_ = 	snop  }
0x7: {  	_ = 	snop  }
__scs_overlays_trampoline_lowered:
0x8: {  	[smem:$0x3FA8] =	sst s0  }
0x9: {  	[smem:$0x3FA9] =	sst s1  }
0xa: {  	[smem:$0x3FAA] =	sst s2  }
0xb: {  	[smem:$0x3FAB] =	sst s3  }
0xc: {  	[smem:$0x3FAC] =	sst s4  }
0xd: {  	[smem:$0x3FAD] =	sst s5  }
0xe: {  	[smem:$0x3FAE] =	sst s6  }
0xf: {  	[smem:$0x3FAF] =	sst s7  }
0x10: {  	[smem:$0x3FB0] =	sst s8  }
0x11: {  	[smem:$0x3FB1] =	sst s9;
	s0 =	simm.s32 @!p0 $0x0  }
0x12: {  	s1 =	sld [smem:$0x3F97];
	s0 =	simm.s32 @p0 $0x1  }
0x13: {  	[smem:$0x3FB2] =	sst s0;
	s0 =	simm.s32 @!p1 $0x0  }
0x14: {  	s2 =	sld [smem:$0x3F96];
	s0 =	simm.s32 @p1 $0x1  }
0x15: {  	[smem:$0x3FB3] =	sst s0;
	s0 =	simm.s32 @!p2 $0x0  }
0x16: {  	s3 =	sld [smem:$0x3FDB];
	s0 =	simm.s32 @p2 $0x1  }
0x17: {  	s4 =	simm.s32 $0x1BF5;
	[smem:$0x3FB5] =	sst s0  }
0x18: {  	s0 =	sld [smem:$0x3F98];
	_ =	swait.ge [sflag:s4], $0x0  }
0x19: {  	s7 =	sld [smem:$0x3F99]  }
0x1a: {  	s8 =	sadd.s32 $0xFFFFE003, lr  }
0x1b: {  	s9 =	sadd.s32 $0xFFFFFEF7, lr;
	s5 =	simm.s32 $0xFFFFFFFF;
	p2 =	slt.u32 s8, $0xFFFFF086  }
0x1c: {  	p1 =	slt.u32 s9, $0xF7A;
	s5 =	simm.s32 @!p2 $0x0  }
0x1d: {  	s5 =	simm.s32 @p1 $0x1;
	p0 =	seq.s32 s7, s2  }
0x1e: {  	s7 =	smul.u32 @!p0 $0xF7A, s2;
	p2 =	seq.s32 @!p0 s5, $0x0  }
0x1f: {  	s9 =	smul.u32 $0xF7A, s1;
	s8 =	simm.s32 @!p0 $0x1BF5;
	p2 =	por !p2, p0  }
0x20: {  	[sflag:s8] =	ssyncset.s32 @!p0 $0xFFFFF086;
	s6 =	sadd.s32 @!p0 s3, s7;
	s7 =	simm.s32 @!p0 $0x108  }
0x21: {  	s3 =	sadd.s32 s3, s9;
	s6 =	sadd.s32 @!p0 $0x88, s6;
	s7 =	simm.s32 @p2 $0x1082  }
0x22: {  	[simem:s7], [sflag:s8] =	dma.local @!p0 [hbm:s6], $0xF7A  }
0x23: {  	s9 =	sor.u32 $0xD0000000, s2;
	s6 =	simm.s32 $0x108;
	_ =	swait.ge @!p0 [sflag:s8], $0x0  }
0x24: {  	s3 =	sadd.s32 $0x88, s3;
	s6 =	simm.s32 @!p1 $0x1082;
	[sflag:s4] =	ssyncset.s32 $0xFFFFF086  }
0x25: {  	[simem:s6], [sflag:s4] =	dma.local [hbm:s3], $0xF7A  }
0x26: {  	[smem:$0x3F99] =	sst s1;
	(tag) =	ssettag s2;
	_ =	strace s9  }
0x27: {  	s1 =	sld [smem:$0x3FA9]  }
0x28: {  	s2 =	sld [smem:$0x3FAA]  }
0x29: {  	s4 =	sld [smem:$0x3FAC]  }
0x2a: {  	p0 =	seq.s32 s5, $0x0;
	s5 =	sld [smem:$0x3FAD]  }
0x2b: {  	s6 =	sld [smem:$0x3FAE]  }
0x2c: {  	s7 =	sld [smem:$0x3FAF]  }
0x2d: {  	s3 =	simm.s32 $0x108;
	s8 =	sld [smem:$0x3FB0]  }
0x2e: {  	s3 =	simm.s32 @!p0 $0x1082;
	s9 =	sld [smem:$0x3FB1]  }
0x2f: {  	lr =	sadd.s32 s0, s3;
	s0 =	sld [smem:$0x3FA8]  }
0x30: {  	s3 =	sld [smem:$0x3FAB]  }
0x31: {  	[smem:$0x3FB4] =	sst s10  }
0x32: {  	s10 =	sld [smem:$0x3FB2];
	_ =	sdelay $0x3  }
0x33: {  	p0 =	seq.s32 s10, $0x1;
	s10 =	sld [smem:$0x3FB4];
	_ =	sdelay $0x3  }
0x34: {  	[smem:$0x3FB4] =	sst s10  }
0x35: {  	s10 =	sld [smem:$0x3FB3];
	_ =	sdelay $0x3  }
0x36: {  	p1 =	seq.s32 s10, $0x1;
	s10 =	sld [smem:$0x3FB4];
	_ =	sdelay $0x3  }
0x37: {  	[smem:$0x3FB4] =	sst s10  }
0x38: {  	s10 =	sld [smem:$0x3FB5]  }
0x39: {  	_ = 	snop;
	(pc) =	sbr.ind lr, $3  }
0x3a: {  	_ = 	snop  }
0x3b: {  	_ = 	snop  }
0x3c: {  	p2 =	seq.s32 s10, $0x1;
	s10 =	sld [smem:$0x3FB4]  }
0x3d: {  	_ =	shalt  }
0x3e: {  	_ =	shalt  }
0x3f: {  	_ =	shalt  }
0x40: {  	_ =	shalt  }
0x41: {  	_ =	shalt  }
0x42: {  	_ =	shalt  }
0x43: {  	_ =	shalt  }
0x44: {  	_ =	shalt  }
0x45: {  	_ =	shalt  }
0x46: {  	_ =	shalt  }
0x47: {  	_ =	shalt  }
0x48: {  	_ =	shalt  }
0x49: {  	_ =	shalt  }
0x4a: {  	_ =	shalt  }
0x4b: {  	_ =	shalt  }
0x4c: {  	_ =	shalt  }
0x4d: {  	_ =	shalt  }
0x4e: {  	_ =	shalt  }
0x4f: {  	_ =	shalt  }
0x50: {  	_ =	shalt  }
0x51: {  	_ =	shalt  }
0x52: {  	_ =	shalt  }
0x53: {  	_ =	shalt  }
0x54: {  	_ =	shalt  }
0x55: {  	_ =	shalt  }
0x56: {  	_ =	shalt  }
0x57: {  	_ =	shalt  }
0x58: {  	_ =	shalt  }
0x59: {  	_ =	shalt  }
0x5a: {  	_ =	shalt  }
0x5b: {  	_ =	shalt  }
0x5c: {  	_ =	shalt  }
0x5d: {  	_ =	shalt  }
0x5e: {  	_ =	shalt  }
0x5f: {  	_ =	shalt  }
0x60: {  	_ =	shalt  }
0x61: {  	_ =	shalt  }
0x62: {  	_ =	shalt  }
0x63: {  	_ =	shalt  }
0x64: {  	_ =	shalt  }
0x65: {  	_ =	shalt  }
0x66: {  	_ =	shalt  }
0x67: {  	_ =	shalt  }
0x68: {  	_ =	shalt  }
0x69: {  	_ =	shalt  }
0x6a: {  	_ =	shalt  }
0x6b: {  	_ =	shalt  }
0x6c: {  	_ =	shalt  }
0x6d: {  	_ =	shalt  }
0x6e: {  	_ =	shalt  }
0x6f: {  	_ =	shalt  }
0x70: {  	_ =	shalt  }
0x71: {  	_ =	shalt  }
0x72: {  	_ =	shalt  }
0x73: {  	_ =	shalt  }
0x74: {  	_ =	shalt  }
0x75: {  	_ =	shalt  }
0x76: {  	_ =	shalt  }
0x77: {  	_ =	shalt  }
0x78: {  	_ =	shalt  }
0x79: {  	_ =	shalt  }
0x7a: {  	_ =	shalt  }
0x7b: {  	_ =	shalt  }
0x7c: {  	_ =	shalt  }
0x7d: {  	_ =	shalt  }
0x7e: {  	_ =	shalt  }
0x7f: {  	_ =	shalt  }
0x80: {  	_ =	shalt  }
0x81: {  	_ =	shalt  }
0x82: {  	_ =	shalt  }
0x83: {  	_ =	shalt  }
0x84: {  	_ =	shalt  }
0x85: {  	_ =	shalt  }
0x86: {  	_ =	shalt  }
0x87: {  	_ =	shalt  }
.Lfunc_end0:
.L_simem_size_0:
called_computation.4_lowered:
.L_overlay_start_0:
0x88: {  	s2 =	sld [smem:$0x3FD9]  }
0x89: {  	s3 =	sld [smem:$0x3FFE];
	_ =	sdelay $0x1  }
0x8a: {  	s1 =	srdreg.scid  }
0x8b: {  	s0 =	sand.u32 $0x1, s1  }
0x8c: {  	s17 =	sshll.u32 s0, $0xA;
	s2 =	sadd.s32 s3, s2  }
0x8d: {  	s2 =	sadd.s32 s2, s17  }
0x8e: {  	[smem:$0x3FC0] =	sst s2  }
0x8f: {  	_ = 	snop  }
0x90: {  	s2 =	sld [smem:$0x3FD0];
	(tm) =	ssettm $0x1  }
0x91: {  	s18 =	sld [smem:$0x3FFB];
	_ =	sdelay $0x3  }
0x92: {  	_ =	strace s18  }
0x93: {  	s3 =	sld [smem:$0x3FFC];
	_ =	sdelay $0x3  }
0x94: {  	_ =	strace s3  }
0x95: {  	s3 =	sld [smem:$0x3FFD];
	_ =	sdelay $0x3  }
0x96: {  	_ =	strace s3  }
0x97: {  	_ =	strace $0x8FFFFFFF  }
0x98: {  	s19 =	sld [smem:$0x3FDB];
	_ =	sdelay $0x1  }
0x99: {  	s4 =	simm.s32 $_scs_section_size  }
0x9a: {  	s5 =	simm.s32 $_size__tile_overlayer_lowered;
	s6 =	simm.s32 $_tile_overlayer_lowered  }
0x9b: {  	s22 =	simm.s32 $0x1BFF;
	s21 =	sshll.u32 s6, $0x1;
	s3 =	sadd.s32 s4, s19  }
0x9c: {  	s7 =	simm.s32 $0x0;
	s20 =	sshll.u32 s5, $0x1;
	s5 =	sadd.s32 s21, s3  }
0x9d: {  	[timem:s7], [sflag:s22] =	dma.local [hbm:s5], s20  }
0x9e: {  	_ =	swait.ge [sflag:s22], s20  }
0x9f: {  	s4 =	ssub.s32 $0x0, s20;
	[sflag:s22] =	ssyncset.done $0x0  }
0xa0: {  	[sflag:s22] =	ssyncadd.s32 s4;
	_ =	sdelay $0x1  }
0xa1: {  	s23 =	simm.s32 $0x1B8B  }
0xa2: {  	_ =	swait.ge [sflag:s23], $0x1  }
0xa3: {  	[sflag:s23] =	ssyncset.done $0x0  }
0xa4: {  	s25 =	simm.s32 $0x1B8E;
	s24 =	sld [smem:$0x3FFE];
	[sflag:s23] =	ssyncadd.s32 $0xFFFFFFFF  }
0xa5: {  	s26 =	simm.s32 $execute0_lowered;
	[smem:$0x3FD2] =	sst s25  }
0xa6: {  	s5 =	sshll.u32 s26, $0x1;
	_ =	strace $0x80000052;
	[dreg:$0x1] =	wrdreg $0xFFFFFFFF  }
0xa7: {  	s28 =	simm.s32 $_size_execute0_lowered;
	s3 =	sadd.s32 s3, s5;
	[dreg:$0x0] =	wrdreg $0x0  }
0xa8: {  	s5 =	sshll.u32 s28, $0x1;
	[dreg:$0x2] =	wrdreg s3  }
0xa9: {  	[dreg:$0x3] =	wrdreg s5  }
0xaa: {  	[dreg:$0x4] =	wrdreg $0xC0  }
0xab: {  	_ =	task [dreg:s7], $0x5FFFF  }
0xac: {  	[dreg:$0x1] =	wrdreg $0xFFFFFFFF  }
0xad: {  	[dreg:$0x0] =	wrdreg $0x60  }
0xae: {  	[dreg:$0x2] =	wrdreg s24  }
0xaf: {  	[dreg:$0x3] =	wrdreg s2  }
0xb0: {  	[dreg:$0x4] =	wrdreg $0xA8000  }
0xb1: {  	[dreg:$0x5] =	wrdreg $0x9  }
0xb2: {  	_ =	task.clear_ibuf [dreg:s7], $0x6FFFF;
	_ =	strace $0x90000052  }
0xb3: {  	s29 =	simm.s32 $0x9;
	_ =	strace $0x80000054  }
0xb4: {  	_ =	swait.ge [sflag:s29], $0x1  }
0xb5: {  	[sflag:s29] =	ssyncadd.s32 $0xFFFFFFFF  }
0xb6: {  	_ =	strace $0x90000054  }
0xb7: {  	_ =	sfence  }
0xb8: {  	s30 =	sld [smem:$0x0];
	_ =	sdelay $0x2  }
0xb9: {  	s31 =	sshll.u32 s1, $0xD;
	s1 =	sshrl.u32 s1, $0x2  }
0xba: {  	s3 =	sand.u32 $0x4000, s31;
	s1 =	sadd.s32 s1, s30  }
0xbb: {  	s0 =	sor.u32 s3, s0;
	s1 =	sshll.u32 s1, $0x11  }
0xbc: {  	s0 =	sor.u32 s1, s0  }
0xbd: {  	s0 =	sadd.s32 $0x8F2B, s0  }
0xbe: {  	[sflag:s0] =	ssyncadd.remote.s32 $0x1  }
0xbf: {  	_ =	sfence.sel $0xFFFF  }
0xc0: {  	[dreg:$0x0] =	wrdreg $0xFFFFFFFF;
	(pc) =	sbr.abs _section_cstart, $3  }
0xc1: {  	[dreg:$0x1] =	wrdreg $0xFFFFFFFF  }
0xc2: {  	_ =	task.clear_ibuf [dreg:s7], $0x2FFFF;
	_ =	strace $0x9FFFFFFF  }
0xc3: {  	(tm) =	ssettm $0x7FFFFFFF  }
tec
execute0_lowered:
.L_overlay_start_1:
0x0: {  	(tag) =	ssettag $0x1  }
0x1: {  	s6 =	rddreg [dreg:$0x0]  }
0x2: {  	s1 =	rddreg [dreg:$0x1]  }
0x3: {  	s2 =	rddreg [dreg:$0x2]  }
0x4: {  	s3 =	srdreg.scid;
	s0 =	rddreg [dreg:$0x3]  }
0x5: {  	s4 =	simm.s32 $0x0;
	s16 =	simm.s32 $0x1;
	s17 =	simm.s32 $0x2  }
0x6: {  	s18 =	simm.s32 $0x7D;
	s19 =	simm.s32 $0x2800;
	s20 =	simm.s32 $0x6800  }
0x7: {  	s21 =	simm.s32 $0x3;
	s22 =	simm.s32 $0x1380;
	s23 =	simm.s32 $0x2700  }
0x8: {  	s24 =	simm.s32 $0x2780;
	s25 =	simm.s32 $0x0;
	s7 =	sand.u32 $0x1, s3  }
0x9: {  	s3 =	stileid.u32;
	[smem:$0x7FF] =	sst s4;
	s10 =	sadd.s32 $0xE000, s6  }
0xa: {  	s11 =	sadd.s32 $0x4000, s6;
	s5 =	sadd.s32 $0x18000, s6;
	s8 =	smul.u32 $0x140000, s7  }
0xb: {  	s9 =	smul.u32 $0x14000, s3;
	s26 =	sshll.u32 s7, $0x4;
	s7 =	ssub.s32 $0x2, s7  }
0xc: {  	_ =	strace $0x80000053;
	s12 =	smul.u32 $0x50000, s3;
	s13 =	sshrl.u32 s7, $0x1  }
0xd: {  	s8 =	sadd.s32 s9, s8;
	s9 =	sor.u32 s3, s26;
	s13 =	ssub.s32 s7, s13  }
0xe: {  	s28 =	sshrl.u32 s12, $0x2;
	s8 =	sshrl.u32 s8, $0x3;
	s14 =	smul.u32 $0x2800, s9  }
0xf: {  	s9 =	smul.u32 $0x500, s9;
	s30 =	sadd.s32 s28, s2;
	s13 =	smax.u32 s13, $0x1  }
0x10: {  	s15 =	sadd.s32 s8, s6;
	s6 =	sshll.u32 s3, $0x6;
	s29 =	sshrl.u32 s14, $0x3  }
0x11: {  	s7 =	sor.u32 $0x1C01, s6;
	s8 =	sadd.s32 s10, s9;
	s9 =	sadd.s32 s11, s9  }
0x12: {  	s12 =	sadd.s32 $0x1A800, s15;
	s14 =	sshrl.u32 s30, $0x3;
	s31 =	sadd.s32 $0x280, s29  }
0x13: {  	s15 =	simm.s32 $0x1400;
	s10 =	sadd.s32 s10, s31;
	s11 =	sadd.s32 s11, s31  }
.LBB2_1:
0x14: {  	[spmem:s14], [sflag:s7] =	dma.local [hbm:s5], $0x2800  }
0x15: {  	[tilespmem:s4], [sflag:$0x2] =	stream.linear.gather [hbm4b:s8+s4], $0x1400, $0x38;
	[tilespmem:$0x1E800] =	vst v63  }
0x16: {  	_ = 	snop  }
0x17: {  	[tilespmem:s15], [sflag:$0x2] =	stream.linear.gather [hbm4b:s9+s4], $0x1400, $0x38;
	[tilespmem:$0x1E800] =	vst v63  }
0x18: {  	_ =	swait.ge [sflag:s16], $0x2800  }
0x19: {  	[sflag:s16] =	ssyncset.done $0x0  }
0x1a: {  	[sflag:s16] =	ssyncadd.s32 $0xFFFFD800  }
0x1b: {  	_ =	swait.ge [sflag:s17], $0x1400  }
0x1c: {  	[sflag:s17] =	ssyncset.done $0x0  }
0x1d: {  	[sflag:s17] =	ssyncadd.s32 $0xFFFFEC00  }
0x1e: {  	_ =	swait.ge [sflag:s17], $0x1400  }
0x1f: {  	[sflag:s17] =	ssyncset.done $0x0  }
0x20: {  	[sflag:s17] =	ssyncadd.s32 $0xFFFFEC00  }
0x21: {  	[bflag:$0x0] =	sbarrier.arrive $0xFFFF  }
0x22: {  	[tilespmem:s19], [sflag:$0x1] =	stream.indirect.gather [hbm4b:s1+s18], $0x80, s4, s18, $0xb8;
	[tilespmem:$0x1E800] =	vst v63  }
0x23: {  	s26 =	simm.s32 $0x80  }
0x24: {  	[tilespmem:s20], [sflag:$0x2] =	stream.indirect.gather [hbm4b:s1+s18], $0x80, s26, s18, $0xb8;
	[tilespmem:$0x1E800] =	vst v63  }
0x25: {  	_ =	swait.ge [sflag:s16], $0x3E80  }
0x26: {  	[sflag:s16] =	ssyncset.done $0x0  }
0x27: {  	s29 =	simm.s32 $0x1400;
	[sflag:s16] =	ssyncadd.s32 $0xFFFFC180  }
0x28: {  	[spmem:s2] =	stream.indirect.scatter.add.f32 [tilespmem:s19], [sflag:$0x3], $0x80, s29, s18, $0xb8;
	[tilespmem:$0x1E800] =	vst v63  }
0x29: {  	_ =	swait.ge [sflag:s21], $0x3E80  }
0x2a: {  	[sflag:s21] =	ssyncset.done $0x0  }
0x2b: {  	s30 =	simm.s32 $0x100;
	[sflag:s21] =	ssyncadd.s32 $0xFFFFC180  }
0x2c: {  	[tilespmem:s19], [sflag:$0x1] =	stream.indirect.gather [hbm4b:s1+s18], $0x80, s30, s18, $0xb8;
	[tilespmem:$0x1E800] =	vst v63  }
0x2d: {  	_ =	swait.ge [sflag:s17], $0x3E80  }
0x2e: {  	[sflag:s17] =	ssyncset.done $0x0  }
0x2f: {  	s31 =	simm.s32 $0x1480;
	[sflag:s17] =	ssyncadd.s32 $0xFFFFC180  }
0x30: {  	[spmem:s2] =	stream.indirect.scatter.add.f32 [tilespmem:s20], [sflag:$0x3], $0x80, s31, s18, $0xb8;
	[tilespmem:$0x1E800] =	vst v63  }
0x31: {  	_ =	swait.ge [sflag:s21], $0x3E80  }
0x32: {  	s28 =	simm.s32 $0x800;
	s26 =	simm.s32 $0x100;
	[sflag:s21] =	ssyncset.done $0x0  }
.LBB2_2:
0x33: {  	s29 =	sadd.s32 $0x80, s26  }
0x34: {  	[sflag:s21] =	ssyncadd.s32 $0xFFFFC180;
	s30 =	smov.u32 s28;
	s31 =	sadd.s32 $0x400, s28  }
0x35: {  	[tilespmem:s20], [sflag:$0x2] =	stream.indirect.gather [hbm4b:s1+s18], $0x80, s29, s18, $0xb8;
	[tilespmem:$0x1E800] =	vst v63  }
0x36: {  	p0 =	sne.s32 s28, $0x4800;
	_ =	swait.ge [sflag:s16], $0x3E80  }
0x37: {  	[sflag:s16] =	ssyncset.done $0x0  }
0x38: {  	s28 =	sadd.s32 $0x1400, s26;
	[sflag:s16] =	ssyncadd.s32 $0xFFFFC180  }
0x39: {  	[spmem:s2] =	stream.indirect.scatter.add.f32 [tilespmem:s19], [sflag:$0x3], $0x80, s28, s18, $0xb8;
	[tilespmem:$0x1E800] =	vst v63  }
0x3a: {  	_ =	swait.ge [sflag:s21], $0x3E80  }
0x3b: {  	[sflag:s21] =	ssyncset.done $0x0  }
0x3c: {  	s28 =	sadd.s32 $0x100, s26;
	[sflag:s21] =	ssyncadd.s32 $0xFFFFC180  }
0x3d: {  	[tilespmem:s19], [sflag:$0x1] =	stream.indirect.gather [hbm4b:s1+s18], $0x80, s28, s18, $0xb8;
	[tilespmem:$0x1E800] =	vst v63  }
0x3e: {  	_ =	swait.ge [sflag:s17], $0x3E80  }
.Ltmp0:
0x3f: {  	[sflag:s17] =	ssyncset.done $0x0;
	(pc) =	sbr.rel @p0 .LBB2_2-.Ltmp0, $4  }
0x40: {  	s26 =	sadd.s32 $0x1480, s26;
	[sflag:s17] =	ssyncadd.s32 $0xFFFFC180  }
0x41: {  	[spmem:s2] =	stream.indirect.scatter.add.f32 [tilespmem:s20], [sflag:$0x3], $0x80, s26, s18, $0xb8;
	[tilespmem:$0x1E800] =	vst v63  }
0x42: {  	_ =	swait.ge [sflag:s21], $0x3E80  }
0x43: {  	s28 =	smov.u32 s31;
	s26 =	sshra.s32 s30, $0x2;
	[sflag:s21] =	ssyncset.done $0x0  }
0x44: {  	s28 =	sadd.s32 $0x80, s26;
	[sflag:s21] =	ssyncadd.s32 $0xFFFFC180  }
0x45: {  	[tilespmem:s20], [sflag:$0x2] =	stream.indirect.gather [hbm4b:s1+s18], $0x80, s28, s18, $0xb8;
	[tilespmem:$0x1E800] =	vst v63  }
0x46: {  	_ =	swait.ge [sflag:s16], $0x3E80  }
0x47: {  	[sflag:s16] =	ssyncset.done $0x0  }
0x48: {  	s28 =	sadd.s32 $0x1400, s26;
	[sflag:s16] =	ssyncadd.s32 $0xFFFFC180  }
0x49: {  	[spmem:s2] =	stream.indirect.scatter.add.f32 [tilespmem:s19], [sflag:$0x3], $0x80, s28, s18, $0xb8;
	[tilespmem:$0x1E800] =	vst v63  }
0x4a: {  	_ =	swait.ge [sflag:s21], $0x3E80  }
0x4b: {  	[sflag:s21] =	ssyncset.done $0x0  }
0x4c: {  	s28 =	sadd.s32 $0x100, s26;
	[sflag:s21] =	ssyncadd.s32 $0xFFFFC180  }
0x4d: {  	[tilespmem:s19], [sflag:$0x1] =	stream.indirect.gather [hbm4b:s1+s18], $0x80, s28, s18, $0xb8;
	[tilespmem:$0x1E800] =	vst v63  }
0x4e: {  	_ =	swait.ge [sflag:s17], $0x3E80  }
0x4f: {  	[sflag:s17] =	ssyncset.done $0x0  }
0x50: {  	s29 =	sadd.s32 $0x1480, s26;
	[sflag:s17] =	ssyncadd.s32 $0xFFFFC180  }
0x51: {  	[spmem:s2] =	stream.indirect.scatter.add.f32 [tilespmem:s20], [sflag:$0x3], $0x80, s29, s18, $0xb8;
	[tilespmem:$0x1E800] =	vst v63  }
0x52: {  	_ =	swait.ge [sflag:s21], $0x3E80  }
0x53: {  	[sflag:s21] =	ssyncset.done $0x0  }
0x54: {  	[sflag:s21] =	ssyncadd.s32 $0xFFFFC180  }
0x55: {  	[tilespmem:s20], [sflag:$0x2] =	stream.indirect.gather [hbm4b:s1+s18], $0x80, s22, s18, $0xb8;
	[tilespmem:$0x1E800] =	vst v63  }
0x56: {  	_ =	swait.ge [sflag:s16], $0x3E80  }
0x57: {  	[sflag:s16] =	ssyncset.done $0x0  }
0x58: {  	[sflag:s16] =	ssyncadd.s32 $0xFFFFC180  }
0x59: {  	[spmem:s2] =	stream.indirect.scatter.add.f32 [tilespmem:s19], [sflag:$0x3], $0x80, s23, s18, $0xb8;
	[tilespmem:$0x1E800] =	vst v63  }
0x5a: {  	_ =	swait.ge [sflag:s21], $0x3E80  }
0x5b: {  	[sflag:s21] =	ssyncset.done $0x0  }
0x5c: {  	[sflag:s21] =	ssyncadd.s32 $0xFFFFC180  }
0x5d: {  	_ =	swait.ge [sflag:s17], $0x3E80  }
0x5e: {  	[sflag:s17] =	ssyncset.done $0x0  }
0x5f: {  	[sflag:s17] =	ssyncadd.s32 $0xFFFFC180  }
0x60: {  	[spmem:s2] =	stream.indirect.scatter.add.f32 [tilespmem:s20], [sflag:$0x3], $0x80, s24, s18, $0xb8;
	[tilespmem:$0x1E800] =	vst v63  }
0x61: {  	_ =	swait.ge [sflag:s21], $0x3E80  }
0x62: {  	[sflag:s21] =	ssyncset.done $0x0  }
0x63: {  	s30 =	simm.s32 $0x0;
	[sflag:s21] =	ssyncadd.s32 $0xFFFFC180  }
0x64: {  	[tilespmem:s30], [sflag:$0x3] =	stream.linear.gather [hbm4b:s10+s30], $0x1400, $0x38;
	[tilespmem:$0x1E800] =	vst v63  }
0x65: {  	_ =	swait.ge [sflag:s21], $0x1400  }
0x66: {  	[sflag:s21] =	ssyncset.done $0x0  }
0x67: {  	[sflag:s21] =	ssyncadd.s32 $0xFFFFEC00  }
0x68: {  	[tilespmem:s15], [sflag:$0x3] =	stream.linear.gather [hbm4b:s11+s30], $0x1400, $0x38;
	[tilespmem:$0x1E800] =	vst v63  }
0x69: {  	_ =	swait.ge [sflag:s21], $0x1400  }
0x6a: {  	[sflag:s21] =	ssyncset.done $0x0  }
0x6b: {  	[sflag:s21] =	ssyncadd.s32 $0xFFFFEC00  }
0x6c: {  	[tilespmem:s19], [sflag:$0x1] =	stream.indirect.gather [hbm4b:s1+s18], $0x80, s30, s18, $0xb8;
	[tilespmem:$0x1E800] =	vst v63  }
0x6d: {  	s31 =	simm.s32 $0x80  }
0x6e: {  	[tilespmem:s20], [sflag:$0x2] =	stream.indirect.gather [hbm4b:s1+s18], $0x80, s31, s18, $0xb8;
	[tilespmem:$0x1E800] =	vst v63  }
0x6f: {  	_ =	swait.ge [sflag:s16], $0x3E80  }
0x70: {  	[sflag:s16] =	ssyncset.done $0x0  }
0x71: {  	s29 =	simm.s32 $0x1400;
	[sflag:s16] =	ssyncadd.s32 $0xFFFFC180  }
0x72: {  	[spmem:s2] =	stream.indirect.scatter.add.f32 [tilespmem:s19], [sflag:$0x3], $0x80, s29, s18, $0xb8;
	[tilespmem:$0x1E800] =	vst v63  }
0x73: {  	_ =	swait.ge [sflag:s21], $0x3E80  }
0x74: {  	[sflag:s21] =	ssyncset.done $0x0  }
0x75: {  	s30 =	simm.s32 $0x100;
	[sflag:s21] =	ssyncadd.s32 $0xFFFFC180  }
0x76: {  	[tilespmem:s19], [sflag:$0x1] =	stream.indirect.gather [hbm4b:s1+s18], $0x80, s30, s18, $0xb8;
	[tilespmem:$0x1E800] =	vst v63  }
0x77: {  	_ =	swait.ge [sflag:s17], $0x3E80  }
0x78: {  	[sflag:s17] =	ssyncset.done $0x0  }
0x79: {  	s31 =	simm.s32 $0x1480;
	[sflag:s17] =	ssyncadd.s32 $0xFFFFC180  }
0x7a: {  	[spmem:s2] =	stream.indirect.scatter.add.f32 [tilespmem:s20], [sflag:$0x3], $0x80, s31, s18, $0xb8;
	[tilespmem:$0x1E800] =	vst v63  }
0x7b: {  	_ =	swait.ge [sflag:s21], $0x3E80  }
0x7c: {  	s26 =	simm.s32 $0x100;
	s28 =	simm.s32 $0x800;
	[sflag:s21] =	ssyncset.done $0x0  }
.LBB2_4:
0x7d: {  	s29 =	sadd.s32 $0x80, s26  }
0x7e: {  	[sflag:s21] =	ssyncadd.s32 $0xFFFFC180;
	s30 =	smov.u32 s28;
	s31 =	sadd.s32 $0x400, s28  }
0x7f: {  	[tilespmem:s20], [sflag:$0x2] =	stream.indirect.gather [hbm4b:s1+s18], $0x80, s29, s18, $0xb8;
	[tilespmem:$0x1E800] =	vst v63  }
0x80: {  	p0 =	sne.s32 s28, $0x4800;
	_ =	swait.ge [sflag:s16], $0x3E80  }
0x81: {  	[sflag:s16] =	ssyncset.done $0x0  }
0x82: {  	s28 =	sadd.s32 $0x1400, s26;
	[sflag:s16] =	ssyncadd.s32 $0xFFFFC180  }
0x83: {  	[spmem:s2] =	stream.indirect.scatter.add.f32 [tilespmem:s19], [sflag:$0x3], $0x80, s28, s18, $0xb8;
	[tilespmem:$0x1E800] =	vst v63  }
0x84: {  	_ =	swait.ge [sflag:s21], $0x3E80  }
0x85: {  	[sflag:s21] =	ssyncset.done $0x0  }
0x86: {  	s28 =	sadd.s32 $0x100, s26;
	[sflag:s21] =	ssyncadd.s32 $0xFFFFC180  }
0x87: {  	[tilespmem:s19], [sflag:$0x1] =	stream.indirect.gather [hbm4b:s1+s18], $0x80, s28, s18, $0xb8;
	[tilespmem:$0x1E800] =	vst v63  }
0x88: {  	_ =	swait.ge [sflag:s17], $0x3E80  }
.Ltmp1:
0x89: {  	[sflag:s17] =	ssyncset.done $0x0;
	(pc) =	sbr.rel @p0 .LBB2_4-.Ltmp1, $4  }
0x8a: {  	s26 =	sadd.s32 $0x1480, s26;
	[sflag:s17] =	ssyncadd.s32 $0xFFFFC180  }
0x8b: {  	[spmem:s2] =	stream.indirect.scatter.add.f32 [tilespmem:s20], [sflag:$0x3], $0x80, s26, s18, $0xb8;
	[tilespmem:$0x1E800] =	vst v63  }
0x8c: {  	_ =	swait.ge [sflag:s21], $0x3E80  }
0x8d: {  	s28 =	smov.u32 s31;
	s26 =	sshra.s32 s30, $0x2;
	[sflag:s21] =	ssyncset.done $0x0  }
0x8e: {  	s28 =	sadd.s32 $0x80, s26;
	[sflag:s21] =	ssyncadd.s32 $0xFFFFC180  }
0x8f: {  	[tilespmem:s20], [sflag:$0x2] =	stream.indirect.gather [hbm4b:s1+s18], $0x80, s28, s18, $0xb8;
	[tilespmem:$0x1E800] =	vst v63  }
0x90: {  	_ =	swait.ge [sflag:s16], $0x3E80  }
0x91: {  	[sflag:s16] =	ssyncset.done $0x0  }
0x92: {  	s31 =	sadd.s32 $0x1400, s26;
	[sflag:s16] =	ssyncadd.s32 $0xFFFFC180  }
0x93: {  	[spmem:s2] =	stream.indirect.scatter.add.f32 [tilespmem:s19], [sflag:$0x3], $0x80, s31, s18, $0xb8;
	[tilespmem:$0x1E800] =	vst v63  }
0x94: {  	_ =	swait.ge [sflag:s21], $0x3E80  }
0x95: {  	[sflag:s21] =	ssyncset.done $0x0  }
0x96: {  	s29 =	sadd.s32 $0x100, s26;
	[sflag:s21] =	ssyncadd.s32 $0xFFFFC180  }
0x97: {  	[tilespmem:s19], [sflag:$0x1] =	stream.indirect.gather [hbm4b:s1+s18], $0x80, s29, s18, $0xb8;
	[tilespmem:$0x1E800] =	vst v63  }
0x98: {  	_ =	swait.ge [sflag:s17], $0x3E80  }
0x99: {  	[sflag:s17] =	ssyncset.done $0x0  }
0x9a: {  	s30 =	sadd.s32 $0x1480, s26;
	[sflag:s17] =	ssyncadd.s32 $0xFFFFC180  }
0x9b: {  	[spmem:s2] =	stream.indirect.scatter.add.f32 [tilespmem:s20], [sflag:$0x3], $0x80, s30, s18, $0xb8;
	[tilespmem:$0x1E800] =	vst v63  }
0x9c: {  	_ =	swait.ge [sflag:s21], $0x3E80  }
0x9d: {  	[sflag:s21] =	ssyncset.done $0x0  }
0x9e: {  	[sflag:s21] =	ssyncadd.s32 $0xFFFFC180  }
0x9f: {  	[tilespmem:s20], [sflag:$0x2] =	stream.indirect.gather [hbm4b:s1+s18], $0x80, s22, s18, $0xb8;
	[tilespmem:$0x1E800] =	vst v63  }
0xa0: {  	_ =	swait.ge [sflag:s16], $0x3E80  }
0xa1: {  	[sflag:s16] =	ssyncset.done $0x0  }
0xa2: {  	[sflag:s16] =	ssyncadd.s32 $0xFFFFC180  }
0xa3: {  	[spmem:s2] =	stream.indirect.scatter.add.f32 [tilespmem:s19], [sflag:$0x3], $0x80, s23, s18, $0xb8;
	[tilespmem:$0x1E800] =	vst v63  }
0xa4: {  	_ =	swait.ge [sflag:s21], $0x3E80  }
0xa5: {  	[sflag:s21] =	ssyncset.done $0x0  }
0xa6: {  	[sflag:s21] =	ssyncadd.s32 $0xFFFFC180  }
0xa7: {  	_ =	swait.ge [sflag:s17], $0x3E80  }
0xa8: {  	[sflag:s17] =	ssyncset.done $0x0  }
0xa9: {  	[sflag:s17] =	ssyncadd.s32 $0xFFFFC180  }
0xaa: {  	[spmem:s2] =	stream.indirect.scatter.add.f32 [tilespmem:s20], [sflag:$0x3], $0x80, s24, s18, $0xb8;
	[tilespmem:$0x1E800] =	vst v63  }
0xab: {  	_ =	swait.ge [sflag:s21], $0x3E80  }
0xac: {  	s25 =	sadd.s32 $0x1, s25;
	[sflag:s21] =	ssyncset.done $0x0  }
0xad: {  	p0 =	sne.s32 s25, s13;
	[sflag:s21] =	ssyncadd.s32 $0xFFFFC180  }
.Ltmp2:
0xae: {  	s31 =	sor.u32 $0x1C03, s6;
	[bflag:$0x0] =	sbarrier.arrive $0xFFFF;
	(pc) =	sbr.rel @p0 .LBB2_1-.Ltmp2, $4  }
0xaf: {  	[hbm:s12], [sflag:s31] =	dma.local [spmem:s14], $0x2800  }
0xb0: {  	_ =	swait.ge [sflag:s21], $0x2800  }
0xb1: {  	[sflag:s21] =	ssyncset.done $0x0  }
0xb2: {  	[sflag:s21] =	ssyncadd.s32 $0xFFFFD800  }
0xb3: {  	_ =	sfence.sel $0x180000  }
0xb4: {  	[bflag:$0x0] =	sbarrier.arrive $0xFFFF  }
0xb5: {  	p0 =	sne.s32 s3, $0x0;
	_ =	strace $0x90000053  }
0xb6: {  	s0 =	sadd.s32 @!p0 $0x100000, s0;
	[bflag:$0x2] =	sbarrier.arrive $0xFFFF  }
0xb7: {  	[sflag:s0] =	ssyncadd.tile.s32 @!p0 $0x1;
	_ =	shalt  }
.Lfunc_end2:
_tile_overlayer_lowered:
.L_overlay_start_2:
0xb8: {  	(tag) =	ssettag $0x2  }
0xb9: {  	s0 =	rddreg [dreg:$0x0];
	s2 =	stileid.u32  }
0xba: {  	s1 =	rddreg [dreg:$0x1];
	p0 =	sne.s32 s2, $0x0  }
0xbb: {  	s3 =	rddreg [dreg:$0x2];
	[bflag:$0x3] =	sbarrier.arrive $0xFFFF;
	s2 =	simm.s32 @!p0 $0x1C03  }
0xbc: {  	[timem:s3], [sflag:s2] =	dma.local @!p0 [hbm:s0], s1  }
0xbd: {  	s0 =	simm.s32 @!p0 $0x3  }
0xbe: {  	_ =	swait.ge @!p0 [sflag:s0], s1  }
0xbf: {  	s1 =	ssub.s32 @!p0 $0x0, s1;
	[sflag:s0] =	ssyncset.done @!p0 $0x0  }
0xc0: {  	[sflag:s0] =	ssyncadd.s32 @!p0 s1  }
0xc1: {  	[bflag:$0x3] =	sbarrier.arrive $0xFFFF  }
0xc2: {  	_ =	shalt  }

</sc_bundles>
